<compile_context>
chip_gen: v7x
topology: tpu7x:2x2x1
jax: 0.10.2.dev20260603
libtpu: 0.0.44.dev20260713+nightly
codegen_flags: <defaults>
</compile_context>

<pallas_src>
import functools

import jax
import jax.numpy as jnp
from jax import lax
from jax.experimental import pallas as pl
from jax.experimental.pallas import tpu as pltpu
from jax.experimental.pallas import tpu_sc as plsc

_SCALE = 0.0625
_P = 7
_S = 4
_TRANS = 0.1
_N, _C, _H, _W = 2, 64, 64, 64
_R = 128
_BINS = _R * _P * _P
_NW = 32
_BPW = _BINS // _NW
_RPW = _BPW // (_P * _P)
_B = 14
_NB = _BPW // _B
_TPAD = 8448
_OFFPAD = 12688
_ROIPAD = 704


def _body(table_hbm, roip_hbm, offx_hbm, out_hbm,
          roip_v, offx_v, idx_v, wp_v, scl_v, buf0, buf1, buf2, outb,
          sem0, sem1, sem2):
    wid = lax.axis_index("s") * 2 + lax.axis_index("c")
    pltpu.sync_copy(roip_hbm, roip_v)
    pltpu.sync_copy(offx_hbm, offx_v)

    iot = lax.broadcasted_iota(jnp.int32, (16,), 0)
    m14 = iot < _B
    zeros16 = jnp.zeros((16,), jnp.float32)
    bufs = (buf0, buf1, buf2)
    sems = (sem0, sem1, sem2)

    def phase_a(blk):
        i0 = blk * _B
        bing = i0 + iot
        ibase16 = bing * 16
        rloc = lax.shift_right_logical(bing * 1339, 16)
        j16 = bing - rloc * 49
        r16 = wid * _RPW + rloc
        ph16 = lax.shift_right_logical(j16 * 9363, 16)
        pw16 = j16 - ph16 * 7
        rb = r16 * 5
        bidx = plsc.load_gather(roip_v, [rb])
        rx1 = plsc.load_gather(roip_v, [rb + 1])
        ry1 = plsc.load_gather(roip_v, [rb + 2])
        rx2 = plsc.load_gather(roip_v, [rb + 3])
        ry2 = plsc.load_gather(roip_v, [rb + 4])
        rsw = rx1 * _SCALE - 0.5
        rsh = ry1 * _SCALE - 0.5
        roi_w = jnp.maximum((rx2 + 1.0) * _SCALE - 0.5 - rsw, 0.1)
        roi_h = jnp.maximum((ry2 + 1.0) * _SCALE - 0.5 - rsh, 0.1)
        bin_w = roi_w / float(_P)
        bin_h = roi_h / float(_P)
        sub_w = bin_w * 0.25
        sub_h = bin_h * 0.25
        bb16 = (bidx * float(_H * _W)).astype(jnp.int32)
        ob = r16 * 98 + j16
        tx = plsc.load_gather(offx_v, [ob]) * _TRANS
        ty = plsc.load_gather(offx_v, [ob + _P * _P]) * _TRANS
        wstart = pw16.astype(jnp.float32) * bin_w + rsw + tx * roi_w
        hstart = ph16.astype(jnp.float32) * bin_h + rsh + ty * roi_h
        x0 = jnp.minimum(jnp.maximum(wstart, 0.0),
                         float(_W - 1)).astype(jnp.int32)
        y0 = jnp.minimum(jnp.maximum(hstart, 0.0),
                         float(_H - 1)).astype(jnp.int32)
        base16 = bb16 + y0 * _W + x0
        for r in range(4):
            for half in range(2):
                plsc.store_scatter(idx_v, [bing * 8 + r * 2 + half],
                                   base16 + (r * _W + half * 2), mask=m14)
        for z in range(16):
            wp_v[pl.ds(i0 * 16 + z * 16, 16)] = zeros16
        cnt = jnp.zeros((16,), jnp.float32)
        for ih in range(_S):
            h = hstart if ih == 0 else hstart + (float(ih) * sub_h)
            validh = (h >= -0.5) & (h <= _H - 0.5)
            hc = jnp.minimum(jnp.maximum(h, 0.0), float(_H - 1))
            y1 = hc.astype(jnp.int32)
            dy = hc - y1.astype(jnp.float32)
            omdy = 1.0 - dy
            prow = ibase16 + (y1 - y0) * 4
            for iw in range(_S):
                w = wstart if iw == 0 else wstart + (float(iw) * sub_w)
                vf = jnp.where(validh & (w >= -0.5) & (w <= _W - 0.5),
                               1.0, 0.0)
                wc = jnp.minimum(jnp.maximum(w, 0.0), float(_W - 1))
                x1 = wc.astype(jnp.int32)
                dx = wc - x1.astype(jnp.float32)
                cnt = cnt + vf
                a = (1.0 - dx) * vf
                b = dx * vf
                pb = prow + (x1 - x0)
                plsc.addupdate_scatter(wp_v, [pb], a * omdy, mask=m14)
                plsc.addupdate_scatter(wp_v, [pb + 1], b * omdy, mask=m14)
                plsc.addupdate_scatter(wp_v, [pb + 4], a * dy, mask=m14)
                plsc.addupdate_scatter(wp_v, [pb + 5], b * dy, mask=m14)
        scl_v[pl.ds(i0, 16)] = 1.0 / jnp.maximum(cnt, 1.0)

    def fire(blk, t):
        pltpu.async_copy(
            table_hbm.at[idx_v.at[pl.ds(blk * (_B * 8), _B * 8)]],
            bufs[t], sems[t])

    def reduce_block(rb, t):
        buf = bufs[t]
        pltpu.make_async_copy(
            table_hbm.at[idx_v.at[pl.ds(rb * (_B * 8), _B * 8)]],
            buf, sems[t]).wait()

        def red_body(jj, _):
            i = rb * _B + jj
            wvec = wp_v[pl.ds(i * 16, 16)] * scl_v[pl.ds(i, 16)][0]
            row0 = jj * 8
            acc = [jnp.zeros((16,), jnp.float32) for _ in range(4)]
            for p in range(16):
                ws = wvec[p]
                row = row0 + (p // 4) * 2 + (p % 4) // 2
                off = (p % 2) * 64
                for k in range(4):
                    acc[k] = acc[k] + ws * buf[row, pl.ds(off + k * 16, 16)]
            for k in range(4):
                outb[i, pl.ds(k * 16, 16)] = acc[k]
            return 0

        lax.fori_loop(0, _B, red_body, 0)

    def mod3(v):
        return v - lax.shift_right_logical(v * 21846, 16) * 3

    def step(blk, _):
        @pl.when(blk < _NB)
        def _a():
            phase_a(blk)
            b3 = mod3(blk)
            for t in range(3):
                @pl.when(b3 == t)
                def _f(t=t):
                    fire(blk, t)

        @pl.when(blk >= 2)
        def _r():
            rb = blk - 2
            r3 = mod3(rb)
            for t in range(3):
                @pl.when(r3 == t)
                def _g(t=t):
                    reduce_block(rb, t)
        return 0

    lax.fori_loop(0, _NB + 2, step, 0)
    pltpu.sync_copy(outb, out_hbm.at[wid])


@jax.jit
def _scpool(table, roip, offx):
    mesh = plsc.VectorSubcoreMesh(core_axis_name="c", subcore_axis_name="s")
    f = functools.partial(
        pl.kernel,
        mesh=mesh,
        compiler_params=pltpu.CompilerParams(needs_layout_passes=False),
        out_type=jax.ShapeDtypeStruct((_NW, _BPW, _C), jnp.float32),
        scratch_types=[
            pltpu.VMEM((_ROIPAD,), jnp.float32),
            pltpu.VMEM((_OFFPAD,), jnp.float32),
            pltpu.VMEM((1600,), jnp.int32),
            pltpu.VMEM((3344,), jnp.float32),
            pltpu.VMEM((224,), jnp.float32),
            pltpu.VMEM((_B * 8, 2 * _C), jnp.float32),
            pltpu.VMEM((_B * 8, 2 * _C), jnp.float32),
            pltpu.VMEM((_B * 8, 2 * _C), jnp.float32),
            pltpu.VMEM((_BPW, _C), jnp.float32),
            pltpu.SemaphoreType.DMA,
            pltpu.SemaphoreType.DMA,
            pltpu.SemaphoreType.DMA,
        ],
    )(_body)
    return f(table, roip, offx)


def kernel(input, rois, offset):
    n, c, h, w = input.shape
    flat = jnp.transpose(input, (0, 2, 3, 1)).reshape(n * h * w, c)
    flatp = jnp.concatenate(
        [flat, jnp.zeros((_TPAD + 1 - n * h * w, c), jnp.float32)], axis=0)
    table = jnp.concatenate([flatp[:-1], flatp[1:]], axis=1)
    roip = jnp.concatenate(
        [jnp.round(rois).reshape(-1),
         jnp.zeros((_ROIPAD - _R * 5,), jnp.float32)])
    offx = offset.reshape(-1)
    offx = jnp.concatenate(
        [offx, jnp.zeros((_OFFPAD - offx.shape[0],), jnp.float32)])
    out = _scpool(table, roip, offx)
    out = out.reshape(_R, _P, _P, c)
    return jnp.transpose(out, (0, 3, 1, 2))

# --- scband reference (transcript-rebuilt; emitter-appended) ---
"""Pipeline reference for scband-dcnv2-pooling-28424093565278 (READ-ONLY COPY).

The authoritative reference and input builder live on the scoring server;
editing this copy changes nothing except your own understanding.
"""

import jax, jax.numpy as jnp
import numpy as np

SPATIAL_SCALE = 0.0625
POOLED = 7
OUTPUT_DIM = 64
GROUP_SIZE = 1
PART = 7
SAMPLE = 4
TRANS_STD = 0.1


def setup_inputs(seed: int = 0):
    key = jax.random.key(seed)
    k1, k2, k3, k4, k5, k6, k7 = jax.random.split(key, 7)
    N, C, H, W = 2, OUTPUT_DIM, 64, 64
    R = 128
    inp = jax.random.normal(k1, (N, C, H, W), dtype=jnp.float32)
    img = H / SPATIAL_SCALE  # 1024.0
    b = jax.random.randint(k2, (R,), 0, N).astype(jnp.float32)
    x1 = jax.random.uniform(k3, (R,), minval=0.0, maxval=img - 64.0)
    y1 = jax.random.uniform(k4, (R,), minval=0.0, maxval=img - 64.0)
    bw = jax.random.uniform(k5, (R,), minval=32.0, maxval=256.0)
    bh = jax.random.uniform(k6, (R,), minval=32.0, maxval=256.0)
    x2 = jnp.minimum(x1 + bw, img - 1.0)
    y2 = jnp.minimum(y1 + bh, img - 1.0)
    rois = jnp.stack([b, x1, y1, x2, y2], axis=1).astype(jnp.float32)
    offset = jax.random.normal(k7, (R, 2, PART, PART), dtype=jnp.float32)
    return {"input": inp, "rois": rois, "offset": offset}


def _pool(inp, rois, offset):
    N, C, H, W = inp.shape
    R = rois.shape[0]
    P = POOLED
    S = SAMPLE
    batch_ind = rois[:, 0].astype(jnp.int32)
    roi_start_w = jnp.round(rois[:, 1]) * SPATIAL_SCALE - 0.5
    roi_start_h = jnp.round(rois[:, 2]) * SPATIAL_SCALE - 0.5
    roi_end_w = (jnp.round(rois[:, 3]) + 1.0) * SPATIAL_SCALE - 0.5
    roi_end_h = (jnp.round(rois[:, 4]) + 1.0) * SPATIAL_SCALE - 0.5
    roi_w = jnp.maximum(roi_end_w - roi_start_w, 0.1)
    roi_h = jnp.maximum(roi_end_h - roi_start_h, 0.1)
    bin_w = roi_w / P
    bin_h = roi_h / P
    sub_w = bin_w / S
    sub_h = bin_h / S
    ph = jnp.arange(P)
    pw = jnp.arange(P)
    part_h = jnp.floor(ph.astype(jnp.float32) * PART / P).astype(jnp.int32)
    part_w = jnp.floor(pw.astype(jnp.float32) * PART / P).astype(jnp.int32)
    part_h = jnp.clip(part_h, 0, PART - 1)
    part_w = jnp.clip(part_w, 0, PART - 1)
    # num_classes = offset.shape[1] // 2 == 1, class_id == 0 for all output channels
    trans_x = offset[:, 0][:, part_h][:, :, part_w] * TRANS_STD  # [R,P,P]
    trans_y = offset[:, 1][:, part_h][:, :, part_w] * TRANS_STD  # [R,P,P]
    wstart = pw[None, :].astype(jnp.float32) * bin_w[:, None] + roi_start_w[:, None]  # [R,pw]
    hstart = ph[None, :].astype(jnp.float32) * bin_h[:, None] + roi_start_h[:, None]  # [R,ph]
    wstart = wstart[:, None, :] + trans_x * roi_w[:, None, None]  # [R,ph,pw]
    hstart = hstart[:, :, None] + trans_y * roi_h[:, None, None]  # [R,ph,pw]
    iws = jnp.arange(S).astype(jnp.float32)
    ihs = jnp.arange(S).astype(jnp.float32)
    w = wstart[:, :, :, None, None] + iws[None, None, None, None, :] * sub_w[:, None, None, None, None]
    h = hstart[:, :, :, None, None] + ihs[None, None, None, :, None] * sub_h[:, None, None, None, None]
    valid = (w >= -0.5) & (w <= W - 0.5) & (h >= -0.5) & (h <= H - 0.5)  # [R,P,P,S,S]
    wc = jnp.clip(w, 0.0, W - 1.0)
    hc = jnp.clip(h, 0.0, H - 1.0)
    x1 = jnp.floor(wc).astype(jnp.int32)
    x2 = jnp.ceil(wc).astype(jnp.int32)
    y1 = jnp.floor(hc).astype(jnp.int32)
    y2 = jnp.ceil(hc).astype(jnp.int32)
    dx = wc - x1.astype(jnp.float32)
    dy = hc - y1.astype(jnp.float32)
    b = jnp.broadcast_to(batch_ind[:, None, None, None, None], x1.shape)
    # gathers: result [R,P,P,S,S,C] (group_size == 1, so channel c == ctop)
    v11 = inp[b, :, y1, x1]
    v12 = inp[b, :, y1, x2]
    v21 = inp[b, :, y2, x1]
    v22 = inp[b, :, y2, x2]
    dxe = dx[..., None]
    dye = dy[..., None]
    val = (1.0 - dxe) * (1.0 - dye) * v11 + dxe * (1.0 - dye) * v12 \
        + (1.0 - dxe) * dye * v21 + dxe * dye * v22
    val = val * valid[..., None].astype(val.dtype)
    ssum = val.sum(axis=(3, 4))  # [R,P,P,C]
    count = valid.sum(axis=(3, 4)).astype(val.dtype)  # [R,P,P]
    out = jnp.where(count[..., None] > 0, ssum / jnp.maximum(count[..., None], 1.0), 0.0)
    return jnp.transpose(out, (0, 3, 1, 2))  # [R, output_dim, P, P]


def reference(input, rois, offset):
    return _pool(input, rois, offset)

if __name__ == "__main__":
    import jax
    _d = setup_inputs()
    print(jax.jit(kernel)(*tuple(_d.values())))

</pallas_src>

<mosaic_0001>
#map = affine_map<(d0, d1) -> (0, 0)>
#map1 = affine_map<(d0, d1) -> (0)>
#map2 = affine_map<(d0, d1) -> (0, 0, 0)>
module attributes {stable_mosaic.version = 14 : i64} {
  func.func @_body(%arg0: i32, %arg1: i32, %arg2: memref<8448x128xf32, #tpu.memory_space<hbm>>, %arg3: memref<704xf32, #tpu.memory_space<hbm>>, %arg4: memref<12688xf32, #tpu.memory_space<hbm>>, %arg5: memref<32x196x64xf32, #tpu.memory_space<hbm>>, %arg6: memref<704xf32, #tpu.memory_space<vmem>>, %arg7: memref<12688xf32, #tpu.memory_space<vmem>>, %arg8: memref<1600xi32, #tpu.memory_space<vmem>>, %arg9: memref<3344xf32, #tpu.memory_space<vmem>>, %arg10: memref<224xf32, #tpu.memory_space<vmem>>, %arg11: memref<112x128xf32, #tpu.memory_space<vmem>>, %arg12: memref<112x128xf32, #tpu.memory_space<vmem>>, %arg13: memref<112x128xf32, #tpu.memory_space<vmem>>, %arg14: memref<196x64xf32, #tpu.memory_space<vmem>>, %arg15: memref<!tpu.dma_semaphore, #tpu.memory_space<semaphore_mem>>, %arg16: memref<!tpu.dma_semaphore, #tpu.memory_space<semaphore_mem>>, %arg17: memref<!tpu.dma_semaphore, #tpu.memory_space<semaphore_mem>>) attributes {dimension_semantics = [#tpu.dimension_semantics<core_parallel>, #tpu.dimension_semantics<subcore_parallel>], iteration_bounds = array<i64: 2, 16>, scalar_prefetch = 0 : i64, scratch_operands = 12 : i64, tpu.core_type = #tpu.core_type<sc_vector_subcore>, window_params = [{transform_indices = #map}, {transform_indices = #map1}, {transform_indices = #map1}, {transform_indices = #map2}]} {
    %mul3A = arith.constant 2 : i32
    %mul3A_0 = arith.muli %arg1, %mul3A : i32
    %add3A = arith.addi %mul3A_0, %arg0 : i32
    "tpu.region"() ({
      %run_scoped3A = tpu.sem_alloc : memref<!tpu.dma_semaphore, #tpu.memory_space<semaphore_mem>>
      tpu.enqueue_dma source(%arg3 : memref<704xf32, #tpu.memory_space<hbm>>) target(%arg6 : memref<704xf32, #tpu.memory_space<vmem>>) target_semaphore(%run_scoped3A : memref<!tpu.dma_semaphore, #tpu.memory_space<semaphore_mem>>)
      tpu.wait_dma2 semaphore(%run_scoped3A : memref<!tpu.dma_semaphore, #tpu.memory_space<semaphore_mem>>) src(%arg3 : memref<704xf32, #tpu.memory_space<hbm>>) dst(%arg6 : memref<704xf32, #tpu.memory_space<vmem>>)
      tpu.yield
    }) : () -> ()
    "tpu.region"() ({
      %run_scoped3A = tpu.sem_alloc : memref<!tpu.dma_semaphore, #tpu.memory_space<semaphore_mem>>
      tpu.enqueue_dma source(%arg4 : memref<12688xf32, #tpu.memory_space<hbm>>) target(%arg7 : memref<12688xf32, #tpu.memory_space<vmem>>) target_semaphore(%run_scoped3A : memref<!tpu.dma_semaphore, #tpu.memory_space<semaphore_mem>>)
      tpu.wait_dma2 semaphore(%run_scoped3A : memref<!tpu.dma_semaphore, #tpu.memory_space<semaphore_mem>>) src(%arg4 : memref<12688xf32, #tpu.memory_space<hbm>>) dst(%arg7 : memref<12688xf32, #tpu.memory_space<vmem>>)
      tpu.yield
    }) : () -> ()
    %iota3A = tpu.iota {dimensions = array<i32: 0>} : vector<16xi32>
    %lt3A = arith.constant 14 : i32
    %lt3A_1 = vector.broadcast %lt3A : i32 to vector<16xi32>
    %lt3A_2 = arith.cmpi slt, %iota3A, %lt3A_1 : vector<16xi32>
    %broadcast_in_dim3A = arith.constant 0.000000e+00 : f32
    %broadcast_in_dim3A_3 = vector.broadcast %broadcast_in_dim3A : f32 to vector<16xf32>
    %scan3A = arith.constant 0 : i32
    %scan3A_4 = arith.constant 0 : i32
    %scan3A_5 = arith.constant 16 : i32
    %scan3A_6 = arith.addi %scan3A_4, %scan3A_5 : i32
    %scan3A_7 = arith.constant 1 : i32
    %scan3A_8 = scf.for %scan3A_10 = %scan3A_4 to %scan3A_6 step %scan3A_7 iter_args(%scan3A_11 = %scan3A) -> (i32)  : i32 {
      %lt3A_12 = arith.constant 14 : i32
      %lt3A_13 = arith.cmpi slt, %scan3A_10, %lt3A_12 : i32
      %convert_element_type3A = arith.extui %lt3A_13 : i1 to i32
      %cond3A = arith.constant 0 : i32
      %cond3A_14 = arith.cmpi ne, %convert_element_type3A, %cond3A : i32
      scf.if %cond3A_14 {
        %mul3A_20 = arith.constant 14 : i32
        %mul3A_21 = arith.muli %scan3A_10, %mul3A_20 : i32
        %add3A_22 = vector.broadcast %mul3A_21 : i32 to vector<16xi32>
        %add3A_23 = arith.addi %add3A_22, %iota3A : vector<16xi32>
        %mul3A_24 = arith.constant 16 : i32
        %mul3A_25 = vector.broadcast %mul3A_24 : i32 to vector<16xi32>
        %mul3A_26 = arith.muli %add3A_23, %mul3A_25 : vector<16xi32>
        %mul3A_27 = arith.constant 1339 : i32
        %mul3A_28 = vector.broadcast %mul3A_27 : i32 to vector<16xi32>
        %mul3A_29 = arith.muli %add3A_23, %mul3A_28 : vector<16xi32>
        %shift_right_logical3A = arith.constant 16 : i32
        %shift_right_logical3A_30 = vector.broadcast %shift_right_logical3A : i32 to vector<16xi32>
        %shift_right_logical3A_31 = arith.shrui %mul3A_29, %shift_right_logical3A_30 : vector<16xi32>
        %mul3A_32 = arith.constant 49 : i32
        %mul3A_33 = vector.broadcast %mul3A_32 : i32 to vector<16xi32>
        %mul3A_34 = arith.muli %shift_right_logical3A_31, %mul3A_33 : vector<16xi32>
        %sub3A = arith.subi %add3A_23, %mul3A_34 : vector<16xi32>
        %mul3A_35 = arith.constant 4 : i32
        %mul3A_36 = arith.muli %add3A, %mul3A_35 : i32
        %add3A_37 = vector.broadcast %mul3A_36 : i32 to vector<16xi32>
        %add3A_38 = arith.addi %add3A_37, %shift_right_logical3A_31 : vector<16xi32>
        %mul3A_39 = arith.constant 9363 : i32
        %mul3A_40 = vector.broadcast %mul3A_39 : i32 to vector<16xi32>
        %mul3A_41 = arith.muli %sub3A, %mul3A_40 : vector<16xi32>
        %shift_right_logical3A_42 = arith.constant 16 : i32
        %shift_right_logical3A_43 = vector.broadcast %shift_right_logical3A_42 : i32 to vector<16xi32>
        %shift_right_logical3A_44 = arith.shrui %mul3A_41, %shift_right_logical3A_43 : vector<16xi32>
        %mul3A_45 = arith.constant 7 : i32
        %mul3A_46 = vector.broadcast %mul3A_45 : i32 to vector<16xi32>
        %mul3A_47 = arith.muli %shift_right_logical3A_44, %mul3A_46 : vector<16xi32>
        %sub3A_48 = arith.subi %sub3A, %mul3A_47 : vector<16xi32>
        %mul3A_49 = arith.constant 5 : i32
        %mul3A_50 = vector.broadcast %mul3A_49 : i32 to vector<16xi32>
        %mul3A_51 = arith.muli %add3A_38, %mul3A_50 : vector<16xi32>
        %gather3A = tpu.vector_load_idx %arg6[%mul3A_51] : memref<704xf32, #tpu.memory_space<vmem>>[vector<16xi32>], vector<16xf32>,
        %add3A_52 = arith.constant 1 : i32
        %add3A_53 = vector.broadcast %add3A_52 : i32 to vector<16xi32>
        %add3A_54 = arith.addi %mul3A_51, %add3A_53 : vector<16xi32>
        %gather3A_55 = tpu.vector_load_idx %arg6[%add3A_54] : memref<704xf32, #tpu.memory_space<vmem>>[vector<16xi32>], vector<16xf32>,
        %add3A_56 = arith.constant 2 : i32
        %add3A_57 = vector.broadcast %add3A_56 : i32 to vector<16xi32>
        %add3A_58 = arith.addi %mul3A_51, %add3A_57 : vector<16xi32>
        %gather3A_59 = tpu.vector_load_idx %arg6[%add3A_58] : memref<704xf32, #tpu.memory_space<vmem>>[vector<16xi32>], vector<16xf32>,
        %add3A_60 = arith.constant 3 : i32
        %add3A_61 = vector.broadcast %add3A_60 : i32 to vector<16xi32>
        %add3A_62 = arith.addi %mul3A_51, %add3A_61 : vector<16xi32>
        %gather3A_63 = tpu.vector_load_idx %arg6[%add3A_62] : memref<704xf32, #tpu.memory_space<vmem>>[vector<16xi32>], vector<16xf32>,
        %add3A_64 = arith.constant 4 : i32
        %add3A_65 = vector.broadcast %add3A_64 : i32 to vector<16xi32>
        %add3A_66 = arith.addi %mul3A_51, %add3A_65 : vector<16xi32>
        %gather3A_67 = tpu.vector_load_idx %arg6[%add3A_66] : memref<704xf32, #tpu.memory_space<vmem>>[vector<16xi32>], vector<16xf32>,
        %mul3A_68 = arith.constant 6.250000e-02 : f32
        %mul3A_69 = vector.broadcast %mul3A_68 : f32 to vector<16xf32>
        %mul3A_70 = arith.mulf %gather3A_55, %mul3A_69 : vector<16xf32>
        %sub3A_71 = arith.constant 5.000000e-01 : f32
        %sub3A_72 = vector.broadcast %sub3A_71 : f32 to vector<16xf32>
        %sub3A_73 = arith.subf %mul3A_70, %sub3A_72 : vector<16xf32>
        %mul3A_74 = arith.constant 6.250000e-02 : f32
        %mul3A_75 = vector.broadcast %mul3A_74 : f32 to vector<16xf32>
        %mul3A_76 = arith.mulf %gather3A_59, %mul3A_75 : vector<16xf32>
        %sub3A_77 = arith.constant 5.000000e-01 : f32
        %sub3A_78 = vector.broadcast %sub3A_77 : f32 to vector<16xf32>
        %sub3A_79 = arith.subf %mul3A_76, %sub3A_78 : vector<16xf32>
        %add3A_80 = arith.constant 1.000000e+00 : f32
        %add3A_81 = vector.broadcast %add3A_80 : f32 to vector<16xf32>
        %add3A_82 = arith.addf %gather3A_63, %add3A_81 : vector<16xf32>
        %mul3A_83 = arith.constant 6.250000e-02 : f32
        %mul3A_84 = vector.broadcast %mul3A_83 : f32 to vector<16xf32>
        %mul3A_85 = arith.mulf %add3A_82, %mul3A_84 : vector<16xf32>
        %sub3A_86 = arith.constant 5.000000e-01 : f32
        %sub3A_87 = vector.broadcast %sub3A_86 : f32 to vector<16xf32>
        %sub3A_88 = arith.subf %mul3A_85, %sub3A_87 : vector<16xf32>
        %sub3A_89 = arith.subf %sub3A_88, %sub3A_73 : vector<16xf32>
        %max3A = arith.constant 1.000000e-01 : f32
        %max3A_90 = vector.broadcast %max3A : f32 to vector<16xf32>
        %max3A_91 = arith.maximumf %sub3A_89, %max3A_90 : vector<16xf32>
        %add3A_92 = arith.constant 1.000000e+00 : f32
        %add3A_93 = vector.broadcast %add3A_92 : f32 to vector<16xf32>
        %add3A_94 = arith.addf %gather3A_67, %add3A_93 : vector<16xf32>
        %mul3A_95 = arith.constant 6.250000e-02 : f32
        %mul3A_96 = vector.broadcast %mul3A_95 : f32 to vector<16xf32>
        %mul3A_97 = arith.mulf %add3A_94, %mul3A_96 : vector<16xf32>
        %sub3A_98 = arith.constant 5.000000e-01 : f32
        %sub3A_99 = vector.broadcast %sub3A_98 : f32 to vector<16xf32>
        %sub3A_100 = arith.subf %mul3A_97, %sub3A_99 : vector<16xf32>
        %sub3A_101 = arith.subf %sub3A_100, %sub3A_79 : vector<16xf32>
        %max3A_102 = arith.constant 1.000000e-01 : f32
        %max3A_103 = vector.broadcast %max3A_102 : f32 to vector<16xf32>
        %max3A_104 = arith.maximumf %sub3A_101, %max3A_103 : vector<16xf32>
        %div3A = arith.constant 7.000000e+00 : f32
        %div3A_105 = vector.broadcast %div3A : f32 to vector<16xf32>
        %div3A_106 = arith.divf %max3A_91, %div3A_105 : vector<16xf32>
        %div3A_107 = arith.constant 7.000000e+00 : f32
        %div3A_108 = vector.broadcast %div3A_107 : f32 to vector<16xf32>
        %div3A_109 = arith.divf %max3A_104, %div3A_108 : vector<16xf32>
        %mul3A_110 = arith.constant 2.500000e-01 : f32
        %mul3A_111 = vector.broadcast %mul3A_110 : f32 to vector<16xf32>
        %mul3A_112 = arith.mulf %div3A_106, %mul3A_111 : vector<16xf32>
        %mul3A_113 = arith.constant 2.500000e-01 : f32
        %mul3A_114 = vector.broadcast %mul3A_113 : f32 to vector<16xf32>
        %mul3A_115 = arith.mulf %div3A_109, %mul3A_114 : vector<16xf32>
        %mul3A_116 = arith.constant 4.096000e+03 : f32
        %mul3A_117 = vector.broadcast %mul3A_116 : f32 to vector<16xf32>
        %mul3A_118 = arith.mulf %gather3A, %mul3A_117 : vector<16xf32>
        %convert_element_type3A_119 = arith.fptosi %mul3A_118 : vector<16xf32> to vector<16xi32>
        %mul3A_120 = arith.constant 98 : i32
        %mul3A_121 = vector.broadcast %mul3A_120 : i32 to vector<16xi32>
        %mul3A_122 = arith.muli %add3A_38, %mul3A_121 : vector<16xi32>
        %add3A_123 = arith.addi %mul3A_122, %sub3A : vector<16xi32>
        %gather3A_124 = tpu.vector_load_idx %arg7[%add3A_123] : memref<12688xf32, #tpu.memory_space<vmem>>[vector<16xi32>], vector<16xf32>,
        %mul3A_125 = arith.constant 1.000000e-01 : f32
        %mul3A_126 = vector.broadcast %mul3A_125 : f32 to vector<16xf32>
        %mul3A_127 = arith.mulf %gather3A_124, %mul3A_126 : vector<16xf32>
        %add3A_128 = arith.constant 49 : i32
        %add3A_129 = vector.broadcast %add3A_128 : i32 to vector<16xi32>
        %add3A_130 = arith.addi %add3A_123, %add3A_129 : vector<16xi32>
        %gather3A_131 = tpu.vector_load_idx %arg7[%add3A_130] : memref<12688xf32, #tpu.memory_space<vmem>>[vector<16xi32>], vector<16xf32>,
        %mul3A_132 = arith.constant 1.000000e-01 : f32
        %mul3A_133 = vector.broadcast %mul3A_132 : f32 to vector<16xf32>
        %mul3A_134 = arith.mulf %gather3A_131, %mul3A_133 : vector<16xf32>
        %convert_element_type3A_135 = arith.sitofp %sub3A_48 : vector<16xi32> to vector<16xf32>
        %mul3A_136 = arith.mulf %convert_element_type3A_135, %div3A_106 : vector<16xf32>
        %add3A_137 = arith.addf %mul3A_136, %sub3A_73 : vector<16xf32>
        %mul3A_138 = arith.mulf %mul3A_127, %max3A_91 : vector<16xf32>
        %add3A_139 = arith.addf %add3A_137, %mul3A_138 : vector<16xf32>
        %convert_element_type3A_140 = arith.sitofp %shift_right_logical3A_44 : vector<16xi32> to vector<16xf32>
        %mul3A_141 = arith.mulf %convert_element_type3A_140, %div3A_109 : vector<16xf32>
        %add3A_142 = arith.addf %mul3A_141, %sub3A_79 : vector<16xf32>
        %mul3A_143 = arith.mulf %mul3A_134, %max3A_104 : vector<16xf32>
        %add3A_144 = arith.addf %add3A_142, %mul3A_143 : vector<16xf32>
        %max3A_145 = arith.constant 0.000000e+00 : f32
        %max3A_146 = vector.broadcast %max3A_145 : f32 to vector<16xf32>
        %max3A_147 = arith.maximumf %add3A_139, %max3A_146 : vector<16xf32>
        %min3A = arith.constant 6.300000e+01 : f32
        %min3A_148 = vector.broadcast %min3A : f32 to vector<16xf32>
        %min3A_149 = arith.minimumf %max3A_147, %min3A_148 : vector<16xf32>
        %convert_element_type3A_150 = arith.fptosi %min3A_149 : vector<16xf32> to vector<16xi32>
        %max3A_151 = arith.constant 0.000000e+00 : f32
        %max3A_152 = vector.broadcast %max3A_151 : f32 to vector<16xf32>
        %max3A_153 = arith.maximumf %add3A_144, %max3A_152 : vector<16xf32>
        %min3A_154 = arith.constant 6.300000e+01 : f32
        %min3A_155 = vector.broadcast %min3A_154 : f32 to vector<16xf32>
        %min3A_156 = arith.minimumf %max3A_153, %min3A_155 : vector<16xf32>
        %convert_element_type3A_157 = arith.fptosi %min3A_156 : vector<16xf32> to vector<16xi32>
        %mul3A_158 = arith.constant 64 : i32
        %mul3A_159 = vector.broadcast %mul3A_158 : i32 to vector<16xi32>
        %mul3A_160 = arith.muli %convert_element_type3A_157, %mul3A_159 : vector<16xi32>
        %add3A_161 = arith.addi %convert_element_type3A_119, %mul3A_160 : vector<16xi32>
        %add3A_162 = arith.addi %add3A_161, %convert_element_type3A_150 : vector<16xi32>
        %mul3A_163 = arith.constant 8 : i32
        %mul3A_164 = vector.broadcast %mul3A_163 : i32 to vector<16xi32>
        %mul3A_165 = arith.muli %add3A_23, %mul3A_164 : vector<16xi32>
        %add3A_166 = arith.constant 0 : i32
        %add3A_167 = vector.broadcast %add3A_166 : i32 to vector<16xi32>
        %add3A_168 = arith.addi %mul3A_165, %add3A_167 : vector<16xi32>
        %add3A_169 = arith.constant 0 : i32
        %add3A_170 = vector.broadcast %add3A_169 : i32 to vector<16xi32>
        %add3A_171 = arith.addi %add3A_168, %add3A_170 : vector<16xi32>
        %add3A_172 = arith.constant 0 : i32
        %add3A_173 = vector.broadcast %add3A_172 : i32 to vector<16xi32>
        %add3A_174 = arith.addi %add3A_162, %add3A_173 : vector<16xi32>
        tpu.vector_store_idx %arg8[%add3A_171], %add3A_174 masked %lt3A_2 : memref<1600xi32, #tpu.memory_space<vmem>>[vector<16xi32>], vector<16xi32>, vector<16xi1>
        %mul3A_175 = arith.constant 8 : i32
        %mul3A_176 = vector.broadcast %mul3A_175 : i32 to vector<16xi32>
        %mul3A_177 = arith.muli %add3A_23, %mul3A_176 : vector<16xi32>
        %add3A_178 = arith.constant 0 : i32
        %add3A_179 = vector.broadcast %add3A_178 : i32 to vector<16xi32>
        %add3A_180 = arith.addi %mul3A_177, %add3A_179 : vector<16xi32>
        %add3A_181 = arith.constant 1 : i32
        %add3A_182 = vector.broadcast %add3A_181 : i32 to vector<16xi32>
        %add3A_183 = arith.addi %add3A_180, %add3A_182 : vector<16xi32>
        %add3A_184 = arith.constant 2 : i32
        %add3A_185 = vector.broadcast %add3A_184 : i32 to vector<16xi32>
        %add3A_186 = arith.addi %add3A_162, %add3A_185 : vector<16xi32>
        tpu.vector_store_idx %arg8[%add3A_183], %add3A_186 masked %lt3A_2 : memref<1600xi32, #tpu.memory_space<vmem>>[vector<16xi32>], vector<16xi32>, vector<16xi1>
        %mul3A_187 = arith.constant 8 : i32
        %mul3A_188 = vector.broadcast %mul3A_187 : i32 to vector<16xi32>
        %mul3A_189 = arith.muli %add3A_23, %mul3A_188 : vector<16xi32>
        %add3A_190 = arith.constant 2 : i32
        %add3A_191 = vector.broadcast %add3A_190 : i32 to vector<16xi32>
        %add3A_192 = arith.addi %mul3A_189, %add3A_191 : vector<16xi32>
        %add3A_193 = arith.constant 0 : i32
        %add3A_194 = vector.broadcast %add3A_193 : i32 to vector<16xi32>
        %add3A_195 = arith.addi %add3A_192, %add3A_194 : vector<16xi32>
        %add3A_196 = arith.constant 64 : i32
        %add3A_197 = vector.broadcast %add3A_196 : i32 to vector<16xi32>
        %add3A_198 = arith.addi %add3A_162, %add3A_197 : vector<16xi32>
        tpu.vector_store_idx %arg8[%add3A_195], %add3A_198 masked %lt3A_2 : memref<1600xi32, #tpu.memory_space<vmem>>[vector<16xi32>], vector<16xi32>, vector<16xi1>
        %mul3A_199 = arith.constant 8 : i32
        %mul3A_200 = vector.broadcast %mul3A_199 : i32 to vector<16xi32>
        %mul3A_201 = arith.muli %add3A_23, %mul3A_200 : vector<16xi32>
        %add3A_202 = arith.constant 2 : i32
        %add3A_203 = vector.broadcast %add3A_202 : i32 to vector<16xi32>
        %add3A_204 = arith.addi %mul3A_201, %add3A_203 : vector<16xi32>
        %add3A_205 = arith.constant 1 : i32
        %add3A_206 = vector.broadcast %add3A_205 : i32 to vector<16xi32>
        %add3A_207 = arith.addi %add3A_204, %add3A_206 : vector<16xi32>
        %add3A_208 = arith.constant 66 : i32
        %add3A_209 = vector.broadcast %add3A_208 : i32 to vector<16xi32>
        %add3A_210 = arith.addi %add3A_162, %add3A_209 : vector<16xi32>
        tpu.vector_store_idx %arg8[%add3A_207], %add3A_210 masked %lt3A_2 : memref<1600xi32, #tpu.memory_space<vmem>>[vector<16xi32>], vector<16xi32>, vector<16xi1>
        %mul3A_211 = arith.constant 8 : i32
        %mul3A_212 = vector.broadcast %mul3A_211 : i32 to vector<16xi32>
        %mul3A_213 = arith.muli %add3A_23, %mul3A_212 : vector<16xi32>
        %add3A_214 = arith.constant 4 : i32
        %add3A_215 = vector.broadcast %add3A_214 : i32 to vector<16xi32>
        %add3A_216 = arith.addi %mul3A_213, %add3A_215 : vector<16xi32>
        %add3A_217 = arith.constant 0 : i32
        %add3A_218 = vector.broadcast %add3A_217 : i32 to vector<16xi32>
        %add3A_219 = arith.addi %add3A_216, %add3A_218 : vector<16xi32>
        %add3A_220 = arith.constant 128 : i32
        %add3A_221 = vector.broadcast %add3A_220 : i32 to vector<16xi32>
        %add3A_222 = arith.addi %add3A_162, %add3A_221 : vector<16xi32>
        tpu.vector_store_idx %arg8[%add3A_219], %add3A_222 masked %lt3A_2 : memref<1600xi32, #tpu.memory_space<vmem>>[vector<16xi32>], vector<16xi32>, vector<16xi1>
        %mul3A_223 = arith.constant 8 : i32
        %mul3A_224 = vector.broadcast %mul3A_223 : i32 to vector<16xi32>
        %mul3A_225 = arith.muli %add3A_23, %mul3A_224 : vector<16xi32>
        %add3A_226 = arith.constant 4 : i32
        %add3A_227 = vector.broadcast %add3A_226 : i32 to vector<16xi32>
        %add3A_228 = arith.addi %mul3A_225, %add3A_227 : vector<16xi32>
        %add3A_229 = arith.constant 1 : i32
        %add3A_230 = vector.broadcast %add3A_229 : i32 to vector<16xi32>
        %add3A_231 = arith.addi %add3A_228, %add3A_230 : vector<16xi32>
        %add3A_232 = arith.constant 130 : i32
        %add3A_233 = vector.broadcast %add3A_232 : i32 to vector<16xi32>
        %add3A_234 = arith.addi %add3A_162, %add3A_233 : vector<16xi32>
        tpu.vector_store_idx %arg8[%add3A_231], %add3A_234 masked %lt3A_2 : memref<1600xi32, #tpu.memory_space<vmem>>[vector<16xi32>], vector<16xi32>, vector<16xi1>
        %mul3A_235 = arith.constant 8 : i32
        %mul3A_236 = vector.broadcast %mul3A_235 : i32 to vector<16xi32>
        %mul3A_237 = arith.muli %add3A_23, %mul3A_236 : vector<16xi32>
        %add3A_238 = arith.constant 6 : i32
        %add3A_239 = vector.broadcast %add3A_238 : i32 to vector<16xi32>
        %add3A_240 = arith.addi %mul3A_237, %add3A_239 : vector<16xi32>
        %add3A_241 = arith.constant 0 : i32
        %add3A_242 = vector.broadcast %add3A_241 : i32 to vector<16xi32>
        %add3A_243 = arith.addi %add3A_240, %add3A_242 : vector<16xi32>
        %add3A_244 = arith.constant 192 : i32
        %add3A_245 = vector.broadcast %add3A_244 : i32 to vector<16xi32>
        %add3A_246 = arith.addi %add3A_162, %add3A_245 : vector<16xi32>
        tpu.vector_store_idx %arg8[%add3A_243], %add3A_246 masked %lt3A_2 : memref<1600xi32, #tpu.memory_space<vmem>>[vector<16xi32>], vector<16xi32>, vector<16xi1>
        %mul3A_247 = arith.constant 8 : i32
        %mul3A_248 = vector.broadcast %mul3A_247 : i32 to vector<16xi32>
        %mul3A_249 = arith.muli %add3A_23, %mul3A_248 : vector<16xi32>
        %add3A_250 = arith.constant 6 : i32
        %add3A_251 = vector.broadcast %add3A_250 : i32 to vector<16xi32>
        %add3A_252 = arith.addi %mul3A_249, %add3A_251 : vector<16xi32>
        %add3A_253 = arith.constant 1 : i32
        %add3A_254 = vector.broadcast %add3A_253 : i32 to vector<16xi32>
        %add3A_255 = arith.addi %add3A_252, %add3A_254 : vector<16xi32>
        %add3A_256 = arith.constant 194 : i32
        %add3A_257 = vector.broadcast %add3A_256 : i32 to vector<16xi32>
        %add3A_258 = arith.addi %add3A_162, %add3A_257 : vector<16xi32>
        tpu.vector_store_idx %arg8[%add3A_255], %add3A_258 masked %lt3A_2 : memref<1600xi32, #tpu.memory_space<vmem>>[vector<16xi32>], vector<16xi32>, vector<16xi1>
        %mul3A_259 = arith.constant 16 : i32
        %mul3A_260 = arith.muli %mul3A_21, %mul3A_259 : i32
        %add3A_261 = arith.constant 0 : i32
        %add3A_262 = arith.addi %mul3A_260, %add3A_261 : i32
        %swap3A = arith.index_cast %add3A_262 : i32 to index
        %swap3A_263 = tpu.vector_load %arg9[%swap3A] {strides = array<i32>} : memref<3344xf32, #tpu.memory_space<vmem>>, vector<16xf32>,
        tpu.vector_store %arg9[%swap3A], %broadcast_in_dim3A_3 {strides = array<i32>} : memref<3344xf32, #tpu.memory_space<vmem>>, vector<16xf32>,
        %mul3A_264 = arith.constant 16 : i32
        %mul3A_265 = arith.muli %mul3A_21, %mul3A_264 : i32
        %add3A_266 = arith.constant 16 : i32
        %add3A_267 = arith.addi %mul3A_265, %add3A_266 : i32
        %swap3A_268 = arith.index_cast %add3A_267 : i32 to index
        %swap3A_269 = tpu.vector_load %arg9[%swap3A_268] {strides = array<i32>} : memref<3344xf32, #tpu.memory_space<vmem>>, vector<16xf32>,
        tpu.vector_store %arg9[%swap3A_268], %broadcast_in_dim3A_3 {strides = array<i32>} : memref<3344xf32, #tpu.memory_space<vmem>>, vector<16xf32>,
        %mul3A_270 = arith.constant 16 : i32
        %mul3A_271 = arith.muli %mul3A_21, %mul3A_270 : i32
        %add3A_272 = arith.constant 32 : i32
        %add3A_273 = arith.addi %mul3A_271, %add3A_272 : i32
        %swap3A_274 = arith.index_cast %add3A_273 : i32 to index
        %swap3A_275 = tpu.vector_load %arg9[%swap3A_274] {strides = array<i32>} : memref<3344xf32, #tpu.memory_space<vmem>>, vector<16xf32>,
        tpu.vector_store %arg9[%swap3A_274], %broadcast_in_dim3A_3 {strides = array<i32>} : memref<3344xf32, #tpu.memory_space<vmem>>, vector<16xf32>,
        %mul3A_276 = arith.constant 16 : i32
        %mul3A_277 = arith.muli %mul3A_21, %mul3A_276 : i32
        %add3A_278 = arith.constant 48 : i32
        %add3A_279 = arith.addi %mul3A_277, %add3A_278 : i32
        %swap3A_280 = arith.index_cast %add3A_279 : i32 to index
        %swap3A_281 = tpu.vector_load %arg9[%swap3A_280] {strides = array<i32>} : memref<3344xf32, #tpu.memory_space<vmem>>, vector<16xf32>,
        tpu.vector_store %arg9[%swap3A_280], %broadcast_in_dim3A_3 {strides = array<i32>} : memref<3344xf32, #tpu.memory_space<vmem>>, vector<16xf32>,
        %mul3A_282 = arith.constant 16 : i32
        %mul3A_283 = arith.muli %mul3A_21, %mul3A_282 : i32
        %add3A_284 = arith.constant 64 : i32
        %add3A_285 = arith.addi %mul3A_283, %add3A_284 : i32
        %swap3A_286 = arith.index_cast %add3A_285 : i32 to index
        %swap3A_287 = tpu.vector_load %arg9[%swap3A_286] {strides = array<i32>} : memref<3344xf32, #tpu.memory_space<vmem>>, vector<16xf32>,
        tpu.vector_store %arg9[%swap3A_286], %broadcast_in_dim3A_3 {strides = array<i32>} : memref<3344xf32, #tpu.memory_space<vmem>>, vector<16xf32>,
        %mul3A_288 = arith.constant 16 : i32
        %mul3A_289 = arith.muli %mul3A_21, %mul3A_288 : i32
        %add3A_290 = arith.constant 80 : i32
        %add3A_291 = arith.addi %mul3A_289, %add3A_290 : i32
        %swap3A_292 = arith.index_cast %add3A_291 : i32 to index
        %swap3A_293 = tpu.vector_load %arg9[%swap3A_292] {strides = array<i32>} : memref<3344xf32, #tpu.memory_space<vmem>>, vector<16xf32>,
        tpu.vector_store %arg9[%swap3A_292], %broadcast_in_dim3A_3 {strides = array<i32>} : memref<3344xf32, #tpu.memory_space<vmem>>, vector<16xf32>,
        %mul3A_294 = arith.constant 16 : i32
        %mul3A_295 = arith.muli %mul3A_21, %mul3A_294 : i32
        %add3A_296 = arith.constant 96 : i32
        %add3A_297 = arith.addi %mul3A_295, %add3A_296 : i32
        %swap3A_298 = arith.index_cast %add3A_297 : i32 to index
        %swap3A_299 = tpu.vector_load %arg9[%swap3A_298] {strides = array<i32>} : memref<3344xf32, #tpu.memory_space<vmem>>, vector<16xf32>,
        tpu.vector_store %arg9[%swap3A_298], %broadcast_in_dim3A_3 {strides = array<i32>} : memref<3344xf32, #tpu.memory_space<vmem>>, vector<16xf32>,
        %mul3A_300 = arith.constant 16 : i32
        %mul3A_301 = arith.muli %mul3A_21, %mul3A_300 : i32
        %add3A_302 = arith.constant 112 : i32
        %add3A_303 = arith.addi %mul3A_301, %add3A_302 : i32
        %swap3A_304 = arith.index_cast %add3A_303 : i32 to index
        %swap3A_305 = tpu.vector_load %arg9[%swap3A_304] {strides = array<i32>} : memref<3344xf32, #tpu.memory_space<vmem>>, vector<16xf32>,
        tpu.vector_store %arg9[%swap3A_304], %broadcast_in_dim3A_3 {strides = array<i32>} : memref<3344xf32, #tpu.memory_space<vmem>>, vector<16xf32>,
        %mul3A_306 = arith.constant 16 : i32
        %mul3A_307 = arith.muli %mul3A_21, %mul3A_306 : i32
        %add3A_308 = arith.constant 128 : i32
        %add3A_309 = arith.addi %mul3A_307, %add3A_308 : i32
        %swap3A_310 = arith.index_cast %add3A_309 : i32 to index
        %swap3A_311 = tpu.vector_load %arg9[%swap3A_310] {strides = array<i32>} : memref<3344xf32, #tpu.memory_space<vmem>>, vector<16xf32>,
        tpu.vector_store %arg9[%swap3A_310], %broadcast_in_dim3A_3 {strides = array<i32>} : memref<3344xf32, #tpu.memory_space<vmem>>, vector<16xf32>,
        %mul3A_312 = arith.constant 16 : i32
        %mul3A_313 = arith.muli %mul3A_21, %mul3A_312 : i32
        %add3A_314 = arith.constant 144 : i32
        %add3A_315 = arith.addi %mul3A_313, %add3A_314 : i32
        %swap3A_316 = arith.index_cast %add3A_315 : i32 to index
        %swap3A_317 = tpu.vector_load %arg9[%swap3A_316] {strides = array<i32>} : memref<3344xf32, #tpu.memory_space<vmem>>, vector<16xf32>,
        tpu.vector_store %arg9[%swap3A_316], %broadcast_in_dim3A_3 {strides = array<i32>} : memref<3344xf32, #tpu.memory_space<vmem>>, vector<16xf32>,
        %mul3A_318 = arith.constant 16 : i32
        %mul3A_319 = arith.muli %mul3A_21, %mul3A_318 : i32
        %add3A_320 = arith.constant 160 : i32
        %add3A_321 = arith.addi %mul3A_319, %add3A_320 : i32
        %swap3A_322 = arith.index_cast %add3A_321 : i32 to index
        %swap3A_323 = tpu.vector_load %arg9[%swap3A_322] {strides = array<i32>} : memref<3344xf32, #tpu.memory_space<vmem>>, vector<16xf32>,
        tpu.vector_store %arg9[%swap3A_322], %broadcast_in_dim3A_3 {strides = array<i32>} : memref<3344xf32, #tpu.memory_space<vmem>>, vector<16xf32>,
        %mul3A_324 = arith.constant 16 : i32
        %mul3A_325 = arith.muli %mul3A_21, %mul3A_324 : i32
        %add3A_326 = arith.constant 176 : i32
        %add3A_327 = arith.addi %mul3A_325, %add3A_326 : i32
        %swap3A_328 = arith.index_cast %add3A_327 : i32 to index
        %swap3A_329 = tpu.vector_load %arg9[%swap3A_328] {strides = array<i32>} : memref<3344xf32, #tpu.memory_space<vmem>>, vector<16xf32>,
        tpu.vector_store %arg9[%swap3A_328], %broadcast_in_dim3A_3 {strides = array<i32>} : memref<3344xf32, #tpu.memory_space<vmem>>, vector<16xf32>,
        %mul3A_330 = arith.constant 16 : i32
        %mul3A_331 = arith.muli %mul3A_21, %mul3A_330 : i32
        %add3A_332 = arith.constant 192 : i32
        %add3A_333 = arith.addi %mul3A_331, %add3A_332 : i32
        %swap3A_334 = arith.index_cast %add3A_333 : i32 to index
        %swap3A_335 = tpu.vector_load %arg9[%swap3A_334] {strides = array<i32>} : memref<3344xf32, #tpu.memory_space<vmem>>, vector<16xf32>,
        tpu.vector_store %arg9[%swap3A_334], %broadcast_in_dim3A_3 {strides = array<i32>} : memref<3344xf32, #tpu.memory_space<vmem>>, vector<16xf32>,
        %mul3A_336 = arith.constant 16 : i32
        %mul3A_337 = arith.muli %mul3A_21, %mul3A_336 : i32
        %add3A_338 = arith.constant 208 : i32
        %add3A_339 = arith.addi %mul3A_337, %add3A_338 : i32
        %swap3A_340 = arith.index_cast %add3A_339 : i32 to index
        %swap3A_341 = tpu.vector_load %arg9[%swap3A_340] {strides = array<i32>} : memref<3344xf32, #tpu.memory_space<vmem>>, vector<16xf32>,
        tpu.vector_store %arg9[%swap3A_340], %broadcast_in_dim3A_3 {strides = array<i32>} : memref<3344xf32, #tpu.memory_space<vmem>>, vector<16xf32>,
        %mul3A_342 = arith.constant 16 : i32
        %mul3A_343 = arith.muli %mul3A_21, %mul3A_342 : i32
        %add3A_344 = arith.constant 224 : i32
        %add3A_345 = arith.addi %mul3A_343, %add3A_344 : i32
        %swap3A_346 = arith.index_cast %add3A_345 : i32 to index
        %swap3A_347 = tpu.vector_load %arg9[%swap3A_346] {strides = array<i32>} : memref<3344xf32, #tpu.memory_space<vmem>>, vector<16xf32>,
        tpu.vector_store %arg9[%swap3A_346], %broadcast_in_dim3A_3 {strides = array<i32>} : memref<3344xf32, #tpu.memory_space<vmem>>, vector<16xf32>,
        %mul3A_348 = arith.constant 16 : i32
        %mul3A_349 = arith.muli %mul3A_21, %mul3A_348 : i32
        %add3A_350 = arith.constant 240 : i32
        %add3A_351 = arith.addi %mul3A_349, %add3A_350 : i32
        %swap3A_352 = arith.index_cast %add3A_351 : i32 to index
        %swap3A_353 = tpu.vector_load %arg9[%swap3A_352] {strides = array<i32>} : memref<3344xf32, #tpu.memory_space<vmem>>, vector<16xf32>,
        tpu.vector_store %arg9[%swap3A_352], %broadcast_in_dim3A_3 {strides = array<i32>} : memref<3344xf32, #tpu.memory_space<vmem>>, vector<16xf32>,
        %broadcast_in_dim3A_354 = arith.constant 0.000000e+00 : f32
        %broadcast_in_dim3A_355 = vector.broadcast %broadcast_in_dim3A_354 : f32 to vector<16xf32>
        %ge3A_356 = arith.constant -5.000000e-01 : f32
        %ge3A_357 = vector.broadcast %ge3A_356 : f32 to vector<16xf32>
        %ge3A_358 = arith.cmpf oge, %add3A_144, %ge3A_357 : vector<16xf32>
        %le3A = arith.constant 6.350000e+01 : f32
        %le3A_359 = vector.broadcast %le3A : f32 to vector<16xf32>
        %le3A_360 = arith.cmpf ole, %add3A_144, %le3A_359 : vector<16xf32>
        %and3A = arith.andi %ge3A_358, %le3A_360 : vector<16xi1>
        %max3A_361 = arith.constant 0.000000e+00 : f32
        %max3A_362 = vector.broadcast %max3A_361 : f32 to vector<16xf32>
        %max3A_363 = arith.maximumf %add3A_144, %max3A_362 : vector<16xf32>
        %min3A_364 = arith.constant 6.300000e+01 : f32
        %min3A_365 = vector.broadcast %min3A_364 : f32 to vector<16xf32>
        %min3A_366 = arith.minimumf %max3A_363, %min3A_365 : vector<16xf32>
        %convert_element_type3A_367 = arith.fptosi %min3A_366 : vector<16xf32> to vector<16xi32>
        %convert_element_type3A_368 = arith.sitofp %convert_element_type3A_367 : vector<16xi32> to vector<16xf32>
        %sub3A_369 = arith.subf %min3A_366, %convert_element_type3A_368 : vector<16xf32>
        %sub3A_370 = arith.constant 1.000000e+00 : f32
        %sub3A_371 = vector.broadcast %sub3A_370 : f32 to vector<16xf32>
        %sub3A_372 = arith.subf %sub3A_371, %sub3A_369 : vector<16xf32>
        %sub3A_373 = arith.subi %convert_element_type3A_367, %convert_element_type3A_157 : vector<16xi32>
        %mul3A_374 = arith.constant 4 : i32
        %mul3A_375 = vector.broadcast %mul3A_374 : i32 to vector<16xi32>
        %mul3A_376 = arith.muli %sub3A_373, %mul3A_375 : vector<16xi32>
        %add3A_377 = arith.addi %mul3A_26, %mul3A_376 : vector<16xi32>
        %ge3A_378 = arith.constant -5.000000e-01 : f32
        %ge3A_379 = vector.broadcast %ge3A_378 : f32 to vector<16xf32>
        %ge3A_380 = arith.cmpf oge, %add3A_139, %ge3A_379 : vector<16xf32>
        %and3A_381 = arith.andi %and3A, %ge3A_380 : vector<16xi1>
        %le3A_382 = arith.constant 6.350000e+01 : f32
        %le3A_383 = vector.broadcast %le3A_382 : f32 to vector<16xf32>
        %le3A_384 = arith.cmpf ole, %add3A_139, %le3A_383 : vector<16xf32>
        %and3A_385 = arith.andi %and3A_381, %le3A_384 : vector<16xi1>
        %jit3A = arith.constant 1.000000e+00 : f32
        %jit3A_386 = arith.constant 0.000000e+00 : f32
        %broadcast_in_dim3A_387 = vector.broadcast %jit3A : f32 to vector<16xf32>
        %broadcast_in_dim3A_388 = vector.broadcast %jit3A_386 : f32 to vector<16xf32>
        %select_n3A = arith.select %and3A_385, %broadcast_in_dim3A_387, %broadcast_in_dim3A_388 : vector<16xi1>, vector<16xf32>
        %max3A_389 = arith.constant 0.000000e+00 : f32
        %max3A_390 = vector.broadcast %max3A_389 : f32 to vector<16xf32>
        %max3A_391 = arith.maximumf %add3A_139, %max3A_390 : vector<16xf32>
        %min3A_392 = arith.constant 6.300000e+01 : f32
        %min3A_393 = vector.broadcast %min3A_392 : f32 to vector<16xf32>
        %min3A_394 = arith.minimumf %max3A_391, %min3A_393 : vector<16xf32>
        %convert_element_type3A_395 = arith.fptosi %min3A_394 : vector<16xf32> to vector<16xi32>
        %convert_element_type3A_396 = arith.sitofp %convert_element_type3A_395 : vector<16xi32> to vector<16xf32>
        %sub3A_397 = arith.subf %min3A_394, %convert_element_type3A_396 : vector<16xf32>
        %add3A_398 = arith.addf %broadcast_in_dim3A_355, %select_n3A : vector<16xf32>
        %sub3A_399 = arith.constant 1.000000e+00 : f32
        %sub3A_400 = vector.broadcast %sub3A_399 : f32 to vector<16xf32>
        %sub3A_401 = arith.subf %sub3A_400, %sub3A_397 : vector<16xf32>
        %mul3A_402 = arith.mulf %sub3A_401, %select_n3A : vector<16xf32>
        %mul3A_403 = arith.mulf %sub3A_397, %select_n3A : vector<16xf32>
        %sub3A_404 = arith.subi %convert_element_type3A_395, %convert_element_type3A_150 : vector<16xi32>
        %add3A_405 = arith.addi %add3A_377, %sub3A_404 : vector<16xi32>
        %mul3A_406 = arith.mulf %mul3A_402, %sub3A_372 : vector<16xf32>
        tpu.vector_store_idx %arg9[%add3A_405], %mul3A_406 masked %lt3A_2 {add = true} : memref<3344xf32, #tpu.memory_space<vmem>>[vector<16xi32>], vector<16xf32>, vector<16xi1>
        %add3A_407 = arith.constant 1 : i32
        %add3A_408 = vector.broadcast %add3A_407 : i32 to vector<16xi32>
        %add3A_409 = arith.addi %add3A_405, %add3A_408 : vector<16xi32>
        %mul3A_410 = arith.mulf %mul3A_403, %sub3A_372 : vector<16xf32>
        tpu.vector_store_idx %arg9[%add3A_409], %mul3A_410 masked %lt3A_2 {add = true} : memref<3344xf32, #tpu.memory_space<vmem>>[vector<16xi32>], vector<16xf32>, vector<16xi1>
        %add3A_411 = arith.constant 4 : i32
        %add3A_412 = vector.broadcast %add3A_411 : i32 to vector<16xi32>
        %add3A_413 = arith.addi %add3A_405, %add3A_412 : vector<16xi32>
        %mul3A_414 = arith.mulf %mul3A_402, %sub3A_369 : vector<16xf32>
        tpu.vector_store_idx %arg9[%add3A_413], %mul3A_414 masked %lt3A_2 {add = true} : memref<3344xf32, #tpu.memory_space<vmem>>[vector<16xi32>], vector<16xf32>, vector<16xi1>
        %add3A_415 = arith.constant 5 : i32
        %add3A_416 = vector.broadcast %add3A_415 : i32 to vector<16xi32>
        %add3A_417 = arith.addi %add3A_405, %add3A_416 : vector<16xi32>
        %mul3A_418 = arith.mulf %mul3A_403, %sub3A_369 : vector<16xf32>
        tpu.vector_store_idx %arg9[%add3A_417], %mul3A_418 masked %lt3A_2 {add = true} : memref<3344xf32, #tpu.memory_space<vmem>>[vector<16xi32>], vector<16xf32>, vector<16xi1>
        %mul3A_419 = arith.constant 1.000000e+00 : f32
        %mul3A_420 = vector.broadcast %mul3A_419 : f32 to vector<16xf32>
        %mul3A_421 = arith.mulf %mul3A_420, %mul3A_112 : vector<16xf32>
        %add3A_422 = arith.addf %add3A_139, %mul3A_421 : vector<16xf32>
        %ge3A_423 = arith.constant -5.000000e-01 : f32
        %ge3A_424 = vector.broadcast %ge3A_423 : f32 to vector<16xf32>
        %ge3A_425 = arith.cmpf oge, %add3A_422, %ge3A_424 : vector<16xf32>
        %and3A_426 = arith.andi %and3A, %ge3A_425 : vector<16xi1>
        %le3A_427 = arith.constant 6.350000e+01 : f32
        %le3A_428 = vector.broadcast %le3A_427 : f32 to vector<16xf32>
        %le3A_429 = arith.cmpf ole, %add3A_422, %le3A_428 : vector<16xf32>
        %and3A_430 = arith.andi %and3A_426, %le3A_429 : vector<16xi1>
        %jit3A_431 = arith.constant 1.000000e+00 : f32
        %jit3A_432 = arith.constant 0.000000e+00 : f32
        %broadcast_in_dim3A_433 = vector.broadcast %jit3A_431 : f32 to vector<16xf32>
        %broadcast_in_dim3A_434 = vector.broadcast %jit3A_432 : f32 to vector<16xf32>
        %select_n3A_435 = arith.select %and3A_430, %broadcast_in_dim3A_433, %broadcast_in_dim3A_434 : vector<16xi1>, vector<16xf32>
        %max3A_436 = arith.constant 0.000000e+00 : f32
        %max3A_437 = vector.broadcast %max3A_436 : f32 to vector<16xf32>
        %max3A_438 = arith.maximumf %add3A_422, %max3A_437 : vector<16xf32>
        %min3A_439 = arith.constant 6.300000e+01 : f32
        %min3A_440 = vector.broadcast %min3A_439 : f32 to vector<16xf32>
        %min3A_441 = arith.minimumf %max3A_438, %min3A_440 : vector<16xf32>
        %convert_element_type3A_442 = arith.fptosi %min3A_441 : vector<16xf32> to vector<16xi32>
        %convert_element_type3A_443 = arith.sitofp %convert_element_type3A_442 : vector<16xi32> to vector<16xf32>
        %sub3A_444 = arith.subf %min3A_441, %convert_element_type3A_443 : vector<16xf32>
        %add3A_445 = arith.addf %add3A_398, %select_n3A_435 : vector<16xf32>
        %sub3A_446 = arith.constant 1.000000e+00 : f32
        %sub3A_447 = vector.broadcast %sub3A_446 : f32 to vector<16xf32>
        %sub3A_448 = arith.subf %sub3A_447, %sub3A_444 : vector<16xf32>
        %mul3A_449 = arith.mulf %sub3A_448, %select_n3A_435 : vector<16xf32>
        %mul3A_450 = arith.mulf %sub3A_444, %select_n3A_435 : vector<16xf32>
        %sub3A_451 = arith.subi %convert_element_type3A_442, %convert_element_type3A_150 : vector<16xi32>
        %add3A_452 = arith.addi %add3A_377, %sub3A_451 : vector<16xi32>
        %mul3A_453 = arith.mulf %mul3A_449, %sub3A_372 : vector<16xf32>
        tpu.vector_store_idx %arg9[%add3A_452], %mul3A_453 masked %lt3A_2 {add = true} : memref<3344xf32, #tpu.memory_space<vmem>>[vector<16xi32>], vector<16xf32>, vector<16xi1>
        %add3A_454 = arith.constant 1 : i32
        %add3A_455 = vector.broadcast %add3A_454 : i32 to vector<16xi32>
        %add3A_456 = arith.addi %add3A_452, %add3A_455 : vector<16xi32>
        %mul3A_457 = arith.mulf %mul3A_450, %sub3A_372 : vector<16xf32>
        tpu.vector_store_idx %arg9[%add3A_456], %mul3A_457 masked %lt3A_2 {add = true} : memref<3344xf32, #tpu.memory_space<vmem>>[vector<16xi32>], vector<16xf32>, vector<16xi1>
        %add3A_458 = arith.constant 4 : i32
        %add3A_459 = vector.broadcast %add3A_458 : i32 to vector<16xi32>
        %add3A_460 = arith.addi %add3A_452, %add3A_459 : vector<16xi32>
        %mul3A_461 = arith.mulf %mul3A_449, %sub3A_369 : vector<16xf32>
        tpu.vector_store_idx %arg9[%add3A_460], %mul3A_461 masked %lt3A_2 {add = true} : memref<3344xf32, #tpu.memory_space<vmem>>[vector<16xi32>], vector<16xf32>, vector<16xi1>
        %add3A_462 = arith.constant 5 : i32
        %add3A_463 = vector.broadcast %add3A_462 : i32 to vector<16xi32>
        %add3A_464 = arith.addi %add3A_452, %add3A_463 : vector<16xi32>
        %mul3A_465 = arith.mulf %mul3A_450, %sub3A_369 : vector<16xf32>
        tpu.vector_store_idx %arg9[%add3A_464], %mul3A_465 masked %lt3A_2 {add = true} : memref<3344xf32, #tpu.memory_space<vmem>>[vector<16xi32>], vector<16xf32>, vector<16xi1>
        %mul3A_466 = arith.constant 2.000000e+00 : f32
        %mul3A_467 = vector.broadcast %mul3A_466 : f32 to vector<16xf32>
        %mul3A_468 = arith.mulf %mul3A_467, %mul3A_112 : vector<16xf32>
        %add3A_469 = arith.addf %add3A_139, %mul3A_468 : vector<16xf32>
        %ge3A_470 = arith.constant -5.000000e-01 : f32
        %ge3A_471 = vector.broadcast %ge3A_470 : f32 to vector<16xf32>
        %ge3A_472 = arith.cmpf oge, %add3A_469, %ge3A_471 : vector<16xf32>
        %and3A_473 = arith.andi %and3A, %ge3A_472 : vector<16xi1>
        %le3A_474 = arith.constant 6.350000e+01 : f32
        %le3A_475 = vector.broadcast %le3A_474 : f32 to vector<16xf32>
        %le3A_476 = arith.cmpf ole, %add3A_469, %le3A_475 : vector<16xf32>
        %and3A_477 = arith.andi %and3A_473, %le3A_476 : vector<16xi1>
        %jit3A_478 = arith.constant 1.000000e+00 : f32
        %jit3A_479 = arith.constant 0.000000e+00 : f32
        %broadcast_in_dim3A_480 = vector.broadcast %jit3A_478 : f32 to vector<16xf32>
        %broadcast_in_dim3A_481 = vector.broadcast %jit3A_479 : f32 to vector<16xf32>
        %select_n3A_482 = arith.select %and3A_477, %broadcast_in_dim3A_480, %broadcast_in_dim3A_481 : vector<16xi1>, vector<16xf32>
        %max3A_483 = arith.constant 0.000000e+00 : f32
        %max3A_484 = vector.broadcast %max3A_483 : f32 to vector<16xf32>
        %max3A_485 = arith.maximumf %add3A_469, %max3A_484 : vector<16xf32>
        %min3A_486 = arith.constant 6.300000e+01 : f32
        %min3A_487 = vector.broadcast %min3A_486 : f32 to vector<16xf32>
        %min3A_488 = arith.minimumf %max3A_485, %min3A_487 : vector<16xf32>
        %convert_element_type3A_489 = arith.fptosi %min3A_488 : vector<16xf32> to vector<16xi32>
        %convert_element_type3A_490 = arith.sitofp %convert_element_type3A_489 : vector<16xi32> to vector<16xf32>
        %sub3A_491 = arith.subf %min3A_488, %convert_element_type3A_490 : vector<16xf32>
        %add3A_492 = arith.addf %add3A_445, %select_n3A_482 : vector<16xf32>
        %sub3A_493 = arith.constant 1.000000e+00 : f32
        %sub3A_494 = vector.broadcast %sub3A_493 : f32 to vector<16xf32>
        %sub3A_495 = arith.subf %sub3A_494, %sub3A_491 : vector<16xf32>
        %mul3A_496 = arith.mulf %sub3A_495, %select_n3A_482 : vector<16xf32>
        %mul3A_497 = arith.mulf %sub3A_491, %select_n3A_482 : vector<16xf32>
        %sub3A_498 = arith.subi %convert_element_type3A_489, %convert_element_type3A_150 : vector<16xi32>
        %add3A_499 = arith.addi %add3A_377, %sub3A_498 : vector<16xi32>
        %mul3A_500 = arith.mulf %mul3A_496, %sub3A_372 : vector<16xf32>
        tpu.vector_store_idx %arg9[%add3A_499], %mul3A_500 masked %lt3A_2 {add = true} : memref<3344xf32, #tpu.memory_space<vmem>>[vector<16xi32>], vector<16xf32>, vector<16xi1>
        %add3A_501 = arith.constant 1 : i32
        %add3A_502 = vector.broadcast %add3A_501 : i32 to vector<16xi32>
        %add3A_503 = arith.addi %add3A_499, %add3A_502 : vector<16xi32>
        %mul3A_504 = arith.mulf %mul3A_497, %sub3A_372 : vector<16xf32>
        tpu.vector_store_idx %arg9[%add3A_503], %mul3A_504 masked %lt3A_2 {add = true} : memref<3344xf32, #tpu.memory_space<vmem>>[vector<16xi32>], vector<16xf32>, vector<16xi1>
        %add3A_505 = arith.constant 4 : i32
        %add3A_506 = vector.broadcast %add3A_505 : i32 to vector<16xi32>
        %add3A_507 = arith.addi %add3A_499, %add3A_506 : vector<16xi32>
        %mul3A_508 = arith.mulf %mul3A_496, %sub3A_369 : vector<16xf32>
        tpu.vector_store_idx %arg9[%add3A_507], %mul3A_508 masked %lt3A_2 {add = true} : memref<3344xf32, #tpu.memory_space<vmem>>[vector<16xi32>], vector<16xf32>, vector<16xi1>
        %add3A_509 = arith.constant 5 : i32
        %add3A_510 = vector.broadcast %add3A_509 : i32 to vector<16xi32>
        %add3A_511 = arith.addi %add3A_499, %add3A_510 : vector<16xi32>
        %mul3A_512 = arith.mulf %mul3A_497, %sub3A_369 : vector<16xf32>
        tpu.vector_store_idx %arg9[%add3A_511], %mul3A_512 masked %lt3A_2 {add = true} : memref<3344xf32, #tpu.memory_space<vmem>>[vector<16xi32>], vector<16xf32>, vector<16xi1>
        %mul3A_513 = arith.constant 3.000000e+00 : f32
        %mul3A_514 = vector.broadcast %mul3A_513 : f32 to vector<16xf32>
        %mul3A_515 = arith.mulf %mul3A_514, %mul3A_112 : vector<16xf32>
        %add3A_516 = arith.addf %add3A_139, %mul3A_515 : vector<16xf32>
        %ge3A_517 = arith.constant -5.000000e-01 : f32
        %ge3A_518 = vector.broadcast %ge3A_517 : f32 to vector<16xf32>
        %ge3A_519 = arith.cmpf oge, %add3A_516, %ge3A_518 : vector<16xf32>
        %and3A_520 = arith.andi %and3A, %ge3A_519 : vector<16xi1>
        %le3A_521 = arith.constant 6.350000e+01 : f32
        %le3A_522 = vector.broadcast %le3A_521 : f32 to vector<16xf32>
        %le3A_523 = arith.cmpf ole, %add3A_516, %le3A_522 : vector<16xf32>
        %and3A_524 = arith.andi %and3A_520, %le3A_523 : vector<16xi1>
        %jit3A_525 = arith.constant 1.000000e+00 : f32
        %jit3A_526 = arith.constant 0.000000e+00 : f32
        %broadcast_in_dim3A_527 = vector.broadcast %jit3A_525 : f32 to vector<16xf32>
        %broadcast_in_dim3A_528 = vector.broadcast %jit3A_526 : f32 to vector<16xf32>
        %select_n3A_529 = arith.select %and3A_524, %broadcast_in_dim3A_527, %broadcast_in_dim3A_528 : vector<16xi1>, vector<16xf32>
        %max3A_530 = arith.constant 0.000000e+00 : f32
        %max3A_531 = vector.broadcast %max3A_530 : f32 to vector<16xf32>
        %max3A_532 = arith.maximumf %add3A_516, %max3A_531 : vector<16xf32>
        %min3A_533 = arith.constant 6.300000e+01 : f32
        %min3A_534 = vector.broadcast %min3A_533 : f32 to vector<16xf32>
        %min3A_535 = arith.minimumf %max3A_532, %min3A_534 : vector<16xf32>
        %convert_element_type3A_536 = arith.fptosi %min3A_535 : vector<16xf32> to vector<16xi32>
        %convert_element_type3A_537 = arith.sitofp %convert_element_type3A_536 : vector<16xi32> to vector<16xf32>
        %sub3A_538 = arith.subf %min3A_535, %convert_element_type3A_537 : vector<16xf32>
        %add3A_539 = arith.addf %add3A_492, %select_n3A_529 : vector<16xf32>
        %sub3A_540 = arith.constant 1.000000e+00 : f32
        %sub3A_541 = vector.broadcast %sub3A_540 : f32 to vector<16xf32>
        %sub3A_542 = arith.subf %sub3A_541, %sub3A_538 : vector<16xf32>
        %mul3A_543 = arith.mulf %sub3A_542, %select_n3A_529 : vector<16xf32>
        %mul3A_544 = arith.mulf %sub3A_538, %select_n3A_529 : vector<16xf32>
        %sub3A_545 = arith.subi %convert_element_type3A_536, %convert_element_type3A_150 : vector<16xi32>
        %add3A_546 = arith.addi %add3A_377, %sub3A_545 : vector<16xi32>
        %mul3A_547 = arith.mulf %mul3A_543, %sub3A_372 : vector<16xf32>
        tpu.vector_store_idx %arg9[%add3A_546], %mul3A_547 masked %lt3A_2 {add = true} : memref<3344xf32, #tpu.memory_space<vmem>>[vector<16xi32>], vector<16xf32>, vector<16xi1>
        %add3A_548 = arith.constant 1 : i32
        %add3A_549 = vector.broadcast %add3A_548 : i32 to vector<16xi32>
        %add3A_550 = arith.addi %add3A_546, %add3A_549 : vector<16xi32>
        %mul3A_551 = arith.mulf %mul3A_544, %sub3A_372 : vector<16xf32>
        tpu.vector_store_idx %arg9[%add3A_550], %mul3A_551 masked %lt3A_2 {add = true} : memref<3344xf32, #tpu.memory_space<vmem>>[vector<16xi32>], vector<16xf32>, vector<16xi1>
        %add3A_552 = arith.constant 4 : i32
        %add3A_553 = vector.broadcast %add3A_552 : i32 to vector<16xi32>
        %add3A_554 = arith.addi %add3A_546, %add3A_553 : vector<16xi32>
        %mul3A_555 = arith.mulf %mul3A_543, %sub3A_369 : vector<16xf32>
        tpu.vector_store_idx %arg9[%add3A_554], %mul3A_555 masked %lt3A_2 {add = true} : memref<3344xf32, #tpu.memory_space<vmem>>[vector<16xi32>], vector<16xf32>, vector<16xi1>
        %add3A_556 = arith.constant 5 : i32
        %add3A_557 = vector.broadcast %add3A_556 : i32 to vector<16xi32>
        %add3A_558 = arith.addi %add3A_546, %add3A_557 : vector<16xi32>
        %mul3A_559 = arith.mulf %mul3A_544, %sub3A_369 : vector<16xf32>
        tpu.vector_store_idx %arg9[%add3A_558], %mul3A_559 masked %lt3A_2 {add = true} : memref<3344xf32, #tpu.memory_space<vmem>>[vector<16xi32>], vector<16xf32>, vector<16xi1>
        %mul3A_560 = arith.constant 1.000000e+00 : f32
        %mul3A_561 = vector.broadcast %mul3A_560 : f32 to vector<16xf32>
        %mul3A_562 = arith.mulf %mul3A_561, %mul3A_115 : vector<16xf32>
        %add3A_563 = arith.addf %add3A_144, %mul3A_562 : vector<16xf32>
        %ge3A_564 = arith.constant -5.000000e-01 : f32
        %ge3A_565 = vector.broadcast %ge3A_564 : f32 to vector<16xf32>
        %ge3A_566 = arith.cmpf oge, %add3A_563, %ge3A_565 : vector<16xf32>
        %le3A_567 = arith.constant 6.350000e+01 : f32
        %le3A_568 = vector.broadcast %le3A_567 : f32 to vector<16xf32>
        %le3A_569 = arith.cmpf ole, %add3A_563, %le3A_568 : vector<16xf32>
        %and3A_570 = arith.andi %ge3A_566, %le3A_569 : vector<16xi1>
        %max3A_571 = arith.constant 0.000000e+00 : f32
        %max3A_572 = vector.broadcast %max3A_571 : f32 to vector<16xf32>
        %max3A_573 = arith.maximumf %add3A_563, %max3A_572 : vector<16xf32>
        %min3A_574 = arith.constant 6.300000e+01 : f32
        %min3A_575 = vector.broadcast %min3A_574 : f32 to vector<16xf32>
        %min3A_576 = arith.minimumf %max3A_573, %min3A_575 : vector<16xf32>
        %convert_element_type3A_577 = arith.fptosi %min3A_576 : vector<16xf32> to vector<16xi32>
        %convert_element_type3A_578 = arith.sitofp %convert_element_type3A_577 : vector<16xi32> to vector<16xf32>
        %sub3A_579 = arith.subf %min3A_576, %convert_element_type3A_578 : vector<16xf32>
        %sub3A_580 = arith.constant 1.000000e+00 : f32
        %sub3A_581 = vector.broadcast %sub3A_580 : f32 to vector<16xf32>
        %sub3A_582 = arith.subf %sub3A_581, %sub3A_579 : vector<16xf32>
        %sub3A_583 = arith.subi %convert_element_type3A_577, %convert_element_type3A_157 : vector<16xi32>
        %mul3A_584 = arith.constant 4 : i32
        %mul3A_585 = vector.broadcast %mul3A_584 : i32 to vector<16xi32>
        %mul3A_586 = arith.muli %sub3A_583, %mul3A_585 : vector<16xi32>
        %add3A_587 = arith.addi %mul3A_26, %mul3A_586 : vector<16xi32>
        %ge3A_588 = arith.constant -5.000000e-01 : f32
        %ge3A_589 = vector.broadcast %ge3A_588 : f32 to vector<16xf32>
        %ge3A_590 = arith.cmpf oge, %add3A_139, %ge3A_589 : vector<16xf32>
        %and3A_591 = arith.andi %and3A_570, %ge3A_590 : vector<16xi1>
        %le3A_592 = arith.constant 6.350000e+01 : f32
        %le3A_593 = vector.broadcast %le3A_592 : f32 to vector<16xf32>
        %le3A_594 = arith.cmpf ole, %add3A_139, %le3A_593 : vector<16xf32>
        %and3A_595 = arith.andi %and3A_591, %le3A_594 : vector<16xi1>
        %jit3A_596 = arith.constant 1.000000e+00 : f32
        %jit3A_597 = arith.constant 0.000000e+00 : f32
        %broadcast_in_dim3A_598 = vector.broadcast %jit3A_596 : f32 to vector<16xf32>
        %broadcast_in_dim3A_599 = vector.broadcast %jit3A_597 : f32 to vector<16xf32>
        %select_n3A_600 = arith.select %and3A_595, %broadcast_in_dim3A_598, %broadcast_in_dim3A_599 : vector<16xi1>, vector<16xf32>
        %max3A_601 = arith.constant 0.000000e+00 : f32
        %max3A_602 = vector.broadcast %max3A_601 : f32 to vector<16xf32>
        %max3A_603 = arith.maximumf %add3A_139, %max3A_602 : vector<16xf32>
        %min3A_604 = arith.constant 6.300000e+01 : f32
        %min3A_605 = vector.broadcast %min3A_604 : f32 to vector<16xf32>
        %min3A_606 = arith.minimumf %max3A_603, %min3A_605 : vector<16xf32>
        %convert_element_type3A_607 = arith.fptosi %min3A_606 : vector<16xf32> to vector<16xi32>
        %convert_element_type3A_608 = arith.sitofp %convert_element_type3A_607 : vector<16xi32> to vector<16xf32>
        %sub3A_609 = arith.subf %min3A_606, %convert_element_type3A_608 : vector<16xf32>
        %add3A_610 = arith.addf %add3A_539, %select_n3A_600 : vector<16xf32>
        %sub3A_611 = arith.constant 1.000000e+00 : f32
        %sub3A_612 = vector.broadcast %sub3A_611 : f32 to vector<16xf32>
        %sub3A_613 = arith.subf %sub3A_612, %sub3A_609 : vector<16xf32>
        %mul3A_614 = arith.mulf %sub3A_613, %select_n3A_600 : vector<16xf32>
        %mul3A_615 = arith.mulf %sub3A_609, %select_n3A_600 : vector<16xf32>
        %sub3A_616 = arith.subi %convert_element_type3A_607, %convert_element_type3A_150 : vector<16xi32>
        %add3A_617 = arith.addi %add3A_587, %sub3A_616 : vector<16xi32>
        %mul3A_618 = arith.mulf %mul3A_614, %sub3A_582 : vector<16xf32>
        tpu.vector_store_idx %arg9[%add3A_617], %mul3A_618 masked %lt3A_2 {add = true} : memref<3344xf32, #tpu.memory_space<vmem>>[vector<16xi32>], vector<16xf32>, vector<16xi1>
        %add3A_619 = arith.constant 1 : i32
        %add3A_620 = vector.broadcast %add3A_619 : i32 to vector<16xi32>
        %add3A_621 = arith.addi %add3A_617, %add3A_620 : vector<16xi32>
        %mul3A_622 = arith.mulf %mul3A_615, %sub3A_582 : vector<16xf32>
        tpu.vector_store_idx %arg9[%add3A_621], %mul3A_622 masked %lt3A_2 {add = true} : memref<3344xf32, #tpu.memory_space<vmem>>[vector<16xi32>], vector<16xf32>, vector<16xi1>
        %add3A_623 = arith.constant 4 : i32
        %add3A_624 = vector.broadcast %add3A_623 : i32 to vector<16xi32>
        %add3A_625 = arith.addi %add3A_617, %add3A_624 : vector<16xi32>
        %mul3A_626 = arith.mulf %mul3A_614, %sub3A_579 : vector<16xf32>
        tpu.vector_store_idx %arg9[%add3A_625], %mul3A_626 masked %lt3A_2 {add = true} : memref<3344xf32, #tpu.memory_space<vmem>>[vector<16xi32>], vector<16xf32>, vector<16xi1>
        %add3A_627 = arith.constant 5 : i32
        %add3A_628 = vector.broadcast %add3A_627 : i32 to vector<16xi32>
        %add3A_629 = arith.addi %add3A_617, %add3A_628 : vector<16xi32>
        %mul3A_630 = arith.mulf %mul3A_615, %sub3A_579 : vector<16xf32>
        tpu.vector_store_idx %arg9[%add3A_629], %mul3A_630 masked %lt3A_2 {add = true} : memref<3344xf32, #tpu.memory_space<vmem>>[vector<16xi32>], vector<16xf32>, vector<16xi1>
        %mul3A_631 = arith.constant 1.000000e+00 : f32
        %mul3A_632 = vector.broadcast %mul3A_631 : f32 to vector<16xf32>
        %mul3A_633 = arith.mulf %mul3A_632, %mul3A_112 : vector<16xf32>
        %add3A_634 = arith.addf %add3A_139, %mul3A_633 : vector<16xf32>
        %ge3A_635 = arith.constant -5.000000e-01 : f32
        %ge3A_636 = vector.broadcast %ge3A_635 : f32 to vector<16xf32>
        %ge3A_637 = arith.cmpf oge, %add3A_634, %ge3A_636 : vector<16xf32>
        %and3A_638 = arith.andi %and3A_570, %ge3A_637 : vector<16xi1>
        %le3A_639 = arith.constant 6.350000e+01 : f32
        %le3A_640 = vector.broadcast %le3A_639 : f32 to vector<16xf32>
        %le3A_641 = arith.cmpf ole, %add3A_634, %le3A_640 : vector<16xf32>
        %and3A_642 = arith.andi %and3A_638, %le3A_641 : vector<16xi1>
        %jit3A_643 = arith.constant 1.000000e+00 : f32
        %jit3A_644 = arith.constant 0.000000e+00 : f32
        %broadcast_in_dim3A_645 = vector.broadcast %jit3A_643 : f32 to vector<16xf32>
        %broadcast_in_dim3A_646 = vector.broadcast %jit3A_644 : f32 to vector<16xf32>
        %select_n3A_647 = arith.select %and3A_642, %broadcast_in_dim3A_645, %broadcast_in_dim3A_646 : vector<16xi1>, vector<16xf32>
        %max3A_648 = arith.constant 0.000000e+00 : f32
        %max3A_649 = vector.broadcast %max3A_648 : f32 to vector<16xf32>
        %max3A_650 = arith.maximumf %add3A_634, %max3A_649 : vector<16xf32>
        %min3A_651 = arith.constant 6.300000e+01 : f32
        %min3A_652 = vector.broadcast %min3A_651 : f32 to vector<16xf32>
        %min3A_653 = arith.minimumf %max3A_650, %min3A_652 : vector<16xf32>
        %convert_element_type3A_654 = arith.fptosi %min3A_653 : vector<16xf32> to vector<16xi32>
        %convert_element_type3A_655 = arith.sitofp %convert_element_type3A_654 : vector<16xi32> to vector<16xf32>
        %sub3A_656 = arith.subf %min3A_653, %convert_element_type3A_655 : vector<16xf32>
        %add3A_657 = arith.addf %add3A_610, %select_n3A_647 : vector<16xf32>
        %sub3A_658 = arith.constant 1.000000e+00 : f32
        %sub3A_659 = vector.broadcast %sub3A_658 : f32 to vector<16xf32>
        %sub3A_660 = arith.subf %sub3A_659, %sub3A_656 : vector<16xf32>
        %mul3A_661 = arith.mulf %sub3A_660, %select_n3A_647 : vector<16xf32>
        %mul3A_662 = arith.mulf %sub3A_656, %select_n3A_647 : vector<16xf32>
        %sub3A_663 = arith.subi %convert_element_type3A_654, %convert_element_type3A_150 : vector<16xi32>
        %add3A_664 = arith.addi %add3A_587, %sub3A_663 : vector<16xi32>
        %mul3A_665 = arith.mulf %mul3A_661, %sub3A_582 : vector<16xf32>
        tpu.vector_store_idx %arg9[%add3A_664], %mul3A_665 masked %lt3A_2 {add = true} : memref<3344xf32, #tpu.memory_space<vmem>>[vector<16xi32>], vector<16xf32>, vector<16xi1>
        %add3A_666 = arith.constant 1 : i32
        %add3A_667 = vector.broadcast %add3A_666 : i32 to vector<16xi32>
        %add3A_668 = arith.addi %add3A_664, %add3A_667 : vector<16xi32>
        %mul3A_669 = arith.mulf %mul3A_662, %sub3A_582 : vector<16xf32>
        tpu.vector_store_idx %arg9[%add3A_668], %mul3A_669 masked %lt3A_2 {add = true} : memref<3344xf32, #tpu.memory_space<vmem>>[vector<16xi32>], vector<16xf32>, vector<16xi1>
        %add3A_670 = arith.constant 4 : i32
        %add3A_671 = vector.broadcast %add3A_670 : i32 to vector<16xi32>
        %add3A_672 = arith.addi %add3A_664, %add3A_671 : vector<16xi32>
        %mul3A_673 = arith.mulf %mul3A_661, %sub3A_579 : vector<16xf32>
        tpu.vector_store_idx %arg9[%add3A_672], %mul3A_673 masked %lt3A_2 {add = true} : memref<3344xf32, #tpu.memory_space<vmem>>[vector<16xi32>], vector<16xf32>, vector<16xi1>
        %add3A_674 = arith.constant 5 : i32
        %add3A_675 = vector.broadcast %add3A_674 : i32 to vector<16xi32>
        %add3A_676 = arith.addi %add3A_664, %add3A_675 : vector<16xi32>
        %mul3A_677 = arith.mulf %mul3A_662, %sub3A_579 : vector<16xf32>
        tpu.vector_store_idx %arg9[%add3A_676], %mul3A_677 masked %lt3A_2 {add = true} : memref<3344xf32, #tpu.memory_space<vmem>>[vector<16xi32>], vector<16xf32>, vector<16xi1>
        %mul3A_678 = arith.constant 2.000000e+00 : f32
        %mul3A_679 = vector.broadcast %mul3A_678 : f32 to vector<16xf32>
        %mul3A_680 = arith.mulf %mul3A_679, %mul3A_112 : vector<16xf32>
        %add3A_681 = arith.addf %add3A_139, %mul3A_680 : vector<16xf32>
        %ge3A_682 = arith.constant -5.000000e-01 : f32
        %ge3A_683 = vector.broadcast %ge3A_682 : f32 to vector<16xf32>
        %ge3A_684 = arith.cmpf oge, %add3A_681, %ge3A_683 : vector<16xf32>
        %and3A_685 = arith.andi %and3A_570, %ge3A_684 : vector<16xi1>
        %le3A_686 = arith.constant 6.350000e+01 : f32
        %le3A_687 = vector.broadcast %le3A_686 : f32 to vector<16xf32>
        %le3A_688 = arith.cmpf ole, %add3A_681, %le3A_687 : vector<16xf32>
        %and3A_689 = arith.andi %and3A_685, %le3A_688 : vector<16xi1>
        %jit3A_690 = arith.constant 1.000000e+00 : f32
        %jit3A_691 = arith.constant 0.000000e+00 : f32
        %broadcast_in_dim3A_692 = vector.broadcast %jit3A_690 : f32 to vector<16xf32>
        %broadcast_in_dim3A_693 = vector.broadcast %jit3A_691 : f32 to vector<16xf32>
        %select_n3A_694 = arith.select %and3A_689, %broadcast_in_dim3A_692, %broadcast_in_dim3A_693 : vector<16xi1>, vector<16xf32>
        %max3A_695 = arith.constant 0.000000e+00 : f32
        %max3A_696 = vector.broadcast %max3A_695 : f32 to vector<16xf32>
        %max3A_697 = arith.maximumf %add3A_681, %max3A_696 : vector<16xf32>
        %min3A_698 = arith.constant 6.300000e+01 : f32
        %min3A_699 = vector.broadcast %min3A_698 : f32 to vector<16xf32>
        %min3A_700 = arith.minimumf %max3A_697, %min3A_699 : vector<16xf32>
        %convert_element_type3A_701 = arith.fptosi %min3A_700 : vector<16xf32> to vector<16xi32>
        %convert_element_type3A_702 = arith.sitofp %convert_element_type3A_701 : vector<16xi32> to vector<16xf32>
        %sub3A_703 = arith.subf %min3A_700, %convert_element_type3A_702 : vector<16xf32>
        %add3A_704 = arith.addf %add3A_657, %select_n3A_694 : vector<16xf32>
        %sub3A_705 = arith.constant 1.000000e+00 : f32
        %sub3A_706 = vector.broadcast %sub3A_705 : f32 to vector<16xf32>
        %sub3A_707 = arith.subf %sub3A_706, %sub3A_703 : vector<16xf32>
        %mul3A_708 = arith.mulf %sub3A_707, %select_n3A_694 : vector<16xf32>
        %mul3A_709 = arith.mulf %sub3A_703, %select_n3A_694 : vector<16xf32>
        %sub3A_710 = arith.subi %convert_element_type3A_701, %convert_element_type3A_150 : vector<16xi32>
        %add3A_711 = arith.addi %add3A_587, %sub3A_710 : vector<16xi32>
        %mul3A_712 = arith.mulf %mul3A_708, %sub3A_582 : vector<16xf32>
        tpu.vector_store_idx %arg9[%add3A_711], %mul3A_712 masked %lt3A_2 {add = true} : memref<3344xf32, #tpu.memory_space<vmem>>[vector<16xi32>], vector<16xf32>, vector<16xi1>
        %add3A_713 = arith.constant 1 : i32
        %add3A_714 = vector.broadcast %add3A_713 : i32 to vector<16xi32>
        %add3A_715 = arith.addi %add3A_711, %add3A_714 : vector<16xi32>
        %mul3A_716 = arith.mulf %mul3A_709, %sub3A_582 : vector<16xf32>
        tpu.vector_store_idx %arg9[%add3A_715], %mul3A_716 masked %lt3A_2 {add = true} : memref<3344xf32, #tpu.memory_space<vmem>>[vector<16xi32>], vector<16xf32>, vector<16xi1>
        %add3A_717 = arith.constant 4 : i32
        %add3A_718 = vector.broadcast %add3A_717 : i32 to vector<16xi32>
        %add3A_719 = arith.addi %add3A_711, %add3A_718 : vector<16xi32>
        %mul3A_720 = arith.mulf %mul3A_708, %sub3A_579 : vector<16xf32>
        tpu.vector_store_idx %arg9[%add3A_719], %mul3A_720 masked %lt3A_2 {add = true} : memref<3344xf32, #tpu.memory_space<vmem>>[vector<16xi32>], vector<16xf32>, vector<16xi1>
        %add3A_721 = arith.constant 5 : i32
        %add3A_722 = vector.broadcast %add3A_721 : i32 to vector<16xi32>
        %add3A_723 = arith.addi %add3A_711, %add3A_722 : vector<16xi32>
        %mul3A_724 = arith.mulf %mul3A_709, %sub3A_579 : vector<16xf32>
        tpu.vector_store_idx %arg9[%add3A_723], %mul3A_724 masked %lt3A_2 {add = true} : memref<3344xf32, #tpu.memory_space<vmem>>[vector<16xi32>], vector<16xf32>, vector<16xi1>
        %mul3A_725 = arith.constant 3.000000e+00 : f32
        %mul3A_726 = vector.broadcast %mul3A_725 : f32 to vector<16xf32>
        %mul3A_727 = arith.mulf %mul3A_726, %mul3A_112 : vector<16xf32>
        %add3A_728 = arith.addf %add3A_139, %mul3A_727 : vector<16xf32>
        %ge3A_729 = arith.constant -5.000000e-01 : f32
        %ge3A_730 = vector.broadcast %ge3A_729 : f32 to vector<16xf32>
        %ge3A_731 = arith.cmpf oge, %add3A_728, %ge3A_730 : vector<16xf32>
        %and3A_732 = arith.andi %and3A_570, %ge3A_731 : vector<16xi1>
        %le3A_733 = arith.constant 6.350000e+01 : f32
        %le3A_734 = vector.broadcast %le3A_733 : f32 to vector<16xf32>
        %le3A_735 = arith.cmpf ole, %add3A_728, %le3A_734 : vector<16xf32>
        %and3A_736 = arith.andi %and3A_732, %le3A_735 : vector<16xi1>
        %jit3A_737 = arith.constant 1.000000e+00 : f32
        %jit3A_738 = arith.constant 0.000000e+00 : f32
        %broadcast_in_dim3A_739 = vector.broadcast %jit3A_737 : f32 to vector<16xf32>
        %broadcast_in_dim3A_740 = vector.broadcast %jit3A_738 : f32 to vector<16xf32>
        %select_n3A_741 = arith.select %and3A_736, %broadcast_in_dim3A_739, %broadcast_in_dim3A_740 : vector<16xi1>, vector<16xf32>
        %max3A_742 = arith.constant 0.000000e+00 : f32
        %max3A_743 = vector.broadcast %max3A_742 : f32 to vector<16xf32>
        %max3A_744 = arith.maximumf %add3A_728, %max3A_743 : vector<16xf32>
        %min3A_745 = arith.constant 6.300000e+01 : f32
        %min3A_746 = vector.broadcast %min3A_745 : f32 to vector<16xf32>
        %min3A_747 = arith.minimumf %max3A_744, %min3A_746 : vector<16xf32>
        %convert_element_type3A_748 = arith.fptosi %min3A_747 : vector<16xf32> to vector<16xi32>
        %convert_element_type3A_749 = arith.sitofp %convert_element_type3A_748 : vector<16xi32> to vector<16xf32>
        %sub3A_750 = arith.subf %min3A_747, %convert_element_type3A_749 : vector<16xf32>
        %add3A_751 = arith.addf %add3A_704, %select_n3A_741 : vector<16xf32>
        %sub3A_752 = arith.constant 1.000000e+00 : f32
        %sub3A_753 = vector.broadcast %sub3A_752 : f32 to vector<16xf32>
        %sub3A_754 = arith.subf %sub3A_753, %sub3A_750 : vector<16xf32>
        %mul3A_755 = arith.mulf %sub3A_754, %select_n3A_741 : vector<16xf32>
        %mul3A_756 = arith.mulf %sub3A_750, %select_n3A_741 : vector<16xf32>
        %sub3A_757 = arith.subi %convert_element_type3A_748, %convert_element_type3A_150 : vector<16xi32>
        %add3A_758 = arith.addi %add3A_587, %sub3A_757 : vector<16xi32>
        %mul3A_759 = arith.mulf %mul3A_755, %sub3A_582 : vector<16xf32>
        tpu.vector_store_idx %arg9[%add3A_758], %mul3A_759 masked %lt3A_2 {add = true} : memref<3344xf32, #tpu.memory_space<vmem>>[vector<16xi32>], vector<16xf32>, vector<16xi1>
        %add3A_760 = arith.constant 1 : i32
        %add3A_761 = vector.broadcast %add3A_760 : i32 to vector<16xi32>
        %add3A_762 = arith.addi %add3A_758, %add3A_761 : vector<16xi32>
        %mul3A_763 = arith.mulf %mul3A_756, %sub3A_582 : vector<16xf32>
        tpu.vector_store_idx %arg9[%add3A_762], %mul3A_763 masked %lt3A_2 {add = true} : memref<3344xf32, #tpu.memory_space<vmem>>[vector<16xi32>], vector<16xf32>, vector<16xi1>
        %add3A_764 = arith.constant 4 : i32
        %add3A_765 = vector.broadcast %add3A_764 : i32 to vector<16xi32>
        %add3A_766 = arith.addi %add3A_758, %add3A_765 : vector<16xi32>
        %mul3A_767 = arith.mulf %mul3A_755, %sub3A_579 : vector<16xf32>
        tpu.vector_store_idx %arg9[%add3A_766], %mul3A_767 masked %lt3A_2 {add = true} : memref<3344xf32, #tpu.memory_space<vmem>>[vector<16xi32>], vector<16xf32>, vector<16xi1>
        %add3A_768 = arith.constant 5 : i32
        %add3A_769 = vector.broadcast %add3A_768 : i32 to vector<16xi32>
        %add3A_770 = arith.addi %add3A_758, %add3A_769 : vector<16xi32>
        %mul3A_771 = arith.mulf %mul3A_756, %sub3A_579 : vector<16xf32>
        tpu.vector_store_idx %arg9[%add3A_770], %mul3A_771 masked %lt3A_2 {add = true} : memref<3344xf32, #tpu.memory_space<vmem>>[vector<16xi32>], vector<16xf32>, vector<16xi1>
        %mul3A_772 = arith.constant 2.000000e+00 : f32
        %mul3A_773 = vector.broadcast %mul3A_772 : f32 to vector<16xf32>
        %mul3A_774 = arith.mulf %mul3A_773, %mul3A_115 : vector<16xf32>
        %add3A_775 = arith.addf %add3A_144, %mul3A_774 : vector<16xf32>
        %ge3A_776 = arith.constant -5.000000e-01 : f32
        %ge3A_777 = vector.broadcast %ge3A_776 : f32 to vector<16xf32>
        %ge3A_778 = arith.cmpf oge, %add3A_775, %ge3A_777 : vector<16xf32>
        %le3A_779 = arith.constant 6.350000e+01 : f32
        %le3A_780 = vector.broadcast %le3A_779 : f32 to vector<16xf32>
        %le3A_781 = arith.cmpf ole, %add3A_775, %le3A_780 : vector<16xf32>
        %and3A_782 = arith.andi %ge3A_778, %le3A_781 : vector<16xi1>
        %max3A_783 = arith.constant 0.000000e+00 : f32
        %max3A_784 = vector.broadcast %max3A_783 : f32 to vector<16xf32>
        %max3A_785 = arith.maximumf %add3A_775, %max3A_784 : vector<16xf32>
        %min3A_786 = arith.constant 6.300000e+01 : f32
        %min3A_787 = vector.broadcast %min3A_786 : f32 to vector<16xf32>
        %min3A_788 = arith.minimumf %max3A_785, %min3A_787 : vector<16xf32>
        %convert_element_type3A_789 = arith.fptosi %min3A_788 : vector<16xf32> to vector<16xi32>
        %convert_element_type3A_790 = arith.sitofp %convert_element_type3A_789 : vector<16xi32> to vector<16xf32>
        %sub3A_791 = arith.subf %min3A_788, %convert_element_type3A_790 : vector<16xf32>
        %sub3A_792 = arith.constant 1.000000e+00 : f32
        %sub3A_793 = vector.broadcast %sub3A_792 : f32 to vector<16xf32>
        %sub3A_794 = arith.subf %sub3A_793, %sub3A_791 : vector<16xf32>
        %sub3A_795 = arith.subi %convert_element_type3A_789, %convert_element_type3A_157 : vector<16xi32>
        %mul3A_796 = arith.constant 4 : i32
        %mul3A_797 = vector.broadcast %mul3A_796 : i32 to vector<16xi32>
        %mul3A_798 = arith.muli %sub3A_795, %mul3A_797 : vector<16xi32>
        %add3A_799 = arith.addi %mul3A_26, %mul3A_798 : vector<16xi32>
        %ge3A_800 = arith.constant -5.000000e-01 : f32
        %ge3A_801 = vector.broadcast %ge3A_800 : f32 to vector<16xf32>
        %ge3A_802 = arith.cmpf oge, %add3A_139, %ge3A_801 : vector<16xf32>
        %and3A_803 = arith.andi %and3A_782, %ge3A_802 : vector<16xi1>
        %le3A_804 = arith.constant 6.350000e+01 : f32
        %le3A_805 = vector.broadcast %le3A_804 : f32 to vector<16xf32>
        %le3A_806 = arith.cmpf ole, %add3A_139, %le3A_805 : vector<16xf32>
        %and3A_807 = arith.andi %and3A_803, %le3A_806 : vector<16xi1>
        %jit3A_808 = arith.constant 1.000000e+00 : f32
        %jit3A_809 = arith.constant 0.000000e+00 : f32
        %broadcast_in_dim3A_810 = vector.broadcast %jit3A_808 : f32 to vector<16xf32>
        %broadcast_in_dim3A_811 = vector.broadcast %jit3A_809 : f32 to vector<16xf32>
        %select_n3A_812 = arith.select %and3A_807, %broadcast_in_dim3A_810, %broadcast_in_dim3A_811 : vector<16xi1>, vector<16xf32>
        %max3A_813 = arith.constant 0.000000e+00 : f32
        %max3A_814 = vector.broadcast %max3A_813 : f32 to vector<16xf32>
        %max3A_815 = arith.maximumf %add3A_139, %max3A_814 : vector<16xf32>
        %min3A_816 = arith.constant 6.300000e+01 : f32
        %min3A_817 = vector.broadcast %min3A_816 : f32 to vector<16xf32>
        %min3A_818 = arith.minimumf %max3A_815, %min3A_817 : vector<16xf32>
        %convert_element_type3A_819 = arith.fptosi %min3A_818 : vector<16xf32> to vector<16xi32>
        %convert_element_type3A_820 = arith.sitofp %convert_element_type3A_819 : vector<16xi32> to vector<16xf32>
        %sub3A_821 = arith.subf %min3A_818, %convert_element_type3A_820 : vector<16xf32>
        %add3A_822 = arith.addf %add3A_751, %select_n3A_812 : vector<16xf32>
        %sub3A_823 = arith.constant 1.000000e+00 : f32
        %sub3A_824 = vector.broadcast %sub3A_823 : f32 to vector<16xf32>
        %sub3A_825 = arith.subf %sub3A_824, %sub3A_821 : vector<16xf32>
        %mul3A_826 = arith.mulf %sub3A_825, %select_n3A_812 : vector<16xf32>
        %mul3A_827 = arith.mulf %sub3A_821, %select_n3A_812 : vector<16xf32>
        %sub3A_828 = arith.subi %convert_element_type3A_819, %convert_element_type3A_150 : vector<16xi32>
        %add3A_829 = arith.addi %add3A_799, %sub3A_828 : vector<16xi32>
        %mul3A_830 = arith.mulf %mul3A_826, %sub3A_794 : vector<16xf32>
        tpu.vector_store_idx %arg9[%add3A_829], %mul3A_830 masked %lt3A_2 {add = true} : memref<3344xf32, #tpu.memory_space<vmem>>[vector<16xi32>], vector<16xf32>, vector<16xi1>
        %add3A_831 = arith.constant 1 : i32
        %add3A_832 = vector.broadcast %add3A_831 : i32 to vector<16xi32>
        %add3A_833 = arith.addi %add3A_829, %add3A_832 : vector<16xi32>
        %mul3A_834 = arith.mulf %mul3A_827, %sub3A_794 : vector<16xf32>
        tpu.vector_store_idx %arg9[%add3A_833], %mul3A_834 masked %lt3A_2 {add = true} : memref<3344xf32, #tpu.memory_space<vmem>>[vector<16xi32>], vector<16xf32>, vector<16xi1>
        %add3A_835 = arith.constant 4 : i32
        %add3A_836 = vector.broadcast %add3A_835 : i32 to vector<16xi32>
        %add3A_837 = arith.addi %add3A_829, %add3A_836 : vector<16xi32>
        %mul3A_838 = arith.mulf %mul3A_826, %sub3A_791 : vector<16xf32>
        tpu.vector_store_idx %arg9[%add3A_837], %mul3A_838 masked %lt3A_2 {add = true} : memref<3344xf32, #tpu.memory_space<vmem>>[vector<16xi32>], vector<16xf32>, vector<16xi1>
        %add3A_839 = arith.constant 5 : i32
        %add3A_840 = vector.broadcast %add3A_839 : i32 to vector<16xi32>
        %add3A_841 = arith.addi %add3A_829, %add3A_840 : vector<16xi32>
        %mul3A_842 = arith.mulf %mul3A_827, %sub3A_791 : vector<16xf32>
        tpu.vector_store_idx %arg9[%add3A_841], %mul3A_842 masked %lt3A_2 {add = true} : memref<3344xf32, #tpu.memory_space<vmem>>[vector<16xi32>], vector<16xf32>, vector<16xi1>
        %mul3A_843 = arith.constant 1.000000e+00 : f32
        %mul3A_844 = vector.broadcast %mul3A_843 : f32 to vector<16xf32>
        %mul3A_845 = arith.mulf %mul3A_844, %mul3A_112 : vector<16xf32>
        %add3A_846 = arith.addf %add3A_139, %mul3A_845 : vector<16xf32>
        %ge3A_847 = arith.constant -5.000000e-01 : f32
        %ge3A_848 = vector.broadcast %ge3A_847 : f32 to vector<16xf32>
        %ge3A_849 = arith.cmpf oge, %add3A_846, %ge3A_848 : vector<16xf32>
        %and3A_850 = arith.andi %and3A_782, %ge3A_849 : vector<16xi1>
        %le3A_851 = arith.constant 6.350000e+01 : f32
        %le3A_852 = vector.broadcast %le3A_851 : f32 to vector<16xf32>
        %le3A_853 = arith.cmpf ole, %add3A_846, %le3A_852 : vector<16xf32>
        %and3A_854 = arith.andi %and3A_850, %le3A_853 : vector<16xi1>
        %jit3A_855 = arith.constant 1.000000e+00 : f32
        %jit3A_856 = arith.constant 0.000000e+00 : f32
        %broadcast_in_dim3A_857 = vector.broadcast %jit3A_855 : f32 to vector<16xf32>
        %broadcast_in_dim3A_858 = vector.broadcast %jit3A_856 : f32 to vector<16xf32>
        %select_n3A_859 = arith.select %and3A_854, %broadcast_in_dim3A_857, %broadcast_in_dim3A_858 : vector<16xi1>, vector<16xf32>
        %max3A_860 = arith.constant 0.000000e+00 : f32
        %max3A_861 = vector.broadcast %max3A_860 : f32 to vector<16xf32>
        %max3A_862 = arith.maximumf %add3A_846, %max3A_861 : vector<16xf32>
        %min3A_863 = arith.constant 6.300000e+01 : f32
        %min3A_864 = vector.broadcast %min3A_863 : f32 to vector<16xf32>
        %min3A_865 = arith.minimumf %max3A_862, %min3A_864 : vector<16xf32>
        %convert_element_type3A_866 = arith.fptosi %min3A_865 : vector<16xf32> to vector<16xi32>
        %convert_element_type3A_867 = arith.sitofp %convert_element_type3A_866 : vector<16xi32> to vector<16xf32>
        %sub3A_868 = arith.subf %min3A_865, %convert_element_type3A_867 : vector<16xf32>
        %add3A_869 = arith.addf %add3A_822, %select_n3A_859 : vector<16xf32>
        %sub3A_870 = arith.constant 1.000000e+00 : f32
        %sub3A_871 = vector.broadcast %sub3A_870 : f32 to vector<16xf32>
        %sub3A_872 = arith.subf %sub3A_871, %sub3A_868 : vector<16xf32>
        %mul3A_873 = arith.mulf %sub3A_872, %select_n3A_859 : vector<16xf32>
        %mul3A_874 = arith.mulf %sub3A_868, %select_n3A_859 : vector<16xf32>
        %sub3A_875 = arith.subi %convert_element_type3A_866, %convert_element_type3A_150 : vector<16xi32>
        %add3A_876 = arith.addi %add3A_799, %sub3A_875 : vector<16xi32>
        %mul3A_877 = arith.mulf %mul3A_873, %sub3A_794 : vector<16xf32>
        tpu.vector_store_idx %arg9[%add3A_876], %mul3A_877 masked %lt3A_2 {add = true} : memref<3344xf32, #tpu.memory_space<vmem>>[vector<16xi32>], vector<16xf32>, vector<16xi1>
        %add3A_878 = arith.constant 1 : i32
        %add3A_879 = vector.broadcast %add3A_878 : i32 to vector<16xi32>
        %add3A_880 = arith.addi %add3A_876, %add3A_879 : vector<16xi32>
        %mul3A_881 = arith.mulf %mul3A_874, %sub3A_794 : vector<16xf32>
        tpu.vector_store_idx %arg9[%add3A_880], %mul3A_881 masked %lt3A_2 {add = true} : memref<3344xf32, #tpu.memory_space<vmem>>[vector<16xi32>], vector<16xf32>, vector<16xi1>
        %add3A_882 = arith.constant 4 : i32
        %add3A_883 = vector.broadcast %add3A_882 : i32 to vector<16xi32>
        %add3A_884 = arith.addi %add3A_876, %add3A_883 : vector<16xi32>
        %mul3A_885 = arith.mulf %mul3A_873, %sub3A_791 : vector<16xf32>
        tpu.vector_store_idx %arg9[%add3A_884], %mul3A_885 masked %lt3A_2 {add = true} : memref<3344xf32, #tpu.memory_space<vmem>>[vector<16xi32>], vector<16xf32>, vector<16xi1>
        %add3A_886 = arith.constant 5 : i32
        %add3A_887 = vector.broadcast %add3A_886 : i32 to vector<16xi32>
        %add3A_888 = arith.addi %add3A_876, %add3A_887 : vector<16xi32>
        %mul3A_889 = arith.mulf %mul3A_874, %sub3A_791 : vector<16xf32>
        tpu.vector_store_idx %arg9[%add3A_888], %mul3A_889 masked %lt3A_2 {add = true} : memref<3344xf32, #tpu.memory_space<vmem>>[vector<16xi32>], vector<16xf32>, vector<16xi1>
        %mul3A_890 = arith.constant 2.000000e+00 : f32
        %mul3A_891 = vector.broadcast %mul3A_890 : f32 to vector<16xf32>
        %mul3A_892 = arith.mulf %mul3A_891, %mul3A_112 : vector<16xf32>
        %add3A_893 = arith.addf %add3A_139, %mul3A_892 : vector<16xf32>
        %ge3A_894 = arith.constant -5.000000e-01 : f32
        %ge3A_895 = vector.broadcast %ge3A_894 : f32 to vector<16xf32>
        %ge3A_896 = arith.cmpf oge, %add3A_893, %ge3A_895 : vector<16xf32>
        %and3A_897 = arith.andi %and3A_782, %ge3A_896 : vector<16xi1>
        %le3A_898 = arith.constant 6.350000e+01 : f32
        %le3A_899 = vector.broadcast %le3A_898 : f32 to vector<16xf32>
        %le3A_900 = arith.cmpf ole, %add3A_893, %le3A_899 : vector<16xf32>
        %and3A_901 = arith.andi %and3A_897, %le3A_900 : vector<16xi1>
        %jit3A_902 = arith.constant 1.000000e+00 : f32
        %jit3A_903 = arith.constant 0.000000e+00 : f32
        %broadcast_in_dim3A_904 = vector.broadcast %jit3A_902 : f32 to vector<16xf32>
        %broadcast_in_dim3A_905 = vector.broadcast %jit3A_903 : f32 to vector<16xf32>
        %select_n3A_906 = arith.select %and3A_901, %broadcast_in_dim3A_904, %broadcast_in_dim3A_905 : vector<16xi1>, vector<16xf32>
        %max3A_907 = arith.constant 0.000000e+00 : f32
        %max3A_908 = vector.broadcast %max3A_907 : f32 to vector<16xf32>
        %max3A_909 = arith.maximumf %add3A_893, %max3A_908 : vector<16xf32>
        %min3A_910 = arith.constant 6.300000e+01 : f32
        %min3A_911 = vector.broadcast %min3A_910 : f32 to vector<16xf32>
        %min3A_912 = arith.minimumf %max3A_909, %min3A_911 : vector<16xf32>
        %convert_element_type3A_913 = arith.fptosi %min3A_912 : vector<16xf32> to vector<16xi32>
        %convert_element_type3A_914 = arith.sitofp %convert_element_type3A_913 : vector<16xi32> to vector<16xf32>
        %sub3A_915 = arith.subf %min3A_912, %convert_element_type3A_914 : vector<16xf32>
        %add3A_916 = arith.addf %add3A_869, %select_n3A_906 : vector<16xf32>
        %sub3A_917 = arith.constant 1.000000e+00 : f32
        %sub3A_918 = vector.broadcast %sub3A_917 : f32 to vector<16xf32>
        %sub3A_919 = arith.subf %sub3A_918, %sub3A_915 : vector<16xf32>
        %mul3A_920 = arith.mulf %sub3A_919, %select_n3A_906 : vector<16xf32>
        %mul3A_921 = arith.mulf %sub3A_915, %select_n3A_906 : vector<16xf32>
        %sub3A_922 = arith.subi %convert_element_type3A_913, %convert_element_type3A_150 : vector<16xi32>
        %add3A_923 = arith.addi %add3A_799, %sub3A_922 : vector<16xi32>
        %mul3A_924 = arith.mulf %mul3A_920, %sub3A_794 : vector<16xf32>
        tpu.vector_store_idx %arg9[%add3A_923], %mul3A_924 masked %lt3A_2 {add = true} : memref<3344xf32, #tpu.memory_space<vmem>>[vector<16xi32>], vector<16xf32>, vector<16xi1>
        %add3A_925 = arith.constant 1 : i32
        %add3A_926 = vector.broadcast %add3A_925 : i32 to vector<16xi32>
        %add3A_927 = arith.addi %add3A_923, %add3A_926 : vector<16xi32>
        %mul3A_928 = arith.mulf %mul3A_921, %sub3A_794 : vector<16xf32>
        tpu.vector_store_idx %arg9[%add3A_927], %mul3A_928 masked %lt3A_2 {add = true} : memref<3344xf32, #tpu.memory_space<vmem>>[vector<16xi32>], vector<16xf32>, vector<16xi1>
        %add3A_929 = arith.constant 4 : i32
        %add3A_930 = vector.broadcast %add3A_929 : i32 to vector<16xi32>
        %add3A_931 = arith.addi %add3A_923, %add3A_930 : vector<16xi32>
        %mul3A_932 = arith.mulf %mul3A_920, %sub3A_791 : vector<16xf32>
        tpu.vector_store_idx %arg9[%add3A_931], %mul3A_932 masked %lt3A_2 {add = true} : memref<3344xf32, #tpu.memory_space<vmem>>[vector<16xi32>], vector<16xf32>, vector<16xi1>
        %add3A_933 = arith.constant 5 : i32
        %add3A_934 = vector.broadcast %add3A_933 : i32 to vector<16xi32>
        %add3A_935 = arith.addi %add3A_923, %add3A_934 : vector<16xi32>
        %mul3A_936 = arith.mulf %mul3A_921, %sub3A_791 : vector<16xf32>
        tpu.vector_store_idx %arg9[%add3A_935], %mul3A_936 masked %lt3A_2 {add = true} : memref<3344xf32, #tpu.memory_space<vmem>>[vector<16xi32>], vector<16xf32>, vector<16xi1>
        %mul3A_937 = arith.constant 3.000000e+00 : f32
        %mul3A_938 = vector.broadcast %mul3A_937 : f32 to vector<16xf32>
        %mul3A_939 = arith.mulf %mul3A_938, %mul3A_112 : vector<16xf32>
        %add3A_940 = arith.addf %add3A_139, %mul3A_939 : vector<16xf32>
        %ge3A_941 = arith.constant -5.000000e-01 : f32
        %ge3A_942 = vector.broadcast %ge3A_941 : f32 to vector<16xf32>
        %ge3A_943 = arith.cmpf oge, %add3A_940, %ge3A_942 : vector<16xf32>
        %and3A_944 = arith.andi %and3A_782, %ge3A_943 : vector<16xi1>
        %le3A_945 = arith.constant 6.350000e+01 : f32
        %le3A_946 = vector.broadcast %le3A_945 : f32 to vector<16xf32>
        %le3A_947 = arith.cmpf ole, %add3A_940, %le3A_946 : vector<16xf32>
        %and3A_948 = arith.andi %and3A_944, %le3A_947 : vector<16xi1>
        %jit3A_949 = arith.constant 1.000000e+00 : f32
        %jit3A_950 = arith.constant 0.000000e+00 : f32
        %broadcast_in_dim3A_951 = vector.broadcast %jit3A_949 : f32 to vector<16xf32>
        %broadcast_in_dim3A_952 = vector.broadcast %jit3A_950 : f32 to vector<16xf32>
        %select_n3A_953 = arith.select %and3A_948, %broadcast_in_dim3A_951, %broadcast_in_dim3A_952 : vector<16xi1>, vector<16xf32>
        %max3A_954 = arith.constant 0.000000e+00 : f32
        %max3A_955 = vector.broadcast %max3A_954 : f32 to vector<16xf32>
        %max3A_956 = arith.maximumf %add3A_940, %max3A_955 : vector<16xf32>
        %min3A_957 = arith.constant 6.300000e+01 : f32
        %min3A_958 = vector.broadcast %min3A_957 : f32 to vector<16xf32>
        %min3A_959 = arith.minimumf %max3A_956, %min3A_958 : vector<16xf32>
        %convert_element_type3A_960 = arith.fptosi %min3A_959 : vector<16xf32> to vector<16xi32>
        %convert_element_type3A_961 = arith.sitofp %convert_element_type3A_960 : vector<16xi32> to vector<16xf32>
        %sub3A_962 = arith.subf %min3A_959, %convert_element_type3A_961 : vector<16xf32>
        %add3A_963 = arith.addf %add3A_916, %select_n3A_953 : vector<16xf32>
        %sub3A_964 = arith.constant 1.000000e+00 : f32
        %sub3A_965 = vector.broadcast %sub3A_964 : f32 to vector<16xf32>
        %sub3A_966 = arith.subf %sub3A_965, %sub3A_962 : vector<16xf32>
        %mul3A_967 = arith.mulf %sub3A_966, %select_n3A_953 : vector<16xf32>
        %mul3A_968 = arith.mulf %sub3A_962, %select_n3A_953 : vector<16xf32>
        %sub3A_969 = arith.subi %convert_element_type3A_960, %convert_element_type3A_150 : vector<16xi32>
        %add3A_970 = arith.addi %add3A_799, %sub3A_969 : vector<16xi32>
        %mul3A_971 = arith.mulf %mul3A_967, %sub3A_794 : vector<16xf32>
        tpu.vector_store_idx %arg9[%add3A_970], %mul3A_971 masked %lt3A_2 {add = true} : memref<3344xf32, #tpu.memory_space<vmem>>[vector<16xi32>], vector<16xf32>, vector<16xi1>
        %add3A_972 = arith.constant 1 : i32
        %add3A_973 = vector.broadcast %add3A_972 : i32 to vector<16xi32>
        %add3A_974 = arith.addi %add3A_970, %add3A_973 : vector<16xi32>
        %mul3A_975 = arith.mulf %mul3A_968, %sub3A_794 : vector<16xf32>
        tpu.vector_store_idx %arg9[%add3A_974], %mul3A_975 masked %lt3A_2 {add = true} : memref<3344xf32, #tpu.memory_space<vmem>>[vector<16xi32>], vector<16xf32>, vector<16xi1>
        %add3A_976 = arith.constant 4 : i32
        %add3A_977 = vector.broadcast %add3A_976 : i32 to vector<16xi32>
        %add3A_978 = arith.addi %add3A_970, %add3A_977 : vector<16xi32>
        %mul3A_979 = arith.mulf %mul3A_967, %sub3A_791 : vector<16xf32>
        tpu.vector_store_idx %arg9[%add3A_978], %mul3A_979 masked %lt3A_2 {add = true} : memref<3344xf32, #tpu.memory_space<vmem>>[vector<16xi32>], vector<16xf32>, vector<16xi1>
        %add3A_980 = arith.constant 5 : i32
        %add3A_981 = vector.broadcast %add3A_980 : i32 to vector<16xi32>
        %add3A_982 = arith.addi %add3A_970, %add3A_981 : vector<16xi32>
        %mul3A_983 = arith.mulf %mul3A_968, %sub3A_791 : vector<16xf32>
        tpu.vector_store_idx %arg9[%add3A_982], %mul3A_983 masked %lt3A_2 {add = true} : memref<3344xf32, #tpu.memory_space<vmem>>[vector<16xi32>], vector<16xf32>, vector<16xi1>
        %mul3A_984 = arith.constant 3.000000e+00 : f32
        %mul3A_985 = vector.broadcast %mul3A_984 : f32 to vector<16xf32>
        %mul3A_986 = arith.mulf %mul3A_985, %mul3A_115 : vector<16xf32>
        %add3A_987 = arith.addf %add3A_144, %mul3A_986 : vector<16xf32>
        %ge3A_988 = arith.constant -5.000000e-01 : f32
        %ge3A_989 = vector.broadcast %ge3A_988 : f32 to vector<16xf32>
        %ge3A_990 = arith.cmpf oge, %add3A_987, %ge3A_989 : vector<16xf32>
        %le3A_991 = arith.constant 6.350000e+01 : f32
        %le3A_992 = vector.broadcast %le3A_991 : f32 to vector<16xf32>
        %le3A_993 = arith.cmpf ole, %add3A_987, %le3A_992 : vector<16xf32>
        %and3A_994 = arith.andi %ge3A_990, %le3A_993 : vector<16xi1>
        %max3A_995 = arith.constant 0.000000e+00 : f32
        %max3A_996 = vector.broadcast %max3A_995 : f32 to vector<16xf32>
        %max3A_997 = arith.maximumf %add3A_987, %max3A_996 : vector<16xf32>
        %min3A_998 = arith.constant 6.300000e+01 : f32
        %min3A_999 = vector.broadcast %min3A_998 : f32 to vector<16xf32>
        %min3A_1000 = arith.minimumf %max3A_997, %min3A_999 : vector<16xf32>
        %convert_element_type3A_1001 = arith.fptosi %min3A_1000 : vector<16xf32> to vector<16xi32>
        %convert_element_type3A_1002 = arith.sitofp %convert_element_type3A_1001 : vector<16xi32> to vector<16xf32>
        %sub3A_1003 = arith.subf %min3A_1000, %convert_element_type3A_1002 : vector<16xf32>
        %sub3A_1004 = arith.constant 1.000000e+00 : f32
        %sub3A_1005 = vector.broadcast %sub3A_1004 : f32 to vector<16xf32>
        %sub3A_1006 = arith.subf %sub3A_1005, %sub3A_1003 : vector<16xf32>
        %sub3A_1007 = arith.subi %convert_element_type3A_1001, %convert_element_type3A_157 : vector<16xi32>
        %mul3A_1008 = arith.constant 4 : i32
        %mul3A_1009 = vector.broadcast %mul3A_1008 : i32 to vector<16xi32>
        %mul3A_1010 = arith.muli %sub3A_1007, %mul3A_1009 : vector<16xi32>
        %add3A_1011 = arith.addi %mul3A_26, %mul3A_1010 : vector<16xi32>
        %ge3A_1012 = arith.constant -5.000000e-01 : f32
        %ge3A_1013 = vector.broadcast %ge3A_1012 : f32 to vector<16xf32>
        %ge3A_1014 = arith.cmpf oge, %add3A_139, %ge3A_1013 : vector<16xf32>
        %and3A_1015 = arith.andi %and3A_994, %ge3A_1014 : vector<16xi1>
        %le3A_1016 = arith.constant 6.350000e+01 : f32
        %le3A_1017 = vector.broadcast %le3A_1016 : f32 to vector<16xf32>
        %le3A_1018 = arith.cmpf ole, %add3A_139, %le3A_1017 : vector<16xf32>
        %and3A_1019 = arith.andi %and3A_1015, %le3A_1018 : vector<16xi1>
        %jit3A_1020 = arith.constant 1.000000e+00 : f32
        %jit3A_1021 = arith.constant 0.000000e+00 : f32
        %broadcast_in_dim3A_1022 = vector.broadcast %jit3A_1020 : f32 to vector<16xf32>
        %broadcast_in_dim3A_1023 = vector.broadcast %jit3A_1021 : f32 to vector<16xf32>
        %select_n3A_1024 = arith.select %and3A_1019, %broadcast_in_dim3A_1022, %broadcast_in_dim3A_1023 : vector<16xi1>, vector<16xf32>
        %max3A_1025 = arith.constant 0.000000e+00 : f32
        %max3A_1026 = vector.broadcast %max3A_1025 : f32 to vector<16xf32>
        %max3A_1027 = arith.maximumf %add3A_139, %max3A_1026 : vector<16xf32>
        %min3A_1028 = arith.constant 6.300000e+01 : f32
        %min3A_1029 = vector.broadcast %min3A_1028 : f32 to vector<16xf32>
        %min3A_1030 = arith.minimumf %max3A_1027, %min3A_1029 : vector<16xf32>
        %convert_element_type3A_1031 = arith.fptosi %min3A_1030 : vector<16xf32> to vector<16xi32>
        %convert_element_type3A_1032 = arith.sitofp %convert_element_type3A_1031 : vector<16xi32> to vector<16xf32>
        %sub3A_1033 = arith.subf %min3A_1030, %convert_element_type3A_1032 : vector<16xf32>
        %add3A_1034 = arith.addf %add3A_963, %select_n3A_1024 : vector<16xf32>
        %sub3A_1035 = arith.constant 1.000000e+00 : f32
        %sub3A_1036 = vector.broadcast %sub3A_1035 : f32 to vector<16xf32>
        %sub3A_1037 = arith.subf %sub3A_1036, %sub3A_1033 : vector<16xf32>
        %mul3A_1038 = arith.mulf %sub3A_1037, %select_n3A_1024 : vector<16xf32>
        %mul3A_1039 = arith.mulf %sub3A_1033, %select_n3A_1024 : vector<16xf32>
        %sub3A_1040 = arith.subi %convert_element_type3A_1031, %convert_element_type3A_150 : vector<16xi32>
        %add3A_1041 = arith.addi %add3A_1011, %sub3A_1040 : vector<16xi32>
        %mul3A_1042 = arith.mulf %mul3A_1038, %sub3A_1006 : vector<16xf32>
        tpu.vector_store_idx %arg9[%add3A_1041], %mul3A_1042 masked %lt3A_2 {add = true} : memref<3344xf32, #tpu.memory_space<vmem>>[vector<16xi32>], vector<16xf32>, vector<16xi1>
        %add3A_1043 = arith.constant 1 : i32
        %add3A_1044 = vector.broadcast %add3A_1043 : i32 to vector<16xi32>
        %add3A_1045 = arith.addi %add3A_1041, %add3A_1044 : vector<16xi32>
        %mul3A_1046 = arith.mulf %mul3A_1039, %sub3A_1006 : vector<16xf32>
        tpu.vector_store_idx %arg9[%add3A_1045], %mul3A_1046 masked %lt3A_2 {add = true} : memref<3344xf32, #tpu.memory_space<vmem>>[vector<16xi32>], vector<16xf32>, vector<16xi1>
        %add3A_1047 = arith.constant 4 : i32
        %add3A_1048 = vector.broadcast %add3A_1047 : i32 to vector<16xi32>
        %add3A_1049 = arith.addi %add3A_1041, %add3A_1048 : vector<16xi32>
        %mul3A_1050 = arith.mulf %mul3A_1038, %sub3A_1003 : vector<16xf32>
        tpu.vector_store_idx %arg9[%add3A_1049], %mul3A_1050 masked %lt3A_2 {add = true} : memref<3344xf32, #tpu.memory_space<vmem>>[vector<16xi32>], vector<16xf32>, vector<16xi1>
        %add3A_1051 = arith.constant 5 : i32
        %add3A_1052 = vector.broadcast %add3A_1051 : i32 to vector<16xi32>
        %add3A_1053 = arith.addi %add3A_1041, %add3A_1052 : vector<16xi32>
        %mul3A_1054 = arith.mulf %mul3A_1039, %sub3A_1003 : vector<16xf32>
        tpu.vector_store_idx %arg9[%add3A_1053], %mul3A_1054 masked %lt3A_2 {add = true} : memref<3344xf32, #tpu.memory_space<vmem>>[vector<16xi32>], vector<16xf32>, vector<16xi1>
        %mul3A_1055 = arith.constant 1.000000e+00 : f32
        %mul3A_1056 = vector.broadcast %mul3A_1055 : f32 to vector<16xf32>
        %mul3A_1057 = arith.mulf %mul3A_1056, %mul3A_112 : vector<16xf32>
        %add3A_1058 = arith.addf %add3A_139, %mul3A_1057 : vector<16xf32>
        %ge3A_1059 = arith.constant -5.000000e-01 : f32
        %ge3A_1060 = vector.broadcast %ge3A_1059 : f32 to vector<16xf32>
        %ge3A_1061 = arith.cmpf oge, %add3A_1058, %ge3A_1060 : vector<16xf32>
        %and3A_1062 = arith.andi %and3A_994, %ge3A_1061 : vector<16xi1>
        %le3A_1063 = arith.constant 6.350000e+01 : f32
        %le3A_1064 = vector.broadcast %le3A_1063 : f32 to vector<16xf32>
        %le3A_1065 = arith.cmpf ole, %add3A_1058, %le3A_1064 : vector<16xf32>
        %and3A_1066 = arith.andi %and3A_1062, %le3A_1065 : vector<16xi1>
        %jit3A_1067 = arith.constant 1.000000e+00 : f32
        %jit3A_1068 = arith.constant 0.000000e+00 : f32
        %broadcast_in_dim3A_1069 = vector.broadcast %jit3A_1067 : f32 to vector<16xf32>
        %broadcast_in_dim3A_1070 = vector.broadcast %jit3A_1068 : f32 to vector<16xf32>
        %select_n3A_1071 = arith.select %and3A_1066, %broadcast_in_dim3A_1069, %broadcast_in_dim3A_1070 : vector<16xi1>, vector<16xf32>
        %max3A_1072 = arith.constant 0.000000e+00 : f32
        %max3A_1073 = vector.broadcast %max3A_1072 : f32 to vector<16xf32>
        %max3A_1074 = arith.maximumf %add3A_1058, %max3A_1073 : vector<16xf32>
        %min3A_1075 = arith.constant 6.300000e+01 : f32
        %min3A_1076 = vector.broadcast %min3A_1075 : f32 to vector<16xf32>
        %min3A_1077 = arith.minimumf %max3A_1074, %min3A_1076 : vector<16xf32>
        %convert_element_type3A_1078 = arith.fptosi %min3A_1077 : vector<16xf32> to vector<16xi32>
        %convert_element_type3A_1079 = arith.sitofp %convert_element_type3A_1078 : vector<16xi32> to vector<16xf32>
        %sub3A_1080 = arith.subf %min3A_1077, %convert_element_type3A_1079 : vector<16xf32>
        %add3A_1081 = arith.addf %add3A_1034, %select_n3A_1071 : vector<16xf32>
        %sub3A_1082 = arith.constant 1.000000e+00 : f32
        %sub3A_1083 = vector.broadcast %sub3A_1082 : f32 to vector<16xf32>
        %sub3A_1084 = arith.subf %sub3A_1083, %sub3A_1080 : vector<16xf32>
        %mul3A_1085 = arith.mulf %sub3A_1084, %select_n3A_1071 : vector<16xf32>
        %mul3A_1086 = arith.mulf %sub3A_1080, %select_n3A_1071 : vector<16xf32>
        %sub3A_1087 = arith.subi %convert_element_type3A_1078, %convert_element_type3A_150 : vector<16xi32>
        %add3A_1088 = arith.addi %add3A_1011, %sub3A_1087 : vector<16xi32>
        %mul3A_1089 = arith.mulf %mul3A_1085, %sub3A_1006 : vector<16xf32>
        tpu.vector_store_idx %arg9[%add3A_1088], %mul3A_1089 masked %lt3A_2 {add = true} : memref<3344xf32, #tpu.memory_space<vmem>>[vector<16xi32>], vector<16xf32>, vector<16xi1>
        %add3A_1090 = arith.constant 1 : i32
        %add3A_1091 = vector.broadcast %add3A_1090 : i32 to vector<16xi32>
        %add3A_1092 = arith.addi %add3A_1088, %add3A_1091 : vector<16xi32>
        %mul3A_1093 = arith.mulf %mul3A_1086, %sub3A_1006 : vector<16xf32>
        tpu.vector_store_idx %arg9[%add3A_1092], %mul3A_1093 masked %lt3A_2 {add = true} : memref<3344xf32, #tpu.memory_space<vmem>>[vector<16xi32>], vector<16xf32>, vector<16xi1>
        %add3A_1094 = arith.constant 4 : i32
        %add3A_1095 = vector.broadcast %add3A_1094 : i32 to vector<16xi32>
        %add3A_1096 = arith.addi %add3A_1088, %add3A_1095 : vector<16xi32>
        %mul3A_1097 = arith.mulf %mul3A_1085, %sub3A_1003 : vector<16xf32>
        tpu.vector_store_idx %arg9[%add3A_1096], %mul3A_1097 masked %lt3A_2 {add = true} : memref<3344xf32, #tpu.memory_space<vmem>>[vector<16xi32>], vector<16xf32>, vector<16xi1>
        %add3A_1098 = arith.constant 5 : i32
        %add3A_1099 = vector.broadcast %add3A_1098 : i32 to vector<16xi32>
        %add3A_1100 = arith.addi %add3A_1088, %add3A_1099 : vector<16xi32>
        %mul3A_1101 = arith.mulf %mul3A_1086, %sub3A_1003 : vector<16xf32>
        tpu.vector_store_idx %arg9[%add3A_1100], %mul3A_1101 masked %lt3A_2 {add = true} : memref<3344xf32, #tpu.memory_space<vmem>>[vector<16xi32>], vector<16xf32>, vector<16xi1>
        %mul3A_1102 = arith.constant 2.000000e+00 : f32
        %mul3A_1103 = vector.broadcast %mul3A_1102 : f32 to vector<16xf32>
        %mul3A_1104 = arith.mulf %mul3A_1103, %mul3A_112 : vector<16xf32>
        %add3A_1105 = arith.addf %add3A_139, %mul3A_1104 : vector<16xf32>
        %ge3A_1106 = arith.constant -5.000000e-01 : f32
        %ge3A_1107 = vector.broadcast %ge3A_1106 : f32 to vector<16xf32>
        %ge3A_1108 = arith.cmpf oge, %add3A_1105, %ge3A_1107 : vector<16xf32>
        %and3A_1109 = arith.andi %and3A_994, %ge3A_1108 : vector<16xi1>
        %le3A_1110 = arith.constant 6.350000e+01 : f32
        %le3A_1111 = vector.broadcast %le3A_1110 : f32 to vector<16xf32>
        %le3A_1112 = arith.cmpf ole, %add3A_1105, %le3A_1111 : vector<16xf32>
        %and3A_1113 = arith.andi %and3A_1109, %le3A_1112 : vector<16xi1>
        %jit3A_1114 = arith.constant 1.000000e+00 : f32
        %jit3A_1115 = arith.constant 0.000000e+00 : f32
        %broadcast_in_dim3A_1116 = vector.broadcast %jit3A_1114 : f32 to vector<16xf32>
        %broadcast_in_dim3A_1117 = vector.broadcast %jit3A_1115 : f32 to vector<16xf32>
        %select_n3A_1118 = arith.select %and3A_1113, %broadcast_in_dim3A_1116, %broadcast_in_dim3A_1117 : vector<16xi1>, vector<16xf32>
        %max3A_1119 = arith.constant 0.000000e+00 : f32
        %max3A_1120 = vector.broadcast %max3A_1119 : f32 to vector<16xf32>
        %max3A_1121 = arith.maximumf %add3A_1105, %max3A_1120 : vector<16xf32>
        %min3A_1122 = arith.constant 6.300000e+01 : f32
        %min3A_1123 = vector.broadcast %min3A_1122 : f32 to vector<16xf32>
        %min3A_1124 = arith.minimumf %max3A_1121, %min3A_1123 : vector<16xf32>
        %convert_element_type3A_1125 = arith.fptosi %min3A_1124 : vector<16xf32> to vector<16xi32>
        %convert_element_type3A_1126 = arith.sitofp %convert_element_type3A_1125 : vector<16xi32> to vector<16xf32>
        %sub3A_1127 = arith.subf %min3A_1124, %convert_element_type3A_1126 : vector<16xf32>
        %add3A_1128 = arith.addf %add3A_1081, %select_n3A_1118 : vector<16xf32>
        %sub3A_1129 = arith.constant 1.000000e+00 : f32
        %sub3A_1130 = vector.broadcast %sub3A_1129 : f32 to vector<16xf32>
        %sub3A_1131 = arith.subf %sub3A_1130, %sub3A_1127 : vector<16xf32>
        %mul3A_1132 = arith.mulf %sub3A_1131, %select_n3A_1118 : vector<16xf32>
        %mul3A_1133 = arith.mulf %sub3A_1127, %select_n3A_1118 : vector<16xf32>
        %sub3A_1134 = arith.subi %convert_element_type3A_1125, %convert_element_type3A_150 : vector<16xi32>
        %add3A_1135 = arith.addi %add3A_1011, %sub3A_1134 : vector<16xi32>
        %mul3A_1136 = arith.mulf %mul3A_1132, %sub3A_1006 : vector<16xf32>
        tpu.vector_store_idx %arg9[%add3A_1135], %mul3A_1136 masked %lt3A_2 {add = true} : memref<3344xf32, #tpu.memory_space<vmem>>[vector<16xi32>], vector<16xf32>, vector<16xi1>
        %add3A_1137 = arith.constant 1 : i32
        %add3A_1138 = vector.broadcast %add3A_1137 : i32 to vector<16xi32>
        %add3A_1139 = arith.addi %add3A_1135, %add3A_1138 : vector<16xi32>
        %mul3A_1140 = arith.mulf %mul3A_1133, %sub3A_1006 : vector<16xf32>
        tpu.vector_store_idx %arg9[%add3A_1139], %mul3A_1140 masked %lt3A_2 {add = true} : memref<3344xf32, #tpu.memory_space<vmem>>[vector<16xi32>], vector<16xf32>, vector<16xi1>
        %add3A_1141 = arith.constant 4 : i32
        %add3A_1142 = vector.broadcast %add3A_1141 : i32 to vector<16xi32>
        %add3A_1143 = arith.addi %add3A_1135, %add3A_1142 : vector<16xi32>
        %mul3A_1144 = arith.mulf %mul3A_1132, %sub3A_1003 : vector<16xf32>
        tpu.vector_store_idx %arg9[%add3A_1143], %mul3A_1144 masked %lt3A_2 {add = true} : memref<3344xf32, #tpu.memory_space<vmem>>[vector<16xi32>], vector<16xf32>, vector<16xi1>
        %add3A_1145 = arith.constant 5 : i32
        %add3A_1146 = vector.broadcast %add3A_1145 : i32 to vector<16xi32>
        %add3A_1147 = arith.addi %add3A_1135, %add3A_1146 : vector<16xi32>
        %mul3A_1148 = arith.mulf %mul3A_1133, %sub3A_1003 : vector<16xf32>
        tpu.vector_store_idx %arg9[%add3A_1147], %mul3A_1148 masked %lt3A_2 {add = true} : memref<3344xf32, #tpu.memory_space<vmem>>[vector<16xi32>], vector<16xf32>, vector<16xi1>
        %mul3A_1149 = arith.constant 3.000000e+00 : f32
        %mul3A_1150 = vector.broadcast %mul3A_1149 : f32 to vector<16xf32>
        %mul3A_1151 = arith.mulf %mul3A_1150, %mul3A_112 : vector<16xf32>
        %add3A_1152 = arith.addf %add3A_139, %mul3A_1151 : vector<16xf32>
        %ge3A_1153 = arith.constant -5.000000e-01 : f32
        %ge3A_1154 = vector.broadcast %ge3A_1153 : f32 to vector<16xf32>
        %ge3A_1155 = arith.cmpf oge, %add3A_1152, %ge3A_1154 : vector<16xf32>
        %and3A_1156 = arith.andi %and3A_994, %ge3A_1155 : vector<16xi1>
        %le3A_1157 = arith.constant 6.350000e+01 : f32
        %le3A_1158 = vector.broadcast %le3A_1157 : f32 to vector<16xf32>
        %le3A_1159 = arith.cmpf ole, %add3A_1152, %le3A_1158 : vector<16xf32>
        %and3A_1160 = arith.andi %and3A_1156, %le3A_1159 : vector<16xi1>
        %jit3A_1161 = arith.constant 1.000000e+00 : f32
        %jit3A_1162 = arith.constant 0.000000e+00 : f32
        %broadcast_in_dim3A_1163 = vector.broadcast %jit3A_1161 : f32 to vector<16xf32>
        %broadcast_in_dim3A_1164 = vector.broadcast %jit3A_1162 : f32 to vector<16xf32>
        %select_n3A_1165 = arith.select %and3A_1160, %broadcast_in_dim3A_1163, %broadcast_in_dim3A_1164 : vector<16xi1>, vector<16xf32>
        %max3A_1166 = arith.constant 0.000000e+00 : f32
        %max3A_1167 = vector.broadcast %max3A_1166 : f32 to vector<16xf32>
        %max3A_1168 = arith.maximumf %add3A_1152, %max3A_1167 : vector<16xf32>
        %min3A_1169 = arith.constant 6.300000e+01 : f32
        %min3A_1170 = vector.broadcast %min3A_1169 : f32 to vector<16xf32>
        %min3A_1171 = arith.minimumf %max3A_1168, %min3A_1170 : vector<16xf32>
        %convert_element_type3A_1172 = arith.fptosi %min3A_1171 : vector<16xf32> to vector<16xi32>
        %convert_element_type3A_1173 = arith.sitofp %convert_element_type3A_1172 : vector<16xi32> to vector<16xf32>
        %sub3A_1174 = arith.subf %min3A_1171, %convert_element_type3A_1173 : vector<16xf32>
        %add3A_1175 = arith.addf %add3A_1128, %select_n3A_1165 : vector<16xf32>
        %sub3A_1176 = arith.constant 1.000000e+00 : f32
        %sub3A_1177 = vector.broadcast %sub3A_1176 : f32 to vector<16xf32>
        %sub3A_1178 = arith.subf %sub3A_1177, %sub3A_1174 : vector<16xf32>
        %mul3A_1179 = arith.mulf %sub3A_1178, %select_n3A_1165 : vector<16xf32>
        %mul3A_1180 = arith.mulf %sub3A_1174, %select_n3A_1165 : vector<16xf32>
        %sub3A_1181 = arith.subi %convert_element_type3A_1172, %convert_element_type3A_150 : vector<16xi32>
        %add3A_1182 = arith.addi %add3A_1011, %sub3A_1181 : vector<16xi32>
        %mul3A_1183 = arith.mulf %mul3A_1179, %sub3A_1006 : vector<16xf32>
        tpu.vector_store_idx %arg9[%add3A_1182], %mul3A_1183 masked %lt3A_2 {add = true} : memref<3344xf32, #tpu.memory_space<vmem>>[vector<16xi32>], vector<16xf32>, vector<16xi1>
        %add3A_1184 = arith.constant 1 : i32
        %add3A_1185 = vector.broadcast %add3A_1184 : i32 to vector<16xi32>
        %add3A_1186 = arith.addi %add3A_1182, %add3A_1185 : vector<16xi32>
        %mul3A_1187 = arith.mulf %mul3A_1180, %sub3A_1006 : vector<16xf32>
        tpu.vector_store_idx %arg9[%add3A_1186], %mul3A_1187 masked %lt3A_2 {add = true} : memref<3344xf32, #tpu.memory_space<vmem>>[vector<16xi32>], vector<16xf32>, vector<16xi1>
        %add3A_1188 = arith.constant 4 : i32
        %add3A_1189 = vector.broadcast %add3A_1188 : i32 to vector<16xi32>
        %add3A_1190 = arith.addi %add3A_1182, %add3A_1189 : vector<16xi32>
        %mul3A_1191 = arith.mulf %mul3A_1179, %sub3A_1003 : vector<16xf32>
        tpu.vector_store_idx %arg9[%add3A_1190], %mul3A_1191 masked %lt3A_2 {add = true} : memref<3344xf32, #tpu.memory_space<vmem>>[vector<16xi32>], vector<16xf32>, vector<16xi1>
        %add3A_1192 = arith.constant 5 : i32
        %add3A_1193 = vector.broadcast %add3A_1192 : i32 to vector<16xi32>
        %add3A_1194 = arith.addi %add3A_1182, %add3A_1193 : vector<16xi32>
        %mul3A_1195 = arith.mulf %mul3A_1180, %sub3A_1003 : vector<16xf32>
        tpu.vector_store_idx %arg9[%add3A_1194], %mul3A_1195 masked %lt3A_2 {add = true} : memref<3344xf32, #tpu.memory_space<vmem>>[vector<16xi32>], vector<16xf32>, vector<16xi1>
        %max3A_1196 = arith.constant 1.000000e+00 : f32
        %max3A_1197 = vector.broadcast %max3A_1196 : f32 to vector<16xf32>
        %max3A_1198 = arith.maximumf %add3A_1175, %max3A_1197 : vector<16xf32>
        %div3A_1199 = arith.constant 1.000000e+00 : f32
        %div3A_1200 = vector.broadcast %div3A_1199 : f32 to vector<16xf32>
        %div3A_1201 = arith.divf %div3A_1200, %max3A_1198 : vector<16xf32>
        %swap3A_1202 = arith.index_cast %mul3A_21 : i32 to index
        %swap3A_1203 = tpu.vector_load %arg10[%swap3A_1202] {strides = array<i32>} : memref<224xf32, #tpu.memory_space<vmem>>, vector<16xf32>,
        tpu.vector_store %arg10[%swap3A_1202], %div3A_1201 {strides = array<i32>} : memref<224xf32, #tpu.memory_space<vmem>>, vector<16xf32>,
        %mul3A_1204 = arith.constant 21846 : i32
        %mul3A_1205 = arith.muli %scan3A_10, %mul3A_1204 : i32
        %shift_right_logical3A_1206 = arith.constant 16 : i32
        %shift_right_logical3A_1207 = arith.shrui %mul3A_1205, %shift_right_logical3A_1206 : i32
        %mul3A_1208 = arith.constant 3 : i32
        %mul3A_1209 = arith.muli %shift_right_logical3A_1207, %mul3A_1208 : i32
        %sub3A_1210 = arith.subi %scan3A_10, %mul3A_1209 : i32
        %eq3A = arith.constant 0 : i32
        %eq3A_1211 = arith.cmpi eq, %sub3A_1210, %eq3A : i32
        %convert_element_type3A_1212 = arith.extui %eq3A_1211 : i1 to i32
        %cond3A_1213 = arith.constant 0 : i32
        %cond3A_1214 = arith.cmpi ne, %convert_element_type3A_1212, %cond3A_1213 : i32
        scf.if %cond3A_1214 {
          %mul3A_1225 = arith.constant 112 : i32
          %mul3A_1226 = arith.muli %scan3A_10, %mul3A_1225 : i32
          %dma_start3A = tpu.memref_slice %arg8[%mul3A_1226] : memref<1600xi32, #tpu.memory_space<vmem>> -> memref<112xi32, #tpu.memory_space<vmem>>
          %dma_start3A_1227 = arith.constant 0 : i32
          %dma_start3A_1228 = arith.constant 0 : i32
          %dma_start3A_1229 = tpu.memref_slice %arg2[%dma_start3A_1227, %dma_start3A_1228] : memref<8448x128xf32, #tpu.memory_space<hbm>> -> memref<8448x128xf32, #tpu.memory_space<hbm>>
          tpu.enqueue_indirect_dma source(%dma_start3A_1229 : memref<8448x128xf32, #tpu.memory_space<hbm>>) target(%arg11 : memref<112x128xf32, #tpu.memory_space<vmem>>) offsets(%dma_start3A : memref<112xi32, #tpu.memory_space<vmem>>) semaphore(%arg15 : memref<!tpu.dma_semaphore, #tpu.memory_space<semaphore_mem>>)
        } else {
        }
        %eq3A_1215 = arith.constant 1 : i32
        %eq3A_1216 = arith.cmpi eq, %sub3A_1210, %eq3A_1215 : i32
        %convert_element_type3A_1217 = arith.extui %eq3A_1216 : i1 to i32
        %cond3A_1218 = arith.constant 0 : i32
        %cond3A_1219 = arith.cmpi ne, %convert_element_type3A_1217, %cond3A_1218 : i32
        scf.if %cond3A_1219 {
          %mul3A_1225 = arith.constant 112 : i32
          %mul3A_1226 = arith.muli %scan3A_10, %mul3A_1225 : i32
          %dma_start3A = tpu.memref_slice %arg8[%mul3A_1226] : memref<1600xi32, #tpu.memory_space<vmem>> -> memref<112xi32, #tpu.memory_space<vmem>>
          %dma_start3A_1227 = arith.constant 0 : i32
          %dma_start3A_1228 = arith.constant 0 : i32
          %dma_start3A_1229 = tpu.memref_slice %arg2[%dma_start3A_1227, %dma_start3A_1228] : memref<8448x128xf32, #tpu.memory_space<hbm>> -> memref<8448x128xf32, #tpu.memory_space<hbm>>
          tpu.enqueue_indirect_dma source(%dma_start3A_1229 : memref<8448x128xf32, #tpu.memory_space<hbm>>) target(%arg12 : memref<112x128xf32, #tpu.memory_space<vmem>>) offsets(%dma_start3A : memref<112xi32, #tpu.memory_space<vmem>>) semaphore(%arg16 : memref<!tpu.dma_semaphore, #tpu.memory_space<semaphore_mem>>)
        } else {
        }
        %eq3A_1220 = arith.constant 2 : i32
        %eq3A_1221 = arith.cmpi eq, %sub3A_1210, %eq3A_1220 : i32
        %convert_element_type3A_1222 = arith.extui %eq3A_1221 : i1 to i32
        %cond3A_1223 = arith.constant 0 : i32
        %cond3A_1224 = arith.cmpi ne, %convert_element_type3A_1222, %cond3A_1223 : i32
        scf.if %cond3A_1224 {
          %mul3A_1225 = arith.constant 112 : i32
          %mul3A_1226 = arith.muli %scan3A_10, %mul3A_1225 : i32
          %dma_start3A = tpu.memref_slice %arg8[%mul3A_1226] : memref<1600xi32, #tpu.memory_space<vmem>> -> memref<112xi32, #tpu.memory_space<vmem>>
          %dma_start3A_1227 = arith.constant 0 : i32
          %dma_start3A_1228 = arith.constant 0 : i32
          %dma_start3A_1229 = tpu.memref_slice %arg2[%dma_start3A_1227, %dma_start3A_1228] : memref<8448x128xf32, #tpu.memory_space<hbm>> -> memref<8448x128xf32, #tpu.memory_space<hbm>>
          tpu.enqueue_indirect_dma source(%dma_start3A_1229 : memref<8448x128xf32, #tpu.memory_space<hbm>>) target(%arg13 : memref<112x128xf32, #tpu.memory_space<vmem>>) offsets(%dma_start3A : memref<112xi32, #tpu.memory_space<vmem>>) semaphore(%arg17 : memref<!tpu.dma_semaphore, #tpu.memory_space<semaphore_mem>>)
        } else {
        }
      } else {
      }
      %ge3A = arith.constant 2 : i32
      %ge3A_15 = arith.cmpi sge, %scan3A_10, %ge3A : i32
      %convert_element_type3A_16 = arith.extui %ge3A_15 : i1 to i32
      %cond3A_17 = arith.constant 0 : i32
      %cond3A_18 = arith.cmpi ne, %convert_element_type3A_16, %cond3A_17 : i32
      scf.if %cond3A_18 {
        %sub3A = arith.constant 2 : i32
        %sub3A_20 = arith.subi %scan3A_10, %sub3A : i32
        %mul3A_21 = arith.constant 21846 : i32
        %mul3A_22 = arith.muli %sub3A_20, %mul3A_21 : i32
        %shift_right_logical3A = arith.constant 16 : i32
        %shift_right_logical3A_23 = arith.shrui %mul3A_22, %shift_right_logical3A : i32
        %mul3A_24 = arith.constant 3 : i32
        %mul3A_25 = arith.muli %shift_right_logical3A_23, %mul3A_24 : i32
        %sub3A_26 = arith.subi %sub3A_20, %mul3A_25 : i32
        %eq3A = arith.constant 0 : i32
        %eq3A_27 = arith.cmpi eq, %sub3A_26, %eq3A : i32
        %convert_element_type3A_28 = arith.extui %eq3A_27 : i1 to i32
        %cond3A_29 = arith.constant 0 : i32
        %cond3A_30 = arith.cmpi ne, %convert_element_type3A_28, %cond3A_29 : i32
        scf.if %cond3A_30 {
          %mul3A_41 = arith.constant 112 : i32
          %mul3A_42 = arith.muli %sub3A_20, %mul3A_41 : i32
          %dma_wait3A = tpu.memref_slice %arg8[%mul3A_42] : memref<1600xi32, #tpu.memory_space<vmem>> -> memref<112xi32, #tpu.memory_space<vmem>>
          %dma_wait3A_43 = arith.constant 0 : i32
          %dma_wait3A_44 = arith.constant 0 : i32
          %dma_wait3A_45 = tpu.memref_slice %arg2[%dma_wait3A_43, %dma_wait3A_44] : memref<8448x128xf32, #tpu.memory_space<hbm>> -> memref<8448x128xf32, #tpu.memory_space<hbm>>
          tpu.wait_indirect_dma semaphore(%arg15 : memref<!tpu.dma_semaphore, #tpu.memory_space<semaphore_mem>>) src(%dma_wait3A_45 : memref<8448x128xf32, #tpu.memory_space<hbm>>) dst(%arg11 : memref<112x128xf32, #tpu.memory_space<vmem>>)
          %scan3A_46 = arith.constant 0 : i32
          %scan3A_47 = arith.constant 0 : i32
          %scan3A_48 = arith.constant 14 : i32
          %scan3A_49 = arith.addi %scan3A_47, %scan3A_48 : i32
          %scan3A_50 = arith.constant 1 : i32
          %scan3A_51 = scf.for %scan3A_53 = %scan3A_47 to %scan3A_49 step %scan3A_50 iter_args(%scan3A_54 = %scan3A_46) -> (i32)  : i32 {
            %mul3A_55 = arith.constant 14 : i32
            %mul3A_56 = arith.muli %sub3A_20, %mul3A_55 : i32
            %add3A_57 = arith.addi %mul3A_56, %scan3A_53 : i32
            %mul3A_58 = arith.constant 16 : i32
            %mul3A_59 = arith.muli %add3A_57, %mul3A_58 : i32
            %get3A = arith.index_cast %mul3A_59 : i32 to index
            %get3A_60 = tpu.vector_load %arg9[%get3A] {strides = array<i32>} : memref<3344xf32, #tpu.memory_space<vmem>>, vector<16xf32>,
            %get3A_61 = arith.index_cast %add3A_57 : i32 to index
            %get3A_62 = tpu.vector_load %arg10[%get3A_61] {strides = array<i32>} : memref<224xf32, #tpu.memory_space<vmem>>, vector<16xf32>,
            %slice3A = vector.extract_strided_slice %get3A_62 {offsets = [0], sizes = [1], strides = [1]} : vector<16xf32> to vector<1xf32>
            %squeeze3A = vector.extract %slice3A[0] : f32 from vector<1xf32>
            %mul3A_63 = vector.broadcast %squeeze3A : f32 to vector<16xf32>
            %mul3A_64 = arith.mulf %get3A_60, %mul3A_63 : vector<16xf32>
            %mul3A_65 = arith.constant 8 : i32
            %mul3A_66 = arith.muli %scan3A_53, %mul3A_65 : i32
            %broadcast_in_dim3A_67 = arith.constant 0.000000e+00 : f32
            %broadcast_in_dim3A_68 = vector.broadcast %broadcast_in_dim3A_67 : f32 to vector<16xf32>
            %broadcast_in_dim3A_69 = arith.constant 0.000000e+00 : f32
            %broadcast_in_dim3A_70 = vector.broadcast %broadcast_in_dim3A_69 : f32 to vector<16xf32>
            %broadcast_in_dim3A_71 = arith.constant 0.000000e+00 : f32
            %broadcast_in_dim3A_72 = vector.broadcast %broadcast_in_dim3A_71 : f32 to vector<16xf32>
            %broadcast_in_dim3A_73 = arith.constant 0.000000e+00 : f32
            %broadcast_in_dim3A_74 = vector.broadcast %broadcast_in_dim3A_73 : f32 to vector<16xf32>
            %slice3A_75 = vector.extract_strided_slice %mul3A_64 {offsets = [0], sizes = [1], strides = [1]} : vector<16xf32> to vector<1xf32>
            %squeeze3A_76 = vector.extract %slice3A_75[0] : f32 from vector<1xf32>
            %add3A_77 = arith.constant 0 : i32
            %add3A_78 = arith.addi %mul3A_66, %add3A_77 : i32
            %add3A_79 = arith.constant 0 : i32
            %add3A_80 = arith.addi %add3A_78, %add3A_79 : i32
            %get3A_81 = arith.index_cast %add3A_80 : i32 to index
            %get3A_82 = arith.constant 0 : index
            %get3A_83 = tpu.vector_load %arg11[%get3A_81, %get3A_82] {strides = array<i32>} : memref<112x128xf32, #tpu.memory_space<vmem>>, vector<16xf32>,
            %mul3A_84 = vector.broadcast %squeeze3A_76 : f32 to vector<16xf32>
            %mul3A_85 = arith.mulf %mul3A_84, %get3A_83 : vector<16xf32>
            %add3A_86 = arith.addf %broadcast_in_dim3A_68, %mul3A_85 : vector<16xf32>
            %get3A_87 = arith.index_cast %add3A_80 : i32 to index
            %get3A_88 = arith.constant 16 : index
            %get3A_89 = tpu.vector_load %arg11[%get3A_87, %get3A_88] {strides = array<i32>} : memref<112x128xf32, #tpu.memory_space<vmem>>, vector<16xf32>,
            %mul3A_90 = vector.broadcast %squeeze3A_76 : f32 to vector<16xf32>
            %mul3A_91 = arith.mulf %mul3A_90, %get3A_89 : vector<16xf32>
            %add3A_92 = arith.addf %broadcast_in_dim3A_70, %mul3A_91 : vector<16xf32>
            %get3A_93 = arith.index_cast %add3A_80 : i32 to index
            %get3A_94 = arith.constant 32 : index
            %get3A_95 = tpu.vector_load %arg11[%get3A_93, %get3A_94] {strides = array<i32>} : memref<112x128xf32, #tpu.memory_space<vmem>>, vector<16xf32>,
            %mul3A_96 = vector.broadcast %squeeze3A_76 : f32 to vector<16xf32>
            %mul3A_97 = arith.mulf %mul3A_96, %get3A_95 : vector<16xf32>
            %add3A_98 = arith.addf %broadcast_in_dim3A_72, %mul3A_97 : vector<16xf32>
            %get3A_99 = arith.index_cast %add3A_80 : i32 to index
            %get3A_100 = arith.constant 48 : index
            %get3A_101 = tpu.vector_load %arg11[%get3A_99, %get3A_100] {strides = array<i32>} : memref<112x128xf32, #tpu.memory_space<vmem>>, vector<16xf32>,
            %mul3A_102 = vector.broadcast %squeeze3A_76 : f32 to vector<16xf32>
            %mul3A_103 = arith.mulf %mul3A_102, %get3A_101 : vector<16xf32>
            %add3A_104 = arith.addf %broadcast_in_dim3A_74, %mul3A_103 : vector<16xf32>
            %slice3A_105 = vector.extract_strided_slice %mul3A_64 {offsets = [1], sizes = [1], strides = [1]} : vector<16xf32> to vector<1xf32>
            %squeeze3A_106 = vector.extract %slice3A_105[0] : f32 from vector<1xf32>
            %add3A_107 = arith.constant 0 : i32
            %add3A_108 = arith.addi %mul3A_66, %add3A_107 : i32
            %add3A_109 = arith.constant 0 : i32
            %add3A_110 = arith.addi %add3A_108, %add3A_109 : i32
            %get3A_111 = arith.index_cast %add3A_110 : i32 to index
            %get3A_112 = arith.constant 64 : index
            %get3A_113 = tpu.vector_load %arg11[%get3A_111, %get3A_112] {strides = array<i32>} : memref<112x128xf32, #tpu.memory_space<vmem>>, vector<16xf32>,
            %mul3A_114 = vector.broadcast %squeeze3A_106 : f32 to vector<16xf32>
            %mul3A_115 = arith.mulf %mul3A_114, %get3A_113 : vector<16xf32>
            %add3A_116 = arith.addf %add3A_86, %mul3A_115 : vector<16xf32>
            %get3A_117 = arith.index_cast %add3A_110 : i32 to index
            %get3A_118 = arith.constant 80 : index
            %get3A_119 = tpu.vector_load %arg11[%get3A_117, %get3A_118] {strides = array<i32>} : memref<112x128xf32, #tpu.memory_space<vmem>>, vector<16xf32>,
            %mul3A_120 = vector.broadcast %squeeze3A_106 : f32 to vector<16xf32>
            %mul3A_121 = arith.mulf %mul3A_120, %get3A_119 : vector<16xf32>
            %add3A_122 = arith.addf %add3A_92, %mul3A_121 : vector<16xf32>
            %get3A_123 = arith.index_cast %add3A_110 : i32 to index
            %get3A_124 = arith.constant 96 : index
            %get3A_125 = tpu.vector_load %arg11[%get3A_123, %get3A_124] {strides = array<i32>} : memref<112x128xf32, #tpu.memory_space<vmem>>, vector<16xf32>,
            %mul3A_126 = vector.broadcast %squeeze3A_106 : f32 to vector<16xf32>
            %mul3A_127 = arith.mulf %mul3A_126, %get3A_125 : vector<16xf32>
            %add3A_128 = arith.addf %add3A_98, %mul3A_127 : vector<16xf32>
            %get3A_129 = arith.index_cast %add3A_110 : i32 to index
            %get3A_130 = arith.constant 112 : index
            %get3A_131 = tpu.vector_load %arg11[%get3A_129, %get3A_130] {strides = array<i32>} : memref<112x128xf32, #tpu.memory_space<vmem>>, vector<16xf32>,
            %mul3A_132 = vector.broadcast %squeeze3A_106 : f32 to vector<16xf32>
            %mul3A_133 = arith.mulf %mul3A_132, %get3A_131 : vector<16xf32>
            %add3A_134 = arith.addf %add3A_104, %mul3A_133 : vector<16xf32>
            %slice3A_135 = vector.extract_strided_slice %mul3A_64 {offsets = [2], sizes = [1], strides = [1]} : vector<16xf32> to vector<1xf32>
            %squeeze3A_136 = vector.extract %slice3A_135[0] : f32 from vector<1xf32>
            %add3A_137 = arith.constant 0 : i32
            %add3A_138 = arith.addi %mul3A_66, %add3A_137 : i32
            %add3A_139 = arith.constant 1 : i32
            %add3A_140 = arith.addi %add3A_138, %add3A_139 : i32
            %get3A_141 = arith.index_cast %add3A_140 : i32 to index
            %get3A_142 = arith.constant 0 : index
            %get3A_143 = tpu.vector_load %arg11[%get3A_141, %get3A_142] {strides = array<i32>} : memref<112x128xf32, #tpu.memory_space<vmem>>, vector<16xf32>,
            %mul3A_144 = vector.broadcast %squeeze3A_136 : f32 to vector<16xf32>
            %mul3A_145 = arith.mulf %mul3A_144, %get3A_143 : vector<16xf32>
            %add3A_146 = arith.addf %add3A_116, %mul3A_145 : vector<16xf32>
            %get3A_147 = arith.index_cast %add3A_140 : i32 to index
            %get3A_148 = arith.constant 16 : index
            %get3A_149 = tpu.vector_load %arg11[%get3A_147, %get3A_148] {strides = array<i32>} : memref<112x128xf32, #tpu.memory_space<vmem>>, vector<16xf32>,
            %mul3A_150 = vector.broadcast %squeeze3A_136 : f32 to vector<16xf32>
            %mul3A_151 = arith.mulf %mul3A_150, %get3A_149 : vector<16xf32>
            %add3A_152 = arith.addf %add3A_122, %mul3A_151 : vector<16xf32>
            %get3A_153 = arith.index_cast %add3A_140 : i32 to index
            %get3A_154 = arith.constant 32 : index
            %get3A_155 = tpu.vector_load %arg11[%get3A_153, %get3A_154] {strides = array<i32>} : memref<112x128xf32, #tpu.memory_space<vmem>>, vector<16xf32>,
            %mul3A_156 = vector.broadcast %squeeze3A_136 : f32 to vector<16xf32>
            %mul3A_157 = arith.mulf %mul3A_156, %get3A_155 : vector<16xf32>
            %add3A_158 = arith.addf %add3A_128, %mul3A_157 : vector<16xf32>
            %get3A_159 = arith.index_cast %add3A_140 : i32 to index
            %get3A_160 = arith.constant 48 : index
            %get3A_161 = tpu.vector_load %arg11[%get3A_159, %get3A_160] {strides = array<i32>} : memref<112x128xf32, #tpu.memory_space<vmem>>, vector<16xf32>,
            %mul3A_162 = vector.broadcast %squeeze3A_136 : f32 to vector<16xf32>
            %mul3A_163 = arith.mulf %mul3A_162, %get3A_161 : vector<16xf32>
            %add3A_164 = arith.addf %add3A_134, %mul3A_163 : vector<16xf32>
            %slice3A_165 = vector.extract_strided_slice %mul3A_64 {offsets = [3], sizes = [1], strides = [1]} : vector<16xf32> to vector<1xf32>
            %squeeze3A_166 = vector.extract %slice3A_165[0] : f32 from vector<1xf32>
            %add3A_167 = arith.constant 0 : i32
            %add3A_168 = arith.addi %mul3A_66, %add3A_167 : i32
            %add3A_169 = arith.constant 1 : i32
            %add3A_170 = arith.addi %add3A_168, %add3A_169 : i32
            %get3A_171 = arith.index_cast %add3A_170 : i32 to index
            %get3A_172 = arith.constant 64 : index
            %get3A_173 = tpu.vector_load %arg11[%get3A_171, %get3A_172] {strides = array<i32>} : memref<112x128xf32, #tpu.memory_space<vmem>>, vector<16xf32>,
            %mul3A_174 = vector.broadcast %squeeze3A_166 : f32 to vector<16xf32>
            %mul3A_175 = arith.mulf %mul3A_174, %get3A_173 : vector<16xf32>
            %add3A_176 = arith.addf %add3A_146, %mul3A_175 : vector<16xf32>
            %get3A_177 = arith.index_cast %add3A_170 : i32 to index
            %get3A_178 = arith.constant 80 : index
            %get3A_179 = tpu.vector_load %arg11[%get3A_177, %get3A_178] {strides = array<i32>} : memref<112x128xf32, #tpu.memory_space<vmem>>, vector<16xf32>,
            %mul3A_180 = vector.broadcast %squeeze3A_166 : f32 to vector<16xf32>
            %mul3A_181 = arith.mulf %mul3A_180, %get3A_179 : vector<16xf32>
            %add3A_182 = arith.addf %add3A_152, %mul3A_181 : vector<16xf32>
            %get3A_183 = arith.index_cast %add3A_170 : i32 to index
            %get3A_184 = arith.constant 96 : index
            %get3A_185 = tpu.vector_load %arg11[%get3A_183, %get3A_184] {strides = array<i32>} : memref<112x128xf32, #tpu.memory_space<vmem>>, vector<16xf32>,
            %mul3A_186 = vector.broadcast %squeeze3A_166 : f32 to vector<16xf32>
            %mul3A_187 = arith.mulf %mul3A_186, %get3A_185 : vector<16xf32>
            %add3A_188 = arith.addf %add3A_158, %mul3A_187 : vector<16xf32>
            %get3A_189 = arith.index_cast %add3A_170 : i32 to index
            %get3A_190 = arith.constant 112 : index
            %get3A_191 = tpu.vector_load %arg11[%get3A_189, %get3A_190] {strides = array<i32>} : memref<112x128xf32, #tpu.memory_space<vmem>>, vector<16xf32>,
            %mul3A_192 = vector.broadcast %squeeze3A_166 : f32 to vector<16xf32>
            %mul3A_193 = arith.mulf %mul3A_192, %get3A_191 : vector<16xf32>
            %add3A_194 = arith.addf %add3A_164, %mul3A_193 : vector<16xf32>
            %slice3A_195 = vector.extract_strided_slice %mul3A_64 {offsets = [4], sizes = [1], strides = [1]} : vector<16xf32> to vector<1xf32>
            %squeeze3A_196 = vector.extract %slice3A_195[0] : f32 from vector<1xf32>
            %add3A_197 = arith.constant 2 : i32
            %add3A_198 = arith.addi %mul3A_66, %add3A_197 : i32
            %add3A_199 = arith.constant 0 : i32
            %add3A_200 = arith.addi %add3A_198, %add3A_199 : i32
            %get3A_201 = arith.index_cast %add3A_200 : i32 to index
            %get3A_202 = arith.constant 0 : index
            %get3A_203 = tpu.vector_load %arg11[%get3A_201, %get3A_202] {strides = array<i32>} : memref<112x128xf32, #tpu.memory_space<vmem>>, vector<16xf32>,
            %mul3A_204 = vector.broadcast %squeeze3A_196 : f32 to vector<16xf32>
            %mul3A_205 = arith.mulf %mul3A_204, %get3A_203 : vector<16xf32>
            %add3A_206 = arith.addf %add3A_176, %mul3A_205 : vector<16xf32>
            %get3A_207 = arith.index_cast %add3A_200 : i32 to index
            %get3A_208 = arith.constant 16 : index
            %get3A_209 = tpu.vector_load %arg11[%get3A_207, %get3A_208] {strides = array<i32>} : memref<112x128xf32, #tpu.memory_space<vmem>>, vector<16xf32>,
            %mul3A_210 = vector.broadcast %squeeze3A_196 : f32 to vector<16xf32>
            %mul3A_211 = arith.mulf %mul3A_210, %get3A_209 : vector<16xf32>
            %add3A_212 = arith.addf %add3A_182, %mul3A_211 : vector<16xf32>
            %get3A_213 = arith.index_cast %add3A_200 : i32 to index
            %get3A_214 = arith.constant 32 : index
            %get3A_215 = tpu.vector_load %arg11[%get3A_213, %get3A_214] {strides = array<i32>} : memref<112x128xf32, #tpu.memory_space<vmem>>, vector<16xf32>,
            %mul3A_216 = vector.broadcast %squeeze3A_196 : f32 to vector<16xf32>
            %mul3A_217 = arith.mulf %mul3A_216, %get3A_215 : vector<16xf32>
            %add3A_218 = arith.addf %add3A_188, %mul3A_217 : vector<16xf32>
            %get3A_219 = arith.index_cast %add3A_200 : i32 to index
            %get3A_220 = arith.constant 48 : index
            %get3A_221 = tpu.vector_load %arg11[%get3A_219, %get3A_220] {strides = array<i32>} : memref<112x128xf32, #tpu.memory_space<vmem>>, vector<16xf32>,
            %mul3A_222 = vector.broadcast %squeeze3A_196 : f32 to vector<16xf32>
            %mul3A_223 = arith.mulf %mul3A_222, %get3A_221 : vector<16xf32>
            %add3A_224 = arith.addf %add3A_194, %mul3A_223 : vector<16xf32>
            %slice3A_225 = vector.extract_strided_slice %mul3A_64 {offsets = [5], sizes = [1], strides = [1]} : vector<16xf32> to vector<1xf32>
            %squeeze3A_226 = vector.extract %slice3A_225[0] : f32 from vector<1xf32>
            %add3A_227 = arith.constant 2 : i32
            %add3A_228 = arith.addi %mul3A_66, %add3A_227 : i32
            %add3A_229 = arith.constant 0 : i32
            %add3A_230 = arith.addi %add3A_228, %add3A_229 : i32
            %get3A_231 = arith.index_cast %add3A_230 : i32 to index
            %get3A_232 = arith.constant 64 : index
            %get3A_233 = tpu.vector_load %arg11[%get3A_231, %get3A_232] {strides = array<i32>} : memref<112x128xf32, #tpu.memory_space<vmem>>, vector<16xf32>,
            %mul3A_234 = vector.broadcast %squeeze3A_226 : f32 to vector<16xf32>
            %mul3A_235 = arith.mulf %mul3A_234, %get3A_233 : vector<16xf32>
            %add3A_236 = arith.addf %add3A_206, %mul3A_235 : vector<16xf32>
            %get3A_237 = arith.index_cast %add3A_230 : i32 to index
            %get3A_238 = arith.constant 80 : index
            %get3A_239 = tpu.vector_load %arg11[%get3A_237, %get3A_238] {strides = array<i32>} : memref<112x128xf32, #tpu.memory_space<vmem>>, vector<16xf32>,
            %mul3A_240 = vector.broadcast %squeeze3A_226 : f32 to vector<16xf32>
            %mul3A_241 = arith.mulf %mul3A_240, %get3A_239 : vector<16xf32>
            %add3A_242 = arith.addf %add3A_212, %mul3A_241 : vector<16xf32>
            %get3A_243 = arith.index_cast %add3A_230 : i32 to index
            %get3A_244 = arith.constant 96 : index
            %get3A_245 = tpu.vector_load %arg11[%get3A_243, %get3A_244] {strides = array<i32>} : memref<112x128xf32, #tpu.memory_space<vmem>>, vector<16xf32>,
            %mul3A_246 = vector.broadcast %squeeze3A_226 : f32 to vector<16xf32>
            %mul3A_247 = arith.mulf %mul3A_246, %get3A_245 : vector<16xf32>
            %add3A_248 = arith.addf %add3A_218, %mul3A_247 : vector<16xf32>
            %get3A_249 = arith.index_cast %add3A_230 : i32 to index
            %get3A_250 = arith.constant 112 : index
            %get3A_251 = tpu.vector_load %arg11[%get3A_249, %get3A_250] {strides = array<i32>} : memref<112x128xf32, #tpu.memory_space<vmem>>, vector<16xf32>,
            %mul3A_252 = vector.broadcast %squeeze3A_226 : f32 to vector<16xf32>
            %mul3A_253 = arith.mulf %mul3A_252, %get3A_251 : vector<16xf32>
            %add3A_254 = arith.addf %add3A_224, %mul3A_253 : vector<16xf32>
            %slice3A_255 = vector.extract_strided_slice %mul3A_64 {offsets = [6], sizes = [1], strides = [1]} : vector<16xf32> to vector<1xf32>
            %squeeze3A_256 = vector.extract %slice3A_255[0] : f32 from vector<1xf32>
            %add3A_257 = arith.constant 2 : i32
            %add3A_258 = arith.addi %mul3A_66, %add3A_257 : i32
            %add3A_259 = arith.constant 1 : i32
            %add3A_260 = arith.addi %add3A_258, %add3A_259 : i32
            %get3A_261 = arith.index_cast %add3A_260 : i32 to index
            %get3A_262 = arith.constant 0 : index
            %get3A_263 = tpu.vector_load %arg11[%get3A_261, %get3A_262] {strides = array<i32>} : memref<112x128xf32, #tpu.memory_space<vmem>>, vector<16xf32>,
            %mul3A_264 = vector.broadcast %squeeze3A_256 : f32 to vector<16xf32>
            %mul3A_265 = arith.mulf %mul3A_264, %get3A_263 : vector<16xf32>
            %add3A_266 = arith.addf %add3A_236, %mul3A_265 : vector<16xf32>
            %get3A_267 = arith.index_cast %add3A_260 : i32 to index
            %get3A_268 = arith.constant 16 : index
            %get3A_269 = tpu.vector_load %arg11[%get3A_267, %get3A_268] {strides = array<i32>} : memref<112x128xf32, #tpu.memory_space<vmem>>, vector<16xf32>,
            %mul3A_270 = vector.broadcast %squeeze3A_256 : f32 to vector<16xf32>
            %mul3A_271 = arith.mulf %mul3A_270, %get3A_269 : vector<16xf32>
            %add3A_272 = arith.addf %add3A_242, %mul3A_271 : vector<16xf32>
            %get3A_273 = arith.index_cast %add3A_260 : i32 to index
            %get3A_274 = arith.constant 32 : index
            %get3A_275 = tpu.vector_load %arg11[%get3A_273, %get3A_274] {strides = array<i32>} : memref<112x128xf32, #tpu.memory_space<vmem>>, vector<16xf32>,
            %mul3A_276 = vector.broadcast %squeeze3A_256 : f32 to vector<16xf32>
            %mul3A_277 = arith.mulf %mul3A_276, %get3A_275 : vector<16xf32>
            %add3A_278 = arith.addf %add3A_248, %mul3A_277 : vector<16xf32>
            %get3A_279 = arith.index_cast %add3A_260 : i32 to index
            %get3A_280 = arith.constant 48 : index
            %get3A_281 = tpu.vector_load %arg11[%get3A_279, %get3A_280] {strides = array<i32>} : memref<112x128xf32, #tpu.memory_space<vmem>>, vector<16xf32>,
            %mul3A_282 = vector.broadcast %squeeze3A_256 : f32 to vector<16xf32>
            %mul3A_283 = arith.mulf %mul3A_282, %get3A_281 : vector<16xf32>
            %add3A_284 = arith.addf %add3A_254, %mul3A_283 : vector<16xf32>
            %slice3A_285 = vector.extract_strided_slice %mul3A_64 {offsets = [7], sizes = [1], strides = [1]} : vector<16xf32> to vector<1xf32>
            %squeeze3A_286 = vector.extract %slice3A_285[0] : f32 from vector<1xf32>
            %add3A_287 = arith.constant 2 : i32
            %add3A_288 = arith.addi %mul3A_66, %add3A_287 : i32
            %add3A_289 = arith.constant 1 : i32
            %add3A_290 = arith.addi %add3A_288, %add3A_289 : i32
            %get3A_291 = arith.index_cast %add3A_290 : i32 to index
            %get3A_292 = arith.constant 64 : index
            %get3A_293 = tpu.vector_load %arg11[%get3A_291, %get3A_292] {strides = array<i32>} : memref<112x128xf32, #tpu.memory_space<vmem>>, vector<16xf32>,
            %mul3A_294 = vector.broadcast %squeeze3A_286 : f32 to vector<16xf32>
            %mul3A_295 = arith.mulf %mul3A_294, %get3A_293 : vector<16xf32>
            %add3A_296 = arith.addf %add3A_266, %mul3A_295 : vector<16xf32>
            %get3A_297 = arith.index_cast %add3A_290 : i32 to index
            %get3A_298 = arith.constant 80 : index
            %get3A_299 = tpu.vector_load %arg11[%get3A_297, %get3A_298] {strides = array<i32>} : memref<112x128xf32, #tpu.memory_space<vmem>>, vector<16xf32>,
            %mul3A_300 = vector.broadcast %squeeze3A_286 : f32 to vector<16xf32>
            %mul3A_301 = arith.mulf %mul3A_300, %get3A_299 : vector<16xf32>
            %add3A_302 = arith.addf %add3A_272, %mul3A_301 : vector<16xf32>
            %get3A_303 = arith.index_cast %add3A_290 : i32 to index
            %get3A_304 = arith.constant 96 : index
            %get3A_305 = tpu.vector_load %arg11[%get3A_303, %get3A_304] {strides = array<i32>} : memref<112x128xf32, #tpu.memory_space<vmem>>, vector<16xf32>,
            %mul3A_306 = vector.broadcast %squeeze3A_286 : f32 to vector<16xf32>
            %mul3A_307 = arith.mulf %mul3A_306, %get3A_305 : vector<16xf32>
            %add3A_308 = arith.addf %add3A_278, %mul3A_307 : vector<16xf32>
            %get3A_309 = arith.index_cast %add3A_290 : i32 to index
            %get3A_310 = arith.constant 112 : index
            %get3A_311 = tpu.vector_load %arg11[%get3A_309, %get3A_310] {strides = array<i32>} : memref<112x128xf32, #tpu.memory_space<vmem>>, vector<16xf32>,
            %mul3A_312 = vector.broadcast %squeeze3A_286 : f32 to vector<16xf32>
            %mul3A_313 = arith.mulf %mul3A_312, %get3A_311 : vector<16xf32>
            %add3A_314 = arith.addf %add3A_284, %mul3A_313 : vector<16xf32>
            %slice3A_315 = vector.extract_strided_slice %mul3A_64 {offsets = [8], sizes = [1], strides = [1]} : vector<16xf32> to vector<1xf32>
            %squeeze3A_316 = vector.extract %slice3A_315[0] : f32 from vector<1xf32>
            %add3A_317 = arith.constant 4 : i32
            %add3A_318 = arith.addi %mul3A_66, %add3A_317 : i32
            %add3A_319 = arith.constant 0 : i32
            %add3A_320 = arith.addi %add3A_318, %add3A_319 : i32
            %get3A_321 = arith.index_cast %add3A_320 : i32 to index
            %get3A_322 = arith.constant 0 : index
            %get3A_323 = tpu.vector_load %arg11[%get3A_321, %get3A_322] {strides = array<i32>} : memref<112x128xf32, #tpu.memory_space<vmem>>, vector<16xf32>,
            %mul3A_324 = vector.broadcast %squeeze3A_316 : f32 to vector<16xf32>
            %mul3A_325 = arith.mulf %mul3A_324, %get3A_323 : vector<16xf32>
            %add3A_326 = arith.addf %add3A_296, %mul3A_325 : vector<16xf32>
            %get3A_327 = arith.index_cast %add3A_320 : i32 to index
            %get3A_328 = arith.constant 16 : index
            %get3A_329 = tpu.vector_load %arg11[%get3A_327, %get3A_328] {strides = array<i32>} : memref<112x128xf32, #tpu.memory_space<vmem>>, vector<16xf32>,
            %mul3A_330 = vector.broadcast %squeeze3A_316 : f32 to vector<16xf32>
            %mul3A_331 = arith.mulf %mul3A_330, %get3A_329 : vector<16xf32>
            %add3A_332 = arith.addf %add3A_302, %mul3A_331 : vector<16xf32>
            %get3A_333 = arith.index_cast %add3A_320 : i32 to index
            %get3A_334 = arith.constant 32 : index
            %get3A_335 = tpu.vector_load %arg11[%get3A_333, %get3A_334] {strides = array<i32>} : memref<112x128xf32, #tpu.memory_space<vmem>>, vector<16xf32>,
            %mul3A_336 = vector.broadcast %squeeze3A_316 : f32 to vector<16xf32>
            %mul3A_337 = arith.mulf %mul3A_336, %get3A_335 : vector<16xf32>
            %add3A_338 = arith.addf %add3A_308, %mul3A_337 : vector<16xf32>
            %get3A_339 = arith.index_cast %add3A_320 : i32 to index
            %get3A_340 = arith.constant 48 : index
            %get3A_341 = tpu.vector_load %arg11[%get3A_339, %get3A_340] {strides = array<i32>} : memref<112x128xf32, #tpu.memory_space<vmem>>, vector<16xf32>,
            %mul3A_342 = vector.broadcast %squeeze3A_316 : f32 to vector<16xf32>
            %mul3A_343 = arith.mulf %mul3A_342, %get3A_341 : vector<16xf32>
            %add3A_344 = arith.addf %add3A_314, %mul3A_343 : vector<16xf32>
            %slice3A_345 = vector.extract_strided_slice %mul3A_64 {offsets = [9], sizes = [1], strides = [1]} : vector<16xf32> to vector<1xf32>
            %squeeze3A_346 = vector.extract %slice3A_345[0] : f32 from vector<1xf32>
            %add3A_347 = arith.constant 4 : i32
            %add3A_348 = arith.addi %mul3A_66, %add3A_347 : i32
            %add3A_349 = arith.constant 0 : i32
            %add3A_350 = arith.addi %add3A_348, %add3A_349 : i32
            %get3A_351 = arith.index_cast %add3A_350 : i32 to index
            %get3A_352 = arith.constant 64 : index
            %get3A_353 = tpu.vector_load %arg11[%get3A_351, %get3A_352] {strides = array<i32>} : memref<112x128xf32, #tpu.memory_space<vmem>>, vector<16xf32>,
            %mul3A_354 = vector.broadcast %squeeze3A_346 : f32 to vector<16xf32>
            %mul3A_355 = arith.mulf %mul3A_354, %get3A_353 : vector<16xf32>
            %add3A_356 = arith.addf %add3A_326, %mul3A_355 : vector<16xf32>
            %get3A_357 = arith.index_cast %add3A_350 : i32 to index
            %get3A_358 = arith.constant 80 : index
            %get3A_359 = tpu.vector_load %arg11[%get3A_357, %get3A_358] {strides = array<i32>} : memref<112x128xf32, #tpu.memory_space<vmem>>, vector<16xf32>,
            %mul3A_360 = vector.broadcast %squeeze3A_346 : f32 to vector<16xf32>
            %mul3A_361 = arith.mulf %mul3A_360, %get3A_359 : vector<16xf32>
            %add3A_362 = arith.addf %add3A_332, %mul3A_361 : vector<16xf32>
            %get3A_363 = arith.index_cast %add3A_350 : i32 to index
            %get3A_364 = arith.constant 96 : index
            %get3A_365 = tpu.vector_load %arg11[%get3A_363, %get3A_364] {strides = array<i32>} : memref<112x128xf32, #tpu.memory_space<vmem>>, vector<16xf32>,
            %mul3A_366 = vector.broadcast %squeeze3A_346 : f32 to vector<16xf32>
            %mul3A_367 = arith.mulf %mul3A_366, %get3A_365 : vector<16xf32>
            %add3A_368 = arith.addf %add3A_338, %mul3A_367 : vector<16xf32>
            %get3A_369 = arith.index_cast %add3A_350 : i32 to index
            %get3A_370 = arith.constant 112 : index
            %get3A_371 = tpu.vector_load %arg11[%get3A_369, %get3A_370] {strides = array<i32>} : memref<112x128xf32, #tpu.memory_space<vmem>>, vector<16xf32>,
            %mul3A_372 = vector.broadcast %squeeze3A_346 : f32 to vector<16xf32>
            %mul3A_373 = arith.mulf %mul3A_372, %get3A_371 : vector<16xf32>
            %add3A_374 = arith.addf %add3A_344, %mul3A_373 : vector<16xf32>
            %slice3A_375 = vector.extract_strided_slice %mul3A_64 {offsets = [10], sizes = [1], strides = [1]} : vector<16xf32> to vector<1xf32>
            %squeeze3A_376 = vector.extract %slice3A_375[0] : f32 from vector<1xf32>
            %add3A_377 = arith.constant 4 : i32
            %add3A_378 = arith.addi %mul3A_66, %add3A_377 : i32
            %add3A_379 = arith.constant 1 : i32
            %add3A_380 = arith.addi %add3A_378, %add3A_379 : i32
            %get3A_381 = arith.index_cast %add3A_380 : i32 to index
            %get3A_382 = arith.constant 0 : index
            %get3A_383 = tpu.vector_load %arg11[%get3A_381, %get3A_382] {strides = array<i32>} : memref<112x128xf32, #tpu.memory_space<vmem>>, vector<16xf32>,
            %mul3A_384 = vector.broadcast %squeeze3A_376 : f32 to vector<16xf32>
            %mul3A_385 = arith.mulf %mul3A_384, %get3A_383 : vector<16xf32>
            %add3A_386 = arith.addf %add3A_356, %mul3A_385 : vector<16xf32>
            %get3A_387 = arith.index_cast %add3A_380 : i32 to index
            %get3A_388 = arith.constant 16 : index
            %get3A_389 = tpu.vector_load %arg11[%get3A_387, %get3A_388] {strides = array<i32>} : memref<112x128xf32, #tpu.memory_space<vmem>>, vector<16xf32>,
            %mul3A_390 = vector.broadcast %squeeze3A_376 : f32 to vector<16xf32>
            %mul3A_391 = arith.mulf %mul3A_390, %get3A_389 : vector<16xf32>
            %add3A_392 = arith.addf %add3A_362, %mul3A_391 : vector<16xf32>
            %get3A_393 = arith.index_cast %add3A_380 : i32 to index
            %get3A_394 = arith.constant 32 : index
            %get3A_395 = tpu.vector_load %arg11[%get3A_393, %get3A_394] {strides = array<i32>} : memref<112x128xf32, #tpu.memory_space<vmem>>, vector<16xf32>,
            %mul3A_396 = vector.broadcast %squeeze3A_376 : f32 to vector<16xf32>
            %mul3A_397 = arith.mulf %mul3A_396, %get3A_395 : vector<16xf32>
            %add3A_398 = arith.addf %add3A_368, %mul3A_397 : vector<16xf32>
            %get3A_399 = arith.index_cast %add3A_380 : i32 to index
            %get3A_400 = arith.constant 48 : index
            %get3A_401 = tpu.vector_load %arg11[%get3A_399, %get3A_400] {strides = array<i32>} : memref<112x128xf32, #tpu.memory_space<vmem>>, vector<16xf32>,
            %mul3A_402 = vector.broadcast %squeeze3A_376 : f32 to vector<16xf32>
            %mul3A_403 = arith.mulf %mul3A_402, %get3A_401 : vector<16xf32>
            %add3A_404 = arith.addf %add3A_374, %mul3A_403 : vector<16xf32>
            %slice3A_405 = vector.extract_strided_slice %mul3A_64 {offsets = [11], sizes = [1], strides = [1]} : vector<16xf32> to vector<1xf32>
            %squeeze3A_406 = vector.extract %slice3A_405[0] : f32 from vector<1xf32>
            %add3A_407 = arith.constant 4 : i32
            %add3A_408 = arith.addi %mul3A_66, %add3A_407 : i32
            %add3A_409 = arith.constant 1 : i32
            %add3A_410 = arith.addi %add3A_408, %add3A_409 : i32
            %get3A_411 = arith.index_cast %add3A_410 : i32 to index
            %get3A_412 = arith.constant 64 : index
            %get3A_413 = tpu.vector_load %arg11[%get3A_411, %get3A_412] {strides = array<i32>} : memref<112x128xf32, #tpu.memory_space<vmem>>, vector<16xf32>,
            %mul3A_414 = vector.broadcast %squeeze3A_406 : f32 to vector<16xf32>
            %mul3A_415 = arith.mulf %mul3A_414, %get3A_413 : vector<16xf32>
            %add3A_416 = arith.addf %add3A_386, %mul3A_415 : vector<16xf32>
            %get3A_417 = arith.index_cast %add3A_410 : i32 to index
            %get3A_418 = arith.constant 80 : index
            %get3A_419 = tpu.vector_load %arg11[%get3A_417, %get3A_418] {strides = array<i32>} : memref<112x128xf32, #tpu.memory_space<vmem>>, vector<16xf32>,
            %mul3A_420 = vector.broadcast %squeeze3A_406 : f32 to vector<16xf32>
            %mul3A_421 = arith.mulf %mul3A_420, %get3A_419 : vector<16xf32>
            %add3A_422 = arith.addf %add3A_392, %mul3A_421 : vector<16xf32>
            %get3A_423 = arith.index_cast %add3A_410 : i32 to index
            %get3A_424 = arith.constant 96 : index
            %get3A_425 = tpu.vector_load %arg11[%get3A_423, %get3A_424] {strides = array<i32>} : memref<112x128xf32, #tpu.memory_space<vmem>>, vector<16xf32>,
            %mul3A_426 = vector.broadcast %squeeze3A_406 : f32 to vector<16xf32>
            %mul3A_427 = arith.mulf %mul3A_426, %get3A_425 : vector<16xf32>
            %add3A_428 = arith.addf %add3A_398, %mul3A_427 : vector<16xf32>
            %get3A_429 = arith.index_cast %add3A_410 : i32 to index
            %get3A_430 = arith.constant 112 : index
            %get3A_431 = tpu.vector_load %arg11[%get3A_429, %get3A_430] {strides = array<i32>} : memref<112x128xf32, #tpu.memory_space<vmem>>, vector<16xf32>,
            %mul3A_432 = vector.broadcast %squeeze3A_406 : f32 to vector<16xf32>
            %mul3A_433 = arith.mulf %mul3A_432, %get3A_431 : vector<16xf32>
            %add3A_434 = arith.addf %add3A_404, %mul3A_433 : vector<16xf32>
            %slice3A_435 = vector.extract_strided_slice %mul3A_64 {offsets = [12], sizes = [1], strides = [1]} : vector<16xf32> to vector<1xf32>
            %squeeze3A_436 = vector.extract %slice3A_435[0] : f32 from vector<1xf32>
            %add3A_437 = arith.constant 6 : i32
            %add3A_438 = arith.addi %mul3A_66, %add3A_437 : i32
            %add3A_439 = arith.constant 0 : i32
            %add3A_440 = arith.addi %add3A_438, %add3A_439 : i32
            %get3A_441 = arith.index_cast %add3A_440 : i32 to index
            %get3A_442 = arith.constant 0 : index
            %get3A_443 = tpu.vector_load %arg11[%get3A_441, %get3A_442] {strides = array<i32>} : memref<112x128xf32, #tpu.memory_space<vmem>>, vector<16xf32>,
            %mul3A_444 = vector.broadcast %squeeze3A_436 : f32 to vector<16xf32>
            %mul3A_445 = arith.mulf %mul3A_444, %get3A_443 : vector<16xf32>
            %add3A_446 = arith.addf %add3A_416, %mul3A_445 : vector<16xf32>
            %get3A_447 = arith.index_cast %add3A_440 : i32 to index
            %get3A_448 = arith.constant 16 : index
            %get3A_449 = tpu.vector_load %arg11[%get3A_447, %get3A_448] {strides = array<i32>} : memref<112x128xf32, #tpu.memory_space<vmem>>, vector<16xf32>,
            %mul3A_450 = vector.broadcast %squeeze3A_436 : f32 to vector<16xf32>
            %mul3A_451 = arith.mulf %mul3A_450, %get3A_449 : vector<16xf32>
            %add3A_452 = arith.addf %add3A_422, %mul3A_451 : vector<16xf32>
            %get3A_453 = arith.index_cast %add3A_440 : i32 to index
            %get3A_454 = arith.constant 32 : index
            %get3A_455 = tpu.vector_load %arg11[%get3A_453, %get3A_454] {strides = array<i32>} : memref<112x128xf32, #tpu.memory_space<vmem>>, vector<16xf32>,
            %mul3A_456 = vector.broadcast %squeeze3A_436 : f32 to vector<16xf32>
            %mul3A_457 = arith.mulf %mul3A_456, %get3A_455 : vector<16xf32>
            %add3A_458 = arith.addf %add3A_428, %mul3A_457 : vector<16xf32>
            %get3A_459 = arith.index_cast %add3A_440 : i32 to index
            %get3A_460 = arith.constant 48 : index
            %get3A_461 = tpu.vector_load %arg11[%get3A_459, %get3A_460] {strides = array<i32>} : memref<112x128xf32, #tpu.memory_space<vmem>>, vector<16xf32>,
            %mul3A_462 = vector.broadcast %squeeze3A_436 : f32 to vector<16xf32>
            %mul3A_463 = arith.mulf %mul3A_462, %get3A_461 : vector<16xf32>
            %add3A_464 = arith.addf %add3A_434, %mul3A_463 : vector<16xf32>
            %slice3A_465 = vector.extract_strided_slice %mul3A_64 {offsets = [13], sizes = [1], strides = [1]} : vector<16xf32> to vector<1xf32>
            %squeeze3A_466 = vector.extract %slice3A_465[0] : f32 from vector<1xf32>
            %add3A_467 = arith.constant 6 : i32
            %add3A_468 = arith.addi %mul3A_66, %add3A_467 : i32
            %add3A_469 = arith.constant 0 : i32
            %add3A_470 = arith.addi %add3A_468, %add3A_469 : i32
            %get3A_471 = arith.index_cast %add3A_470 : i32 to index
            %get3A_472 = arith.constant 64 : index
            %get3A_473 = tpu.vector_load %arg11[%get3A_471, %get3A_472] {strides = array<i32>} : memref<112x128xf32, #tpu.memory_space<vmem>>, vector<16xf32>,
            %mul3A_474 = vector.broadcast %squeeze3A_466 : f32 to vector<16xf32>
            %mul3A_475 = arith.mulf %mul3A_474, %get3A_473 : vector<16xf32>
            %add3A_476 = arith.addf %add3A_446, %mul3A_475 : vector<16xf32>
            %get3A_477 = arith.index_cast %add3A_470 : i32 to index
            %get3A_478 = arith.constant 80 : index
            %get3A_479 = tpu.vector_load %arg11[%get3A_477, %get3A_478] {strides = array<i32>} : memref<112x128xf32, #tpu.memory_space<vmem>>, vector<16xf32>,
            %mul3A_480 = vector.broadcast %squeeze3A_466 : f32 to vector<16xf32>
            %mul3A_481 = arith.mulf %mul3A_480, %get3A_479 : vector<16xf32>
            %add3A_482 = arith.addf %add3A_452, %mul3A_481 : vector<16xf32>
            %get3A_483 = arith.index_cast %add3A_470 : i32 to index
            %get3A_484 = arith.constant 96 : index
            %get3A_485 = tpu.vector_load %arg11[%get3A_483, %get3A_484] {strides = array<i32>} : memref<112x128xf32, #tpu.memory_space<vmem>>, vector<16xf32>,
            %mul3A_486 = vector.broadcast %squeeze3A_466 : f32 to vector<16xf32>
            %mul3A_487 = arith.mulf %mul3A_486, %get3A_485 : vector<16xf32>
            %add3A_488 = arith.addf %add3A_458, %mul3A_487 : vector<16xf32>
            %get3A_489 = arith.index_cast %add3A_470 : i32 to index
            %get3A_490 = arith.constant 112 : index
            %get3A_491 = tpu.vector_load %arg11[%get3A_489, %get3A_490] {strides = array<i32>} : memref<112x128xf32, #tpu.memory_space<vmem>>, vector<16xf32>,
            %mul3A_492 = vector.broadcast %squeeze3A_466 : f32 to vector<16xf32>
            %mul3A_493 = arith.mulf %mul3A_492, %get3A_491 : vector<16xf32>
            %add3A_494 = arith.addf %add3A_464, %mul3A_493 : vector<16xf32>
            %slice3A_495 = vector.extract_strided_slice %mul3A_64 {offsets = [14], sizes = [1], strides = [1]} : vector<16xf32> to vector<1xf32>
            %squeeze3A_496 = vector.extract %slice3A_495[0] : f32 from vector<1xf32>
            %add3A_497 = arith.constant 6 : i32
            %add3A_498 = arith.addi %mul3A_66, %add3A_497 : i32
            %add3A_499 = arith.constant 1 : i32
            %add3A_500 = arith.addi %add3A_498, %add3A_499 : i32
            %get3A_501 = arith.index_cast %add3A_500 : i32 to index
            %get3A_502 = arith.constant 0 : index
            %get3A_503 = tpu.vector_load %arg11[%get3A_501, %get3A_502] {strides = array<i32>} : memref<112x128xf32, #tpu.memory_space<vmem>>, vector<16xf32>,
            %mul3A_504 = vector.broadcast %squeeze3A_496 : f32 to vector<16xf32>
            %mul3A_505 = arith.mulf %mul3A_504, %get3A_503 : vector<16xf32>
            %add3A_506 = arith.addf %add3A_476, %mul3A_505 : vector<16xf32>
            %get3A_507 = arith.index_cast %add3A_500 : i32 to index
            %get3A_508 = arith.constant 16 : index
            %get3A_509 = tpu.vector_load %arg11[%get3A_507, %get3A_508] {strides = array<i32>} : memref<112x128xf32, #tpu.memory_space<vmem>>, vector<16xf32>,
            %mul3A_510 = vector.broadcast %squeeze3A_496 : f32 to vector<16xf32>
            %mul3A_511 = arith.mulf %mul3A_510, %get3A_509 : vector<16xf32>
            %add3A_512 = arith.addf %add3A_482, %mul3A_511 : vector<16xf32>
            %get3A_513 = arith.index_cast %add3A_500 : i32 to index
            %get3A_514 = arith.constant 32 : index
            %get3A_515 = tpu.vector_load %arg11[%get3A_513, %get3A_514] {strides = array<i32>} : memref<112x128xf32, #tpu.memory_space<vmem>>, vector<16xf32>,
            %mul3A_516 = vector.broadcast %squeeze3A_496 : f32 to vector<16xf32>
            %mul3A_517 = arith.mulf %mul3A_516, %get3A_515 : vector<16xf32>
            %add3A_518 = arith.addf %add3A_488, %mul3A_517 : vector<16xf32>
            %get3A_519 = arith.index_cast %add3A_500 : i32 to index
            %get3A_520 = arith.constant 48 : index
            %get3A_521 = tpu.vector_load %arg11[%get3A_519, %get3A_520] {strides = array<i32>} : memref<112x128xf32, #tpu.memory_space<vmem>>, vector<16xf32>,
            %mul3A_522 = vector.broadcast %squeeze3A_496 : f32 to vector<16xf32>
            %mul3A_523 = arith.mulf %mul3A_522, %get3A_521 : vector<16xf32>
            %add3A_524 = arith.addf %add3A_494, %mul3A_523 : vector<16xf32>
            %slice3A_525 = vector.extract_strided_slice %mul3A_64 {offsets = [15], sizes = [1], strides = [1]} : vector<16xf32> to vector<1xf32>
            %squeeze3A_526 = vector.extract %slice3A_525[0] : f32 from vector<1xf32>
            %add3A_527 = arith.constant 6 : i32
            %add3A_528 = arith.addi %mul3A_66, %add3A_527 : i32
            %add3A_529 = arith.constant 1 : i32
            %add3A_530 = arith.addi %add3A_528, %add3A_529 : i32
            %get3A_531 = arith.index_cast %add3A_530 : i32 to index
            %get3A_532 = arith.constant 64 : index
            %get3A_533 = tpu.vector_load %arg11[%get3A_531, %get3A_532] {strides = array<i32>} : memref<112x128xf32, #tpu.memory_space<vmem>>, vector<16xf32>,
            %mul3A_534 = vector.broadcast %squeeze3A_526 : f32 to vector<16xf32>
            %mul3A_535 = arith.mulf %mul3A_534, %get3A_533 : vector<16xf32>
            %add3A_536 = arith.addf %add3A_506, %mul3A_535 : vector<16xf32>
            %get3A_537 = arith.index_cast %add3A_530 : i32 to index
            %get3A_538 = arith.constant 80 : index
            %get3A_539 = tpu.vector_load %arg11[%get3A_537, %get3A_538] {strides = array<i32>} : memref<112x128xf32, #tpu.memory_space<vmem>>, vector<16xf32>,
            %mul3A_540 = vector.broadcast %squeeze3A_526 : f32 to vector<16xf32>
            %mul3A_541 = arith.mulf %mul3A_540, %get3A_539 : vector<16xf32>
            %add3A_542 = arith.addf %add3A_512, %mul3A_541 : vector<16xf32>
            %get3A_543 = arith.index_cast %add3A_530 : i32 to index
            %get3A_544 = arith.constant 96 : index
            %get3A_545 = tpu.vector_load %arg11[%get3A_543, %get3A_544] {strides = array<i32>} : memref<112x128xf32, #tpu.memory_space<vmem>>, vector<16xf32>,
            %mul3A_546 = vector.broadcast %squeeze3A_526 : f32 to vector<16xf32>
            %mul3A_547 = arith.mulf %mul3A_546, %get3A_545 : vector<16xf32>
            %add3A_548 = arith.addf %add3A_518, %mul3A_547 : vector<16xf32>
            %get3A_549 = arith.index_cast %add3A_530 : i32 to index
            %get3A_550 = arith.constant 112 : index
            %get3A_551 = tpu.vector_load %arg11[%get3A_549, %get3A_550] {strides = array<i32>} : memref<112x128xf32, #tpu.memory_space<vmem>>, vector<16xf32>,
            %mul3A_552 = vector.broadcast %squeeze3A_526 : f32 to vector<16xf32>
            %mul3A_553 = arith.mulf %mul3A_552, %get3A_551 : vector<16xf32>
            %add3A_554 = arith.addf %add3A_524, %mul3A_553 : vector<16xf32>
            %swap3A = arith.index_cast %add3A_57 : i32 to index
            %swap3A_555 = arith.constant 0 : index
            %swap3A_556 = tpu.vector_load %arg14[%swap3A, %swap3A_555] {strides = array<i32>} : memref<196x64xf32, #tpu.memory_space<vmem>>, vector<16xf32>,
            tpu.vector_store %arg14[%swap3A, %swap3A_555], %add3A_536 {strides = array<i32>} : memref<196x64xf32, #tpu.memory_space<vmem>>, vector<16xf32>,
            %swap3A_557 = arith.index_cast %add3A_57 : i32 to index
            %swap3A_558 = arith.constant 16 : index
            %swap3A_559 = tpu.vector_load %arg14[%swap3A_557, %swap3A_558] {strides = array<i32>} : memref<196x64xf32, #tpu.memory_space<vmem>>, vector<16xf32>,
            tpu.vector_store %arg14[%swap3A_557, %swap3A_558], %add3A_542 {strides = array<i32>} : memref<196x64xf32, #tpu.memory_space<vmem>>, vector<16xf32>,
            %swap3A_560 = arith.index_cast %add3A_57 : i32 to index
            %swap3A_561 = arith.constant 32 : index
            %swap3A_562 = tpu.vector_load %arg14[%swap3A_560, %swap3A_561] {strides = array<i32>} : memref<196x64xf32, #tpu.memory_space<vmem>>, vector<16xf32>,
            tpu.vector_store %arg14[%swap3A_560, %swap3A_561], %add3A_548 {strides = array<i32>} : memref<196x64xf32, #tpu.memory_space<vmem>>, vector<16xf32>,
            %swap3A_563 = arith.index_cast %add3A_57 : i32 to index
            %swap3A_564 = arith.constant 48 : index
            %swap3A_565 = tpu.vector_load %arg14[%swap3A_563, %swap3A_564] {strides = array<i32>} : memref<196x64xf32, #tpu.memory_space<vmem>>, vector<16xf32>,
            tpu.vector_store %arg14[%swap3A_563, %swap3A_564], %add3A_554 {strides = array<i32>} : memref<196x64xf32, #tpu.memory_space<vmem>>, vector<16xf32>,
            %scan3A_566 = arith.constant 0 : i32
            scf.yield %scan3A_566 : i32
          }
          %scan3A_52 = arith.constant 14 : i32
        } else {
        }
        %eq3A_31 = arith.constant 1 : i32
        %eq3A_32 = arith.cmpi eq, %sub3A_26, %eq3A_31 : i32
        %convert_element_type3A_33 = arith.extui %eq3A_32 : i1 to i32
        %cond3A_34 = arith.constant 0 : i32
        %cond3A_35 = arith.cmpi ne, %convert_element_type3A_33, %cond3A_34 : i32
        scf.if %cond3A_35 {
          %mul3A_41 = arith.constant 112 : i32
          %mul3A_42 = arith.muli %sub3A_20, %mul3A_41 : i32
          %dma_wait3A = tpu.memref_slice %arg8[%mul3A_42] : memref<1600xi32, #tpu.memory_space<vmem>> -> memref<112xi32, #tpu.memory_space<vmem>>
          %dma_wait3A_43 = arith.constant 0 : i32
          %dma_wait3A_44 = arith.constant 0 : i32
          %dma_wait3A_45 = tpu.memref_slice %arg2[%dma_wait3A_43, %dma_wait3A_44] : memref<8448x128xf32, #tpu.memory_space<hbm>> -> memref<8448x128xf32, #tpu.memory_space<hbm>>
          tpu.wait_indirect_dma semaphore(%arg16 : memref<!tpu.dma_semaphore, #tpu.memory_space<semaphore_mem>>) src(%dma_wait3A_45 : memref<8448x128xf32, #tpu.memory_space<hbm>>) dst(%arg12 : memref<112x128xf32, #tpu.memory_space<vmem>>)
          %scan3A_46 = arith.constant 0 : i32
          %scan3A_47 = arith.constant 0 : i32
          %scan3A_48 = arith.constant 14 : i32
          %scan3A_49 = arith.addi %scan3A_47, %scan3A_48 : i32
          %scan3A_50 = arith.constant 1 : i32
          %scan3A_51 = scf.for %scan3A_53 = %scan3A_47 to %scan3A_49 step %scan3A_50 iter_args(%scan3A_54 = %scan3A_46) -> (i32)  : i32 {
            %mul3A_55 = arith.constant 14 : i32
            %mul3A_56 = arith.muli %sub3A_20, %mul3A_55 : i32
            %add3A_57 = arith.addi %mul3A_56, %scan3A_53 : i32
            %mul3A_58 = arith.constant 16 : i32
            %mul3A_59 = arith.muli %add3A_57, %mul3A_58 : i32
            %get3A = arith.index_cast %mul3A_59 : i32 to index
            %get3A_60 = tpu.vector_load %arg9[%get3A] {strides = array<i32>} : memref<3344xf32, #tpu.memory_space<vmem>>, vector<16xf32>,
            %get3A_61 = arith.index_cast %add3A_57 : i32 to index
            %get3A_62 = tpu.vector_load %arg10[%get3A_61] {strides = array<i32>} : memref<224xf32, #tpu.memory_space<vmem>>, vector<16xf32>,
            %slice3A = vector.extract_strided_slice %get3A_62 {offsets = [0], sizes = [1], strides = [1]} : vector<16xf32> to vector<1xf32>
            %squeeze3A = vector.extract %slice3A[0] : f32 from vector<1xf32>
            %mul3A_63 = vector.broadcast %squeeze3A : f32 to vector<16xf32>
            %mul3A_64 = arith.mulf %get3A_60, %mul3A_63 : vector<16xf32>
            %mul3A_65 = arith.constant 8 : i32
            %mul3A_66 = arith.muli %scan3A_53, %mul3A_65 : i32
            %broadcast_in_dim3A_67 = arith.constant 0.000000e+00 : f32
            %broadcast_in_dim3A_68 = vector.broadcast %broadcast_in_dim3A_67 : f32 to vector<16xf32>
            %broadcast_in_dim3A_69 = arith.constant 0.000000e+00 : f32
            %broadcast_in_dim3A_70 = vector.broadcast %broadcast_in_dim3A_69 : f32 to vector<16xf32>
            %broadcast_in_dim3A_71 = arith.constant 0.000000e+00 : f32
            %broadcast_in_dim3A_72 = vector.broadcast %broadcast_in_dim3A_71 : f32 to vector<16xf32>
            %broadcast_in_dim3A_73 = arith.constant 0.000000e+00 : f32
            %broadcast_in_dim3A_74 = vector.broadcast %broadcast_in_dim3A_73 : f32 to vector<16xf32>
            %slice3A_75 = vector.extract_strided_slice %mul3A_64 {offsets = [0], sizes = [1], strides = [1]} : vector<16xf32> to vector<1xf32>
            %squeeze3A_76 = vector.extract %slice3A_75[0] : f32 from vector<1xf32>
            %add3A_77 = arith.constant 0 : i32
            %add3A_78 = arith.addi %mul3A_66, %add3A_77 : i32
            %add3A_79 = arith.constant 0 : i32
            %add3A_80 = arith.addi %add3A_78, %add3A_79 : i32
            %get3A_81 = arith.index_cast %add3A_80 : i32 to index
            %get3A_82 = arith.constant 0 : index
            %get3A_83 = tpu.vector_load %arg12[%get3A_81, %get3A_82] {strides = array<i32>} : memref<112x128xf32, #tpu.memory_space<vmem>>, vector<16xf32>,
            %mul3A_84 = vector.broadcast %squeeze3A_76 : f32 to vector<16xf32>
            %mul3A_85 = arith.mulf %mul3A_84, %get3A_83 : vector<16xf32>
            %add3A_86 = arith.addf %broadcast_in_dim3A_68, %mul3A_85 : vector<16xf32>
            %get3A_87 = arith.index_cast %add3A_80 : i32 to index
            %get3A_88 = arith.constant 16 : index
            %get3A_89 = tpu.vector_load %arg12[%get3A_87, %get3A_88] {strides = array<i32>} : memref<112x128xf32, #tpu.memory_space<vmem>>, vector<16xf32>,
            %mul3A_90 = vector.broadcast %squeeze3A_76 : f32 to vector<16xf32>
            %mul3A_91 = arith.mulf %mul3A_90, %get3A_89 : vector<16xf32>
            %add3A_92 = arith.addf %broadcast_in_dim3A_70, %mul3A_91 : vector<16xf32>
            %get3A_93 = arith.index_cast %add3A_80 : i32 to index
            %get3A_94 = arith.constant 32 : index
            %get3A_95 = tpu.vector_load %arg12[%get3A_93, %get3A_94] {strides = array<i32>} : memref<112x128xf32, #tpu.memory_space<vmem>>, vector<16xf32>,
            %mul3A_96 = vector.broadcast %squeeze3A_76 : f32 to vector<16xf32>
            %mul3A_97 = arith.mulf %mul3A_96, %get3A_95 : vector<16xf32>
            %add3A_98 = arith.addf %broadcast_in_dim3A_72, %mul3A_97 : vector<16xf32>
            %get3A_99 = arith.index_cast %add3A_80 : i32 to index
            %get3A_100 = arith.constant 48 : index
            %get3A_101 = tpu.vector_load %arg12[%get3A_99, %get3A_100] {strides = array<i32>} : memref<112x128xf32, #tpu.memory_space<vmem>>, vector<16xf32>,
            %mul3A_102 = vector.broadcast %squeeze3A_76 : f32 to vector<16xf32>
            %mul3A_103 = arith.mulf %mul3A_102, %get3A_101 : vector<16xf32>
            %add3A_104 = arith.addf %broadcast_in_dim3A_74, %mul3A_103 : vector<16xf32>
            %slice3A_105 = vector.extract_strided_slice %mul3A_64 {offsets = [1], sizes = [1], strides = [1]} : vector<16xf32> to vector<1xf32>
            %squeeze3A_106 = vector.extract %slice3A_105[0] : f32 from vector<1xf32>
            %add3A_107 = arith.constant 0 : i32
            %add3A_108 = arith.addi %mul3A_66, %add3A_107 : i32
            %add3A_109 = arith.constant 0 : i32
            %add3A_110 = arith.addi %add3A_108, %add3A_109 : i32
            %get3A_111 = arith.index_cast %add3A_110 : i32 to index
            %get3A_112 = arith.constant 64 : index
            %get3A_113 = tpu.vector_load %arg12[%get3A_111, %get3A_112] {strides = array<i32>} : memref<112x128xf32, #tpu.memory_space<vmem>>, vector<16xf32>,
            %mul3A_114 = vector.broadcast %squeeze3A_106 : f32 to vector<16xf32>
            %mul3A_115 = arith.mulf %mul3A_114, %get3A_113 : vector<16xf32>
            %add3A_116 = arith.addf %add3A_86, %mul3A_115 : vector<16xf32>
            %get3A_117 = arith.index_cast %add3A_110 : i32 to index
            %get3A_118 = arith.constant 80 : index
            %get3A_119 = tpu.vector_load %arg12[%get3A_117, %get3A_118] {strides = array<i32>} : memref<112x128xf32, #tpu.memory_space<vmem>>, vector<16xf32>,
            %mul3A_120 = vector.broadcast %squeeze3A_106 : f32 to vector<16xf32>
            %mul3A_121 = arith.mulf %mul3A_120, %get3A_119 : vector<16xf32>
            %add3A_122 = arith.addf %add3A_92, %mul3A_121 : vector<16xf32>
            %get3A_123 = arith.index_cast %add3A_110 : i32 to index
            %get3A_124 = arith.constant 96 : index
            %get3A_125 = tpu.vector_load %arg12[%get3A_123, %get3A_124] {strides = array<i32>} : memref<112x128xf32, #tpu.memory_space<vmem>>, vector<16xf32>,
            %mul3A_126 = vector.broadcast %squeeze3A_106 : f32 to vector<16xf32>
            %mul3A_127 = arith.mulf %mul3A_126, %get3A_125 : vector<16xf32>
            %add3A_128 = arith.addf %add3A_98, %mul3A_127 : vector<16xf32>
            %get3A_129 = arith.index_cast %add3A_110 : i32 to index
            %get3A_130 = arith.constant 112 : index
            %get3A_131 = tpu.vector_load %arg12[%get3A_129, %get3A_130] {strides = array<i32>} : memref<112x128xf32, #tpu.memory_space<vmem>>, vector<16xf32>,
            %mul3A_132 = vector.broadcast %squeeze3A_106 : f32 to vector<16xf32>
            %mul3A_133 = arith.mulf %mul3A_132, %get3A_131 : vector<16xf32>
            %add3A_134 = arith.addf %add3A_104, %mul3A_133 : vector<16xf32>
            %slice3A_135 = vector.extract_strided_slice %mul3A_64 {offsets = [2], sizes = [1], strides = [1]} : vector<16xf32> to vector<1xf32>
            %squeeze3A_136 = vector.extract %slice3A_135[0] : f32 from vector<1xf32>
            %add3A_137 = arith.constant 0 : i32
            %add3A_138 = arith.addi %mul3A_66, %add3A_137 : i32
            %add3A_139 = arith.constant 1 : i32
            %add3A_140 = arith.addi %add3A_138, %add3A_139 : i32
            %get3A_141 = arith.index_cast %add3A_140 : i32 to index
            %get3A_142 = arith.constant 0 : index
            %get3A_143 = tpu.vector_load %arg12[%get3A_141, %get3A_142] {strides = array<i32>} : memref<112x128xf32, #tpu.memory_space<vmem>>, vector<16xf32>,
            %mul3A_144 = vector.broadcast %squeeze3A_136 : f32 to vector<16xf32>
            %mul3A_145 = arith.mulf %mul3A_144, %get3A_143 : vector<16xf32>
            %add3A_146 = arith.addf %add3A_116, %mul3A_145 : vector<16xf32>
            %get3A_147 = arith.index_cast %add3A_140 : i32 to index
            %get3A_148 = arith.constant 16 : index
            %get3A_149 = tpu.vector_load %arg12[%get3A_147, %get3A_148] {strides = array<i32>} : memref<112x128xf32, #tpu.memory_space<vmem>>, vector<16xf32>,
            %mul3A_150 = vector.broadcast %squeeze3A_136 : f32 to vector<16xf32>
            %mul3A_151 = arith.mulf %mul3A_150, %get3A_149 : vector<16xf32>
            %add3A_152 = arith.addf %add3A_122, %mul3A_151 : vector<16xf32>
            %get3A_153 = arith.index_cast %add3A_140 : i32 to index
            %get3A_154 = arith.constant 32 : index
            %get3A_155 = tpu.vector_load %arg12[%get3A_153, %get3A_154] {strides = array<i32>} : memref<112x128xf32, #tpu.memory_space<vmem>>, vector<16xf32>,
            %mul3A_156 = vector.broadcast %squeeze3A_136 : f32 to vector<16xf32>
            %mul3A_157 = arith.mulf %mul3A_156, %get3A_155 : vector<16xf32>
            %add3A_158 = arith.addf %add3A_128, %mul3A_157 : vector<16xf32>
            %get3A_159 = arith.index_cast %add3A_140 : i32 to index
            %get3A_160 = arith.constant 48 : index
            %get3A_161 = tpu.vector_load %arg12[%get3A_159, %get3A_160] {strides = array<i32>} : memref<112x128xf32, #tpu.memory_space<vmem>>, vector<16xf32>,
            %mul3A_162 = vector.broadcast %squeeze3A_136 : f32 to vector<16xf32>
            %mul3A_163 = arith.mulf %mul3A_162, %get3A_161 : vector<16xf32>
            %add3A_164 = arith.addf %add3A_134, %mul3A_163 : vector<16xf32>
            %slice3A_165 = vector.extract_strided_slice %mul3A_64 {offsets = [3], sizes = [1], strides = [1]} : vector<16xf32> to vector<1xf32>
            %squeeze3A_166 = vector.extract %slice3A_165[0] : f32 from vector<1xf32>
            %add3A_167 = arith.constant 0 : i32
            %add3A_168 = arith.addi %mul3A_66, %add3A_167 : i32
            %add3A_169 = arith.constant 1 : i32
            %add3A_170 = arith.addi %add3A_168, %add3A_169 : i32
            %get3A_171 = arith.index_cast %add3A_170 : i32 to index
            %get3A_172 = arith.constant 64 : index
            %get3A_173 = tpu.vector_load %arg12[%get3A_171, %get3A_172] {strides = array<i32>} : memref<112x128xf32, #tpu.memory_space<vmem>>, vector<16xf32>,
            %mul3A_174 = vector.broadcast %squeeze3A_166 : f32 to vector<16xf32>
            %mul3A_175 = arith.mulf %mul3A_174, %get3A_173 : vector<16xf32>
            %add3A_176 = arith.addf %add3A_146, %mul3A_175 : vector<16xf32>
            %get3A_177 = arith.index_cast %add3A_170 : i32 to index
            %get3A_178 = arith.constant 80 : index
            %get3A_179 = tpu.vector_load %arg12[%get3A_177, %get3A_178] {strides = array<i32>} : memref<112x128xf32, #tpu.memory_space<vmem>>, vector<16xf32>,
            %mul3A_180 = vector.broadcast %squeeze3A_166 : f32 to vector<16xf32>
            %mul3A_181 = arith.mulf %mul3A_180, %get3A_179 : vector<16xf32>
            %add3A_182 = arith.addf %add3A_152, %mul3A_181 : vector<16xf32>
            %get3A_183 = arith.index_cast %add3A_170 : i32 to index
            %get3A_184 = arith.constant 96 : index
            %get3A_185 = tpu.vector_load %arg12[%get3A_183, %get3A_184] {strides = array<i32>} : memref<112x128xf32, #tpu.memory_space<vmem>>, vector<16xf32>,
            %mul3A_186 = vector.broadcast %squeeze3A_166 : f32 to vector<16xf32>
            %mul3A_187 = arith.mulf %mul3A_186, %get3A_185 : vector<16xf32>
            %add3A_188 = arith.addf %add3A_158, %mul3A_187 : vector<16xf32>
            %get3A_189 = arith.index_cast %add3A_170 : i32 to index
            %get3A_190 = arith.constant 112 : index
            %get3A_191 = tpu.vector_load %arg12[%get3A_189, %get3A_190] {strides = array<i32>} : memref<112x128xf32, #tpu.memory_space<vmem>>, vector<16xf32>,
            %mul3A_192 = vector.broadcast %squeeze3A_166 : f32 to vector<16xf32>
            %mul3A_193 = arith.mulf %mul3A_192, %get3A_191 : vector<16xf32>
            %add3A_194 = arith.addf %add3A_164, %mul3A_193 : vector<16xf32>
            %slice3A_195 = vector.extract_strided_slice %mul3A_64 {offsets = [4], sizes = [1], strides = [1]} : vector<16xf32> to vector<1xf32>
            %squeeze3A_196 = vector.extract %slice3A_195[0] : f32 from vector<1xf32>
            %add3A_197 = arith.constant 2 : i32
            %add3A_198 = arith.addi %mul3A_66, %add3A_197 : i32
            %add3A_199 = arith.constant 0 : i32
            %add3A_200 = arith.addi %add3A_198, %add3A_199 : i32
            %get3A_201 = arith.index_cast %add3A_200 : i32 to index
            %get3A_202 = arith.constant 0 : index
            %get3A_203 = tpu.vector_load %arg12[%get3A_201, %get3A_202] {strides = array<i32>} : memref<112x128xf32, #tpu.memory_space<vmem>>, vector<16xf32>,
            %mul3A_204 = vector.broadcast %squeeze3A_196 : f32 to vector<16xf32>
            %mul3A_205 = arith.mulf %mul3A_204, %get3A_203 : vector<16xf32>
            %add3A_206 = arith.addf %add3A_176, %mul3A_205 : vector<16xf32>
            %get3A_207 = arith.index_cast %add3A_200 : i32 to index
            %get3A_208 = arith.constant 16 : index
            %get3A_209 = tpu.vector_load %arg12[%get3A_207, %get3A_208] {strides = array<i32>} : memref<112x128xf32, #tpu.memory_space<vmem>>, vector<16xf32>,
            %mul3A_210 = vector.broadcast %squeeze3A_196 : f32 to vector<16xf32>
            %mul3A_211 = arith.mulf %mul3A_210, %get3A_209 : vector<16xf32>
            %add3A_212 = arith.addf %add3A_182, %mul3A_211 : vector<16xf32>
            %get3A_213 = arith.index_cast %add3A_200 : i32 to index
            %get3A_214 = arith.constant 32 : index
            %get3A_215 = tpu.vector_load %arg12[%get3A_213, %get3A_214] {strides = array<i32>} : memref<112x128xf32, #tpu.memory_space<vmem>>, vector<16xf32>,
            %mul3A_216 = vector.broadcast %squeeze3A_196 : f32 to vector<16xf32>
            %mul3A_217 = arith.mulf %mul3A_216, %get3A_215 : vector<16xf32>
            %add3A_218 = arith.addf %add3A_188, %mul3A_217 : vector<16xf32>
            %get3A_219 = arith.index_cast %add3A_200 : i32 to index
            %get3A_220 = arith.constant 48 : index
            %get3A_221 = tpu.vector_load %arg12[%get3A_219, %get3A_220] {strides = array<i32>} : memref<112x128xf32, #tpu.memory_space<vmem>>, vector<16xf32>,
            %mul3A_222 = vector.broadcast %squeeze3A_196 : f32 to vector<16xf32>
            %mul3A_223 = arith.mulf %mul3A_222, %get3A_221 : vector<16xf32>
            %add3A_224 = arith.addf %add3A_194, %mul3A_223 : vector<16xf32>
            %slice3A_225 = vector.extract_strided_slice %mul3A_64 {offsets = [5], sizes = [1], strides = [1]} : vector<16xf32> to vector<1xf32>
            %squeeze3A_226 = vector.extract %slice3A_225[0] : f32 from vector<1xf32>
            %add3A_227 = arith.constant 2 : i32
            %add3A_228 = arith.addi %mul3A_66, %add3A_227 : i32
            %add3A_229 = arith.constant 0 : i32
            %add3A_230 = arith.addi %add3A_228, %add3A_229 : i32
            %get3A_231 = arith.index_cast %add3A_230 : i32 to index
            %get3A_232 = arith.constant 64 : index
            %get3A_233 = tpu.vector_load %arg12[%get3A_231, %get3A_232] {strides = array<i32>} : memref<112x128xf32, #tpu.memory_space<vmem>>, vector<16xf32>,
            %mul3A_234 = vector.broadcast %squeeze3A_226 : f32 to vector<16xf32>
            %mul3A_235 = arith.mulf %mul3A_234, %get3A_233 : vector<16xf32>
            %add3A_236 = arith.addf %add3A_206, %mul3A_235 : vector<16xf32>
            %get3A_237 = arith.index_cast %add3A_230 : i32 to index
            %get3A_238 = arith.constant 80 : index
            %get3A_239 = tpu.vector_load %arg12[%get3A_237, %get3A_238] {strides = array<i32>} : memref<112x128xf32, #tpu.memory_space<vmem>>, vector<16xf32>,
            %mul3A_240 = vector.broadcast %squeeze3A_226 : f32 to vector<16xf32>
            %mul3A_241 = arith.mulf %mul3A_240, %get3A_239 : vector<16xf32>
            %add3A_242 = arith.addf %add3A_212, %mul3A_241 : vector<16xf32>
            %get3A_243 = arith.index_cast %add3A_230 : i32 to index
            %get3A_244 = arith.constant 96 : index
            %get3A_245 = tpu.vector_load %arg12[%get3A_243, %get3A_244] {strides = array<i32>} : memref<112x128xf32, #tpu.memory_space<vmem>>, vector<16xf32>,
            %mul3A_246 = vector.broadcast %squeeze3A_226 : f32 to vector<16xf32>
            %mul3A_247 = arith.mulf %mul3A_246, %get3A_245 : vector<16xf32>
            %add3A_248 = arith.addf %add3A_218, %mul3A_247 : vector<16xf32>
            %get3A_249 = arith.index_cast %add3A_230 : i32 to index
            %get3A_250 = arith.constant 112 : index
            %get3A_251 = tpu.vector_load %arg12[%get3A_249, %get3A_250] {strides = array<i32>} : memref<112x128xf32, #tpu.memory_space<vmem>>, vector<16xf32>,
            %mul3A_252 = vector.broadcast %squeeze3A_226 : f32 to vector<16xf32>
            %mul3A_253 = arith.mulf %mul3A_252, %get3A_251 : vector<16xf32>
            %add3A_254 = arith.addf %add3A_224, %mul3A_253 : vector<16xf32>
            %slice3A_255 = vector.extract_strided_slice %mul3A_64 {offsets = [6], sizes = [1], strides = [1]} : vector<16xf32> to vector<1xf32>
            %squeeze3A_256 = vector.extract %slice3A_255[0] : f32 from vector<1xf32>
            %add3A_257 = arith.constant 2 : i32
            %add3A_258 = arith.addi %mul3A_66, %add3A_257 : i32
            %add3A_259 = arith.constant 1 : i32
            %add3A_260 = arith.addi %add3A_258, %add3A_259 : i32
            %get3A_261 = arith.index_cast %add3A_260 : i32 to index
            %get3A_262 = arith.constant 0 : index
            %get3A_263 = tpu.vector_load %arg12[%get3A_261, %get3A_262] {strides = array<i32>} : memref<112x128xf32, #tpu.memory_space<vmem>>, vector<16xf32>,
            %mul3A_264 = vector.broadcast %squeeze3A_256 : f32 to vector<16xf32>
            %mul3A_265 = arith.mulf %mul3A_264, %get3A_263 : vector<16xf32>
            %add3A_266 = arith.addf %add3A_236, %mul3A_265 : vector<16xf32>
            %get3A_267 = arith.index_cast %add3A_260 : i32 to index
            %get3A_268 = arith.constant 16 : index
            %get3A_269 = tpu.vector_load %arg12[%get3A_267, %get3A_268] {strides = array<i32>} : memref<112x128xf32, #tpu.memory_space<vmem>>, vector<16xf32>,
            %mul3A_270 = vector.broadcast %squeeze3A_256 : f32 to vector<16xf32>
            %mul3A_271 = arith.mulf %mul3A_270, %get3A_269 : vector<16xf32>
            %add3A_272 = arith.addf %add3A_242, %mul3A_271 : vector<16xf32>
            %get3A_273 = arith.index_cast %add3A_260 : i32 to index
            %get3A_274 = arith.constant 32 : index
            %get3A_275 = tpu.vector_load %arg12[%get3A_273, %get3A_274] {strides = array<i32>} : memref<112x128xf32, #tpu.memory_space<vmem>>, vector<16xf32>,
            %mul3A_276 = vector.broadcast %squeeze3A_256 : f32 to vector<16xf32>
            %mul3A_277 = arith.mulf %mul3A_276, %get3A_275 : vector<16xf32>
            %add3A_278 = arith.addf %add3A_248, %mul3A_277 : vector<16xf32>
            %get3A_279 = arith.index_cast %add3A_260 : i32 to index
            %get3A_280 = arith.constant 48 : index
            %get3A_281 = tpu.vector_load %arg12[%get3A_279, %get3A_280] {strides = array<i32>} : memref<112x128xf32, #tpu.memory_space<vmem>>, vector<16xf32>,
            %mul3A_282 = vector.broadcast %squeeze3A_256 : f32 to vector<16xf32>
            %mul3A_283 = arith.mulf %mul3A_282, %get3A_281 : vector<16xf32>
            %add3A_284 = arith.addf %add3A_254, %mul3A_283 : vector<16xf32>
            %slice3A_285 = vector.extract_strided_slice %mul3A_64 {offsets = [7], sizes = [1], strides = [1]} : vector<16xf32> to vector<1xf32>
            %squeeze3A_286 = vector.extract %slice3A_285[0] : f32 from vector<1xf32>
            %add3A_287 = arith.constant 2 : i32
            %add3A_288 = arith.addi %mul3A_66, %add3A_287 : i32
            %add3A_289 = arith.constant 1 : i32
            %add3A_290 = arith.addi %add3A_288, %add3A_289 : i32
            %get3A_291 = arith.index_cast %add3A_290 : i32 to index
            %get3A_292 = arith.constant 64 : index
            %get3A_293 = tpu.vector_load %arg12[%get3A_291, %get3A_292] {strides = array<i32>} : memref<112x128xf32, #tpu.memory_space<vmem>>, vector<16xf32>,
            %mul3A_294 = vector.broadcast %squeeze3A_286 : f32 to vector<16xf32>
            %mul3A_295 = arith.mulf %mul3A_294, %get3A_293 : vector<16xf32>
            %add3A_296 = arith.addf %add3A_266, %mul3A_295 : vector<16xf32>
            %get3A_297 = arith.index_cast %add3A_290 : i32 to index
            %get3A_298 = arith.constant 80 : index
            %get3A_299 = tpu.vector_load %arg12[%get3A_297, %get3A_298] {strides = array<i32>} : memref<112x128xf32, #tpu.memory_space<vmem>>, vector<16xf32>,
            %mul3A_300 = vector.broadcast %squeeze3A_286 : f32 to vector<16xf32>
            %mul3A_301 = arith.mulf %mul3A_300, %get3A_299 : vector<16xf32>
            %add3A_302 = arith.addf %add3A_272, %mul3A_301 : vector<16xf32>
            %get3A_303 = arith.index_cast %add3A_290 : i32 to index
            %get3A_304 = arith.constant 96 : index
            %get3A_305 = tpu.vector_load %arg12[%get3A_303, %get3A_304] {strides = array<i32>} : memref<112x128xf32, #tpu.memory_space<vmem>>, vector<16xf32>,
            %mul3A_306 = vector.broadcast %squeeze3A_286 : f32 to vector<16xf32>
            %mul3A_307 = arith.mulf %mul3A_306, %get3A_305 : vector<16xf32>
            %add3A_308 = arith.addf %add3A_278, %mul3A_307 : vector<16xf32>
            %get3A_309 = arith.index_cast %add3A_290 : i32 to index
            %get3A_310 = arith.constant 112 : index
            %get3A_311 = tpu.vector_load %arg12[%get3A_309, %get3A_310] {strides = array<i32>} : memref<112x128xf32, #tpu.memory_space<vmem>>, vector<16xf32>,
            %mul3A_312 = vector.broadcast %squeeze3A_286 : f32 to vector<16xf32>
            %mul3A_313 = arith.mulf %mul3A_312, %get3A_311 : vector<16xf32>
            %add3A_314 = arith.addf %add3A_284, %mul3A_313 : vector<16xf32>
            %slice3A_315 = vector.extract_strided_slice %mul3A_64 {offsets = [8], sizes = [1], strides = [1]} : vector<16xf32> to vector<1xf32>
            %squeeze3A_316 = vector.extract %slice3A_315[0] : f32 from vector<1xf32>
            %add3A_317 = arith.constant 4 : i32
            %add3A_318 = arith.addi %mul3A_66, %add3A_317 : i32
            %add3A_319 = arith.constant 0 : i32
            %add3A_320 = arith.addi %add3A_318, %add3A_319 : i32
            %get3A_321 = arith.index_cast %add3A_320 : i32 to index
            %get3A_322 = arith.constant 0 : index
            %get3A_323 = tpu.vector_load %arg12[%get3A_321, %get3A_322] {strides = array<i32>} : memref<112x128xf32, #tpu.memory_space<vmem>>, vector<16xf32>,
            %mul3A_324 = vector.broadcast %squeeze3A_316 : f32 to vector<16xf32>
            %mul3A_325 = arith.mulf %mul3A_324, %get3A_323 : vector<16xf32>
            %add3A_326 = arith.addf %add3A_296, %mul3A_325 : vector<16xf32>
            %get3A_327 = arith.index_cast %add3A_320 : i32 to index
            %get3A_328 = arith.constant 16 : index
            %get3A_329 = tpu.vector_load %arg12[%get3A_327, %get3A_328] {strides = array<i32>} : memref<112x128xf32, #tpu.memory_space<vmem>>, vector<16xf32>,
            %mul3A_330 = vector.broadcast %squeeze3A_316 : f32 to vector<16xf32>
            %mul3A_331 = arith.mulf %mul3A_330, %get3A_329 : vector<16xf32>
            %add3A_332 = arith.addf %add3A_302, %mul3A_331 : vector<16xf32>
            %get3A_333 = arith.index_cast %add3A_320 : i32 to index
            %get3A_334 = arith.constant 32 : index
            %get3A_335 = tpu.vector_load %arg12[%get3A_333, %get3A_334] {strides = array<i32>} : memref<112x128xf32, #tpu.memory_space<vmem>>, vector<16xf32>,
            %mul3A_336 = vector.broadcast %squeeze3A_316 : f32 to vector<16xf32>
            %mul3A_337 = arith.mulf %mul3A_336, %get3A_335 : vector<16xf32>
            %add3A_338 = arith.addf %add3A_308, %mul3A_337 : vector<16xf32>
            %get3A_339 = arith.index_cast %add3A_320 : i32 to index
            %get3A_340 = arith.constant 48 : index
            %get3A_341 = tpu.vector_load %arg12[%get3A_339, %get3A_340] {strides = array<i32>} : memref<112x128xf32, #tpu.memory_space<vmem>>, vector<16xf32>,
            %mul3A_342 = vector.broadcast %squeeze3A_316 : f32 to vector<16xf32>
            %mul3A_343 = arith.mulf %mul3A_342, %get3A_341 : vector<16xf32>
            %add3A_344 = arith.addf %add3A_314, %mul3A_343 : vector<16xf32>
            %slice3A_345 = vector.extract_strided_slice %mul3A_64 {offsets = [9], sizes = [1], strides = [1]} : vector<16xf32> to vector<1xf32>
            %squeeze3A_346 = vector.extract %slice3A_345[0] : f32 from vector<1xf32>
            %add3A_347 = arith.constant 4 : i32
            %add3A_348 = arith.addi %mul3A_66, %add3A_347 : i32
            %add3A_349 = arith.constant 0 : i32
            %add3A_350 = arith.addi %add3A_348, %add3A_349 : i32
            %get3A_351 = arith.index_cast %add3A_350 : i32 to index
            %get3A_352 = arith.constant 64 : index
            %get3A_353 = tpu.vector_load %arg12[%get3A_351, %get3A_352] {strides = array<i32>} : memref<112x128xf32, #tpu.memory_space<vmem>>, vector<16xf32>,
            %mul3A_354 = vector.broadcast %squeeze3A_346 : f32 to vector<16xf32>
            %mul3A_355 = arith.mulf %mul3A_354, %get3A_353 : vector<16xf32>
            %add3A_356 = arith.addf %add3A_326, %mul3A_355 : vector<16xf32>
            %get3A_357 = arith.index_cast %add3A_350 : i32 to index
            %get3A_358 = arith.constant 80 : index
            %get3A_359 = tpu.vector_load %arg12[%get3A_357, %get3A_358] {strides = array<i32>} : memref<112x128xf32, #tpu.memory_space<vmem>>, vector<16xf32>,
            %mul3A_360 = vector.broadcast %squeeze3A_346 : f32 to vector<16xf32>
            %mul3A_361 = arith.mulf %mul3A_360, %get3A_359 : vector<16xf32>
            %add3A_362 = arith.addf %add3A_332, %mul3A_361 : vector<16xf32>
            %get3A_363 = arith.index_cast %add3A_350 : i32 to index
            %get3A_364 = arith.constant 96 : index
            %get3A_365 = tpu.vector_load %arg12[%get3A_363, %get3A_364] {strides = array<i32>} : memref<112x128xf32, #tpu.memory_space<vmem>>, vector<16xf32>,
            %mul3A_366 = vector.broadcast %squeeze3A_346 : f32 to vector<16xf32>
            %mul3A_367 = arith.mulf %mul3A_366, %get3A_365 : vector<16xf32>
            %add3A_368 = arith.addf %add3A_338, %mul3A_367 : vector<16xf32>
            %get3A_369 = arith.index_cast %add3A_350 : i32 to index
            %get3A_370 = arith.constant 112 : index
            %get3A_371 = tpu.vector_load %arg12[%get3A_369, %get3A_370] {strides = array<i32>} : memref<112x128xf32, #tpu.memory_space<vmem>>, vector<16xf32>,
            %mul3A_372 = vector.broadcast %squeeze3A_346 : f32 to vector<16xf32>
            %mul3A_373 = arith.mulf %mul3A_372, %get3A_371 : vector<16xf32>
            %add3A_374 = arith.addf %add3A_344, %mul3A_373 : vector<16xf32>
            %slice3A_375 = vector.extract_strided_slice %mul3A_64 {offsets = [10], sizes = [1], strides = [1]} : vector<16xf32> to vector<1xf32>
            %squeeze3A_376 = vector.extract %slice3A_375[0] : f32 from vector<1xf32>
            %add3A_377 = arith.constant 4 : i32
            %add3A_378 = arith.addi %mul3A_66, %add3A_377 : i32
            %add3A_379 = arith.constant 1 : i32
            %add3A_380 = arith.addi %add3A_378, %add3A_379 : i32
            %get3A_381 = arith.index_cast %add3A_380 : i32 to index
            %get3A_382 = arith.constant 0 : index
            %get3A_383 = tpu.vector_load %arg12[%get3A_381, %get3A_382] {strides = array<i32>} : memref<112x128xf32, #tpu.memory_space<vmem>>, vector<16xf32>,
            %mul3A_384 = vector.broadcast %squeeze3A_376 : f32 to vector<16xf32>
            %mul3A_385 = arith.mulf %mul3A_384, %get3A_383 : vector<16xf32>
            %add3A_386 = arith.addf %add3A_356, %mul3A_385 : vector<16xf32>
            %get3A_387 = arith.index_cast %add3A_380 : i32 to index
            %get3A_388 = arith.constant 16 : index
            %get3A_389 = tpu.vector_load %arg12[%get3A_387, %get3A_388] {strides = array<i32>} : memref<112x128xf32, #tpu.memory_space<vmem>>, vector<16xf32>,
            %mul3A_390 = vector.broadcast %squeeze3A_376 : f32 to vector<16xf32>
            %mul3A_391 = arith.mulf %mul3A_390, %get3A_389 : vector<16xf32>
            %add3A_392 = arith.addf %add3A_362, %mul3A_391 : vector<16xf32>
            %get3A_393 = arith.index_cast %add3A_380 : i32 to index
            %get3A_394 = arith.constant 32 : index
            %get3A_395 = tpu.vector_load %arg12[%get3A_393, %get3A_394] {strides = array<i32>} : memref<112x128xf32, #tpu.memory_space<vmem>>, vector<16xf32>,
            %mul3A_396 = vector.broadcast %squeeze3A_376 : f32 to vector<16xf32>
            %mul3A_397 = arith.mulf %mul3A_396, %get3A_395 : vector<16xf32>
            %add3A_398 = arith.addf %add3A_368, %mul3A_397 : vector<16xf32>
            %get3A_399 = arith.index_cast %add3A_380 : i32 to index
            %get3A_400 = arith.constant 48 : index
            %get3A_401 = tpu.vector_load %arg12[%get3A_399, %get3A_400] {strides = array<i32>} : memref<112x128xf32, #tpu.memory_space<vmem>>, vector<16xf32>,
            %mul3A_402 = vector.broadcast %squeeze3A_376 : f32 to vector<16xf32>
            %mul3A_403 = arith.mulf %mul3A_402, %get3A_401 : vector<16xf32>
            %add3A_404 = arith.addf %add3A_374, %mul3A_403 : vector<16xf32>
            %slice3A_405 = vector.extract_strided_slice %mul3A_64 {offsets = [11], sizes = [1], strides = [1]} : vector<16xf32> to vector<1xf32>
            %squeeze3A_406 = vector.extract %slice3A_405[0] : f32 from vector<1xf32>
            %add3A_407 = arith.constant 4 : i32
            %add3A_408 = arith.addi %mul3A_66, %add3A_407 : i32
            %add3A_409 = arith.constant 1 : i32
            %add3A_410 = arith.addi %add3A_408, %add3A_409 : i32
            %get3A_411 = arith.index_cast %add3A_410 : i32 to index
            %get3A_412 = arith.constant 64 : index
            %get3A_413 = tpu.vector_load %arg12[%get3A_411, %get3A_412] {strides = array<i32>} : memref<112x128xf32, #tpu.memory_space<vmem>>, vector<16xf32>,
            %mul3A_414 = vector.broadcast %squeeze3A_406 : f32 to vector<16xf32>
            %mul3A_415 = arith.mulf %mul3A_414, %get3A_413 : vector<16xf32>
            %add3A_416 = arith.addf %add3A_386, %mul3A_415 : vector<16xf32>
            %get3A_417 = arith.index_cast %add3A_410 : i32 to index
            %get3A_418 = arith.constant 80 : index
            %get3A_419 = tpu.vector_load %arg12[%get3A_417, %get3A_418] {strides = array<i32>} : memref<112x128xf32, #tpu.memory_space<vmem>>, vector<16xf32>,
            %mul3A_420 = vector.broadcast %squeeze3A_406 : f32 to vector<16xf32>
            %mul3A_421 = arith.mulf %mul3A_420, %get3A_419 : vector<16xf32>
            %add3A_422 = arith.addf %add3A_392, %mul3A_421 : vector<16xf32>
            %get3A_423 = arith.index_cast %add3A_410 : i32 to index
            %get3A_424 = arith.constant 96 : index
            %get3A_425 = tpu.vector_load %arg12[%get3A_423, %get3A_424] {strides = array<i32>} : memref<112x128xf32, #tpu.memory_space<vmem>>, vector<16xf32>,
            %mul3A_426 = vector.broadcast %squeeze3A_406 : f32 to vector<16xf32>
            %mul3A_427 = arith.mulf %mul3A_426, %get3A_425 : vector<16xf32>
            %add3A_428 = arith.addf %add3A_398, %mul3A_427 : vector<16xf32>
            %get3A_429 = arith.index_cast %add3A_410 : i32 to index
            %get3A_430 = arith.constant 112 : index
            %get3A_431 = tpu.vector_load %arg12[%get3A_429, %get3A_430] {strides = array<i32>} : memref<112x128xf32, #tpu.memory_space<vmem>>, vector<16xf32>,
            %mul3A_432 = vector.broadcast %squeeze3A_406 : f32 to vector<16xf32>
            %mul3A_433 = arith.mulf %mul3A_432, %get3A_431 : vector<16xf32>
            %add3A_434 = arith.addf %add3A_404, %mul3A_433 : vector<16xf32>
            %slice3A_435 = vector.extract_strided_slice %mul3A_64 {offsets = [12], sizes = [1], strides = [1]} : vector<16xf32> to vector<1xf32>
            %squeeze3A_436 = vector.extract %slice3A_435[0] : f32 from vector<1xf32>
            %add3A_437 = arith.constant 6 : i32
            %add3A_438 = arith.addi %mul3A_66, %add3A_437 : i32
            %add3A_439 = arith.constant 0 : i32
            %add3A_440 = arith.addi %add3A_438, %add3A_439 : i32
            %get3A_441 = arith.index_cast %add3A_440 : i32 to index
            %get3A_442 = arith.constant 0 : index
            %get3A_443 = tpu.vector_load %arg12[%get3A_441, %get3A_442] {strides = array<i32>} : memref<112x128xf32, #tpu.memory_space<vmem>>, vector<16xf32>,
            %mul3A_444 = vector.broadcast %squeeze3A_436 : f32 to vector<16xf32>
            %mul3A_445 = arith.mulf %mul3A_444, %get3A_443 : vector<16xf32>
            %add3A_446 = arith.addf %add3A_416, %mul3A_445 : vector<16xf32>
            %get3A_447 = arith.index_cast %add3A_440 : i32 to index
            %get3A_448 = arith.constant 16 : index
            %get3A_449 = tpu.vector_load %arg12[%get3A_447, %get3A_448] {strides = array<i32>} : memref<112x128xf32, #tpu.memory_space<vmem>>, vector<16xf32>,
            %mul3A_450 = vector.broadcast %squeeze3A_436 : f32 to vector<16xf32>
            %mul3A_451 = arith.mulf %mul3A_450, %get3A_449 : vector<16xf32>
            %add3A_452 = arith.addf %add3A_422, %mul3A_451 : vector<16xf32>
            %get3A_453 = arith.index_cast %add3A_440 : i32 to index
            %get3A_454 = arith.constant 32 : index
            %get3A_455 = tpu.vector_load %arg12[%get3A_453, %get3A_454] {strides = array<i32>} : memref<112x128xf32, #tpu.memory_space<vmem>>, vector<16xf32>,
            %mul3A_456 = vector.broadcast %squeeze3A_436 : f32 to vector<16xf32>
            %mul3A_457 = arith.mulf %mul3A_456, %get3A_455 : vector<16xf32>
            %add3A_458 = arith.addf %add3A_428, %mul3A_457 : vector<16xf32>
            %get3A_459 = arith.index_cast %add3A_440 : i32 to index
            %get3A_460 = arith.constant 48 : index
            %get3A_461 = tpu.vector_load %arg12[%get3A_459, %get3A_460] {strides = array<i32>} : memref<112x128xf32, #tpu.memory_space<vmem>>, vector<16xf32>,
            %mul3A_462 = vector.broadcast %squeeze3A_436 : f32 to vector<16xf32>
            %mul3A_463 = arith.mulf %mul3A_462, %get3A_461 : vector<16xf32>
            %add3A_464 = arith.addf %add3A_434, %mul3A_463 : vector<16xf32>
            %slice3A_465 = vector.extract_strided_slice %mul3A_64 {offsets = [13], sizes = [1], strides = [1]} : vector<16xf32> to vector<1xf32>
            %squeeze3A_466 = vector.extract %slice3A_465[0] : f32 from vector<1xf32>
            %add3A_467 = arith.constant 6 : i32
            %add3A_468 = arith.addi %mul3A_66, %add3A_467 : i32
            %add3A_469 = arith.constant 0 : i32
            %add3A_470 = arith.addi %add3A_468, %add3A_469 : i32
            %get3A_471 = arith.index_cast %add3A_470 : i32 to index
            %get3A_472 = arith.constant 64 : index
            %get3A_473 = tpu.vector_load %arg12[%get3A_471, %get3A_472] {strides = array<i32>} : memref<112x128xf32, #tpu.memory_space<vmem>>, vector<16xf32>,
            %mul3A_474 = vector.broadcast %squeeze3A_466 : f32 to vector<16xf32>
            %mul3A_475 = arith.mulf %mul3A_474, %get3A_473 : vector<16xf32>
            %add3A_476 = arith.addf %add3A_446, %mul3A_475 : vector<16xf32>
            %get3A_477 = arith.index_cast %add3A_470 : i32 to index
            %get3A_478 = arith.constant 80 : index
            %get3A_479 = tpu.vector_load %arg12[%get3A_477, %get3A_478] {strides = array<i32>} : memref<112x128xf32, #tpu.memory_space<vmem>>, vector<16xf32>,
            %mul3A_480 = vector.broadcast %squeeze3A_466 : f32 to vector<16xf32>
            %mul3A_481 = arith.mulf %mul3A_480, %get3A_479 : vector<16xf32>
            %add3A_482 = arith.addf %add3A_452, %mul3A_481 : vector<16xf32>
            %get3A_483 = arith.index_cast %add3A_470 : i32 to index
            %get3A_484 = arith.constant 96 : index
            %get3A_485 = tpu.vector_load %arg12[%get3A_483, %get3A_484] {strides = array<i32>} : memref<112x128xf32, #tpu.memory_space<vmem>>, vector<16xf32>,
            %mul3A_486 = vector.broadcast %squeeze3A_466 : f32 to vector<16xf32>
            %mul3A_487 = arith.mulf %mul3A_486, %get3A_485 : vector<16xf32>
            %add3A_488 = arith.addf %add3A_458, %mul3A_487 : vector<16xf32>
            %get3A_489 = arith.index_cast %add3A_470 : i32 to index
            %get3A_490 = arith.constant 112 : index
            %get3A_491 = tpu.vector_load %arg12[%get3A_489, %get3A_490] {strides = array<i32>} : memref<112x128xf32, #tpu.memory_space<vmem>>, vector<16xf32>,
            %mul3A_492 = vector.broadcast %squeeze3A_466 : f32 to vector<16xf32>
            %mul3A_493 = arith.mulf %mul3A_492, %get3A_491 : vector<16xf32>
            %add3A_494 = arith.addf %add3A_464, %mul3A_493 : vector<16xf32>
            %slice3A_495 = vector.extract_strided_slice %mul3A_64 {offsets = [14], sizes = [1], strides = [1]} : vector<16xf32> to vector<1xf32>
            %squeeze3A_496 = vector.extract %slice3A_495[0] : f32 from vector<1xf32>
            %add3A_497 = arith.constant 6 : i32
            %add3A_498 = arith.addi %mul3A_66, %add3A_497 : i32
            %add3A_499 = arith.constant 1 : i32
            %add3A_500 = arith.addi %add3A_498, %add3A_499 : i32
            %get3A_501 = arith.index_cast %add3A_500 : i32 to index
            %get3A_502 = arith.constant 0 : index
            %get3A_503 = tpu.vector_load %arg12[%get3A_501, %get3A_502] {strides = array<i32>} : memref<112x128xf32, #tpu.memory_space<vmem>>, vector<16xf32>,
            %mul3A_504 = vector.broadcast %squeeze3A_496 : f32 to vector<16xf32>
            %mul3A_505 = arith.mulf %mul3A_504, %get3A_503 : vector<16xf32>
            %add3A_506 = arith.addf %add3A_476, %mul3A_505 : vector<16xf32>
            %get3A_507 = arith.index_cast %add3A_500 : i32 to index
            %get3A_508 = arith.constant 16 : index
            %get3A_509 = tpu.vector_load %arg12[%get3A_507, %get3A_508] {strides = array<i32>} : memref<112x128xf32, #tpu.memory_space<vmem>>, vector<16xf32>,
            %mul3A_510 = vector.broadcast %squeeze3A_496 : f32 to vector<16xf32>
            %mul3A_511 = arith.mulf %mul3A_510, %get3A_509 : vector<16xf32>
            %add3A_512 = arith.addf %add3A_482, %mul3A_511 : vector<16xf32>
            %get3A_513 = arith.index_cast %add3A_500 : i32 to index
            %get3A_514 = arith.constant 32 : index
            %get3A_515 = tpu.vector_load %arg12[%get3A_513, %get3A_514] {strides = array<i32>} : memref<112x128xf32, #tpu.memory_space<vmem>>, vector<16xf32>,
            %mul3A_516 = vector.broadcast %squeeze3A_496 : f32 to vector<16xf32>
            %mul3A_517 = arith.mulf %mul3A_516, %get3A_515 : vector<16xf32>
            %add3A_518 = arith.addf %add3A_488, %mul3A_517 : vector<16xf32>
            %get3A_519 = arith.index_cast %add3A_500 : i32 to index
            %get3A_520 = arith.constant 48 : index
            %get3A_521 = tpu.vector_load %arg12[%get3A_519, %get3A_520] {strides = array<i32>} : memref<112x128xf32, #tpu.memory_space<vmem>>, vector<16xf32>,
            %mul3A_522 = vector.broadcast %squeeze3A_496 : f32 to vector<16xf32>
            %mul3A_523 = arith.mulf %mul3A_522, %get3A_521 : vector<16xf32>
            %add3A_524 = arith.addf %add3A_494, %mul3A_523 : vector<16xf32>
            %slice3A_525 = vector.extract_strided_slice %mul3A_64 {offsets = [15], sizes = [1], strides = [1]} : vector<16xf32> to vector<1xf32>
            %squeeze3A_526 = vector.extract %slice3A_525[0] : f32 from vector<1xf32>
            %add3A_527 = arith.constant 6 : i32
            %add3A_528 = arith.addi %mul3A_66, %add3A_527 : i32
            %add3A_529 = arith.constant 1 : i32
            %add3A_530 = arith.addi %add3A_528, %add3A_529 : i32
            %get3A_531 = arith.index_cast %add3A_530 : i32 to index
            %get3A_532 = arith.constant 64 : index
            %get3A_533 = tpu.vector_load %arg12[%get3A_531, %get3A_532] {strides = array<i32>} : memref<112x128xf32, #tpu.memory_space<vmem>>, vector<16xf32>,
            %mul3A_534 = vector.broadcast %squeeze3A_526 : f32 to vector<16xf32>
            %mul3A_535 = arith.mulf %mul3A_534, %get3A_533 : vector<16xf32>
            %add3A_536 = arith.addf %add3A_506, %mul3A_535 : vector<16xf32>
            %get3A_537 = arith.index_cast %add3A_530 : i32 to index
            %get3A_538 = arith.constant 80 : index
            %get3A_539 = tpu.vector_load %arg12[%get3A_537, %get3A_538] {strides = array<i32>} : memref<112x128xf32, #tpu.memory_space<vmem>>, vector<16xf32>,
            %mul3A_540 = vector.broadcast %squeeze3A_526 : f32 to vector<16xf32>
            %mul3A_541 = arith.mulf %mul3A_540, %get3A_539 : vector<16xf32>
            %add3A_542 = arith.addf %add3A_512, %mul3A_541 : vector<16xf32>
            %get3A_543 = arith.index_cast %add3A_530 : i32 to index
            %get3A_544 = arith.constant 96 : index
            %get3A_545 = tpu.vector_load %arg12[%get3A_543, %get3A_544] {strides = array<i32>} : memref<112x128xf32, #tpu.memory_space<vmem>>, vector<16xf32>,
            %mul3A_546 = vector.broadcast %squeeze3A_526 : f32 to vector<16xf32>
            %mul3A_547 = arith.mulf %mul3A_546, %get3A_545 : vector<16xf32>
            %add3A_548 = arith.addf %add3A_518, %mul3A_547 : vector<16xf32>
            %get3A_549 = arith.index_cast %add3A_530 : i32 to index
            %get3A_550 = arith.constant 112 : index
            %get3A_551 = tpu.vector_load %arg12[%get3A_549, %get3A_550] {strides = array<i32>} : memref<112x128xf32, #tpu.memory_space<vmem>>, vector<16xf32>,
            %mul3A_552 = vector.broadcast %squeeze3A_526 : f32 to vector<16xf32>
            %mul3A_553 = arith.mulf %mul3A_552, %get3A_551 : vector<16xf32>
            %add3A_554 = arith.addf %add3A_524, %mul3A_553 : vector<16xf32>
            %swap3A = arith.index_cast %add3A_57 : i32 to index
            %swap3A_555 = arith.constant 0 : index
            %swap3A_556 = tpu.vector_load %arg14[%swap3A, %swap3A_555] {strides = array<i32>} : memref<196x64xf32, #tpu.memory_space<vmem>>, vector<16xf32>,
            tpu.vector_store %arg14[%swap3A, %swap3A_555], %add3A_536 {strides = array<i32>} : memref<196x64xf32, #tpu.memory_space<vmem>>, vector<16xf32>,
            %swap3A_557 = arith.index_cast %add3A_57 : i32 to index
            %swap3A_558 = arith.constant 16 : index
            %swap3A_559 = tpu.vector_load %arg14[%swap3A_557, %swap3A_558] {strides = array<i32>} : memref<196x64xf32, #tpu.memory_space<vmem>>, vector<16xf32>,
            tpu.vector_store %arg14[%swap3A_557, %swap3A_558], %add3A_542 {strides = array<i32>} : memref<196x64xf32, #tpu.memory_space<vmem>>, vector<16xf32>,
            %swap3A_560 = arith.index_cast %add3A_57 : i32 to index
            %swap3A_561 = arith.constant 32 : index
            %swap3A_562 = tpu.vector_load %arg14[%swap3A_560, %swap3A_561] {strides = array<i32>} : memref<196x64xf32, #tpu.memory_space<vmem>>, vector<16xf32>,
            tpu.vector_store %arg14[%swap3A_560, %swap3A_561], %add3A_548 {strides = array<i32>} : memref<196x64xf32, #tpu.memory_space<vmem>>, vector<16xf32>,
            %swap3A_563 = arith.index_cast %add3A_57 : i32 to index
            %swap3A_564 = arith.constant 48 : index
            %swap3A_565 = tpu.vector_load %arg14[%swap3A_563, %swap3A_564] {strides = array<i32>} : memref<196x64xf32, #tpu.memory_space<vmem>>, vector<16xf32>,
            tpu.vector_store %arg14[%swap3A_563, %swap3A_564], %add3A_554 {strides = array<i32>} : memref<196x64xf32, #tpu.memory_space<vmem>>, vector<16xf32>,
            %scan3A_566 = arith.constant 0 : i32
            scf.yield %scan3A_566 : i32
          }
          %scan3A_52 = arith.constant 14 : i32
        } else {
        }
        %eq3A_36 = arith.constant 2 : i32
        %eq3A_37 = arith.cmpi eq, %sub3A_26, %eq3A_36 : i32
        %convert_element_type3A_38 = arith.extui %eq3A_37 : i1 to i32
        %cond3A_39 = arith.constant 0 : i32
        %cond3A_40 = arith.cmpi ne, %convert_element_type3A_38, %cond3A_39 : i32
        scf.if %cond3A_40 {
          %mul3A_41 = arith.constant 112 : i32
          %mul3A_42 = arith.muli %sub3A_20, %mul3A_41 : i32
          %dma_wait3A = tpu.memref_slice %arg8[%mul3A_42] : memref<1600xi32, #tpu.memory_space<vmem>> -> memref<112xi32, #tpu.memory_space<vmem>>
          %dma_wait3A_43 = arith.constant 0 : i32
          %dma_wait3A_44 = arith.constant 0 : i32
          %dma_wait3A_45 = tpu.memref_slice %arg2[%dma_wait3A_43, %dma_wait3A_44] : memref<8448x128xf32, #tpu.memory_space<hbm>> -> memref<8448x128xf32, #tpu.memory_space<hbm>>
          tpu.wait_indirect_dma semaphore(%arg17 : memref<!tpu.dma_semaphore, #tpu.memory_space<semaphore_mem>>) src(%dma_wait3A_45 : memref<8448x128xf32, #tpu.memory_space<hbm>>) dst(%arg13 : memref<112x128xf32, #tpu.memory_space<vmem>>)
          %scan3A_46 = arith.constant 0 : i32
          %scan3A_47 = arith.constant 0 : i32
          %scan3A_48 = arith.constant 14 : i32
          %scan3A_49 = arith.addi %scan3A_47, %scan3A_48 : i32
          %scan3A_50 = arith.constant 1 : i32
          %scan3A_51 = scf.for %scan3A_53 = %scan3A_47 to %scan3A_49 step %scan3A_50 iter_args(%scan3A_54 = %scan3A_46) -> (i32)  : i32 {
            %mul3A_55 = arith.constant 14 : i32
            %mul3A_56 = arith.muli %sub3A_20, %mul3A_55 : i32
            %add3A_57 = arith.addi %mul3A_56, %scan3A_53 : i32
            %mul3A_58 = arith.constant 16 : i32
            %mul3A_59 = arith.muli %add3A_57, %mul3A_58 : i32
            %get3A = arith.index_cast %mul3A_59 : i32 to index
            %get3A_60 = tpu.vector_load %arg9[%get3A] {strides = array<i32>} : memref<3344xf32, #tpu.memory_space<vmem>>, vector<16xf32>,
            %get3A_61 = arith.index_cast %add3A_57 : i32 to index
            %get3A_62 = tpu.vector_load %arg10[%get3A_61] {strides = array<i32>} : memref<224xf32, #tpu.memory_space<vmem>>, vector<16xf32>,
            %slice3A = vector.extract_strided_slice %get3A_62 {offsets = [0], sizes = [1], strides = [1]} : vector<16xf32> to vector<1xf32>
            %squeeze3A = vector.extract %slice3A[0] : f32 from vector<1xf32>
            %mul3A_63 = vector.broadcast %squeeze3A : f32 to vector<16xf32>
            %mul3A_64 = arith.mulf %get3A_60, %mul3A_63 : vector<16xf32>
            %mul3A_65 = arith.constant 8 : i32
            %mul3A_66 = arith.muli %scan3A_53, %mul3A_65 : i32
            %broadcast_in_dim3A_67 = arith.constant 0.000000e+00 : f32
            %broadcast_in_dim3A_68 = vector.broadcast %broadcast_in_dim3A_67 : f32 to vector<16xf32>
            %broadcast_in_dim3A_69 = arith.constant 0.000000e+00 : f32
            %broadcast_in_dim3A_70 = vector.broadcast %broadcast_in_dim3A_69 : f32 to vector<16xf32>
            %broadcast_in_dim3A_71 = arith.constant 0.000000e+00 : f32
            %broadcast_in_dim3A_72 = vector.broadcast %broadcast_in_dim3A_71 : f32 to vector<16xf32>
            %broadcast_in_dim3A_73 = arith.constant 0.000000e+00 : f32
            %broadcast_in_dim3A_74 = vector.broadcast %broadcast_in_dim3A_73 : f32 to vector<16xf32>
            %slice3A_75 = vector.extract_strided_slice %mul3A_64 {offsets = [0], sizes = [1], strides = [1]} : vector<16xf32> to vector<1xf32>
            %squeeze3A_76 = vector.extract %slice3A_75[0] : f32 from vector<1xf32>
            %add3A_77 = arith.constant 0 : i32
            %add3A_78 = arith.addi %mul3A_66, %add3A_77 : i32
            %add3A_79 = arith.constant 0 : i32
            %add3A_80 = arith.addi %add3A_78, %add3A_79 : i32
            %get3A_81 = arith.index_cast %add3A_80 : i32 to index
            %get3A_82 = arith.constant 0 : index
            %get3A_83 = tpu.vector_load %arg13[%get3A_81, %get3A_82] {strides = array<i32>} : memref<112x128xf32, #tpu.memory_space<vmem>>, vector<16xf32>,
            %mul3A_84 = vector.broadcast %squeeze3A_76 : f32 to vector<16xf32>
            %mul3A_85 = arith.mulf %mul3A_84, %get3A_83 : vector<16xf32>
            %add3A_86 = arith.addf %broadcast_in_dim3A_68, %mul3A_85 : vector<16xf32>
            %get3A_87 = arith.index_cast %add3A_80 : i32 to index
            %get3A_88 = arith.constant 16 : index
            %get3A_89 = tpu.vector_load %arg13[%get3A_87, %get3A_88] {strides = array<i32>} : memref<112x128xf32, #tpu.memory_space<vmem>>, vector<16xf32>,
            %mul3A_90 = vector.broadcast %squeeze3A_76 : f32 to vector<16xf32>
            %mul3A_91 = arith.mulf %mul3A_90, %get3A_89 : vector<16xf32>
            %add3A_92 = arith.addf %broadcast_in_dim3A_70, %mul3A_91 : vector<16xf32>
            %get3A_93 = arith.index_cast %add3A_80 : i32 to index
            %get3A_94 = arith.constant 32 : index
            %get3A_95 = tpu.vector_load %arg13[%get3A_93, %get3A_94] {strides = array<i32>} : memref<112x128xf32, #tpu.memory_space<vmem>>, vector<16xf32>,
            %mul3A_96 = vector.broadcast %squeeze3A_76 : f32 to vector<16xf32>
            %mul3A_97 = arith.mulf %mul3A_96, %get3A_95 : vector<16xf32>
            %add3A_98 = arith.addf %broadcast_in_dim3A_72, %mul3A_97 : vector<16xf32>
            %get3A_99 = arith.index_cast %add3A_80 : i32 to index
            %get3A_100 = arith.constant 48 : index
            %get3A_101 = tpu.vector_load %arg13[%get3A_99, %get3A_100] {strides = array<i32>} : memref<112x128xf32, #tpu.memory_space<vmem>>, vector<16xf32>,
            %mul3A_102 = vector.broadcast %squeeze3A_76 : f32 to vector<16xf32>
            %mul3A_103 = arith.mulf %mul3A_102, %get3A_101 : vector<16xf32>
            %add3A_104 = arith.addf %broadcast_in_dim3A_74, %mul3A_103 : vector<16xf32>
            %slice3A_105 = vector.extract_strided_slice %mul3A_64 {offsets = [1], sizes = [1], strides = [1]} : vector<16xf32> to vector<1xf32>
            %squeeze3A_106 = vector.extract %slice3A_105[0] : f32 from vector<1xf32>
            %add3A_107 = arith.constant 0 : i32
            %add3A_108 = arith.addi %mul3A_66, %add3A_107 : i32
            %add3A_109 = arith.constant 0 : i32
            %add3A_110 = arith.addi %add3A_108, %add3A_109 : i32
            %get3A_111 = arith.index_cast %add3A_110 : i32 to index
            %get3A_112 = arith.constant 64 : index
            %get3A_113 = tpu.vector_load %arg13[%get3A_111, %get3A_112] {strides = array<i32>} : memref<112x128xf32, #tpu.memory_space<vmem>>, vector<16xf32>,
            %mul3A_114 = vector.broadcast %squeeze3A_106 : f32 to vector<16xf32>
            %mul3A_115 = arith.mulf %mul3A_114, %get3A_113 : vector<16xf32>
            %add3A_116 = arith.addf %add3A_86, %mul3A_115 : vector<16xf32>
            %get3A_117 = arith.index_cast %add3A_110 : i32 to index
            %get3A_118 = arith.constant 80 : index
            %get3A_119 = tpu.vector_load %arg13[%get3A_117, %get3A_118] {strides = array<i32>} : memref<112x128xf32, #tpu.memory_space<vmem>>, vector<16xf32>,
            %mul3A_120 = vector.broadcast %squeeze3A_106 : f32 to vector<16xf32>
            %mul3A_121 = arith.mulf %mul3A_120, %get3A_119 : vector<16xf32>
            %add3A_122 = arith.addf %add3A_92, %mul3A_121 : vector<16xf32>
            %get3A_123 = arith.index_cast %add3A_110 : i32 to index
            %get3A_124 = arith.constant 96 : index
            %get3A_125 = tpu.vector_load %arg13[%get3A_123, %get3A_124] {strides = array<i32>} : memref<112x128xf32, #tpu.memory_space<vmem>>, vector<16xf32>,
            %mul3A_126 = vector.broadcast %squeeze3A_106 : f32 to vector<16xf32>
            %mul3A_127 = arith.mulf %mul3A_126, %get3A_125 : vector<16xf32>
            %add3A_128 = arith.addf %add3A_98, %mul3A_127 : vector<16xf32>
            %get3A_129 = arith.index_cast %add3A_110 : i32 to index
            %get3A_130 = arith.constant 112 : index
            %get3A_131 = tpu.vector_load %arg13[%get3A_129, %get3A_130] {strides = array<i32>} : memref<112x128xf32, #tpu.memory_space<vmem>>, vector<16xf32>,
            %mul3A_132 = vector.broadcast %squeeze3A_106 : f32 to vector<16xf32>
            %mul3A_133 = arith.mulf %mul3A_132, %get3A_131 : vector<16xf32>
            %add3A_134 = arith.addf %add3A_104, %mul3A_133 : vector<16xf32>
            %slice3A_135 = vector.extract_strided_slice %mul3A_64 {offsets = [2], sizes = [1], strides = [1]} : vector<16xf32> to vector<1xf32>
            %squeeze3A_136 = vector.extract %slice3A_135[0] : f32 from vector<1xf32>
            %add3A_137 = arith.constant 0 : i32
            %add3A_138 = arith.addi %mul3A_66, %add3A_137 : i32
            %add3A_139 = arith.constant 1 : i32
            %add3A_140 = arith.addi %add3A_138, %add3A_139 : i32
            %get3A_141 = arith.index_cast %add3A_140 : i32 to index
            %get3A_142 = arith.constant 0 : index
            %get3A_143 = tpu.vector_load %arg13[%get3A_141, %get3A_142] {strides = array<i32>} : memref<112x128xf32, #tpu.memory_space<vmem>>, vector<16xf32>,
            %mul3A_144 = vector.broadcast %squeeze3A_136 : f32 to vector<16xf32>
            %mul3A_145 = arith.mulf %mul3A_144, %get3A_143 : vector<16xf32>
            %add3A_146 = arith.addf %add3A_116, %mul3A_145 : vector<16xf32>
            %get3A_147 = arith.index_cast %add3A_140 : i32 to index
            %get3A_148 = arith.constant 16 : index
            %get3A_149 = tpu.vector_load %arg13[%get3A_147, %get3A_148] {strides = array<i32>} : memref<112x128xf32, #tpu.memory_space<vmem>>, vector<16xf32>,
            %mul3A_150 = vector.broadcast %squeeze3A_136 : f32 to vector<16xf32>
            %mul3A_151 = arith.mulf %mul3A_150, %get3A_149 : vector<16xf32>
            %add3A_152 = arith.addf %add3A_122, %mul3A_151 : vector<16xf32>
            %get3A_153 = arith.index_cast %add3A_140 : i32 to index
            %get3A_154 = arith.constant 32 : index
            %get3A_155 = tpu.vector_load %arg13[%get3A_153, %get3A_154] {strides = array<i32>} : memref<112x128xf32, #tpu.memory_space<vmem>>, vector<16xf32>,
            %mul3A_156 = vector.broadcast %squeeze3A_136 : f32 to vector<16xf32>
            %mul3A_157 = arith.mulf %mul3A_156, %get3A_155 : vector<16xf32>
            %add3A_158 = arith.addf %add3A_128, %mul3A_157 : vector<16xf32>
            %get3A_159 = arith.index_cast %add3A_140 : i32 to index
            %get3A_160 = arith.constant 48 : index
            %get3A_161 = tpu.vector_load %arg13[%get3A_159, %get3A_160] {strides = array<i32>} : memref<112x128xf32, #tpu.memory_space<vmem>>, vector<16xf32>,
            %mul3A_162 = vector.broadcast %squeeze3A_136 : f32 to vector<16xf32>
            %mul3A_163 = arith.mulf %mul3A_162, %get3A_161 : vector<16xf32>
            %add3A_164 = arith.addf %add3A_134, %mul3A_163 : vector<16xf32>
            %slice3A_165 = vector.extract_strided_slice %mul3A_64 {offsets = [3], sizes = [1], strides = [1]} : vector<16xf32> to vector<1xf32>
            %squeeze3A_166 = vector.extract %slice3A_165[0] : f32 from vector<1xf32>
            %add3A_167 = arith.constant 0 : i32
            %add3A_168 = arith.addi %mul3A_66, %add3A_167 : i32
            %add3A_169 = arith.constant 1 : i32
            %add3A_170 = arith.addi %add3A_168, %add3A_169 : i32
            %get3A_171 = arith.index_cast %add3A_170 : i32 to index
            %get3A_172 = arith.constant 64 : index
            %get3A_173 = tpu.vector_load %arg13[%get3A_171, %get3A_172] {strides = array<i32>} : memref<112x128xf32, #tpu.memory_space<vmem>>, vector<16xf32>,
            %mul3A_174 = vector.broadcast %squeeze3A_166 : f32 to vector<16xf32>
            %mul3A_175 = arith.mulf %mul3A_174, %get3A_173 : vector<16xf32>
            %add3A_176 = arith.addf %add3A_146, %mul3A_175 : vector<16xf32>
            %get3A_177 = arith.index_cast %add3A_170 : i32 to index
            %get3A_178 = arith.constant 80 : index
            %get3A_179 = tpu.vector_load %arg13[%get3A_177, %get3A_178] {strides = array<i32>} : memref<112x128xf32, #tpu.memory_space<vmem>>, vector<16xf32>,
            %mul3A_180 = vector.broadcast %squeeze3A_166 : f32 to vector<16xf32>
            %mul3A_181 = arith.mulf %mul3A_180, %get3A_179 : vector<16xf32>
            %add3A_182 = arith.addf %add3A_152, %mul3A_181 : vector<16xf32>
            %get3A_183 = arith.index_cast %add3A_170 : i32 to index
            %get3A_184 = arith.constant 96 : index
            %get3A_185 = tpu.vector_load %arg13[%get3A_183, %get3A_184] {strides = array<i32>} : memref<112x128xf32, #tpu.memory_space<vmem>>, vector<16xf32>,
            %mul3A_186 = vector.broadcast %squeeze3A_166 : f32 to vector<16xf32>
            %mul3A_187 = arith.mulf %mul3A_186, %get3A_185 : vector<16xf32>
            %add3A_188 = arith.addf %add3A_158, %mul3A_187 : vector<16xf32>
            %get3A_189 = arith.index_cast %add3A_170 : i32 to index
            %get3A_190 = arith.constant 112 : index
            %get3A_191 = tpu.vector_load %arg13[%get3A_189, %get3A_190] {strides = array<i32>} : memref<112x128xf32, #tpu.memory_space<vmem>>, vector<16xf32>,
            %mul3A_192 = vector.broadcast %squeeze3A_166 : f32 to vector<16xf32>
            %mul3A_193 = arith.mulf %mul3A_192, %get3A_191 : vector<16xf32>
            %add3A_194 = arith.addf %add3A_164, %mul3A_193 : vector<16xf32>
            %slice3A_195 = vector.extract_strided_slice %mul3A_64 {offsets = [4], sizes = [1], strides = [1]} : vector<16xf32> to vector<1xf32>
            %squeeze3A_196 = vector.extract %slice3A_195[0] : f32 from vector<1xf32>
            %add3A_197 = arith.constant 2 : i32
            %add3A_198 = arith.addi %mul3A_66, %add3A_197 : i32
            %add3A_199 = arith.constant 0 : i32
            %add3A_200 = arith.addi %add3A_198, %add3A_199 : i32
            %get3A_201 = arith.index_cast %add3A_200 : i32 to index
            %get3A_202 = arith.constant 0 : index
            %get3A_203 = tpu.vector_load %arg13[%get3A_201, %get3A_202] {strides = array<i32>} : memref<112x128xf32, #tpu.memory_space<vmem>>, vector<16xf32>,
            %mul3A_204 = vector.broadcast %squeeze3A_196 : f32 to vector<16xf32>
            %mul3A_205 = arith.mulf %mul3A_204, %get3A_203 : vector<16xf32>
            %add3A_206 = arith.addf %add3A_176, %mul3A_205 : vector<16xf32>
            %get3A_207 = arith.index_cast %add3A_200 : i32 to index
            %get3A_208 = arith.constant 16 : index
            %get3A_209 = tpu.vector_load %arg13[%get3A_207, %get3A_208] {strides = array<i32>} : memref<112x128xf32, #tpu.memory_space<vmem>>, vector<16xf32>,
            %mul3A_210 = vector.broadcast %squeeze3A_196 : f32 to vector<16xf32>
            %mul3A_211 = arith.mulf %mul3A_210, %get3A_209 : vector<16xf32>
            %add3A_212 = arith.addf %add3A_182, %mul3A_211 : vector<16xf32>
            %get3A_213 = arith.index_cast %add3A_200 : i32 to index
            %get3A_214 = arith.constant 32 : index
            %get3A_215 = tpu.vector_load %arg13[%get3A_213, %get3A_214] {strides = array<i32>} : memref<112x128xf32, #tpu.memory_space<vmem>>, vector<16xf32>,
            %mul3A_216 = vector.broadcast %squeeze3A_196 : f32 to vector<16xf32>
            %mul3A_217 = arith.mulf %mul3A_216, %get3A_215 : vector<16xf32>
            %add3A_218 = arith.addf %add3A_188, %mul3A_217 : vector<16xf32>
            %get3A_219 = arith.index_cast %add3A_200 : i32 to index
            %get3A_220 = arith.constant 48 : index
            %get3A_221 = tpu.vector_load %arg13[%get3A_219, %get3A_220] {strides = array<i32>} : memref<112x128xf32, #tpu.memory_space<vmem>>, vector<16xf32>,
            %mul3A_222 = vector.broadcast %squeeze3A_196 : f32 to vector<16xf32>
            %mul3A_223 = arith.mulf %mul3A_222, %get3A_221 : vector<16xf32>
            %add3A_224 = arith.addf %add3A_194, %mul3A_223 : vector<16xf32>
            %slice3A_225 = vector.extract_strided_slice %mul3A_64 {offsets = [5], sizes = [1], strides = [1]} : vector<16xf32> to vector<1xf32>
            %squeeze3A_226 = vector.extract %slice3A_225[0] : f32 from vector<1xf32>
            %add3A_227 = arith.constant 2 : i32
            %add3A_228 = arith.addi %mul3A_66, %add3A_227 : i32
            %add3A_229 = arith.constant 0 : i32
            %add3A_230 = arith.addi %add3A_228, %add3A_229 : i32
            %get3A_231 = arith.index_cast %add3A_230 : i32 to index
            %get3A_232 = arith.constant 64 : index
            %get3A_233 = tpu.vector_load %arg13[%get3A_231, %get3A_232] {strides = array<i32>} : memref<112x128xf32, #tpu.memory_space<vmem>>, vector<16xf32>,
            %mul3A_234 = vector.broadcast %squeeze3A_226 : f32 to vector<16xf32>
            %mul3A_235 = arith.mulf %mul3A_234, %get3A_233 : vector<16xf32>
            %add3A_236 = arith.addf %add3A_206, %mul3A_235 : vector<16xf32>
            %get3A_237 = arith.index_cast %add3A_230 : i32 to index
            %get3A_238 = arith.constant 80 : index
            %get3A_239 = tpu.vector_load %arg13[%get3A_237, %get3A_238] {strides = array<i32>} : memref<112x128xf32, #tpu.memory_space<vmem>>, vector<16xf32>,
            %mul3A_240 = vector.broadcast %squeeze3A_226 : f32 to vector<16xf32>
            %mul3A_241 = arith.mulf %mul3A_240, %get3A_239 : vector<16xf32>
            %add3A_242 = arith.addf %add3A_212, %mul3A_241 : vector<16xf32>
            %get3A_243 = arith.index_cast %add3A_230 : i32 to index
            %get3A_244 = arith.constant 96 : index
            %get3A_245 = tpu.vector_load %arg13[%get3A_243, %get3A_244] {strides = array<i32>} : memref<112x128xf32, #tpu.memory_space<vmem>>, vector<16xf32>,
            %mul3A_246 = vector.broadcast %squeeze3A_226 : f32 to vector<16xf32>
            %mul3A_247 = arith.mulf %mul3A_246, %get3A_245 : vector<16xf32>
            %add3A_248 = arith.addf %add3A_218, %mul3A_247 : vector<16xf32>
            %get3A_249 = arith.index_cast %add3A_230 : i32 to index
            %get3A_250 = arith.constant 112 : index
            %get3A_251 = tpu.vector_load %arg13[%get3A_249, %get3A_250] {strides = array<i32>} : memref<112x128xf32, #tpu.memory_space<vmem>>, vector<16xf32>,
            %mul3A_252 = vector.broadcast %squeeze3A_226 : f32 to vector<16xf32>
            %mul3A_253 = arith.mulf %mul3A_252, %get3A_251 : vector<16xf32>
            %add3A_254 = arith.addf %add3A_224, %mul3A_253 : vector<16xf32>
            %slice3A_255 = vector.extract_strided_slice %mul3A_64 {offsets = [6], sizes = [1], strides = [1]} : vector<16xf32> to vector<1xf32>
            %squeeze3A_256 = vector.extract %slice3A_255[0] : f32 from vector<1xf32>
            %add3A_257 = arith.constant 2 : i32
            %add3A_258 = arith.addi %mul3A_66, %add3A_257 : i32
            %add3A_259 = arith.constant 1 : i32
            %add3A_260 = arith.addi %add3A_258, %add3A_259 : i32
            %get3A_261 = arith.index_cast %add3A_260 : i32 to index
            %get3A_262 = arith.constant 0 : index
            %get3A_263 = tpu.vector_load %arg13[%get3A_261, %get3A_262] {strides = array<i32>} : memref<112x128xf32, #tpu.memory_space<vmem>>, vector<16xf32>,
            %mul3A_264 = vector.broadcast %squeeze3A_256 : f32 to vector<16xf32>
            %mul3A_265 = arith.mulf %mul3A_264, %get3A_263 : vector<16xf32>
            %add3A_266 = arith.addf %add3A_236, %mul3A_265 : vector<16xf32>
            %get3A_267 = arith.index_cast %add3A_260 : i32 to index
            %get3A_268 = arith.constant 16 : index
            %get3A_269 = tpu.vector_load %arg13[%get3A_267, %get3A_268] {strides = array<i32>} : memref<112x128xf32, #tpu.memory_space<vmem>>, vector<16xf32>,
            %mul3A_270 = vector.broadcast %squeeze3A_256 : f32 to vector<16xf32>
            %mul3A_271 = arith.mulf %mul3A_270, %get3A_269 : vector<16xf32>
            %add3A_272 = arith.addf %add3A_242, %mul3A_271 : vector<16xf32>
            %get3A_273 = arith.index_cast %add3A_260 : i32 to index
            %get3A_274 = arith.constant 32 : index
            %get3A_275 = tpu.vector_load %arg13[%get3A_273, %get3A_274] {strides = array<i32>} : memref<112x128xf32, #tpu.memory_space<vmem>>, vector<16xf32>,
            %mul3A_276 = vector.broadcast %squeeze3A_256 : f32 to vector<16xf32>
            %mul3A_277 = arith.mulf %mul3A_276, %get3A_275 : vector<16xf32>
            %add3A_278 = arith.addf %add3A_248, %mul3A_277 : vector<16xf32>
            %get3A_279 = arith.index_cast %add3A_260 : i32 to index
            %get3A_280 = arith.constant 48 : index
            %get3A_281 = tpu.vector_load %arg13[%get3A_279, %get3A_280] {strides = array<i32>} : memref<112x128xf32, #tpu.memory_space<vmem>>, vector<16xf32>,
            %mul3A_282 = vector.broadcast %squeeze3A_256 : f32 to vector<16xf32>
            %mul3A_283 = arith.mulf %mul3A_282, %get3A_281 : vector<16xf32>
            %add3A_284 = arith.addf %add3A_254, %mul3A_283 : vector<16xf32>
            %slice3A_285 = vector.extract_strided_slice %mul3A_64 {offsets = [7], sizes = [1], strides = [1]} : vector<16xf32> to vector<1xf32>
            %squeeze3A_286 = vector.extract %slice3A_285[0] : f32 from vector<1xf32>
            %add3A_287 = arith.constant 2 : i32
            %add3A_288 = arith.addi %mul3A_66, %add3A_287 : i32
            %add3A_289 = arith.constant 1 : i32
            %add3A_290 = arith.addi %add3A_288, %add3A_289 : i32
            %get3A_291 = arith.index_cast %add3A_290 : i32 to index
            %get3A_292 = arith.constant 64 : index
            %get3A_293 = tpu.vector_load %arg13[%get3A_291, %get3A_292] {strides = array<i32>} : memref<112x128xf32, #tpu.memory_space<vmem>>, vector<16xf32>,
            %mul3A_294 = vector.broadcast %squeeze3A_286 : f32 to vector<16xf32>
            %mul3A_295 = arith.mulf %mul3A_294, %get3A_293 : vector<16xf32>
            %add3A_296 = arith.addf %add3A_266, %mul3A_295 : vector<16xf32>
            %get3A_297 = arith.index_cast %add3A_290 : i32 to index
            %get3A_298 = arith.constant 80 : index
            %get3A_299 = tpu.vector_load %arg13[%get3A_297, %get3A_298] {strides = array<i32>} : memref<112x128xf32, #tpu.memory_space<vmem>>, vector<16xf32>,
            %mul3A_300 = vector.broadcast %squeeze3A_286 : f32 to vector<16xf32>
            %mul3A_301 = arith.mulf %mul3A_300, %get3A_299 : vector<16xf32>
            %add3A_302 = arith.addf %add3A_272, %mul3A_301 : vector<16xf32>
            %get3A_303 = arith.index_cast %add3A_290 : i32 to index
            %get3A_304 = arith.constant 96 : index
            %get3A_305 = tpu.vector_load %arg13[%get3A_303, %get3A_304] {strides = array<i32>} : memref<112x128xf32, #tpu.memory_space<vmem>>, vector<16xf32>,
            %mul3A_306 = vector.broadcast %squeeze3A_286 : f32 to vector<16xf32>
            %mul3A_307 = arith.mulf %mul3A_306, %get3A_305 : vector<16xf32>
            %add3A_308 = arith.addf %add3A_278, %mul3A_307 : vector<16xf32>
            %get3A_309 = arith.index_cast %add3A_290 : i32 to index
            %get3A_310 = arith.constant 112 : index
            %get3A_311 = tpu.vector_load %arg13[%get3A_309, %get3A_310] {strides = array<i32>} : memref<112x128xf32, #tpu.memory_space<vmem>>, vector<16xf32>,
            %mul3A_312 = vector.broadcast %squeeze3A_286 : f32 to vector<16xf32>
            %mul3A_313 = arith.mulf %mul3A_312, %get3A_311 : vector<16xf32>
            %add3A_314 = arith.addf %add3A_284, %mul3A_313 : vector<16xf32>
            %slice3A_315 = vector.extract_strided_slice %mul3A_64 {offsets = [8], sizes = [1], strides = [1]} : vector<16xf32> to vector<1xf32>
            %squeeze3A_316 = vector.extract %slice3A_315[0] : f32 from vector<1xf32>
            %add3A_317 = arith.constant 4 : i32
            %add3A_318 = arith.addi %mul3A_66, %add3A_317 : i32
            %add3A_319 = arith.constant 0 : i32
            %add3A_320 = arith.addi %add3A_318, %add3A_319 : i32
            %get3A_321 = arith.index_cast %add3A_320 : i32 to index
            %get3A_322 = arith.constant 0 : index
            %get3A_323 = tpu.vector_load %arg13[%get3A_321, %get3A_322] {strides = array<i32>} : memref<112x128xf32, #tpu.memory_space<vmem>>, vector<16xf32>,
            %mul3A_324 = vector.broadcast %squeeze3A_316 : f32 to vector<16xf32>
            %mul3A_325 = arith.mulf %mul3A_324, %get3A_323 : vector<16xf32>
            %add3A_326 = arith.addf %add3A_296, %mul3A_325 : vector<16xf32>
            %get3A_327 = arith.index_cast %add3A_320 : i32 to index
            %get3A_328 = arith.constant 16 : index
            %get3A_329 = tpu.vector_load %arg13[%get3A_327, %get3A_328] {strides = array<i32>} : memref<112x128xf32, #tpu.memory_space<vmem>>, vector<16xf32>,
            %mul3A_330 = vector.broadcast %squeeze3A_316 : f32 to vector<16xf32>
            %mul3A_331 = arith.mulf %mul3A_330, %get3A_329 : vector<16xf32>
            %add3A_332 = arith.addf %add3A_302, %mul3A_331 : vector<16xf32>
            %get3A_333 = arith.index_cast %add3A_320 : i32 to index
            %get3A_334 = arith.constant 32 : index
            %get3A_335 = tpu.vector_load %arg13[%get3A_333, %get3A_334] {strides = array<i32>} : memref<112x128xf32, #tpu.memory_space<vmem>>, vector<16xf32>,
            %mul3A_336 = vector.broadcast %squeeze3A_316 : f32 to vector<16xf32>
            %mul3A_337 = arith.mulf %mul3A_336, %get3A_335 : vector<16xf32>
            %add3A_338 = arith.addf %add3A_308, %mul3A_337 : vector<16xf32>
            %get3A_339 = arith.index_cast %add3A_320 : i32 to index
            %get3A_340 = arith.constant 48 : index
            %get3A_341 = tpu.vector_load %arg13[%get3A_339, %get3A_340] {strides = array<i32>} : memref<112x128xf32, #tpu.memory_space<vmem>>, vector<16xf32>,
            %mul3A_342 = vector.broadcast %squeeze3A_316 : f32 to vector<16xf32>
            %mul3A_343 = arith.mulf %mul3A_342, %get3A_341 : vector<16xf32>
            %add3A_344 = arith.addf %add3A_314, %mul3A_343 : vector<16xf32>
            %slice3A_345 = vector.extract_strided_slice %mul3A_64 {offsets = [9], sizes = [1], strides = [1]} : vector<16xf32> to vector<1xf32>
            %squeeze3A_346 = vector.extract %slice3A_345[0] : f32 from vector<1xf32>
            %add3A_347 = arith.constant 4 : i32
            %add3A_348 = arith.addi %mul3A_66, %add3A_347 : i32
            %add3A_349 = arith.constant 0 : i32
            %add3A_350 = arith.addi %add3A_348, %add3A_349 : i32
            %get3A_351 = arith.index_cast %add3A_350 : i32 to index
            %get3A_352 = arith.constant 64 : index
            %get3A_353 = tpu.vector_load %arg13[%get3A_351, %get3A_352] {strides = array<i32>} : memref<112x128xf32, #tpu.memory_space<vmem>>, vector<16xf32>,
            %mul3A_354 = vector.broadcast %squeeze3A_346 : f32 to vector<16xf32>
            %mul3A_355 = arith.mulf %mul3A_354, %get3A_353 : vector<16xf32>
            %add3A_356 = arith.addf %add3A_326, %mul3A_355 : vector<16xf32>
            %get3A_357 = arith.index_cast %add3A_350 : i32 to index
            %get3A_358 = arith.constant 80 : index
            %get3A_359 = tpu.vector_load %arg13[%get3A_357, %get3A_358] {strides = array<i32>} : memref<112x128xf32, #tpu.memory_space<vmem>>, vector<16xf32>,
            %mul3A_360 = vector.broadcast %squeeze3A_346 : f32 to vector<16xf32>
            %mul3A_361 = arith.mulf %mul3A_360, %get3A_359 : vector<16xf32>
            %add3A_362 = arith.addf %add3A_332, %mul3A_361 : vector<16xf32>
            %get3A_363 = arith.index_cast %add3A_350 : i32 to index
            %get3A_364 = arith.constant 96 : index
            %get3A_365 = tpu.vector_load %arg13[%get3A_363, %get3A_364] {strides = array<i32>} : memref<112x128xf32, #tpu.memory_space<vmem>>, vector<16xf32>,
            %mul3A_366 = vector.broadcast %squeeze3A_346 : f32 to vector<16xf32>
            %mul3A_367 = arith.mulf %mul3A_366, %get3A_365 : vector<16xf32>
            %add3A_368 = arith.addf %add3A_338, %mul3A_367 : vector<16xf32>
            %get3A_369 = arith.index_cast %add3A_350 : i32 to index
            %get3A_370 = arith.constant 112 : index
            %get3A_371 = tpu.vector_load %arg13[%get3A_369, %get3A_370] {strides = array<i32>} : memref<112x128xf32, #tpu.memory_space<vmem>>, vector<16xf32>,
            %mul3A_372 = vector.broadcast %squeeze3A_346 : f32 to vector<16xf32>
            %mul3A_373 = arith.mulf %mul3A_372, %get3A_371 : vector<16xf32>
            %add3A_374 = arith.addf %add3A_344, %mul3A_373 : vector<16xf32>
            %slice3A_375 = vector.extract_strided_slice %mul3A_64 {offsets = [10], sizes = [1], strides = [1]} : vector<16xf32> to vector<1xf32>
            %squeeze3A_376 = vector.extract %slice3A_375[0] : f32 from vector<1xf32>
            %add3A_377 = arith.constant 4 : i32
            %add3A_378 = arith.addi %mul3A_66, %add3A_377 : i32
            %add3A_379 = arith.constant 1 : i32
            %add3A_380 = arith.addi %add3A_378, %add3A_379 : i32
            %get3A_381 = arith.index_cast %add3A_380 : i32 to index
            %get3A_382 = arith.constant 0 : index
            %get3A_383 = tpu.vector_load %arg13[%get3A_381, %get3A_382] {strides = array<i32>} : memref<112x128xf32, #tpu.memory_space<vmem>>, vector<16xf32>,
            %mul3A_384 = vector.broadcast %squeeze3A_376 : f32 to vector<16xf32>
            %mul3A_385 = arith.mulf %mul3A_384, %get3A_383 : vector<16xf32>
            %add3A_386 = arith.addf %add3A_356, %mul3A_385 : vector<16xf32>
            %get3A_387 = arith.index_cast %add3A_380 : i32 to index
            %get3A_388 = arith.constant 16 : index
            %get3A_389 = tpu.vector_load %arg13[%get3A_387, %get3A_388] {strides = array<i32>} : memref<112x128xf32, #tpu.memory_space<vmem>>, vector<16xf32>,
            %mul3A_390 = vector.broadcast %squeeze3A_376 : f32 to vector<16xf32>
            %mul3A_391 = arith.mulf %mul3A_390, %get3A_389 : vector<16xf32>
            %add3A_392 = arith.addf %add3A_362, %mul3A_391 : vector<16xf32>
            %get3A_393 = arith.index_cast %add3A_380 : i32 to index
            %get3A_394 = arith.constant 32 : index
            %get3A_395 = tpu.vector_load %arg13[%get3A_393, %get3A_394] {strides = array<i32>} : memref<112x128xf32, #tpu.memory_space<vmem>>, vector<16xf32>,
            %mul3A_396 = vector.broadcast %squeeze3A_376 : f32 to vector<16xf32>
            %mul3A_397 = arith.mulf %mul3A_396, %get3A_395 : vector<16xf32>
            %add3A_398 = arith.addf %add3A_368, %mul3A_397 : vector<16xf32>
            %get3A_399 = arith.index_cast %add3A_380 : i32 to index
            %get3A_400 = arith.constant 48 : index
            %get3A_401 = tpu.vector_load %arg13[%get3A_399, %get3A_400] {strides = array<i32>} : memref<112x128xf32, #tpu.memory_space<vmem>>, vector<16xf32>,
            %mul3A_402 = vector.broadcast %squeeze3A_376 : f32 to vector<16xf32>
            %mul3A_403 = arith.mulf %mul3A_402, %get3A_401 : vector<16xf32>
            %add3A_404 = arith.addf %add3A_374, %mul3A_403 : vector<16xf32>
            %slice3A_405 = vector.extract_strided_slice %mul3A_64 {offsets = [11], sizes = [1], strides = [1]} : vector<16xf32> to vector<1xf32>
            %squeeze3A_406 = vector.extract %slice3A_405[0] : f32 from vector<1xf32>
            %add3A_407 = arith.constant 4 : i32
            %add3A_408 = arith.addi %mul3A_66, %add3A_407 : i32
            %add3A_409 = arith.constant 1 : i32
            %add3A_410 = arith.addi %add3A_408, %add3A_409 : i32
            %get3A_411 = arith.index_cast %add3A_410 : i32 to index
            %get3A_412 = arith.constant 64 : index
            %get3A_413 = tpu.vector_load %arg13[%get3A_411, %get3A_412] {strides = array<i32>} : memref<112x128xf32, #tpu.memory_space<vmem>>, vector<16xf32>,
            %mul3A_414 = vector.broadcast %squeeze3A_406 : f32 to vector<16xf32>
            %mul3A_415 = arith.mulf %mul3A_414, %get3A_413 : vector<16xf32>
            %add3A_416 = arith.addf %add3A_386, %mul3A_415 : vector<16xf32>
            %get3A_417 = arith.index_cast %add3A_410 : i32 to index
            %get3A_418 = arith.constant 80 : index
            %get3A_419 = tpu.vector_load %arg13[%get3A_417, %get3A_418] {strides = array<i32>} : memref<112x128xf32, #tpu.memory_space<vmem>>, vector<16xf32>,
            %mul3A_420 = vector.broadcast %squeeze3A_406 : f32 to vector<16xf32>
            %mul3A_421 = arith.mulf %mul3A_420, %get3A_419 : vector<16xf32>
            %add3A_422 = arith.addf %add3A_392, %mul3A_421 : vector<16xf32>
            %get3A_423 = arith.index_cast %add3A_410 : i32 to index
            %get3A_424 = arith.constant 96 : index
            %get3A_425 = tpu.vector_load %arg13[%get3A_423, %get3A_424] {strides = array<i32>} : memref<112x128xf32, #tpu.memory_space<vmem>>, vector<16xf32>,
            %mul3A_426 = vector.broadcast %squeeze3A_406 : f32 to vector<16xf32>
            %mul3A_427 = arith.mulf %mul3A_426, %get3A_425 : vector<16xf32>
            %add3A_428 = arith.addf %add3A_398, %mul3A_427 : vector<16xf32>
            %get3A_429 = arith.index_cast %add3A_410 : i32 to index
            %get3A_430 = arith.constant 112 : index
            %get3A_431 = tpu.vector_load %arg13[%get3A_429, %get3A_430] {strides = array<i32>} : memref<112x128xf32, #tpu.memory_space<vmem>>, vector<16xf32>,
            %mul3A_432 = vector.broadcast %squeeze3A_406 : f32 to vector<16xf32>
            %mul3A_433 = arith.mulf %mul3A_432, %get3A_431 : vector<16xf32>
            %add3A_434 = arith.addf %add3A_404, %mul3A_433 : vector<16xf32>
            %slice3A_435 = vector.extract_strided_slice %mul3A_64 {offsets = [12], sizes = [1], strides = [1]} : vector<16xf32> to vector<1xf32>
            %squeeze3A_436 = vector.extract %slice3A_435[0] : f32 from vector<1xf32>
            %add3A_437 = arith.constant 6 : i32
            %add3A_438 = arith.addi %mul3A_66, %add3A_437 : i32
            %add3A_439 = arith.constant 0 : i32
            %add3A_440 = arith.addi %add3A_438, %add3A_439 : i32
            %get3A_441 = arith.index_cast %add3A_440 : i32 to index
            %get3A_442 = arith.constant 0 : index
            %get3A_443 = tpu.vector_load %arg13[%get3A_441, %get3A_442] {strides = array<i32>} : memref<112x128xf32, #tpu.memory_space<vmem>>, vector<16xf32>,
            %mul3A_444 = vector.broadcast %squeeze3A_436 : f32 to vector<16xf32>
            %mul3A_445 = arith.mulf %mul3A_444, %get3A_443 : vector<16xf32>
            %add3A_446 = arith.addf %add3A_416, %mul3A_445 : vector<16xf32>
            %get3A_447 = arith.index_cast %add3A_440 : i32 to index
            %get3A_448 = arith.constant 16 : index
            %get3A_449 = tpu.vector_load %arg13[%get3A_447, %get3A_448] {strides = array<i32>} : memref<112x128xf32, #tpu.memory_space<vmem>>, vector<16xf32>,
            %mul3A_450 = vector.broadcast %squeeze3A_436 : f32 to vector<16xf32>
            %mul3A_451 = arith.mulf %mul3A_450, %get3A_449 : vector<16xf32>
            %add3A_452 = arith.addf %add3A_422, %mul3A_451 : vector<16xf32>
            %get3A_453 = arith.index_cast %add3A_440 : i32 to index
            %get3A_454 = arith.constant 32 : index
            %get3A_455 = tpu.vector_load %arg13[%get3A_453, %get3A_454] {strides = array<i32>} : memref<112x128xf32, #tpu.memory_space<vmem>>, vector<16xf32>,
            %mul3A_456 = vector.broadcast %squeeze3A_436 : f32 to vector<16xf32>
            %mul3A_457 = arith.mulf %mul3A_456, %get3A_455 : vector<16xf32>
            %add3A_458 = arith.addf %add3A_428, %mul3A_457 : vector<16xf32>
            %get3A_459 = arith.index_cast %add3A_440 : i32 to index
            %get3A_460 = arith.constant 48 : index
            %get3A_461 = tpu.vector_load %arg13[%get3A_459, %get3A_460] {strides = array<i32>} : memref<112x128xf32, #tpu.memory_space<vmem>>, vector<16xf32>,
            %mul3A_462 = vector.broadcast %squeeze3A_436 : f32 to vector<16xf32>
            %mul3A_463 = arith.mulf %mul3A_462, %get3A_461 : vector<16xf32>
            %add3A_464 = arith.addf %add3A_434, %mul3A_463 : vector<16xf32>
            %slice3A_465 = vector.extract_strided_slice %mul3A_64 {offsets = [13], sizes = [1], strides = [1]} : vector<16xf32> to vector<1xf32>
            %squeeze3A_466 = vector.extract %slice3A_465[0] : f32 from vector<1xf32>
            %add3A_467 = arith.constant 6 : i32
            %add3A_468 = arith.addi %mul3A_66, %add3A_467 : i32
            %add3A_469 = arith.constant 0 : i32
            %add3A_470 = arith.addi %add3A_468, %add3A_469 : i32
            %get3A_471 = arith.index_cast %add3A_470 : i32 to index
            %get3A_472 = arith.constant 64 : index
            %get3A_473 = tpu.vector_load %arg13[%get3A_471, %get3A_472] {strides = array<i32>} : memref<112x128xf32, #tpu.memory_space<vmem>>, vector<16xf32>,
            %mul3A_474 = vector.broadcast %squeeze3A_466 : f32 to vector<16xf32>
            %mul3A_475 = arith.mulf %mul3A_474, %get3A_473 : vector<16xf32>
            %add3A_476 = arith.addf %add3A_446, %mul3A_475 : vector<16xf32>
            %get3A_477 = arith.index_cast %add3A_470 : i32 to index
            %get3A_478 = arith.constant 80 : index
            %get3A_479 = tpu.vector_load %arg13[%get3A_477, %get3A_478] {strides = array<i32>} : memref<112x128xf32, #tpu.memory_space<vmem>>, vector<16xf32>,
            %mul3A_480 = vector.broadcast %squeeze3A_466 : f32 to vector<16xf32>
            %mul3A_481 = arith.mulf %mul3A_480, %get3A_479 : vector<16xf32>
            %add3A_482 = arith.addf %add3A_452, %mul3A_481 : vector<16xf32>
            %get3A_483 = arith.index_cast %add3A_470 : i32 to index
            %get3A_484 = arith.constant 96 : index
            %get3A_485 = tpu.vector_load %arg13[%get3A_483, %get3A_484] {strides = array<i32>} : memref<112x128xf32, #tpu.memory_space<vmem>>, vector<16xf32>,
            %mul3A_486 = vector.broadcast %squeeze3A_466 : f32 to vector<16xf32>
            %mul3A_487 = arith.mulf %mul3A_486, %get3A_485 : vector<16xf32>
            %add3A_488 = arith.addf %add3A_458, %mul3A_487 : vector<16xf32>
            %get3A_489 = arith.index_cast %add3A_470 : i32 to index
            %get3A_490 = arith.constant 112 : index
            %get3A_491 = tpu.vector_load %arg13[%get3A_489, %get3A_490] {strides = array<i32>} : memref<112x128xf32, #tpu.memory_space<vmem>>, vector<16xf32>,
            %mul3A_492 = vector.broadcast %squeeze3A_466 : f32 to vector<16xf32>
            %mul3A_493 = arith.mulf %mul3A_492, %get3A_491 : vector<16xf32>
            %add3A_494 = arith.addf %add3A_464, %mul3A_493 : vector<16xf32>
            %slice3A_495 = vector.extract_strided_slice %mul3A_64 {offsets = [14], sizes = [1], strides = [1]} : vector<16xf32> to vector<1xf32>
            %squeeze3A_496 = vector.extract %slice3A_495[0] : f32 from vector<1xf32>
            %add3A_497 = arith.constant 6 : i32
            %add3A_498 = arith.addi %mul3A_66, %add3A_497 : i32
            %add3A_499 = arith.constant 1 : i32
            %add3A_500 = arith.addi %add3A_498, %add3A_499 : i32
            %get3A_501 = arith.index_cast %add3A_500 : i32 to index
            %get3A_502 = arith.constant 0 : index
            %get3A_503 = tpu.vector_load %arg13[%get3A_501, %get3A_502] {strides = array<i32>} : memref<112x128xf32, #tpu.memory_space<vmem>>, vector<16xf32>,
            %mul3A_504 = vector.broadcast %squeeze3A_496 : f32 to vector<16xf32>
            %mul3A_505 = arith.mulf %mul3A_504, %get3A_503 : vector<16xf32>
            %add3A_506 = arith.addf %add3A_476, %mul3A_505 : vector<16xf32>
            %get3A_507 = arith.index_cast %add3A_500 : i32 to index
            %get3A_508 = arith.constant 16 : index
            %get3A_509 = tpu.vector_load %arg13[%get3A_507, %get3A_508] {strides = array<i32>} : memref<112x128xf32, #tpu.memory_space<vmem>>, vector<16xf32>,
            %mul3A_510 = vector.broadcast %squeeze3A_496 : f32 to vector<16xf32>
            %mul3A_511 = arith.mulf %mul3A_510, %get3A_509 : vector<16xf32>
            %add3A_512 = arith.addf %add3A_482, %mul3A_511 : vector<16xf32>
            %get3A_513 = arith.index_cast %add3A_500 : i32 to index
            %get3A_514 = arith.constant 32 : index
            %get3A_515 = tpu.vector_load %arg13[%get3A_513, %get3A_514] {strides = array<i32>} : memref<112x128xf32, #tpu.memory_space<vmem>>, vector<16xf32>,
            %mul3A_516 = vector.broadcast %squeeze3A_496 : f32 to vector<16xf32>
            %mul3A_517 = arith.mulf %mul3A_516, %get3A_515 : vector<16xf32>
            %add3A_518 = arith.addf %add3A_488, %mul3A_517 : vector<16xf32>
            %get3A_519 = arith.index_cast %add3A_500 : i32 to index
            %get3A_520 = arith.constant 48 : index
            %get3A_521 = tpu.vector_load %arg13[%get3A_519, %get3A_520] {strides = array<i32>} : memref<112x128xf32, #tpu.memory_space<vmem>>, vector<16xf32>,
            %mul3A_522 = vector.broadcast %squeeze3A_496 : f32 to vector<16xf32>
            %mul3A_523 = arith.mulf %mul3A_522, %get3A_521 : vector<16xf32>
            %add3A_524 = arith.addf %add3A_494, %mul3A_523 : vector<16xf32>
            %slice3A_525 = vector.extract_strided_slice %mul3A_64 {offsets = [15], sizes = [1], strides = [1]} : vector<16xf32> to vector<1xf32>
            %squeeze3A_526 = vector.extract %slice3A_525[0] : f32 from vector<1xf32>
            %add3A_527 = arith.constant 6 : i32
            %add3A_528 = arith.addi %mul3A_66, %add3A_527 : i32
            %add3A_529 = arith.constant 1 : i32
            %add3A_530 = arith.addi %add3A_528, %add3A_529 : i32
            %get3A_531 = arith.index_cast %add3A_530 : i32 to index
            %get3A_532 = arith.constant 64 : index
            %get3A_533 = tpu.vector_load %arg13[%get3A_531, %get3A_532] {strides = array<i32>} : memref<112x128xf32, #tpu.memory_space<vmem>>, vector<16xf32>,
            %mul3A_534 = vector.broadcast %squeeze3A_526 : f32 to vector<16xf32>
            %mul3A_535 = arith.mulf %mul3A_534, %get3A_533 : vector<16xf32>
            %add3A_536 = arith.addf %add3A_506, %mul3A_535 : vector<16xf32>
            %get3A_537 = arith.index_cast %add3A_530 : i32 to index
            %get3A_538 = arith.constant 80 : index
            %get3A_539 = tpu.vector_load %arg13[%get3A_537, %get3A_538] {strides = array<i32>} : memref<112x128xf32, #tpu.memory_space<vmem>>, vector<16xf32>,
            %mul3A_540 = vector.broadcast %squeeze3A_526 : f32 to vector<16xf32>
            %mul3A_541 = arith.mulf %mul3A_540, %get3A_539 : vector<16xf32>
            %add3A_542 = arith.addf %add3A_512, %mul3A_541 : vector<16xf32>
            %get3A_543 = arith.index_cast %add3A_530 : i32 to index
            %get3A_544 = arith.constant 96 : index
            %get3A_545 = tpu.vector_load %arg13[%get3A_543, %get3A_544] {strides = array<i32>} : memref<112x128xf32, #tpu.memory_space<vmem>>, vector<16xf32>,
            %mul3A_546 = vector.broadcast %squeeze3A_526 : f32 to vector<16xf32>
            %mul3A_547 = arith.mulf %mul3A_546, %get3A_545 : vector<16xf32>
            %add3A_548 = arith.addf %add3A_518, %mul3A_547 : vector<16xf32>
            %get3A_549 = arith.index_cast %add3A_530 : i32 to index
            %get3A_550 = arith.constant 112 : index
            %get3A_551 = tpu.vector_load %arg13[%get3A_549, %get3A_550] {strides = array<i32>} : memref<112x128xf32, #tpu.memory_space<vmem>>, vector<16xf32>,
            %mul3A_552 = vector.broadcast %squeeze3A_526 : f32 to vector<16xf32>
            %mul3A_553 = arith.mulf %mul3A_552, %get3A_551 : vector<16xf32>
            %add3A_554 = arith.addf %add3A_524, %mul3A_553 : vector<16xf32>
            %swap3A = arith.index_cast %add3A_57 : i32 to index
            %swap3A_555 = arith.constant 0 : index
            %swap3A_556 = tpu.vector_load %arg14[%swap3A, %swap3A_555] {strides = array<i32>} : memref<196x64xf32, #tpu.memory_space<vmem>>, vector<16xf32>,
            tpu.vector_store %arg14[%swap3A, %swap3A_555], %add3A_536 {strides = array<i32>} : memref<196x64xf32, #tpu.memory_space<vmem>>, vector<16xf32>,
            %swap3A_557 = arith.index_cast %add3A_57 : i32 to index
            %swap3A_558 = arith.constant 16 : index
            %swap3A_559 = tpu.vector_load %arg14[%swap3A_557, %swap3A_558] {strides = array<i32>} : memref<196x64xf32, #tpu.memory_space<vmem>>, vector<16xf32>,
            tpu.vector_store %arg14[%swap3A_557, %swap3A_558], %add3A_542 {strides = array<i32>} : memref<196x64xf32, #tpu.memory_space<vmem>>, vector<16xf32>,
            %swap3A_560 = arith.index_cast %add3A_57 : i32 to index
            %swap3A_561 = arith.constant 32 : index
            %swap3A_562 = tpu.vector_load %arg14[%swap3A_560, %swap3A_561] {strides = array<i32>} : memref<196x64xf32, #tpu.memory_space<vmem>>, vector<16xf32>,
            tpu.vector_store %arg14[%swap3A_560, %swap3A_561], %add3A_548 {strides = array<i32>} : memref<196x64xf32, #tpu.memory_space<vmem>>, vector<16xf32>,
            %swap3A_563 = arith.index_cast %add3A_57 : i32 to index
            %swap3A_564 = arith.constant 48 : index
            %swap3A_565 = tpu.vector_load %arg14[%swap3A_563, %swap3A_564] {strides = array<i32>} : memref<196x64xf32, #tpu.memory_space<vmem>>, vector<16xf32>,
            tpu.vector_store %arg14[%swap3A_563, %swap3A_564], %add3A_554 {strides = array<i32>} : memref<196x64xf32, #tpu.memory_space<vmem>>, vector<16xf32>,
            %scan3A_566 = arith.constant 0 : i32
            scf.yield %scan3A_566 : i32
          }
          %scan3A_52 = arith.constant 14 : i32
        } else {
        }
      } else {
      }
      %scan3A_19 = arith.constant 0 : i32
      scf.yield %scan3A_19 : i32
    }
    %scan3A_9 = arith.constant 16 : i32
    "tpu.region"() ({
      %run_scoped3A = tpu.sem_alloc : memref<!tpu.dma_semaphore, #tpu.memory_space<semaphore_mem>>
      %dma_start3A = arith.constant 0 : i32
      %dma_start3A_10 = arith.constant 0 : i32
      %dma_start3A_11 = tpu.memref_slice %arg5[%add3A, %dma_start3A, %dma_start3A_10] : memref<32x196x64xf32, #tpu.memory_space<hbm>> -> memref<1x196x64xf32, #tpu.memory_space<hbm>>
      %dma_start3A_12 = tpu.memref_squeeze %dma_start3A_11 : memref<1x196x64xf32, #tpu.memory_space<hbm>> -> memref<196x64xf32, #tpu.memory_space<hbm>>
      %dma_start3A_13 = arith.constant 0 : i32
      %dma_start3A_14 = arith.constant 0 : i32
      %dma_start3A_15 = tpu.memref_slice %arg5[%add3A, %dma_start3A_13, %dma_start3A_14] : memref<32x196x64xf32, #tpu.memory_space<hbm>> -> memref<1x196x64xf32, #tpu.memory_space<hbm>>
      %dma_start3A_16 = tpu.memref_squeeze %dma_start3A_15 : memref<1x196x64xf32, #tpu.memory_space<hbm>> -> memref<196x64xf32, #tpu.memory_space<hbm>>
      tpu.enqueue_dma source(%arg14 : memref<196x64xf32, #tpu.memory_space<vmem>>) target(%dma_start3A_16 : memref<196x64xf32, #tpu.memory_space<hbm>>) target_semaphore(%run_scoped3A : memref<!tpu.dma_semaphore, #tpu.memory_space<semaphore_mem>>)
      %dma_wait3A = arith.constant 0 : i32
      %dma_wait3A_17 = arith.constant 0 : i32
      %dma_wait3A_18 = tpu.memref_slice %arg5[%add3A, %dma_wait3A, %dma_wait3A_17] : memref<32x196x64xf32, #tpu.memory_space<hbm>> -> memref<1x196x64xf32, #tpu.memory_space<hbm>>
      %dma_wait3A_19 = tpu.memref_squeeze %dma_wait3A_18 : memref<1x196x64xf32, #tpu.memory_space<hbm>> -> memref<196x64xf32, #tpu.memory_space<hbm>>
      %dma_wait3A_20 = arith.constant 0 : i32
      %dma_wait3A_21 = arith.constant 0 : i32
      %dma_wait3A_22 = tpu.memref_slice %arg5[%add3A, %dma_wait3A_20, %dma_wait3A_21] : memref<32x196x64xf32, #tpu.memory_space<hbm>> -> memref<1x196x64xf32, #tpu.memory_space<hbm>>
      %dma_wait3A_23 = tpu.memref_squeeze %dma_wait3A_22 : memref<1x196x64xf32, #tpu.memory_space<hbm>> -> memref<196x64xf32, #tpu.memory_space<hbm>>
      tpu.wait_dma2 semaphore(%run_scoped3A : memref<!tpu.dma_semaphore, #tpu.memory_space<semaphore_mem>>) src(%arg14 : memref<196x64xf32, #tpu.memory_space<vmem>>) dst(%dma_wait3A_23 : memref<196x64xf32, #tpu.memory_space<hbm>>)
      tpu.yield
    }) : () -> ()
    return
  }
}

</mosaic_0001>

<sc_bundles>
// kernel: _scpool.3.cloned.1.call-start
scs
__scs_entry_jumppad:
0x0: {  	(pc) =	sbr.rel $0x88, $3  }
0x1: {  	(tag) =	ssettag $0x0;
	lr =	simm.s32 $0x1  }
0x2: {  	[smem:$0x3F9E] =	sst lr;
	_ =	strace $0xD0000000  }
0x3: {  	_ = 	snop  }
0x4: {  	_ = 	snop  }
0x5: {  	_ = 	snop  }
0x6: {  	_ = 	snop  }
0x7: {  	_ = 	snop  }
__scs_overlays_trampoline_lowered:
0x8: {  	[smem:$0x3FAD] =	sst s0  }
0x9: {  	[smem:$0x3FAE] =	sst s1  }
0xa: {  	[smem:$0x3FAF] =	sst s2  }
0xb: {  	[smem:$0x3FB0] =	sst s3  }
0xc: {  	[smem:$0x3FB1] =	sst s4  }
0xd: {  	[smem:$0x3FB2] =	sst s5  }
0xe: {  	[smem:$0x3FB3] =	sst s6  }
0xf: {  	[smem:$0x3FB4] =	sst s7  }
0x10: {  	[smem:$0x3FB5] =	sst s8  }
0x11: {  	[smem:$0x3FB6] =	sst s9;
	s0 =	simm.s32 @!p0 $0x0  }
0x12: {  	s1 =	sld [smem:$0x3F9C];
	s0 =	simm.s32 @p0 $0x1  }
0x13: {  	[smem:$0x3FB7] =	sst s0;
	s0 =	simm.s32 @!p1 $0x0  }
0x14: {  	s2 =	sld [smem:$0x3F9B];
	s0 =	simm.s32 @p1 $0x1  }
0x15: {  	[smem:$0x3FB8] =	sst s0;
	s0 =	simm.s32 @!p2 $0x0  }
0x16: {  	s3 =	sld [smem:$0x3FDB];
	s0 =	simm.s32 @p2 $0x1  }
0x17: {  	s4 =	simm.s32 $0x1BF5;
	[smem:$0x3FBA] =	sst s0  }
0x18: {  	s0 =	sld [smem:$0x3F9D];
	_ =	swait.ge [sflag:s4], $0x0  }
0x19: {  	s7 =	sld [smem:$0x3F9E]  }
0x1a: {  	s8 =	sadd.s32 $0xFFFFE003, lr  }
0x1b: {  	s9 =	sadd.s32 $0xFFFFFEF7, lr;
	s5 =	simm.s32 $0xFFFFFFFF;
	p2 =	slt.u32 s8, $0xFFFFF086  }
0x1c: {  	p1 =	slt.u32 s9, $0xF7A;
	s5 =	simm.s32 @!p2 $0x0  }
0x1d: {  	s5 =	simm.s32 @p1 $0x1;
	p0 =	seq.s32 s7, s2  }
0x1e: {  	s7 =	smul.u32 @!p0 $0xF7A, s2;
	p2 =	seq.s32 @!p0 s5, $0x0  }
0x1f: {  	s9 =	smul.u32 $0xF7A, s1;
	s8 =	simm.s32 @!p0 $0x1BF5;
	p2 =	por !p2, p0  }
0x20: {  	[sflag:s8] =	ssyncset.s32 @!p0 $0xFFFFF086;
	s6 =	sadd.s32 @!p0 s3, s7;
	s7 =	simm.s32 @!p0 $0x108  }
0x21: {  	s3 =	sadd.s32 s3, s9;
	s6 =	sadd.s32 @!p0 $0x88, s6;
	s7 =	simm.s32 @p2 $0x1082  }
0x22: {  	[simem:s7], [sflag:s8] =	dma.local @!p0 [hbm:s6], $0xF7A  }
0x23: {  	s9 =	sor.u32 $0xD0000000, s2;
	s6 =	simm.s32 $0x108;
	_ =	swait.ge @!p0 [sflag:s8], $0x0  }
0x24: {  	s3 =	sadd.s32 $0x88, s3;
	s6 =	simm.s32 @!p1 $0x1082;
	[sflag:s4] =	ssyncset.s32 $0xFFFFF086  }
0x25: {  	[simem:s6], [sflag:s4] =	dma.local [hbm:s3], $0xF7A  }
0x26: {  	[smem:$0x3F9E] =	sst s1;
	(tag) =	ssettag s2;
	_ =	strace s9  }
0x27: {  	s1 =	sld [smem:$0x3FAE]  }
0x28: {  	s2 =	sld [smem:$0x3FAF]  }
0x29: {  	s4 =	sld [smem:$0x3FB1]  }
0x2a: {  	p0 =	seq.s32 s5, $0x0;
	s5 =	sld [smem:$0x3FB2]  }
0x2b: {  	s6 =	sld [smem:$0x3FB3]  }
0x2c: {  	s7 =	sld [smem:$0x3FB4]  }
0x2d: {  	s3 =	simm.s32 $0x108;
	s8 =	sld [smem:$0x3FB5]  }
0x2e: {  	s3 =	simm.s32 @!p0 $0x1082;
	s9 =	sld [smem:$0x3FB6]  }
0x2f: {  	lr =	sadd.s32 s0, s3;
	s0 =	sld [smem:$0x3FAD]  }
0x30: {  	s3 =	sld [smem:$0x3FB0]  }
0x31: {  	[smem:$0x3FB9] =	sst s10  }
0x32: {  	s10 =	sld [smem:$0x3FB7];
	_ =	sdelay $0x3  }
0x33: {  	p0 =	seq.s32 s10, $0x1;
	s10 =	sld [smem:$0x3FB9];
	_ =	sdelay $0x3  }
0x34: {  	[smem:$0x3FB9] =	sst s10  }
0x35: {  	s10 =	sld [smem:$0x3FB8];
	_ =	sdelay $0x3  }
0x36: {  	p1 =	seq.s32 s10, $0x1;
	s10 =	sld [smem:$0x3FB9];
	_ =	sdelay $0x3  }
0x37: {  	[smem:$0x3FB9] =	sst s10  }
0x38: {  	s10 =	sld [smem:$0x3FBA]  }
0x39: {  	_ = 	snop;
	(pc) =	sbr.ind lr, $3  }
0x3a: {  	_ = 	snop  }
0x3b: {  	_ = 	snop  }
0x3c: {  	p2 =	seq.s32 s10, $0x1;
	s10 =	sld [smem:$0x3FB9]  }
0x3d: {  	_ =	shalt  }
0x3e: {  	_ =	shalt  }
0x3f: {  	_ =	shalt  }
0x40: {  	_ =	shalt  }
0x41: {  	_ =	shalt  }
0x42: {  	_ =	shalt  }
0x43: {  	_ =	shalt  }
0x44: {  	_ =	shalt  }
0x45: {  	_ =	shalt  }
0x46: {  	_ =	shalt  }
0x47: {  	_ =	shalt  }
0x48: {  	_ =	shalt  }
0x49: {  	_ =	shalt  }
0x4a: {  	_ =	shalt  }
0x4b: {  	_ =	shalt  }
0x4c: {  	_ =	shalt  }
0x4d: {  	_ =	shalt  }
0x4e: {  	_ =	shalt  }
0x4f: {  	_ =	shalt  }
0x50: {  	_ =	shalt  }
0x51: {  	_ =	shalt  }
0x52: {  	_ =	shalt  }
0x53: {  	_ =	shalt  }
0x54: {  	_ =	shalt  }
0x55: {  	_ =	shalt  }
0x56: {  	_ =	shalt  }
0x57: {  	_ =	shalt  }
0x58: {  	_ =	shalt  }
0x59: {  	_ =	shalt  }
0x5a: {  	_ =	shalt  }
0x5b: {  	_ =	shalt  }
0x5c: {  	_ =	shalt  }
0x5d: {  	_ =	shalt  }
0x5e: {  	_ =	shalt  }
0x5f: {  	_ =	shalt  }
0x60: {  	_ =	shalt  }
0x61: {  	_ =	shalt  }
0x62: {  	_ =	shalt  }
0x63: {  	_ =	shalt  }
0x64: {  	_ =	shalt  }
0x65: {  	_ =	shalt  }
0x66: {  	_ =	shalt  }
0x67: {  	_ =	shalt  }
0x68: {  	_ =	shalt  }
0x69: {  	_ =	shalt  }
0x6a: {  	_ =	shalt  }
0x6b: {  	_ =	shalt  }
0x6c: {  	_ =	shalt  }
0x6d: {  	_ =	shalt  }
0x6e: {  	_ =	shalt  }
0x6f: {  	_ =	shalt  }
0x70: {  	_ =	shalt  }
0x71: {  	_ =	shalt  }
0x72: {  	_ =	shalt  }
0x73: {  	_ =	shalt  }
0x74: {  	_ =	shalt  }
0x75: {  	_ =	shalt  }
0x76: {  	_ =	shalt  }
0x77: {  	_ =	shalt  }
0x78: {  	_ =	shalt  }
0x79: {  	_ =	shalt  }
0x7a: {  	_ =	shalt  }
0x7b: {  	_ =	shalt  }
0x7c: {  	_ =	shalt  }
0x7d: {  	_ =	shalt  }
0x7e: {  	_ =	shalt  }
0x7f: {  	_ =	shalt  }
0x80: {  	_ =	shalt  }
0x81: {  	_ =	shalt  }
0x82: {  	_ =	shalt  }
0x83: {  	_ =	shalt  }
0x84: {  	_ =	shalt  }
0x85: {  	_ =	shalt  }
0x86: {  	_ =	shalt  }
0x87: {  	_ =	shalt  }
.Lfunc_end0:
.L_simem_size_0:
called_computation_lowered:
.L_overlay_start_0:
0x88: {  	s2 =	sld [smem:$0x3FD9]  }
0x89: {  	s3 =	sld [smem:$0x3FFE];
	_ =	sdelay $0x1  }
0x8a: {  	s1 =	srdreg.scid  }
0x8b: {  	s0 =	sand.u32 $0x1, s1  }
0x8c: {  	s17 =	sshll.u32 s0, $0xA;
	s2 =	sadd.s32 s3, s2  }
0x8d: {  	s2 =	sadd.s32 s2, s17  }
0x8e: {  	[smem:$0x3FC5] =	sst s2  }
0x8f: {  	_ = 	snop  }
0x90: {  	s2 =	sld [smem:$0x3FC9]  }
0x91: {  	s18 =	sld [smem:$0x3FC8]  }
0x92: {  	s4 =	sld [smem:$0x3FC7];
	(tm) =	ssettm $0x1  }
0x93: {  	s5 =	sld [smem:$0x3FFB];
	_ =	sdelay $0x3  }
0x94: {  	_ =	strace s5  }
0x95: {  	s5 =	sld [smem:$0x3FFC];
	_ =	sdelay $0x3  }
0x96: {  	_ =	strace s5  }
0x97: {  	s5 =	sld [smem:$0x3FFD];
	_ =	sdelay $0x3  }
0x98: {  	_ =	strace s5  }
0x99: {  	_ =	strace $0x8FFFFFFF  }
0x9a: {  	s19 =	sld [smem:$0x3FDB];
	_ =	sdelay $0x1  }
0x9b: {  	s6 =	simm.s32 $_scs_section_size  }
0x9c: {  	s7 =	simm.s32 $_size__tile_overlayer_lowered;
	s8 =	simm.s32 $_tile_overlayer_lowered  }
0x9d: {  	s22 =	simm.s32 $0x1BFF;
	s21 =	sshll.u32 s8, $0x1;
	s5 =	sadd.s32 s6, s19  }
0x9e: {  	s9 =	simm.s32 $0x0;
	s20 =	sshll.u32 s7, $0x1;
	s7 =	sadd.s32 s21, s5  }
0x9f: {  	[timem:s9], [sflag:s22] =	dma.local [hbm:s7], s20  }
0xa0: {  	_ =	swait.ge [sflag:s22], s20  }
0xa1: {  	s6 =	ssub.s32 $0x0, s20;
	[sflag:s22] =	ssyncset.done $0x0  }
0xa2: {  	[sflag:s22] =	ssyncadd.s32 s6;
	_ =	sdelay $0x1  }
0xa3: {  	s23 =	simm.s32 $0x1B8B  }
0xa4: {  	_ =	swait.ge [sflag:s23], $0x1  }
0xa5: {  	[sflag:s23] =	ssyncset.done $0x0  }
0xa6: {  	s25 =	simm.s32 $0x1B8E;
	s24 =	sld [smem:$0x3FFE];
	[sflag:s23] =	ssyncadd.s32 $0xFFFFFFFF  }
0xa7: {  	s26 =	simm.s32 $execute0_lowered;
	[smem:$0x3FD2] =	sst s25  }
0xa8: {  	s7 =	sshll.u32 s26, $0x1;
	_ =	strace $0x80000046;
	[dreg:$0x1] =	wrdreg $0xFFFFFFFF  }
0xa9: {  	s28 =	simm.s32 $_size_execute0_lowered;
	s5 =	sadd.s32 s5, s7;
	[dreg:$0x0] =	wrdreg $0x0  }
0xaa: {  	s7 =	sshll.u32 s28, $0x1;
	[dreg:$0x2] =	wrdreg s5  }
0xab: {  	[dreg:$0x3] =	wrdreg s7  }
0xac: {  	[dreg:$0x4] =	wrdreg $0xC0  }
0xad: {  	_ =	task [dreg:s9], $0x5FFFF  }
0xae: {  	[dreg:$0x1] =	wrdreg $0xFFFFFFFF  }
0xaf: {  	[dreg:$0x0] =	wrdreg $0x60  }
0xb0: {  	[dreg:$0x2] =	wrdreg s2  }
0xb1: {  	[dreg:$0x3] =	wrdreg s18  }
0xb2: {  	[dreg:$0x4] =	wrdreg s4  }
0xb3: {  	[dreg:$0x5] =	wrdreg s24  }
0xb4: {  	[dreg:$0x6] =	wrdreg $0x9  }
0xb5: {  	_ =	task.clear_ibuf [dreg:s9], $0x7FFFF;
	_ =	strace $0x90000046  }
0xb6: {  	s29 =	simm.s32 $0x9;
	_ =	strace $0x80000048  }
0xb7: {  	_ =	swait.ge [sflag:s29], $0x1  }
0xb8: {  	[sflag:s29] =	ssyncadd.s32 $0xFFFFFFFF  }
0xb9: {  	_ =	strace $0x90000048  }
0xba: {  	_ =	sfence  }
0xbb: {  	s30 =	sld [smem:$0x0];
	_ =	sdelay $0x2  }
0xbc: {  	s31 =	sshll.u32 s1, $0xD;
	s1 =	sshrl.u32 s1, $0x2  }
0xbd: {  	s3 =	sand.u32 $0x4000, s31;
	s1 =	sadd.s32 s1, s30  }
0xbe: {  	s0 =	sor.u32 s3, s0;
	s1 =	sshll.u32 s1, $0x11  }
0xbf: {  	s0 =	sor.u32 s1, s0  }
0xc0: {  	s0 =	sadd.s32 $0x8F2B, s0  }
0xc1: {  	[sflag:s0] =	ssyncadd.remote.s32 $0x1  }
0xc2: {  	_ =	sfence.sel $0xFFFF  }
0xc3: {  	[dreg:$0x0] =	wrdreg $0xFFFFFFFF;
	(pc) =	sbr.abs _section_cstart, $3  }
0xc4: {  	[dreg:$0x1] =	wrdreg $0xFFFFFFFF  }
0xc5: {  	_ =	task.clear_ibuf [dreg:s9], $0x2FFFF;
	_ =	strace $0x9FFFFFFF  }
0xc6: {  	(tm) =	ssettm $0x7FFFFFFF  }
0xc7: {  	_ =	shalt  }
tec
execute0_lowered:
.L_overlay_start_1:
0x0: {  	(tag) =	ssettag $0x1  }
0x1: {  	s1 =	rddreg [dreg:$0x0]  }
0x2: {  	s2 =	rddreg [dreg:$0x1]  }
0x3: {  	s3 =	rddreg [dreg:$0x2]  }
0x4: {  	s6 =	rddreg [dreg:$0x3];
	s4 =	simm.s32 $0x0  }
0x5: {  	[smem:$0x7FF] =	sst s4  }
0x6: {  	s0 =	rddreg [dreg:$0x4];
	v0 =	vimm.f32 $7.000000000e+00;
	_ =	strace $0x80000047  }
0x7: {  	(erf) = vrcp.f32 v0;
	_ =	sdelay $0x2  }
0x8: {  	s7 =	srdreg.scid;
	s5 =	stileid.u32;
	s11 =	simm.s32 $0x2  }
0x9: {  	s13 =	simm.s32 $0xF200;
	s7 =	sand.u32 $0x1, s7;
	s8 =	sshll.u32 s5, $0x1  }
.Ltmp0:
0xa: {  	s8 =	sor.u32 s7, s8;
	s7 =	ssub.s32 $0x2, s7;
	(pc) =	sbr.rel .LBB2_1-.Ltmp0, $4  }
0xb: {  	s14 =	simm.s32 $0x0;
	s9 =	smul.u32 $0xC80, s8;
	s10 =	sshrl.u32 s7, $0x1  }
0xc: {  	s12 =	sshll.u32 s8, $0x2;
	s8 =	simm.s32 $0x4;
	s7 =	ssub.s32 s7, s10  }
0xd: {  	s10 =	simm.s32 $0x3;
	v0 =	vmov s12;
	s12 =	simm.s32 $0x1;
	s6 =	sadd.s32 s9, s6  }
0xe: {  	s7 =	smax.u32 s7, $0x1;
	s9 =	simm.s32 $0x300;
	s6 =	sadd.s32 $0x400, s6;
	v1 =	vpop (erf)  }
.LBB2_16:
0xf: {  	s14 =	sadd.s32 $0x1, s14  }
0x10: {  	p0 =	sne.s32 s14, s7  }
.Ltmp1:
0x11: {  	_ = 	snop;
	(pc) =	sbr.rel @!p0 .LBB2_17-.Ltmp1, $4  }
0x12: {  	[hbm4b:s6+s4] =	stream.linear.scatter [tilespmem:s13], [sflag:$0x4], $0x6200, $0x38;
	[tilespmem:$0x15600] =	vst v63  }
0x13: {  	_ =	swait.ge [sflag:s8], $0x6200  }
0x14: {  	[sflag:s8] =	ssyncset.done $0x0  }
0x15: {  	[sflag:s8] =	ssyncadd.s32 $0xFFFF9E00  }
.LBB2_1:
0x16: {  	[tilespmem:s4], [sflag:$0x4] =	stream.linear.gather [hbm4b:s2+s4], $0x300, $0x38;
	[tilespmem:$0x15600] =	vst v63  }
0x17: {  	_ =	swait.ge [sflag:s8], $0x300  }
0x18: {  	[sflag:s8] =	ssyncset.done $0x0  }
.Ltmp2:
0x19: {  	[sflag:s8] =	ssyncadd.s32 $0xFFFFFD00;
	(pc) =	sbr.rel .LBB2_2-.Ltmp2, $4  }
0x1a: {  	[tilespmem:s9], [sflag:$0x4] =	stream.linear.gather [hbm4b:s3+s4], $0x3200, $0x38;
	[tilespmem:$0x15600] =	vst v63  }
0x1b: {  	_ =	swait.ge [sflag:s8], $0x3200  }
0x1c: {  	s15 =	simm.s32 $0xE400;
	s16 =	simm.s32 $0x39C0;
	[sflag:s8] =	ssyncset.done $0x0  }
0x1d: {  	s17 =	simm.s32 $0x4900;
	s18 =	simm.s32 $0x0;
	[sflag:s8] =	ssyncadd.s32 $0xFFFFCE00  }
.LBB2_15:
0x1e: {  	s18 =	sadd.s32 $0x1, s18  }
0x1f: {  	p0 =	sne.s32 s18, $0x10  }
.Ltmp3:
0x20: {  	_ = 	snop;
	(pc) =	sbr.rel @!p0 .LBB2_16-.Ltmp3, $2  }
0x21: {  	_ =	sdelay $0x2  }
0x22: {  	s15 =	sadd.s32 $0x700, s15;
	s16 =	sadd.s32 $0xE0, s16;
	s17 =	sadd.s32 $0xE, s17  }
.LBB2_2:
0x23: {  	p0 =	sgt.u32 s18, $0xD  }
0x24: {  	s19 =	smul.u32 @!p0 $0xE, s18  }
0x25: {  	v2 =	vlaneseq.u32 @!p0  }
0x26: {  	v5 =	vadd.s32 @!p0 s19, v2  }
0x27: {  	v2 =	vmul.u32 @!p0 $0x53B, v5;
	_ =	sdelay $0x1  }
0x28: {  	v2 =	vshrl.u32 @!p0 v2, $0x10  }
0x29: {  	v3 =	vadd.s32 @!p0 v0, v2  }
0x2a: {  	v4 =	vmul.u32 @!p0 $0x5, v3;
	_ =	sdelay $0x1  }
0x2b: {  	v6 =	vadd.s32 @!p0 $0x3, v4  }
0x2c: {  	v7 =	vadd.s32 @!p0 $0x4, v4  }
0x2d: {  	v8 =	vadd.s32 @!p0 $0x1, v4  }
0x2e: {  	v9 =	vadd.s32 @!p0 $0x2, v4  }
0x2f: {  	s20 =	simm.s32 @!p0 $0x0  }
0x30: {  	v6 =	vld.idx.msk @!p0 [tilespmem:v6+s20+$0x0], $0xffff  }
0x31: {  	v7 =	vld.idx.msk @!p0 [tilespmem:v7+s20+$0x0], $0xffff  }
0x32: {  	v8 =	vld.idx.msk @!p0 [tilespmem:v8+s20+$0x0], $0xffff  }
0x33: {  	v2 =	vmul.u32 @!p0 $0xFFFFFFCF, v2;
	v9 =	vld.idx.msk @!p0 [tilespmem:v9+s20+$0x0], $0xffff  }
0x34: {  	v3 =	vmul.u32 @!p0 $0x62, v3  }
0x35: {  	v2 =	vadd.s32 @!p0 v5, v2  }
0x36: {  	v3 =	vadd.s32 @!p0 v2, v3  }
0x37: {  	v10 =	vadd.s32 @!p0 $0x31, v3;
	v6 =	vadd.f32 @!p0 $1.000000000e+00, v6;
	v7 =	vadd.f32 @!p0 $1.000000000e+00, v7  }
0x38: {  	v8 =	vmul.f32 @!p0 $6.250000000e-02, v8;
	v9 =	vmul.f32 @!p0 $6.250000000e-02, v9  }
0x39: {  	v11 =	vmul.u32 @!p0 $0x2493, v2;
	v6 =	vmul.f32 @!p0 $6.250000000e-02, v6;
	v7 =	vmul.f32 @!p0 $6.250000000e-02, v7  }
0x3a: {  	s21 =	simm.s32 @!p0 $0x300;
	v8 =	vadd.f32 @!p0 $-5.000000000e-01, v8;
	v9 =	vadd.f32 @!p0 $-5.000000000e-01, v9  }
0x3b: {  	v11 =	vshrl.u32 @!p0 v11, $0x10;
	v3 =	vld.idx.msk @!p0 [tilespmem:v3+s21+$0x0], $0xffff;
	v6 =	vadd.f32 @!p0 $-5.000000000e-01, v6;
	v7 =	vadd.f32 @!p0 $-5.000000000e-01, v7  }
0x3c: {  	v12 =	vmul.u32 @!p0 $0xFFFFFFF9, v11;
	v10 =	vld.idx.msk @!p0 [tilespmem:v10+s21+$0x0], $0xffff  }
0x3d: {  	v6 =	vsub.f32 @!p0 v6, v8;
	v7 =	vsub.f32 @!p0 v7, v9  }
0x3e: {  	v11 =	vcvt.s32.f32 @!p0 v11;
	v2 =	vadd.s32 @!p0 v2, v12  }
0x3f: {  	v2 =	vcvt.s32.f32 @!p0 v2;
	v6 =	vmax.f32 @!p0 v6, $1.000000010e-01;
	v7 =	vmax.f32 @!p0 v7, $1.000000010e-01  }
0x40: {  	v12 =	vmul.f32 @!p0 v6, v1;
	v13 =	vmul.f32 @!p0 v7, v1  }
0x41: {  	v4 =	vld.idx.msk @!p0 [tilespmem:v4+s20+$0x0], $0xffff;
	v3 =	vmul.f32 @!p0 $1.000000010e-01, v3;
	v10 =	vmul.f32 @!p0 $1.000000010e-01, v10  }
0x42: {  	v2 =	vmul.f32 @!p0 v2, v12;
	v11 =	vmul.f32 @!p0 v11, v13  }
0x43: {  	v3 =	vmul.f32 @!p0 v6, v3  }
0x44: {  	v7 =	vmul.f32 @!p0 v7, v10;
	v2 =	vadd.f32 @!p0 v2, v8;
	v6 =	vadd.f32 @!p0 v11, v9;
	_ =	sdelay $0x1  }
0x45: {  	v4 =	vmul.f32 @!p0 $4.096000000e+03, v4;
	v9 =	vadd.f32 @!p0 v2, v3;
	v8 =	vadd.f32 @!p0 v6, v7  }
0x46: {  	v14 =	vmul.f32 @!p0 $2.500000000e-01, v13  }
0x47: {  	v2 =	vtrunc.f32 @!p0 v4;
	v3 =	vmax.f32 @!p0 v9, $0.0e+00;
	v4 =	vmax.f32 @!p0 v8, $0.0e+00  }
0x48: {  	v2 =	vcvt.f32.s32 @!p0 v2;
	v6 =	vmin.f32 @!p0 v3, $6.300000000e+01;
	v7 =	vmin.f32 @!p0 v4, $6.300000000e+01  }
0x49: {  	v13 =	vshll.u32 @!p0 v5, $0x3;
	v3 =	vtrunc.f32 @!p0 v6;
	v4 =	vtrunc.f32 @!p0 v7  }
0x4a: {  	v16 =	vor.u32 @!p0 $0x1, v13;
	v17 =	vcvt.f32.s32 @!p0 v3;
	v4 =	vcvt.f32.s32 @!p0 v4  }
0x4b: {  	v19 =	vor.u32 @!p0 $0x2, v13  }
0x4c: {  	v22 =	vor.u32 @!p0 $0x3, v13;
	v10 =	vshll.u32 @!p0 v4, $0x6;
	v11 =	vadd.s32 @!p0 v2, v17  }
0x4d: {  	s21 =	simm.s32 @!p0 $0x3500;
	v23 =	vor.u32 @!p0 $0x4, v13;
	v11 =	vadd.s32 @!p0 v10, v11  }
0x4e: {  	v26 =	vor.u32 @!p0 $0x5, v13;
	v15 =	vadd.s32 @!p0 $0x2, v11;
	[tilespmem:v13+s21+$0x0] =	vst.idx.msk @!p0 $0x3fff, v11  }
0x4f: {  	v28 =	vor.u32 @!p0 $0x6, v13;
	v20 =	vadd.s32 @!p0 $0x40, v11;
	[tilespmem:v16+s21+$0x0] =	vst.idx.msk @!p0 $0x3fff, v15  }
0x50: {  	v35 =	vor.u32 @!p0 $0x7, v13;
	v21 =	vadd.s32 @!p0 $0x42, v11;
	[tilespmem:v19+s21+$0x0] =	vst.idx.msk @!p0 $0x3fff, v20  }
0x51: {  	v24 =	vadd.s32 @!p0 $0x80, v11;
	[tilespmem:v22+s21+$0x0] =	vst.idx.msk @!p0 $0x3fff, v21  }
0x52: {  	v12 =	vmul.f32 @!p0 $2.500000000e-01, v12;
	v25 =	vadd.s32 @!p0 $0x82, v11;
	[tilespmem:v23+s21+$0x0] =	vst.idx.msk @!p0 $0x3fff, v24  }
0x53: {  	v32 =	vadd.s32 @!p0 $0xC0, v11;
	[tilespmem:v26+s21+$0x0] =	vst.idx.msk @!p0 $0x3fff, v25  }
0x54: {  	s20 =	smul.u32 @!p0 $0xE0, s18;
	v39 =	vadd.f32 @!p0 v12, v12;
	v34 =	vadd.s32 @!p0 $0xC2, v11;
	[tilespmem:v28+s21+$0x0] =	vst.idx.msk @!p0 $0x3fff, v32  }
0x55: {  	vm0 =	vge.f32 @!p0 v8, $-5.000000000e-01;
	vm1 =	vle.f32 @!p0 v8, $6.350000000e+01;
	v2 =	vimm.f32 @!p0 $0.0e+00;
	[tilespmem:v35+s21+$0x0] =	vst.idx.msk @!p0 $0x3fff, v34  }
0x56: {  	v27 =	vadd.f32 @!p0 v9, v12;
	vm7 =	vmand @!p0 vm0, vm1;
	vm0 =	vge.f32 @!p0 v9, $-5.000000000e-01;
	[tilespmem:s20+$0x3B80] =	vst @!p0 v2  }
0x57: {  	v12 =	vmul.f32 @!p0 $3.000000000e+00, v12;
	vm1 =	vle.f32 @!p0 v9, $6.350000000e+01;
	vm2 =	vmand @!p0 vm0, vm7;
	[tilespmem:s20+$0x3B90] =	vst @!p0 v2  }
0x58: {  	vm3 =	vle.f32 @!p0 v27, $6.350000000e+01;
	v3 =	vshll.u32 @!p0 v5, $0x4;
	v5 =	vcvt.s32.f32 @!p0 v17;
	[tilespmem:s20+$0x3BA0] =	vst @!p0 v2  }
0x59: {  	vm2 =	vmand @!p0 vm1, vm2;
	v40 =	vor.u32 @!p0 $0x1, v3;
	v10 =	vcvt.s32.f32 @!p0 v4;
	[tilespmem:s20+$0x3BB0] =	vst @!p0 v2  }
0x5a: {  	v29 =	vsel @!p0 vm2, $0x3F800000, v2;
	vm2 =	vge.f32 @!p0 v27, $-5.000000000e-01;
	v5 =	vsub.f32 @!p0 v6, v5;
	[tilespmem:s20+$0x3BC0] =	vst @!p0 v2  }
0x5b: {  	v6 =	vmax.f32 @!p0 v27, $0.0e+00;
	vm4 =	vmand @!p0 vm2, vm7;
	v18 =	vsub.f32 @!p0 v7, v10;
	[tilespmem:s20+$0x3BD0] =	vst @!p0 v2  }
0x5c: {  	v6 =	vmin.f32 @!p0 v6, $6.300000000e+01;
	vm4 =	vmand @!p0 vm3, vm4;
	v7 =	vsub.f32 @!p0 $1.000000000e+00, v5;
	[tilespmem:s20+$0x3BE0] =	vst @!p0 v2  }
0x5d: {  	v31 =	vtrunc.f32 @!p0 v6;
	v33 =	vmul.f32 @!p0 v29, v5;
	v30 =	vsub.f32 @!p0 $1.000000000e+00, v18;
	s21 =	sand.u32 @!p0 $0xFE0, s20;
	[tilespmem:s20+$0x3BF0] =	vst @!p0 v2  }
0x5e: {  	v42 =	vor.u32 @!p0 $0x4, v3;
	v43 =	vsel @!p0 vm4, $0x3F800000, v2;
	v31 =	vcvt.f32.s32 @!p0 v31;
	[tilespmem:s21+$0x3C00] =	vst @!p0 v2  }
0x5f: {  	v13 =	vadd.f32 @!p0 v43, v29;
	v10 =	vmul.f32 @!p0 v29, v7;
	v37 =	vmul.f32 @!p0 v30, v33;
	[tilespmem:s20+$0x3C10] =	vst @!p0 v2  }
0x60: {  	v38 =	vcvt.s32.f32 @!p0 v31;
	v33 =	vmul.f32 @!p0 v33, v18;
	v11 =	vsub.s32 @!p0 v31, v17;
	[tilespmem:s20+$0x3C20] =	vst @!p0 v2  }
0x61: {  	v36 =	vmul.f32 @!p0 v30, v10;
	v41 =	vmul.f32 @!p0 v10, v18;
	v19 =	vadd.s32 @!p0 v3, v11;
	[tilespmem:s20+$0x3C30] =	vst @!p0 v2  }
0x62: {  	v6 =	vsub.f32 @!p0 v6, v38;
	v38 =	vadd.f32 @!p0 v9, v39;
	v39 =	vor.u32 @!p0 $0x5, v3;
	[tilespmem:s20+$0x3C40] =	vst @!p0 v2  }
0x63: {  	v21 =	vadd.s32 @!p0 $0x1, v19;
	v23 =	vadd.s32 @!p0 $0x4, v19;
	v25 =	vadd.s32 @!p0 $0x5, v19;
	[tilespmem:s20+$0x3C50] =	vst @!p0 v2  }
0x64: {  	v10 =	vsub.f32 @!p0 $1.000000000e+00, v6;
	v27 =	vmax.f32 @!p0 v38, $0.0e+00;
	v15 =	vmul.f32 @!p0 v43, v6;
	[tilespmem:s20+$0x3C60] =	vst @!p0 v2  }
0x65: {  	vm4 =	vge.f32 @!p0 v38, $-5.000000000e-01;
	vm5 =	vle.f32 @!p0 v38, $6.350000000e+01;
	v27 =	vmin.f32 @!p0 v27, $6.300000000e+01;
	[tilespmem:s20+$0x3C70] =	vst @!p0 v2;
	s20 =	simm.s32 @!p0 $0x3B80  }
0x66: {  	vm6 =	vmand @!p0 vm4, vm7;
	v29 =	vmul.f32 @!p0 v10, v43;
	v44 =	vtrunc.f32 @!p0 v27;
	[tilespmem:v3+s20+$0x0] =	vst.idx.add.f32.msk @!p0 $0x3fff, v36  }
0x67: {  	v22 =	vmul.f32 @!p0 v30, v15;
	vm6 =	vmand @!p0 vm5, vm6;
	v16 =	vcvt.f32.s32 @!p0 v44;
	[tilespmem:v40+s20+$0x0] =	vst.idx.add.f32.msk @!p0 $0x3fff, v37  }
0x68: {  	v20 =	vmul.f32 @!p0 v29, v30;
	v24 =	vmul.f32 @!p0 v29, v18;
	v29 =	vadd.f32 @!p0 v9, v12  }
0x69: {  	v28 =	vsel @!p0 vm6, $0x3F800000, v2;
	[tilespmem:v42+s20+$0x0] =	vst.idx.add.f32.msk @!p0 $0x3fff, v41;
	v42 =	vadd.f32 @!p0 v14, v14;
	v31 =	vcvt.s32.f32 @!p0 v16  }
0x6a: {  	v34 =	vadd.f32 @!p0 v13, v28;
	v26 =	vmax.f32 @!p0 v29, $0.0e+00;
	vm6 =	vge.f32 @!p0 v29, $-5.000000000e-01  }
0x6b: {  	v42 =	vadd.f32 @!p0 v8, v42;
	v9 =	vsub.f32 @!p0 v27, v31;
	v26 =	vmin.f32 @!p0 v26, $6.300000000e+01  }
0x6c: {  	v27 =	vmul.f32 @!p0 v15, v18;
	v15 =	vsub.s32 @!p0 v16, v17;
	vm8 =	vmand @!p0 vm6, vm7  }
0x6d: {  	vm7 =	vle.f32 @!p0 v29, $6.350000000e+01;
	v31 =	vtrunc.f32 @!p0 v26;
	v35 =	vadd.s32 @!p0 v3, v15  }
0x6e: {  	vm8 =	vmand @!p0 vm7, vm8;
	v54 =	vmax.f32 @!p0 v42, $0.0e+00;
	v12 =	vsub.f32 @!p0 $1.000000000e+00, v9  }
0x6f: {  	v31 =	vcvt.f32.s32 @!p0 v31;
	v43 =	vadd.s32 @!p0 $0x1, v35;
	v45 =	vadd.s32 @!p0 $0x4, v35  }
0x70: {  	[tilespmem:v39+s20+$0x0] =	vst.idx.add.f32.msk @!p0 $0x3fff, v33;
	v46 =	vadd.s32 @!p0 $0x5, v35;
	v47 =	vsel @!p0 vm8, $0x3F800000, v2;
	v32 =	vmul.f32 @!p0 v12, v28  }
0x71: {  	[tilespmem:v19+s20+$0x0] =	vst.idx.add.f32.msk @!p0 $0x3fff, v20;
	v28 =	vmul.f32 @!p0 v28, v9;
	v13 =	vcvt.s32.f32 @!p0 v31;
	v17 =	vsub.s32 @!p0 v31, v17  }
0x72: {  	v34 =	vadd.f32 @!p0 v34, v47;
	v49 =	vadd.s32 @!p0 v3, v17;
	v38 =	vmul.f32 @!p0 v32, v30  }
0x73: {  	v44 =	vmul.f32 @!p0 v30, v28;
	v32 =	vmul.f32 @!p0 v32, v18;
	v13 =	vsub.f32 @!p0 v26, v13  }
0x74: {  	[tilespmem:v21+s20+$0x0] =	vst.idx.add.f32.msk @!p0 $0x3fff, v22;
	v26 =	vadd.f32 @!p0 v8, v14;
	v28 =	vmul.f32 @!p0 v28, v18;
	v51 =	vadd.s32 @!p0 $0x1, v49  }
0x75: {  	[tilespmem:v23+s20+$0x0] =	vst.idx.add.f32.msk @!p0 $0x3fff, v24;
	v52 =	vadd.s32 @!p0 $0x4, v49;
	v14 =	vmul.f32 @!p0 $3.000000000e+00, v14;
	v16 =	vsub.f32 @!p0 $1.000000000e+00, v13  }
0x76: {  	[tilespmem:v25+s20+$0x0] =	vst.idx.add.f32.msk @!p0 $0x3fff, v27;
	v29 =	vmax.f32 @!p0 v26, $0.0e+00;
	vm8 =	vge.f32 @!p0 v26, $-5.000000000e-01;
	vm9 =	vle.f32 @!p0 v26, $6.350000000e+01  }
0x77: {  	[tilespmem:v35+s20+$0x0] =	vst.idx.add.f32.msk @!p0 $0x3fff, v38;
	v29 =	vmin.f32 @!p0 v29, $6.300000000e+01;
	vm8 =	vmand @!p0 vm8, vm9;
	v48 =	vmul.f32 @!p0 v16, v47  }
0x78: {  	[tilespmem:v43+s20+$0x0] =	vst.idx.add.f32.msk @!p0 $0x3fff, v44;
	v31 =	vtrunc.f32 @!p0 v29;
	v47 =	vmul.f32 @!p0 v47, v13;
	vm9 =	vmand @!p0 vm0, vm8  }
0x79: {  	v8 =	vadd.f32 @!p0 v8, v14;
	[tilespmem:v45+s20+$0x0] =	vst.idx.add.f32.msk @!p0 $0x3fff, v32;
	v31 =	vcvt.f32.s32 @!p0 v31;
	vm9 =	vmand @!p0 vm1, vm9  }
0x7a: {  	[tilespmem:v46+s20+$0x0] =	vst.idx.add.f32.msk @!p0 $0x3fff, v28;
	v46 =	vmin.f32 @!p0 v54, $6.300000000e+01;
	v50 =	vmul.f32 @!p0 v48, v30;
	v30 =	vmul.f32 @!p0 v30, v47  }
0x7b: {  	v48 =	vmul.f32 @!p0 v48, v18;
	v18 =	vmul.f32 @!p0 v47, v18;
	v47 =	vsel @!p0 vm9, $0x3F800000, v2  }
0x7c: {  	vm9 =	vmand @!p0 vm2, vm8;
	v26 =	vcvt.s32.f32 @!p0 v31;
	v31 =	vsub.s32 @!p0 v31, v4  }
0x7d: {  	v37 =	vmul.f32 @!p0 v47, v7;
	v40 =	vmul.f32 @!p0 v47, v5;
	vm9 =	vmand @!p0 vm3, vm9  }
0x7e: {  	v34 =	vadd.f32 @!p0 v34, v47;
	v31 =	vshll.u32 @!p0 v31, $0x2;
	v41 =	vsel @!p0 vm9, $0x3F800000, v2  }
0x7f: {  	vm9 =	vmand @!p0 vm4, vm8;
	vm8 =	vmand @!p0 vm6, vm8;
	v26 =	vsub.f32 @!p0 v29, v26  }
0x80: {  	v29 =	vadd.s32 @!p0 $0x5, v49;
	v31 =	vadd.s32 @!p0 v3, v31;
	v34 =	vadd.f32 @!p0 v34, v41  }
0x81: {  	[tilespmem:v49+s20+$0x0] =	vst.idx.add.f32.msk @!p0 $0x3fff, v50;
	vm9 =	vmand @!p0 vm5, vm9;
	vm8 =	vmand @!p0 vm7, vm8;
	v49 =	vtrunc.f32 @!p0 v46  }
0x82: {  	v19 =	vor.u32 @!p0 $0x1, v31;
	v20 =	vadd.s32 @!p0 $0x4, v31;
	v22 =	vadd.s32 @!p0 $0x5, v31  }
0x83: {  	v23 =	vadd.s32 @!p0 v11, v31;
	v38 =	vsel @!p0 vm9, $0x3F800000, v2;
	v50 =	vsel @!p0 vm8, $0x3F800000, v2  }
0x84: {  	v49 =	vcvt.f32.s32 @!p0 v49;
	vm8 =	vge.f32 @!p0 v42, $-5.000000000e-01;
	vm9 =	vle.f32 @!p0 v42, $6.350000000e+01  }
0x85: {  	v36 =	vsub.f32 @!p0 $1.000000000e+00, v26;
	v21 =	vmul.f32 @!p0 v37, v26;
	v25 =	vadd.s32 @!p0 $0x1, v23  }
0x86: {  	[tilespmem:v51+s20+$0x0] =	vst.idx.add.f32.msk @!p0 $0x3fff, v30;
	v35 =	vadd.s32 @!p0 $0x4, v23;
	v43 =	vadd.s32 @!p0 $0x5, v23;
	v44 =	vmul.f32 @!p0 v38, v12  }
0x87: {  	v47 =	vmul.f32 @!p0 v38, v9;
	v34 =	vadd.f32 @!p0 v34, v38;
	v51 =	vmul.f32 @!p0 v50, v16  }
0x88: {  	v38 =	vadd.s32 @!p0 v15, v31;
	v42 =	vcvt.s32.f32 @!p0 v49;
	v33 =	vmul.f32 @!p0 v36, v37  }
0x89: {  	vm8 =	vmand @!p0 vm8, vm9;
	v39 =	vmul.f32 @!p0 v36, v40;
	v37 =	vmul.f32 @!p0 v41, v10  }
0x8a: {  	v32 =	vadd.s32 @!p0 $0x1, v38;
	v40 =	vmul.f32 @!p0 v40, v26;
	v41 =	vmul.f32 @!p0 v41, v6  }
0x8b: {  	[tilespmem:v52+s20+$0x0] =	vst.idx.add.f32.msk @!p0 $0x3fff, v48;
	v28 =	vadd.s32 @!p0 $0x4, v38;
	v53 =	vmul.f32 @!p0 v36, v44;
	v45 =	vmul.f32 @!p0 v36, v47  }
0x8c: {  	v44 =	vmul.f32 @!p0 v44, v26;
	v47 =	vmul.f32 @!p0 v47, v26;
	v34 =	vadd.f32 @!p0 v34, v50  }
0x8d: {  	v30 =	vadd.s32 @!p0 $0x5, v38;
	[tilespmem:v29+s20+$0x0] =	vst.idx.add.f32.msk @!p0 $0x3fff, v18;
	v18 =	vmul.f32 @!p0 v50, v13;
	v24 =	vmul.f32 @!p0 v36, v37  }
0x8e: {  	v29 =	vadd.s32 @!p0 v17, v31;
	v27 =	vmul.f32 @!p0 v36, v41;
	v37 =	vmul.f32 @!p0 v37, v26  }
0x8f: {  	vm9 =	vmand @!p0 vm0, vm8;
	v41 =	vmul.f32 @!p0 v41, v26;
	[tilespmem:v31+s20+$0x0] =	vst.idx.add.f32.msk @!p0 $0x3fff, v33;
	v31 =	vmul.f32 @!p0 v36, v51  }
0x90: {  	vm9 =	vmand @!p0 vm1, vm9;
	v33 =	vsub.f32 @!p0 v46, v42;
	[tilespmem:v19+s20+$0x0] =	vst.idx.add.f32.msk @!p0 $0x3fff, v39;
	v19 =	vmul.f32 @!p0 v36, v18  }
0x91: {  	v42 =	vadd.s32 @!p0 $0x1, v29;
	v36 =	vmul.f32 @!p0 v51, v26;
	v18 =	vmul.f32 @!p0 v18, v26  }
0x92: {  	v26 =	vsel @!p0 vm9, $0x3F800000, v2;
	vm9 =	vmand @!p0 vm2, vm8;
	[tilespmem:v20+s20+$0x0] =	vst.idx.add.f32.msk @!p0 $0x3fff, v21;
	v20 =	vadd.s32 @!p0 $0x4, v29  }
0x93: {  	v21 =	vsub.f32 @!p0 $1.000000000e+00, v33;
	vm9 =	vmand @!p0 vm3, vm9;
	[tilespmem:v22+s20+$0x0] =	vst.idx.add.f32.msk @!p0 $0x3fff, v40;
	v22 =	vsub.s32 @!p0 v49, v4  }
0x94: {  	v39 =	vsel @!p0 vm9, $0x3F800000, v2;
	vm9 =	vmand @!p0 vm4, vm8;
	vm8 =	vmand @!p0 vm6, vm8;
	[tilespmem:v23+s20+$0x0] =	vst.idx.add.f32.msk @!p0 $0x3fff, v24  }
0x95: {  	v22 =	vshll.u32 @!p0 v22, $0x2;
	v23 =	vmul.f32 @!p0 v26, v7;
	v24 =	vmul.f32 @!p0 v26, v5;
	[tilespmem:v25+s20+$0x0] =	vst.idx.add.f32.msk @!p0 $0x3fff, v27  }
0x96: {  	v26 =	vadd.f32 @!p0 v34, v26;
	v40 =	vmul.f32 @!p0 v39, v10;
	vm9 =	vmand @!p0 vm5, vm9;
	[tilespmem:v35+s20+$0x0] =	vst.idx.add.f32.msk @!p0 $0x3fff, v37  }
0x97: {  	vm8 =	vmand @!p0 vm7, vm8;
	v22 =	vadd.s32 @!p0 v3, v22;
	v27 =	vmul.f32 @!p0 v21, v23;
	[tilespmem:v43+s20+$0x0] =	vst.idx.add.f32.msk @!p0 $0x3fff, v41  }
0x98: {  	v25 =	vadd.s32 @!p0 $0x5, v29;
	v34 =	vmul.f32 @!p0 v21, v24;
	v23 =	vmul.f32 @!p0 v23, v33;
	[tilespmem:v38+s20+$0x0] =	vst.idx.add.f32.msk @!p0 $0x3fff, v53  }
0x99: {  	v35 =	vor.u32 @!p0 $0x1, v22;
	v24 =	vmul.f32 @!p0 v24, v33;
	v26 =	vadd.f32 @!p0 v26, v39;
	[tilespmem:v32+s20+$0x0] =	vst.idx.add.f32.msk @!p0 $0x3fff, v45  }
0x9a: {  	v37 =	vadd.s32 @!p0 $0x4, v22;
	v32 =	vmul.f32 @!p0 v39, v6;
	v39 =	vadd.s32 @!p0 v11, v22;
	[tilespmem:v28+s20+$0x0] =	vst.idx.add.f32.msk @!p0 $0x3fff, v44  }
0x9b: {  	v38 =	vadd.s32 @!p0 $0x5, v22;
	v28 =	vmul.f32 @!p0 v21, v40;
	v41 =	vadd.s32 @!p0 $0x1, v39;
	[tilespmem:v30+s20+$0x0] =	vst.idx.add.f32.msk @!p0 $0x3fff, v47  }
0x9c: {  	v44 =	vsel @!p0 vm9, $0x3F800000, v2;
	v30 =	vmul.f32 @!p0 v21, v32;
	[tilespmem:v29+s20+$0x0] =	vst.idx.add.f32.msk @!p0 $0x3fff, v31;
	v29 =	vmul.f32 @!p0 v40, v33  }
0x9d: {  	v43 =	vadd.s32 @!p0 $0x4, v39;
	v40 =	vmul.f32 @!p0 v44, v12;
	[tilespmem:v42+s20+$0x0] =	vst.idx.add.f32.msk @!p0 $0x3fff, v19;
	v19 =	vmul.f32 @!p0 v44, v9  }
0x9e: {  	vm9 =	vle.f32 @!p0 v8, $6.350000000e+01;
	v14 =	vadd.f32 @!p0 v26, v44;
	[tilespmem:v20+s20+$0x0] =	vst.idx.add.f32.msk @!p0 $0x3fff, v36;
	v20 =	vmul.f32 @!p0 v32, v33  }
0x9f: {  	v32 =	vmul.f32 @!p0 v21, v40;
	[tilespmem:v25+s20+$0x0] =	vst.idx.add.f32.msk @!p0 $0x3fff, v18;
	v18 =	vmul.f32 @!p0 v21, v19;
	v25 =	vsel @!p0 vm8, $0x3F800000, v2  }
0xa0: {  	v31 =	vadd.s32 @!p0 $0x5, v39;
	v19 =	vmul.f32 @!p0 v19, v33;
	v26 =	vmul.f32 @!p0 v25, v16  }
0xa1: {  	vm8 =	vge.f32 @!p0 v8, $-5.000000000e-01;
	v36 =	vmul.f32 @!p0 v25, v13;
	[tilespmem:v22+s20+$0x0] =	vst.idx.add.f32.msk @!p0 $0x3fff, v27;
	v27 =	vmul.f32 @!p0 v40, v33  }
0xa2: {  	v40 =	vmax.f32 @!p0 v8, $0.0e+00;
	v14 =	vadd.f32 @!p0 v14, v25;
	vm8 =	vmand @!p0 vm8, vm9;
	[tilespmem:v35+s20+$0x0] =	vst.idx.add.f32.msk @!p0 $0x3fff, v34  }
0xa3: {  	v35 =	vmin.f32 @!p0 v40, $6.300000000e+01;
	vm0 =	vmand @!p0 vm0, vm8;
	v34 =	vmul.f32 @!p0 v21, v26;
	[tilespmem:v37+s20+$0x0] =	vst.idx.add.f32.msk @!p0 $0x3fff, v23  }
0xa4: {  	v23 =	vmul.f32 @!p0 v26, v33;
	v25 =	vtrunc.f32 @!p0 v35;
	v26 =	vadd.s32 @!p0 v15, v22;
	[tilespmem:v38+s20+$0x0] =	vst.idx.add.f32.msk @!p0 $0x3fff, v24  }
0xa5: {  	v21 =	vmul.f32 @!p0 v21, v36;
	v25 =	vcvt.f32.s32 @!p0 v25;
	v8 =	vadd.s32 @!p0 $0x1, v26;
	[tilespmem:v39+s20+$0x0] =	vst.idx.add.f32.msk @!p0 $0x3fff, v28  }
0xa6: {  	v22 =	vadd.s32 @!p0 v17, v22;
	vm0 =	vmand @!p0 vm1, vm0;
	v28 =	vadd.s32 @!p0 $0x4, v26;
	[tilespmem:v41+s20+$0x0] =	vst.idx.add.f32.msk @!p0 $0x3fff, v30  }
0xa7: {  	v30 =	vcvt.s32.f32 @!p0 v25;
	v4 =	vsub.s32 @!p0 v25, v4;
	[tilespmem:v43+s20+$0x0] =	vst.idx.add.f32.msk @!p0 $0x3fff, v29;
	v29 =	vadd.s32 @!p0 $0x5, v26  }
0xa8: {  	v24 =	vmul.f32 @!p0 v36, v33;
	v25 =	vadd.s32 @!p0 $0x4, v22;
	v4 =	vshll.u32 @!p0 v4, $0x2;
	[tilespmem:v31+s20+$0x0] =	vst.idx.add.f32.msk @!p0 $0x3fff, v20  }
0xa9: {  	v20 =	vsub.f32 @!p0 v35, v30;
	v30 =	vadd.s32 @!p0 $0x1, v22;
	v3 =	vadd.s32 @!p0 v3, v4;
	[tilespmem:v26+s20+$0x0] =	vst.idx.add.f32.msk @!p0 $0x3fff, v32  }
0xaa: {  	v4 =	vadd.s32 @!p0 $0x5, v22;
	v26 =	vsel @!p0 vm0, $0x3F800000, v2;
	vm0 =	vmand @!p0 vm2, vm8;
	[tilespmem:v8+s20+$0x0] =	vst.idx.add.f32.msk @!p0 $0x3fff, v18  }
0xab: {  	v11 =	vadd.s32 @!p0 v11, v3;
	v15 =	vadd.s32 @!p0 v15, v3;
	v8 =	vsub.f32 @!p0 $1.000000000e+00, v20;
	[tilespmem:v28+s20+$0x0] =	vst.idx.add.f32.msk @!p0 $0x3fff, v27  }
0xac: {  	v7 =	vmul.f32 @!p0 v26, v7;
	v5 =	vmul.f32 @!p0 v26, v5;
	vm0 =	vmand @!p0 vm3, vm0;
	[tilespmem:v29+s20+$0x0] =	vst.idx.add.f32.msk @!p0 $0x3fff, v19  }
0xad: {  	v14 =	vadd.f32 @!p0 v14, v26;
	v26 =	vsel @!p0 vm0, $0x3F800000, v2;
	[tilespmem:v22+s20+$0x0] =	vst.idx.add.f32.msk @!p0 $0x3fff, v34;
	v22 =	vor.u32 @!p0 $0x1, v3  }
0xae: {  	v18 =	vmul.f32 @!p0 v8, v7;
	v19 =	vmul.f32 @!p0 v8, v5;
	[tilespmem:v30+s20+$0x0] =	vst.idx.add.f32.msk @!p0 $0x3fff, v21;
	v21 =	vadd.s32 @!p0 $0x4, v3  }
0xaf: {  	vm0 =	vmand @!p0 vm4, vm8;
	v7 =	vmul.f32 @!p0 v7, v20;
	v10 =	vmul.f32 @!p0 v26, v10;
	[tilespmem:v25+s20+$0x0] =	vst.idx.add.f32.msk @!p0 $0x3fff, v23  }
0xb0: {  	v5 =	vmul.f32 @!p0 v5, v20;
	v6 =	vmul.f32 @!p0 v26, v6;
	v23 =	vadd.s32 @!p0 $0x5, v3;
	[tilespmem:v4+s20+$0x0] =	vst.idx.add.f32.msk @!p0 $0x3fff, v24  }
0xb1: {  	vm0 =	vmand @!p0 vm5, vm0;
	v4 =	vadd.f32 @!p0 v14, v26;
	v14 =	vmul.f32 @!p0 v8, v10;
	[tilespmem:v3+s20+$0x0] =	vst.idx.add.f32.msk @!p0 $0x3fff, v18  }
0xb2: {  	v18 =	vadd.s32 @!p0 $0x1, v11;
	[tilespmem:v22+s20+$0x0] =	vst.idx.add.f32.msk @!p0 $0x3fff, v19;
	v19 =	vsel @!p0 vm0, $0x3F800000, v2;
	vm0 =	vmand @!p0 vm6, vm8  }
0xb3: {  	[tilespmem:v21+s20+$0x0] =	vst.idx.add.f32.msk @!p0 $0x3fff, v7;
	v7 =	vadd.s32 @!p0 $0x4, v11;
	v4 =	vadd.f32 @!p0 v4, v19;
	vm0 =	vmand @!p0 vm7, vm0  }
0xb4: {  	s21 =	smul.u32 @!p0 $0x5556, s18;
	v10 =	vmul.f32 @!p0 v10, v20;
	v21 =	vadd.s32 @!p0 $0x5, v11;
	v2 =	vsel @!p0 vm0, $0x3F800000, v2  }
0xb5: {  	[tilespmem:v23+s20+$0x0] =	vst.idx.add.f32.msk @!p0 $0x3fff, v5;
	v5 =	vmul.f32 @!p0 v8, v6;
	v4 =	vadd.f32 @!p0 v4, v2  }
0xb6: {  	s21 =	sshrl.u32 @!p0 s21, $0x10;
	v6 =	vmul.f32 @!p0 v6, v20;
	[tilespmem:v11+s20+$0x0] =	vst.idx.add.f32.msk @!p0 $0x3fff, v14;
	v11 =	vmul.f32 @!p0 v19, v12;
	v12 =	vadd.s32 @!p0 $0x1, v15  }
0xb7: {  	s21 =	smul.u32 @!p0 $0xFFFFFFFD, s21;
	[tilespmem:v18+s20+$0x0] =	vst.idx.add.f32.msk @!p0 $0x3fff, v5;
	v5 =	vmul.f32 @!p0 v19, v9;
	v9 =	vadd.s32 @!p0 $0x4, v15;
	v4 =	vmax.f32 @!p0 v4, $1.000000000e+00  }
0xb8: {  	[tilespmem:v7+s20+$0x0] =	vst.idx.add.f32.msk @!p0 $0x3fff, v10;
	v7 =	vmul.f32 @!p0 v8, v11;
	v10 =	vadd.s32 @!p0 $0x5, v15;
	(erf) = vrcp.f32 @!p0 v4  }
0xb9: {  	s21 =	sadd.s32 @!p0 s18, s21;
	v3 =	vadd.s32 @!p0 v17, v3;
	v4 =	vmul.f32 @!p0 v8, v5;
	[tilespmem:v21+s20+$0x0] =	vst.idx.add.f32.msk @!p0 $0x3fff, v6  }
0xba: {  	p1 =	seq.s32 @!p0 s21, $0x2;
	v6 =	vmul.f32 @!p0 v11, v20;
	v11 =	vadd.s32 @!p0 $0x1, v3;
	[tilespmem:v15+s20+$0x0] =	vst.idx.add.f32.msk @!p0 $0x3fff, v7;
	v7 =	vmul.f32 @!p0 v2, v16  }
0xbb: {  	p3 =	por p1, p0;
	v2 =	vmul.f32 @!p0 v2, v13;
	[tilespmem:v12+s20+$0x0] =	vst.idx.add.f32.msk @!p0 $0x3fff, v4;
	v4 =	vmul.f32 @!p0 v5, v20;
	v5 =	vadd.s32 @!p0 $0x4, v3  }
0xbc: {  	p4 =	seq.s32 @!p3 s21, $0x1;
	[tilespmem:v9+s20+$0x0] =	vst.idx.add.f32.msk @!p0 $0x3fff, v6;
	v6 =	vmul.f32 @!p0 v8, v7;
	v9 =	vadd.s32 @!p0 $0x5, v3  }
0xbd: {  	p2 =	por !p1, p0;
	p5 =	por @!p0 p4, p1;
	[tilespmem:v10+s20+$0x0] =	vst.idx.add.f32.msk @!p0 $0x3fff, v4;
	v4 =	vmul.f32 @!p0 v8, v2;
	v2 =	vmul.f32 @!p0 v2, v20  }
0xbe: {  	s22 =	smul.u32 @!p2 $0x1C0, s18;
	p5 =	por p5, p0;
	[tilespmem:v3+s20+$0x0] =	vst.idx.add.f32.msk @!p0 $0x3fff, v6;
	v3 =	vmul.f32 @!p0 v7, v20  }
0xbf: {  	p5 =	sne.s32 @!p5 s21, $0x0;
	[tilespmem:v11+s20+$0x0] =	vst.idx.add.f32.msk @!p0 $0x3fff, v4  }
0xc0: {  	p6 =	por @!p0 !p4, p1;
	s22 =	sshra.s32 @!p2 s22, $0x2;
	p3 =	por @!p3 p5, p4;
	[tilespmem:v5+s20+$0x0] =	vst.idx.add.f32.msk @!p0 $0x3fff, v3  }
0xc1: {  	s21 =	simm.s32 @!p2 $0xBA00;
	p4 =	por p6, p0;
	p1 =	por @!p0 p3, p1;
	[tilespmem:v9+s20+$0x0] =	vst.idx.add.f32.msk @!p0 $0x3fff, v2;
	v2 =	vpop @!p0 (erf)  }
0xc2: {  	s20 =	sadd.s32 @!p2 $0x3500, s22;
	s22 =	smul.u32 @!p4 $0x1C0, s18;
	[tilespmem:s19+$0x4900] =	vst @!p0 v2;
	s19 =	simm.s32 @!p2 $0x70  }
0xc3: {  	[tilespmem:s21], [sflag:$0x3] =	stream.indirect.gather @!p2 [hbm4b:s1+s19], $0x80, s20, s19, $0xb8;
	[tilespmem:$0x15600] =	vst v63  }
0xc4: {  	p1 =	por p1, p0;
	s19 =	sshra.s32 @!p4 s22, $0x2;
	s20 =	simm.s32 @!p4 $0x70  }
0xc5: {  	s21 =	simm.s32 @!p4 $0x8200;
	s22 =	smul.u32 @!p1 $0x1C0, s18;
	s19 =	sadd.s32 @!p4 $0x3500, s19  }
0xc6: {  	[tilespmem:s21], [sflag:$0x2] =	stream.indirect.gather @!p4 [hbm4b:s1+s20], $0x80, s19, s20, $0xb8;
	[tilespmem:$0x15600] =	vst v63  }
0xc7: {  	s19 =	sshra.s32 @!p1 s22, $0x2  }
0xc8: {  	s20 =	simm.s32 @!p1 $0x70;
	s21 =	simm.s32 @!p1 $0x4A00;
	s19 =	sadd.s32 @!p1 $0x3500, s19  }
0xc9: {  	[tilespmem:s21], [sflag:$0x1] =	stream.indirect.gather @!p1 [hbm4b:s1+s20], $0x80, s19, s20, $0xb8;
	[tilespmem:$0x15600] =	vst v63  }
0xca: {  	p1 =	slt.u32 @!p0 s18, $0x2  }
0xcb: {  	p0 =	por p0, !p1  }
.Ltmp4:
0xcc: {  	_ = 	snop;
	(pc) =	sbr.rel @!p0 .LBB2_15-.Ltmp4, $1  }
0xcd: {  	_ =	sdelay $0x3  }
0xce: {  	s19 =	sadd.s32 $0xFFFFFFFE, s18  }
0xcf: {  	s20 =	smul.u32 $0x5556, s19;
	_ =	sdelay $0x1  }
0xd0: {  	s20 =	sshrl.u32 s20, $0x10  }
0xd1: {  	s20 =	smul.u32 $0xFFFFFFFD, s20;
	_ =	sdelay $0x1  }
0xd2: {  	s19 =	sadd.s32 s19, s20  }
0xd3: {  	p0 =	seq.s32 s19, $0x2  }
.Ltmp5:
0xd4: {  	_ = 	snop;
	(pc) =	sbr.rel @p0 .LBB2_12-.Ltmp5, $1  }
0xd5: {  	_ =	sdelay $0x3  }
0xd6: {  	p0 =	seq.s32 s19, $0x1  }
.Ltmp6:
0xd7: {  	_ = 	snop;
	(pc) =	sbr.rel @p0 .LBB2_9-.Ltmp6, $1  }
0xd8: {  	_ =	sdelay $0x3  }
0xd9: {  	p0 =	sne.s32 s19, $0x0  }
.Ltmp7:
0xda: {  	_ = 	snop;
	(pc) =	sbr.rel @p0 .LBB2_15-.Ltmp7, $1  }
0xdb: {  	_ =	sdelay $0x3  }
0xdc: {  	_ =	swait.ge [sflag:s12], $0x3800  }
0xdd: {  	[sflag:s12] =	ssyncset.done $0x0  }
0xde: {  	s19 =	simm.s32 $0x4C00;
	[sflag:s12] =	ssyncadd.s32 $0xFFFFC800  }
0xdf: {  	v5 =	vld [tilespmem:s19+$0xD0]  }
0xe0: {  	v9 =	vld [tilespmem:s19+$0xFFFFFE60]  }
0xe1: {  	v10 =	vld [tilespmem:s19+$0xFFFFFF50]  }
0xe2: {  	v11 =	vld [tilespmem:s19+$0xFFFFFFB0]  }
0xe3: {  	v3 =	vld [tilespmem:s19+$0x1A0]  }
0xe4: {  	v12 =	vld [tilespmem:s19+$0xFFFFFF40]  }
0xe5: {  	v13 =	vld [tilespmem:s19+$0xFFFFFF00]  }
0xe6: {  	v14 =	vld [tilespmem:s19+$0xFFFFFFE0]  }
0xe7: {  	v15 =	vld [tilespmem:s19+$0xFFFFFF60]  }
0xe8: {  	s20 =	sadd.s32 $0xFFFFFFE4, s17;
	v16 =	vld [tilespmem:s19+$0xFFFFFF30]  }
0xe9: {  	v2 =	vld.msk [tilespmem:s20+$0x0 ss:$0x0], $0xffff  }
0xea: {  	v4 =	vld [tilespmem:s16+$0x0]  }
0xeb: {  	v17 =	vld [tilespmem:s19+$0xFFFFFE90]  }
0xec: {  	v7 =	vld [tilespmem:s19+$0x50]  }
0xed: {  	v19 =	vld [tilespmem:s19+$0x10]  }
0xee: {  	v18 =	vld [tilespmem:s19+$0x0]  }
0xef: {  	v8 =	vld [tilespmem:s19+$0x20];
	v4 =	vmul.f32 v2, v4  }
0xf0: {  	v6 =	vld [tilespmem:s19+$0xFFFFFE00]  }
0xf1: {  	v20 =	vld [tilespmem:s19+$0xFFFFFE20];
	v22 =	vbroadcast v4, $0x0;
	v24 =	vbroadcast v4, $0xA  }
0xf2: {  	v21 =	vld [tilespmem:s19+$0xFFFFFE30];
	v26 =	vbroadcast v4, $0x2;
	v2 =	vbroadcast v4, $0xE  }
0xf3: {  	v23 =	vld [tilespmem:s19+$0xFFFFFE10];
	v30 =	vbroadcast v4, $0x9;
	v33 =	vbroadcast v4, $0x7  }
0xf4: {  	v25 =	vld [tilespmem:s19+$0xFFFFFE80];
	v34 =	vbroadcast v4, $0x3;
	v36 =	vbroadcast v4, $0x8  }
0xf5: {  	v28 =	vld [tilespmem:s19+$0xFFFFFEB0];
	v38 =	vbroadcast v4, $0x4;
	v41 =	vbroadcast v4, $0x6  }
0xf6: {  	v29 =	vld [tilespmem:s19+$0xFFFFFEA0];
	v43 =	vbroadcast v4, $0x5;
	v44 =	vbroadcast v4, $0x1  }
0xf7: {  	v35 =	vld [tilespmem:s19+$0xFFFFFEF0];
	v27 =	vmul.f32 v22, v6;
	v6 =	vbroadcast v4, $0xB  }
0xf8: {  	v37 =	vld [tilespmem:s19+$0xFFFFFEC0];
	v20 =	vmul.f32 v20, v22;
	v21 =	vmul.f32 v21, v22  }
0xf9: {  	v31 =	vld [tilespmem:s19+$0xFFFFFE70];
	v3 =	vmul.f32 v3, v2;
	v22 =	vmul.f32 v22, v23  }
0xfa: {  	v32 =	vld [tilespmem:s19+$0xFFFFFF20];
	v25 =	vmul.f32 v25, v26;
	v7 =	vmul.f32 v7, v30  }
0xfb: {  	v46 =	vld [tilespmem:s19+$0xFFFFFF80];
	v28 =	vmul.f32 v28, v26;
	v8 =	vmul.f32 v8, v36  }
0xfc: {  	v47 =	vld [tilespmem:s19+$0xFFFFFF70];
	v17 =	vmul.f32 v17, v26;
	v16 =	vmul.f32 v16, v38  }
0xfd: {  	v53 =	vld [tilespmem:s19+$0xFFFFFF90];
	v35 =	vmul.f32 v35, v34;
	v37 =	vmul.f32 v37, v34  }
0xfe: {  	v39 =	vld [tilespmem:s19+$0xFFFFFE40];
	v15 =	vmul.f32 v15, v43;
	v9 =	vmul.f32 v9, v44  }
0xff: {  	v40 =	vld [tilespmem:s19+$0xFFFFFED0];
	v48 =	vmul.f32 v14, v33;
	v13 =	vmul.f32 v13, v38  }
0x100: {  	v42 =	vld [tilespmem:s19+$0xFFFFFF10];
	v26 =	vmul.f32 v29, v26;
	v12 =	vmul.f32 v12, v43  }
0x101: {  	v45 =	vld [tilespmem:s19+$0xFFFFFFA0];
	v52 =	vmul.f32 v46, v41;
	v54 =	vmul.f32 v47, v43  }
0x102: {  	v23 =	vld [tilespmem:s19+$0xFFFFFE50];
	v10 =	vmul.f32 v10, v43;
	v56 =	vmul.f32 v53, v41  }
0x103: {  	v29 =	vld [tilespmem:s19+$0xFFFFFEE0];
	v27 =	vadd.f32 $0.0e+00, v27;
	v14 =	vadd.f32 $0.0e+00, v21;
	v21 =	vmul.f32 v39, v44  }
0x104: {  	v11 =	vmul.f32 v11, v41;
	v58 =	vmul.f32 v18, v36;
	v18 =	vld [tilespmem:s19+$0x70]  }
0x105: {  	v50 =	vld [tilespmem:s19+$0xFFFFFFC0];
	v59 =	vmul.f32 v42, v38;
	v5 =	vmul.f32 v5, v6;
	v21 =	vadd.f32 v21, v27  }
0x106: {  	v51 =	vld [tilespmem:s19+$0xFFFFFFF0];
	v20 =	vadd.f32 $0.0e+00, v20;
	v22 =	vadd.f32 $0.0e+00, v22;
	v27 =	vmul.f32 v31, v44  }
0x107: {  	v55 =	vld [tilespmem:s19+$0x40];
	v31 =	vmul.f32 v45, v41;
	v23 =	vmul.f32 v23, v44;
	v21 =	vadd.f32 v25, v21  }
0x108: {  	v57 =	vld [tilespmem:s19+$0x80];
	v20 =	vadd.f32 v9, v20;
	v29 =	vmul.f32 v29, v34;
	v14 =	vadd.f32 v27, v14  }
0x109: {  	v18 =	vmul.f32 v18, v30;
	v27 =	vld [tilespmem:s19+$0xFFFFFFD0];
	v22 =	vadd.f32 v23, v22;
	v21 =	vadd.f32 v37, v21  }
0x10a: {  	v25 =	vmul.f32 v40, v34;
	v20 =	vadd.f32 v26, v20;
	v14 =	vadd.f32 v28, v14;
	v28 =	vld [tilespmem:s19+$0x30]  }
0x10b: {  	v60 =	vld [tilespmem:s19+$0xB0];
	v26 =	vmul.f32 v51, v33;
	v21 =	vadd.f32 v13, v21;
	v13 =	vadd.f32 v17, v22  }
0x10c: {  	v20 =	vadd.f32 v29, v20;
	v29 =	vld [tilespmem:s19+$0xC0];
	v14 =	vadd.f32 v35, v14;
	v22 =	vmul.f32 v32, v38  }
0x10d: {  	v62 =	vld [tilespmem:s19+$0xA0];
	v23 =	vmul.f32 v50, v33;
	v17 =	vmul.f32 v55, v30;
	v25 =	vadd.f32 v25, v13  }
0x10e: {  	v63 =	vld [tilespmem:s19+$0x60];
	v27 =	vmul.f32 v27, v33;
	v20 =	vadd.f32 v22, v20;
	v16 =	vadd.f32 v16, v14  }
0x10f: {  	v12 =	vadd.f32 v12, v21;
	v61 =	vmul.f32 v28, v36;
	v28 =	vld [tilespmem:s19+$0x90];
	v22 =	vadd.f32 v59, v25  }
0x110: {  	v9 =	vld [tilespmem:s19+$0x120];
	v14 =	vmul.f32 v57, v24;
	v20 =	vadd.f32 v15, v20;
	v16 =	vadd.f32 v54, v16  }
0x111: {  	v13 =	vld [tilespmem:s19+$0x1B0];
	v12 =	vadd.f32 v52, v12;
	v15 =	vmul.f32 v29, v6;
	v10 =	vadd.f32 v10, v22  }
0x112: {  	v25 =	vld [tilespmem:s19+$0xF0];
	v22 =	vadd.f32 v31, v20;
	v11 =	vadd.f32 v11, v16;
	v16 =	vmul.f32 v60, v24  }
0x113: {  	v21 =	vld [tilespmem:s19+$0x100];
	v12 =	vadd.f32 v23, v12;
	v23 =	vmul.f32 v19, v36;
	v29 =	vadd.f32 v56, v10  }
0x114: {  	v20 =	vld [tilespmem:s19+$0x140];
	v31 =	vadd.f32 v26, v11;
	v19 =	vmul.f32 v28, v24;
	v10 =	vbroadcast v4, $0xC  }
0x115: {  	s21 =	simm.s32 $0xFFFFFF94;
	s22 =	smov.u32 s15;
	v11 =	vmul.f32 v62, v24;
	v26 =	vadd.f32 v27, v29;
	v29 =	vadd.f32 v48, v22;
	v22 =	vld [tilespmem:s19+$0xE0]  }
0x116: {  	s23 =	simm.s32 $0x4C00;
	s24 =	smov.u32 s16;
	s20 =	smov.u32 s15;
	v28 =	vadd.f32 v58, v12;
	v24 =	vmul.f32 v63, v30;
	v12 =	vld [tilespmem:s19+$0x130];
	v27 =	vadd.f32 v61, v31  }
.LBB2_7:
0x117: {  	v8 =	vadd.f32 v8, v29;
	v25 =	vmul.f32 v25, v6;
	v29 =	vbroadcast v4, $0xD;
	v30 =	vld [tilespmem:s19+$0x160];
	s22 =	sadd.s32 $0x80, s22;
	s23 =	sadd.s32 $0x400, s23;
	s24 =	sadd.s32 $0x10, s24  }
0x118: {  	p0 =	seq.s32 s21, $0xFFFFFFC4;
	v23 =	vadd.f32 v23, v26;
	s25 =	smov.u32 s21;
	s21 =	sadd.s32 $0x4, s21;
	v17 =	vadd.f32 v17, v28;
	v21 =	vmul.f32 v21, v10;
	v26 =	vld [tilespmem:s19+$0x170]  }
0x119: {  	v4 =	vbroadcast v4, $0xF;
	v18 =	vadd.f32 v18, v27;
	v27 =	vld [tilespmem:s19+$0x110];
	v20 =	vmul.f32 v20, v29  }
0x11a: {  	v13 =	vmul.f32 v13, v2;
	v7 =	vadd.f32 v7, v23;
	v6 =	vmul.f32 v22, v6;
	v22 =	vld [tilespmem:s19+$0x180]  }
0x11b: {  	v8 =	vadd.f32 v24, v8;
	v14 =	vadd.f32 v14, v17;
	v12 =	vmul.f32 v12, v10;
	v17 =	vld [tilespmem:s19+$0x150]  }
0x11c: {  	v9 =	vmul.f32 v9, v10;
	v7 =	vadd.f32 v19, v7;
	v19 =	vmul.f32 v30, v29;
	v23 =	vld [tilespmem:s19+$0x1F0]  }
0x11d: {  	v8 =	vadd.f32 v11, v8;
	v11 =	vadd.f32 v15, v14;
	v14 =	vmul.f32 v26, v29;
	v15 =	vld [tilespmem:s19+$0x190]  }
0x11e: {  	v16 =	vadd.f32 v16, v18;
	v5 =	vadd.f32 v5, v7;
	v7 =	vmul.f32 v27, v10;
	v10 =	vld [tilespmem:s19+$0x1C0]  }
0x11f: {  	v6 =	vadd.f32 v6, v8;
	v8 =	vadd.f32 v21, v11;
	v11 =	vmul.f32 v22, v2;
	v18 =	vld [tilespmem:s19+$0x1D0]  }
0x120: {  	v16 =	vadd.f32 v25, v16;
	v5 =	vadd.f32 v7, v5;
	v7 =	vmul.f32 v17, v29;
	v17 =	vld [tilespmem:s19+$0x1E0];
	s19 =	smov.u32 s23  }
0x121: {  	v6 =	vadd.f32 v9, v6;
	v8 =	vadd.f32 v20, v8;
	v9 =	vmul.f32 v23, v4  }
0x122: {  	v12 =	vadd.f32 v12, v16;
	v5 =	vadd.f32 v7, v5;
	v2 =	vmul.f32 v15, v2  }
0x123: {  	v6 =	vadd.f32 v19, v6;
	v7 =	vadd.f32 v11, v8;
	v8 =	vmul.f32 v10, v4  }
0x124: {  	v10 =	vadd.f32 v14, v12;
	v2 =	vadd.f32 v2, v5;
	v5 =	vmul.f32 v18, v4  }
0x125: {  	v3 =	vadd.f32 v3, v6;
	v6 =	vadd.f32 v8, v7;
	v4 =	vmul.f32 v17, v4  }
0x126: {  	v7 =	vadd.f32 v13, v10;
	v2 =	vadd.f32 v5, v2  }
0x127: {  	v3 =	vadd.f32 v4, v3;
	[tilespmem:s20+$0x0] =	vst v6  }
0x128: {  	v4 =	vadd.f32 v9, v7;
	[tilespmem:s20+$0x10] =	vst v2  }
0x129: {  	[tilespmem:s20+$0x20] =	vst v3  }
0x12a: {  	[tilespmem:s20+$0x30] =	vst v4;
	s20 =	smov.u32 s22  }
0x12b: {  	v5 =	vld [tilespmem:s23+$0xD0]  }
0x12c: {  	v9 =	vld [tilespmem:s23+$0xFFFFFE60]  }
0x12d: {  	v14 =	vld [tilespmem:s23+$0xFFFFFF50]  }
0x12e: {  	v13 =	vld [tilespmem:s23+$0xFFFFFFB0]  }
0x12f: {  	v3 =	vld [tilespmem:s23+$0x1A0]  }
0x130: {  	v15 =	vld [tilespmem:s23+$0xFFFFFF40]  }
0x131: {  	v16 =	vld [tilespmem:s23+$0xFFFFFF00]  }
0x132: {  	v17 =	vld [tilespmem:s23+$0xFFFFFFE0]  }
0x133: {  	v18 =	vld [tilespmem:s23+$0xFFFFFF60]  }
0x134: {  	v19 =	vld [tilespmem:s23+$0xFFFFFF30]  }
0x135: {  	s25 =	sshra.s32 s25, $0x2;
	v20 =	vld [tilespmem:s23+$0xFFFFFE90]  }
0x136: {  	s25 =	sadd.s32 s25, s17;
	v7 =	vld [tilespmem:s23+$0x50]  }
0x137: {  	v2 =	vld.msk [tilespmem:s25+$0x0 ss:$0x0], $0xffff  }
0x138: {  	v4 =	vld [tilespmem:s24+$0x0]  }
0x139: {  	v10 =	vld [tilespmem:s23+$0x10]  }
0x13a: {  	v21 =	vld [tilespmem:s23+$0x0]  }
0x13b: {  	v8 =	vld [tilespmem:s23+$0x20]  }
0x13c: {  	v6 =	vld [tilespmem:s23+$0xFFFFFE00]  }
0x13d: {  	v4 =	vmul.f32 v2, v4;
	v12 =	vld [tilespmem:s23+$0xFFFFFE20]  }
0x13e: {  	v22 =	vld [tilespmem:s23+$0xFFFFFE30]  }
0x13f: {  	v23 =	vbroadcast v4, $0x0;
	v24 =	vld [tilespmem:s23+$0xFFFFFE10];
	v11 =	vbroadcast v4, $0xA  }
0x140: {  	v26 =	vbroadcast v4, $0x2;
	v2 =	vbroadcast v4, $0xE;
	v25 =	vld [tilespmem:s23+$0xFFFFFE80]  }
0x141: {  	v27 =	vmul.f32 v23, v6;
	v28 =	vld [tilespmem:s23+$0xFFFFFEB0];
	v6 =	vbroadcast v4, $0xB  }
0x142: {  	v29 =	vmul.f32 v12, v23;
	v30 =	vld [tilespmem:s23+$0xFFFFFEA0];
	v12 =	vbroadcast v4, $0x9  }
0x143: {  	v3 =	vmul.f32 v3, v2;
	v27 =	vadd.f32 $0.0e+00, v27;
	v22 =	vmul.f32 v22, v23;
	v31 =	vld [tilespmem:s23+$0xFFFFFE70]  }
0x144: {  	v5 =	vmul.f32 v5, v6;
	v23 =	vmul.f32 v23, v24;
	v24 =	vadd.f32 $0.0e+00, v29;
	v29 =	vld [tilespmem:s23+$0xFFFFFE50]  }
0x145: {  	v33 =	vbroadcast v4, $0x7;
	v25 =	vmul.f32 v25, v26;
	v32 =	vld [tilespmem:s23+$0xFFFFFF20]  }
0x146: {  	v34 =	vbroadcast v4, $0x3;
	v36 =	vbroadcast v4, $0x8;
	v22 =	vadd.f32 $0.0e+00, v22;
	v35 =	vld [tilespmem:s23+$0xFFFFFEF0]  }
0x147: {  	v38 =	vbroadcast v4, $0x4;
	v7 =	vmul.f32 v7, v12;
	v23 =	vadd.f32 $0.0e+00, v23;
	v37 =	vld [tilespmem:s23+$0xFFFFFEC0]  }
0x148: {  	v8 =	vmul.f32 v8, v36;
	v28 =	vmul.f32 v28, v26;
	v39 =	vld [tilespmem:s23+$0xFFFFFE40]  }
0x149: {  	v41 =	vbroadcast v4, $0x6;
	v20 =	vmul.f32 v20, v26;
	v40 =	vld [tilespmem:s23+$0xFFFFFED0]  }
0x14a: {  	v43 =	vbroadcast v4, $0x5;
	v19 =	vmul.f32 v19, v38;
	v42 =	vld [tilespmem:s23+$0xFFFFFF10]  }
0x14b: {  	v44 =	vbroadcast v4, $0x1;
	v35 =	vmul.f32 v35, v34;
	v45 =	vld [tilespmem:s23+$0xFFFFFFA0]  }
0x14c: {  	v18 =	vmul.f32 v18, v43;
	v37 =	vmul.f32 v37, v34;
	v46 =	vld [tilespmem:s23+$0xFFFFFF80]  }
0x14d: {  	v9 =	vmul.f32 v9, v44;
	v48 =	vmul.f32 v17, v33;
	v47 =	vld [tilespmem:s23+$0xFFFFFF70]  }
0x14e: {  	v16 =	vmul.f32 v16, v38;
	v17 =	vmul.f32 v39, v44;
	v39 =	vld [tilespmem:s23+$0xFFFFFFC0]  }
0x14f: {  	v15 =	vmul.f32 v15, v43;
	v24 =	vadd.f32 v9, v24;
	v26 =	vmul.f32 v30, v26;
	v30 =	vld [tilespmem:s23+$0xFFFFFEE0]  }
0x150: {  	v9 =	vadd.f32 v17, v27;
	v17 =	vmul.f32 v31, v44;
	v27 =	vmul.f32 v45, v41;
	v31 =	vld [tilespmem:s23+$0xFFFFFFF0]  }
0x151: {  	v29 =	vmul.f32 v29, v44;
	v44 =	vmul.f32 v46, v41;
	v45 =	vld [tilespmem:s23+$0xFFFFFF90]  }
0x152: {  	v40 =	vmul.f32 v40, v34;
	v25 =	vadd.f32 v25, v9;
	v46 =	vmul.f32 v47, v43;
	v9 =	vld [tilespmem:s23+$0x120]  }
0x153: {  	v23 =	vadd.f32 v29, v23;
	v17 =	vadd.f32 v17, v22;
	v22 =	vmul.f32 v39, v33;
	v29 =	vld [tilespmem:s23+$0xFFFFFFD0]  }
0x154: {  	v25 =	vadd.f32 v37, v25;
	v30 =	vmul.f32 v30, v34;
	v34 =	vmul.f32 v14, v43;
	v14 =	vld [tilespmem:s23+$0x40]  }
0x155: {  	v24 =	vadd.f32 v26, v24;
	v17 =	vadd.f32 v28, v17;
	v26 =	vmul.f32 v31, v33;
	v28 =	vld [tilespmem:s23+$0x30]  }
0x156: {  	v16 =	vadd.f32 v16, v25;
	v25 =	vmul.f32 v13, v41;
	v31 =	vmul.f32 v45, v41;
	v37 =	vld [tilespmem:s23+$0x80]  }
0x157: {  	v13 =	vadd.f32 v20, v23;
	v20 =	vadd.f32 v35, v17;
	v35 =	vmul.f32 v21, v36;
	v21 =	vld [tilespmem:s23+$0x70]  }
0x158: {  	v23 =	vadd.f32 v30, v24;
	v24 =	vmul.f32 v32, v38;
	v29 =	vmul.f32 v29, v33;
	v30 =	vld [tilespmem:s23+$0xC0]  }
0x159: {  	v32 =	vadd.f32 v40, v13;
	v33 =	vmul.f32 v42, v38;
	v17 =	vmul.f32 v14, v12;
	v38 =	vld [tilespmem:s23+$0xB0]  }
0x15a: {  	v19 =	vadd.f32 v19, v20;
	v23 =	vadd.f32 v24, v23;
	v24 =	vmul.f32 v28, v36;
	v13 =	vld [tilespmem:s23+$0x1B0]  }
0x15b: {  	v15 =	vadd.f32 v15, v16;
	v20 =	vadd.f32 v33, v32;
	v14 =	vmul.f32 v37, v11;
	v28 =	vld [tilespmem:s23+$0x90]  }
0x15c: {  	v19 =	vadd.f32 v46, v19;
	v16 =	vadd.f32 v18, v23;
	v18 =	vmul.f32 v21, v12;
	v32 =	vld [tilespmem:s23+$0xA0]  }
0x15d: {  	v20 =	vadd.f32 v34, v20;
	v21 =	vadd.f32 v44, v15;
	v33 =	vld [tilespmem:s23+$0x60];
	v15 =	vmul.f32 v30, v6  }
.Ltmp8:
0x15e: {  	v19 =	vadd.f32 v25, v19;
	v27 =	vadd.f32 v27, v16;
	v16 =	vmul.f32 v38, v11;
	v25 =	vld [tilespmem:s23+$0xF0];
	(pc) =	sbr.rel @!p0 .LBB2_7-.Ltmp8, $4  }
0x15f: {  	v23 =	vmul.f32 v10, v36;
	v30 =	vadd.f32 v31, v20;
	v31 =	vadd.f32 v22, v21;
	v21 =	vld [tilespmem:s23+$0x100]  }
0x160: {  	v10 =	vbroadcast v4, $0xC;
	v34 =	vadd.f32 v26, v19;
	v19 =	vmul.f32 v28, v11;
	v20 =	vld [tilespmem:s23+$0x140]  }
0x161: {  	v26 =	vadd.f32 v29, v30;
	v29 =	vadd.f32 v48, v27;
	v11 =	vmul.f32 v32, v11;
	v22 =	vld [tilespmem:s23+$0xE0]  }
0x162: {  	v28 =	vadd.f32 v35, v31;
	v27 =	vadd.f32 v24, v34;
	v24 =	vmul.f32 v33, v12;
	v12 =	vld [tilespmem:s23+$0x130]  }
0x163: {  	v8 =	vadd.f32 v8, v29;
	v37 =	vbroadcast v4, $0xD  }
0x164: {  	v25 =	vmul.f32 v25, v6;
	v30 =	vld [tilespmem:s19+$0x160];
	v23 =	vadd.f32 v23, v26;
	v40 =	vbroadcast v4, $0xF  }
0x165: {  	v38 =	vld [tilespmem:s19+$0x110];
	v13 =	vmul.f32 v13, v2;
	v9 =	vmul.f32 v9, v10;
	v17 =	vadd.f32 v17, v28  }
0x166: {  	v39 =	vld [tilespmem:s19+$0x170];
	v21 =	vmul.f32 v21, v10;
	v18 =	vadd.f32 v18, v27;
	v7 =	vadd.f32 v7, v23  }
0x167: {  	v42 =	vld [tilespmem:s19+$0x150];
	v20 =	vmul.f32 v20, v37;
	v8 =	vadd.f32 v24, v8;
	v14 =	vadd.f32 v14, v17  }
0x168: {  	v43 =	vld [tilespmem:s19+$0x180];
	v41 =	vmul.f32 v22, v6;
	v47 =	vadd.f32 v16, v18;
	v7 =	vadd.f32 v19, v7  }
0x169: {  	v46 =	vld [tilespmem:s19+$0x190];
	v12 =	vmul.f32 v12, v10;
	v8 =	vadd.f32 v11, v8;
	v45 =	vadd.f32 v15, v14  }
0x16a: {  	v49 =	vld [tilespmem:s19+$0x1C0];
	v44 =	vmul.f32 v30, v37;
	v48 =	vmul.f32 v38, v10;
	v15 =	vadd.f32 v25, v47  }
0x16b: {  	v55 =	vld [tilespmem:s19+$0x1F0];
	v50 =	vmul.f32 v39, v37;
	v5 =	vadd.f32 v5, v7;
	v51 =	vadd.f32 v21, v45  }
0x16c: {  	v52 =	vld [tilespmem:s19+$0x1D0];
	v53 =	vmul.f32 v42, v37;
	v6 =	vadd.f32 v41, v8;
	v57 =	vadd.f32 v12, v15  }
0x16d: {  	v54 =	vld [tilespmem:s19+$0x1E0];
	v56 =	vmul.f32 v43, v2;
	v5 =	vadd.f32 v48, v5;
	v8 =	vadd.f32 v20, v51  }
0x16e: {  	v2 =	vmul.f32 v46, v2;
	v6 =	vadd.f32 v9, v6;
	v9 =	vadd.f32 v50, v57  }
0x16f: {  	v59 =	vmul.f32 v49, v40;
	v5 =	vadd.f32 v53, v5;
	v58 =	vadd.f32 v56, v8  }
0x170: {  	v4 =	vmul.f32 v55, v40;
	v6 =	vadd.f32 v44, v6;
	v63 =	vadd.f32 v13, v9  }
0x171: {  	v60 =	vmul.f32 v52, v40;
	v2 =	vadd.f32 v2, v5;
	v61 =	vadd.f32 v59, v58  }
.Ltmp9:
0x172: {  	v62 =	vmul.f32 v54, v40;
	v3 =	vadd.f32 v3, v6;
	v4 =	vadd.f32 v4, v63;
	(pc) =	sbr.rel .LBB2_15-.Ltmp9, $4  }
0x173: {  	v2 =	vadd.f32 v60, v2;
	[tilespmem:s20+$0x0] =	vst v61  }
0x174: {  	v3 =	vadd.f32 v62, v3;
	[tilespmem:s20+$0x30] =	vst v4  }
0x175: {  	[tilespmem:s20+$0x10] =	vst v2  }
0x176: {  	[tilespmem:s20+$0x20] =	vst v3  }
.LBB2_9:
0x177: {  	_ =	swait.ge [sflag:s11], $0x3800  }
0x178: {  	[sflag:s11] =	ssyncset.done $0x0  }
0x179: {  	s19 =	simm.s32 $0x8400;
	[sflag:s11] =	ssyncadd.s32 $0xFFFFC800  }
0x17a: {  	v5 =	vld [tilespmem:s19+$0xD0]  }
0x17b: {  	v9 =	vld [tilespmem:s19+$0xFFFFFE60]  }
0x17c: {  	v10 =	vld [tilespmem:s19+$0xFFFFFF50]  }
0x17d: {  	v11 =	vld [tilespmem:s19+$0xFFFFFFB0]  }
0x17e: {  	v3 =	vld [tilespmem:s19+$0x1A0]  }
0x17f: {  	v12 =	vld [tilespmem:s19+$0xFFFFFF40]  }
0x180: {  	v13 =	vld [tilespmem:s19+$0xFFFFFF00]  }
0x181: {  	v14 =	vld [tilespmem:s19+$0xFFFFFFE0]  }
0x182: {  	v15 =	vld [tilespmem:s19+$0xFFFFFF60]  }
0x183: {  	s20 =	sadd.s32 $0xFFFFFFE4, s17;
	v16 =	vld [tilespmem:s19+$0xFFFFFF30]  }
0x184: {  	v2 =	vld.msk [tilespmem:s20+$0x0 ss:$0x0], $0xffff  }
0x185: {  	v4 =	vld [tilespmem:s16+$0x0]  }
0x186: {  	v17 =	vld [tilespmem:s19+$0xFFFFFE90]  }
0x187: {  	v7 =	vld [tilespmem:s19+$0x50]  }
0x188: {  	v19 =	vld [tilespmem:s19+$0x10]  }
0x189: {  	v18 =	vld [tilespmem:s19+$0x0]  }
0x18a: {  	v8 =	vld [tilespmem:s19+$0x20];
	v4 =	vmul.f32 v2, v4  }
0x18b: {  	v6 =	vld [tilespmem:s19+$0xFFFFFE00]  }
0x18c: {  	v20 =	vld [tilespmem:s19+$0xFFFFFE20];
	v22 =	vbroadcast v4, $0x0;
	v24 =	vbroadcast v4, $0xA  }
0x18d: {  	v21 =	vld [tilespmem:s19+$0xFFFFFE30];
	v26 =	vbroadcast v4, $0x2;
	v2 =	vbroadcast v4, $0xE  }
0x18e: {  	v23 =	vld [tilespmem:s19+$0xFFFFFE10];
	v30 =	vbroadcast v4, $0x9;
	v33 =	vbroadcast v4, $0x7  }
0x18f: {  	v25 =	vld [tilespmem:s19+$0xFFFFFE80];
	v34 =	vbroadcast v4, $0x3;
	v36 =	vbroadcast v4, $0x8  }
0x190: {  	v28 =	vld [tilespmem:s19+$0xFFFFFEB0];
	v38 =	vbroadcast v4, $0x4;
	v41 =	vbroadcast v4, $0x6  }
0x191: {  	v29 =	vld [tilespmem:s19+$0xFFFFFEA0];
	v43 =	vbroadcast v4, $0x5;
	v44 =	vbroadcast v4, $0x1  }
0x192: {  	v35 =	vld [tilespmem:s19+$0xFFFFFEF0];
	v27 =	vmul.f32 v22, v6;
	v6 =	vbroadcast v4, $0xB  }
0x193: {  	v37 =	vld [tilespmem:s19+$0xFFFFFEC0];
	v20 =	vmul.f32 v20, v22;
	v21 =	vmul.f32 v21, v22  }
0x194: {  	v31 =	vld [tilespmem:s19+$0xFFFFFE70];
	v3 =	vmul.f32 v3, v2;
	v22 =	vmul.f32 v22, v23  }
0x195: {  	v32 =	vld [tilespmem:s19+$0xFFFFFF20];
	v25 =	vmul.f32 v25, v26;
	v7 =	vmul.f32 v7, v30  }
0x196: {  	v46 =	vld [tilespmem:s19+$0xFFFFFF80];
	v28 =	vmul.f32 v28, v26;
	v8 =	vmul.f32 v8, v36  }
0x197: {  	v47 =	vld [tilespmem:s19+$0xFFFFFF70];
	v17 =	vmul.f32 v17, v26;
	v16 =	vmul.f32 v16, v38  }
0x198: {  	v53 =	vld [tilespmem:s19+$0xFFFFFF90];
	v35 =	vmul.f32 v35, v34;
	v37 =	vmul.f32 v37, v34  }
0x199: {  	v39 =	vld [tilespmem:s19+$0xFFFFFE40];
	v15 =	vmul.f32 v15, v43;
	v9 =	vmul.f32 v9, v44  }
0x19a: {  	v40 =	vld [tilespmem:s19+$0xFFFFFED0];
	v48 =	vmul.f32 v14, v33;
	v13 =	vmul.f32 v13, v38  }
0x19b: {  	v42 =	vld [tilespmem:s19+$0xFFFFFF10];
	v26 =	vmul.f32 v29, v26;
	v12 =	vmul.f32 v12, v43  }
0x19c: {  	v45 =	vld [tilespmem:s19+$0xFFFFFFA0];
	v52 =	vmul.f32 v46, v41;
	v54 =	vmul.f32 v47, v43  }
0x19d: {  	v23 =	vld [tilespmem:s19+$0xFFFFFE50];
	v10 =	vmul.f32 v10, v43;
	v56 =	vmul.f32 v53, v41  }
0x19e: {  	v29 =	vld [tilespmem:s19+$0xFFFFFEE0];
	v27 =	vadd.f32 $0.0e+00, v27;
	v14 =	vadd.f32 $0.0e+00, v21;
	v21 =	vmul.f32 v39, v44  }
0x19f: {  	v11 =	vmul.f32 v11, v41;
	v58 =	vmul.f32 v18, v36;
	v18 =	vld [tilespmem:s19+$0x70]  }
0x1a0: {  	v50 =	vld [tilespmem:s19+$0xFFFFFFC0];
	v59 =	vmul.f32 v42, v38;
	v5 =	vmul.f32 v5, v6;
	v21 =	vadd.f32 v21, v27  }
0x1a1: {  	v51 =	vld [tilespmem:s19+$0xFFFFFFF0];
	v20 =	vadd.f32 $0.0e+00, v20;
	v22 =	vadd.f32 $0.0e+00, v22;
	v27 =	vmul.f32 v31, v44  }
0x1a2: {  	v55 =	vld [tilespmem:s19+$0x40];
	v31 =	vmul.f32 v45, v41;
	v23 =	vmul.f32 v23, v44;
	v21 =	vadd.f32 v25, v21  }
0x1a3: {  	v57 =	vld [tilespmem:s19+$0x80];
	v20 =	vadd.f32 v9, v20;
	v29 =	vmul.f32 v29, v34;
	v14 =	vadd.f32 v27, v14  }
0x1a4: {  	v18 =	vmul.f32 v18, v30;
	v27 =	vld [tilespmem:s19+$0xFFFFFFD0];
	v22 =	vadd.f32 v23, v22;
	v21 =	vadd.f32 v37, v21  }
0x1a5: {  	v25 =	vmul.f32 v40, v34;
	v20 =	vadd.f32 v26, v20;
	v14 =	vadd.f32 v28, v14;
	v28 =	vld [tilespmem:s19+$0x30]  }
0x1a6: {  	v60 =	vld [tilespmem:s19+$0xB0];
	v26 =	vmul.f32 v51, v33;
	v21 =	vadd.f32 v13, v21;
	v13 =	vadd.f32 v17, v22  }
0x1a7: {  	v20 =	vadd.f32 v29, v20;
	v29 =	vld [tilespmem:s19+$0xC0];
	v14 =	vadd.f32 v35, v14;
	v22 =	vmul.f32 v32, v38  }
0x1a8: {  	v62 =	vld [tilespmem:s19+$0xA0];
	v23 =	vmul.f32 v50, v33;
	v17 =	vmul.f32 v55, v30;
	v25 =	vadd.f32 v25, v13  }
0x1a9: {  	v63 =	vld [tilespmem:s19+$0x60];
	v27 =	vmul.f32 v27, v33;
	v20 =	vadd.f32 v22, v20;
	v16 =	vadd.f32 v16, v14  }
0x1aa: {  	v12 =	vadd.f32 v12, v21;
	v61 =	vmul.f32 v28, v36;
	v28 =	vld [tilespmem:s19+$0x90];
	v22 =	vadd.f32 v59, v25  }
0x1ab: {  	v9 =	vld [tilespmem:s19+$0x120];
	v14 =	vmul.f32 v57, v24;
	v20 =	vadd.f32 v15, v20;
	v16 =	vadd.f32 v54, v16  }
0x1ac: {  	v13 =	vld [tilespmem:s19+$0x1B0];
	v12 =	vadd.f32 v52, v12;
	v15 =	vmul.f32 v29, v6;
	v10 =	vadd.f32 v10, v22  }
0x1ad: {  	v25 =	vld [tilespmem:s19+$0xF0];
	v22 =	vadd.f32 v31, v20;
	v11 =	vadd.f32 v11, v16;
	v16 =	vmul.f32 v60, v24  }
0x1ae: {  	v21 =	vld [tilespmem:s19+$0x100];
	v12 =	vadd.f32 v23, v12;
	v23 =	vmul.f32 v19, v36;
	v29 =	vadd.f32 v56, v10  }
0x1af: {  	v20 =	vld [tilespmem:s19+$0x140];
	v31 =	vadd.f32 v26, v11;
	v19 =	vmul.f32 v28, v24;
	v10 =	vbroadcast v4, $0xC  }
0x1b0: {  	s21 =	simm.s32 $0xFFFFFF94;
	s22 =	smov.u32 s15;
	v11 =	vmul.f32 v62, v24;
	v26 =	vadd.f32 v27, v29;
	v29 =	vadd.f32 v48, v22;
	v22 =	vld [tilespmem:s19+$0xE0]  }
0x1b1: {  	s23 =	simm.s32 $0x8400;
	s24 =	smov.u32 s16;
	s20 =	smov.u32 s15;
	v28 =	vadd.f32 v58, v12;
	v24 =	vmul.f32 v63, v30;
	v12 =	vld [tilespmem:s19+$0x130];
	v27 =	vadd.f32 v61, v31  }
.LBB2_10:
0x1b2: {  	v8 =	vadd.f32 v8, v29;
	v25 =	vmul.f32 v25, v6;
	v29 =	vbroadcast v4, $0xD;
	v30 =	vld [tilespmem:s19+$0x160];
	s22 =	sadd.s32 $0x80, s22;
	s23 =	sadd.s32 $0x400, s23;
	s24 =	sadd.s32 $0x10, s24  }
0x1b3: {  	p0 =	seq.s32 s21, $0xFFFFFFC4;
	v23 =	vadd.f32 v23, v26;
	s25 =	smov.u32 s21;
	s21 =	sadd.s32 $0x4, s21;
	v17 =	vadd.f32 v17, v28;
	v21 =	vmul.f32 v21, v10;
	v26 =	vld [tilespmem:s19+$0x170]  }
0x1b4: {  	v4 =	vbroadcast v4, $0xF;
	v18 =	vadd.f32 v18, v27;
	v27 =	vld [tilespmem:s19+$0x110];
	v20 =	vmul.f32 v20, v29  }
0x1b5: {  	v13 =	vmul.f32 v13, v2;
	v7 =	vadd.f32 v7, v23;
	v6 =	vmul.f32 v22, v6;
	v22 =	vld [tilespmem:s19+$0x180]  }
0x1b6: {  	v8 =	vadd.f32 v24, v8;
	v14 =	vadd.f32 v14, v17;
	v12 =	vmul.f32 v12, v10;
	v17 =	vld [tilespmem:s19+$0x150]  }
0x1b7: {  	v9 =	vmul.f32 v9, v10;
	v7 =	vadd.f32 v19, v7;
	v19 =	vmul.f32 v30, v29;
	v23 =	vld [tilespmem:s19+$0x1F0]  }
0x1b8: {  	v8 =	vadd.f32 v11, v8;
	v11 =	vadd.f32 v15, v14;
	v14 =	vmul.f32 v26, v29;
	v15 =	vld [tilespmem:s19+$0x190]  }
0x1b9: {  	v16 =	vadd.f32 v16, v18;
	v5 =	vadd.f32 v5, v7;
	v7 =	vmul.f32 v27, v10;
	v10 =	vld [tilespmem:s19+$0x1C0]  }
0x1ba: {  	v6 =	vadd.f32 v6, v8;
	v8 =	vadd.f32 v21, v11;
	v11 =	vmul.f32 v22, v2;
	v18 =	vld [tilespmem:s19+$0x1D0]  }
0x1bb: {  	v16 =	vadd.f32 v25, v16;
	v5 =	vadd.f32 v7, v5;
	v7 =	vmul.f32 v17, v29;
	v17 =	vld [tilespmem:s19+$0x1E0];
	s19 =	smov.u32 s23  }
0x1bc: {  	v6 =	vadd.f32 v9, v6;
	v8 =	vadd.f32 v20, v8;
	v9 =	vmul.f32 v23, v4  }
0x1bd: {  	v12 =	vadd.f32 v12, v16;
	v5 =	vadd.f32 v7, v5;
	v2 =	vmul.f32 v15, v2  }
0x1be: {  	v6 =	vadd.f32 v19, v6;
	v7 =	vadd.f32 v11, v8;
	v8 =	vmul.f32 v10, v4  }
0x1bf: {  	v10 =	vadd.f32 v14, v12;
	v2 =	vadd.f32 v2, v5;
	v5 =	vmul.f32 v18, v4  }
0x1c0: {  	v3 =	vadd.f32 v3, v6;
	v6 =	vadd.f32 v8, v7;
	v4 =	vmul.f32 v17, v4  }
0x1c1: {  	v7 =	vadd.f32 v13, v10;
	v2 =	vadd.f32 v5, v2  }
0x1c2: {  	v3 =	vadd.f32 v4, v3;
	[tilespmem:s20+$0x0] =	vst v6  }
0x1c3: {  	v4 =	vadd.f32 v9, v7;
	[tilespmem:s20+$0x10] =	vst v2  }
0x1c4: {  	[tilespmem:s20+$0x20] =	vst v3  }
0x1c5: {  	[tilespmem:s20+$0x30] =	vst v4;
	s20 =	smov.u32 s22  }
0x1c6: {  	v5 =	vld [tilespmem:s23+$0xD0]  }
0x1c7: {  	v9 =	vld [tilespmem:s23+$0xFFFFFE60]  }
0x1c8: {  	v14 =	vld [tilespmem:s23+$0xFFFFFF50]  }
0x1c9: {  	v13 =	vld [tilespmem:s23+$0xFFFFFFB0]  }
0x1ca: {  	v3 =	vld [tilespmem:s23+$0x1A0]  }
0x1cb: {  	v15 =	vld [tilespmem:s23+$0xFFFFFF40]  }
0x1cc: {  	v16 =	vld [tilespmem:s23+$0xFFFFFF00]  }
0x1cd: {  	v17 =	vld [tilespmem:s23+$0xFFFFFFE0]  }
0x1ce: {  	v18 =	vld [tilespmem:s23+$0xFFFFFF60]  }
0x1cf: {  	v19 =	vld [tilespmem:s23+$0xFFFFFF30]  }
0x1d0: {  	s25 =	sshra.s32 s25, $0x2;
	v20 =	vld [tilespmem:s23+$0xFFFFFE90]  }
0x1d1: {  	s25 =	sadd.s32 s25, s17;
	v7 =	vld [tilespmem:s23+$0x50]  }
0x1d2: {  	v2 =	vld.msk [tilespmem:s25+$0x0 ss:$0x0], $0xffff  }
0x1d3: {  	v4 =	vld [tilespmem:s24+$0x0]  }
0x1d4: {  	v10 =	vld [tilespmem:s23+$0x10]  }
0x1d5: {  	v21 =	vld [tilespmem:s23+$0x0]  }
0x1d6: {  	v8 =	vld [tilespmem:s23+$0x20]  }
0x1d7: {  	v6 =	vld [tilespmem:s23+$0xFFFFFE00]  }
0x1d8: {  	v4 =	vmul.f32 v2, v4;
	v12 =	vld [tilespmem:s23+$0xFFFFFE20]  }
0x1d9: {  	v22 =	vld [tilespmem:s23+$0xFFFFFE30]  }
0x1da: {  	v23 =	vbroadcast v4, $0x0;
	v24 =	vld [tilespmem:s23+$0xFFFFFE10];
	v11 =	vbroadcast v4, $0xA  }
0x1db: {  	v26 =	vbroadcast v4, $0x2;
	v2 =	vbroadcast v4, $0xE;
	v25 =	vld [tilespmem:s23+$0xFFFFFE80]  }
0x1dc: {  	v27 =	vmul.f32 v23, v6;
	v28 =	vld [tilespmem:s23+$0xFFFFFEB0];
	v6 =	vbroadcast v4, $0xB  }
0x1dd: {  	v29 =	vmul.f32 v12, v23;
	v30 =	vld [tilespmem:s23+$0xFFFFFEA0];
	v12 =	vbroadcast v4, $0x9  }
0x1de: {  	v3 =	vmul.f32 v3, v2;
	v27 =	vadd.f32 $0.0e+00, v27;
	v22 =	vmul.f32 v22, v23;
	v31 =	vld [tilespmem:s23+$0xFFFFFE70]  }
0x1df: {  	v5 =	vmul.f32 v5, v6;
	v23 =	vmul.f32 v23, v24;
	v24 =	vadd.f32 $0.0e+00, v29;
	v29 =	vld [tilespmem:s23+$0xFFFFFE50]  }
0x1e0: {  	v33 =	vbroadcast v4, $0x7;
	v25 =	vmul.f32 v25, v26;
	v32 =	vld [tilespmem:s23+$0xFFFFFF20]  }
0x1e1: {  	v34 =	vbroadcast v4, $0x3;
	v36 =	vbroadcast v4, $0x8;
	v22 =	vadd.f32 $0.0e+00, v22;
	v35 =	vld [tilespmem:s23+$0xFFFFFEF0]  }
0x1e2: {  	v38 =	vbroadcast v4, $0x4;
	v7 =	vmul.f32 v7, v12;
	v23 =	vadd.f32 $0.0e+00, v23;
	v37 =	vld [tilespmem:s23+$0xFFFFFEC0]  }
0x1e3: {  	v8 =	vmul.f32 v8, v36;
	v28 =	vmul.f32 v28, v26;
	v39 =	vld [tilespmem:s23+$0xFFFFFE40]  }
0x1e4: {  	v41 =	vbroadcast v4, $0x6;
	v20 =	vmul.f32 v20, v26;
	v40 =	vld [tilespmem:s23+$0xFFFFFED0]  }
0x1e5: {  	v43 =	vbroadcast v4, $0x5;
	v19 =	vmul.f32 v19, v38;
	v42 =	vld [tilespmem:s23+$0xFFFFFF10]  }
0x1e6: {  	v44 =	vbroadcast v4, $0x1;
	v35 =	vmul.f32 v35, v34;
	v45 =	vld [tilespmem:s23+$0xFFFFFFA0]  }
0x1e7: {  	v18 =	vmul.f32 v18, v43;
	v37 =	vmul.f32 v37, v34;
	v46 =	vld [tilespmem:s23+$0xFFFFFF80]  }
0x1e8: {  	v9 =	vmul.f32 v9, v44;
	v48 =	vmul.f32 v17, v33;
	v47 =	vld [tilespmem:s23+$0xFFFFFF70]  }
0x1e9: {  	v16 =	vmul.f32 v16, v38;
	v17 =	vmul.f32 v39, v44;
	v39 =	vld [tilespmem:s23+$0xFFFFFFC0]  }
0x1ea: {  	v15 =	vmul.f32 v15, v43;
	v24 =	vadd.f32 v9, v24;
	v26 =	vmul.f32 v30, v26;
	v30 =	vld [tilespmem:s23+$0xFFFFFEE0]  }
0x1eb: {  	v9 =	vadd.f32 v17, v27;
	v17 =	vmul.f32 v31, v44;
	v27 =	vmul.f32 v45, v41;
	v31 =	vld [tilespmem:s23+$0xFFFFFFF0]  }
0x1ec: {  	v29 =	vmul.f32 v29, v44;
	v44 =	vmul.f32 v46, v41;
	v45 =	vld [tilespmem:s23+$0xFFFFFF90]  }
0x1ed: {  	v40 =	vmul.f32 v40, v34;
	v25 =	vadd.f32 v25, v9;
	v46 =	vmul.f32 v47, v43;
	v9 =	vld [tilespmem:s23+$0x120]  }
0x1ee: {  	v23 =	vadd.f32 v29, v23;
	v17 =	vadd.f32 v17, v22;
	v22 =	vmul.f32 v39, v33;
	v29 =	vld [tilespmem:s23+$0xFFFFFFD0]  }
0x1ef: {  	v25 =	vadd.f32 v37, v25;
	v30 =	vmul.f32 v30, v34;
	v34 =	vmul.f32 v14, v43;
	v14 =	vld [tilespmem:s23+$0x40]  }
0x1f0: {  	v24 =	vadd.f32 v26, v24;
	v17 =	vadd.f32 v28, v17;
	v26 =	vmul.f32 v31, v33;
	v28 =	vld [tilespmem:s23+$0x30]  }
0x1f1: {  	v16 =	vadd.f32 v16, v25;
	v25 =	vmul.f32 v13, v41;
	v31 =	vmul.f32 v45, v41;
	v37 =	vld [tilespmem:s23+$0x80]  }
0x1f2: {  	v13 =	vadd.f32 v20, v23;
	v20 =	vadd.f32 v35, v17;
	v35 =	vmul.f32 v21, v36;
	v21 =	vld [tilespmem:s23+$0x70]  }
0x1f3: {  	v23 =	vadd.f32 v30, v24;
	v24 =	vmul.f32 v32, v38;
	v29 =	vmul.f32 v29, v33;
	v30 =	vld [tilespmem:s23+$0xC0]  }
0x1f4: {  	v32 =	vadd.f32 v40, v13;
	v33 =	vmul.f32 v42, v38;
	v17 =	vmul.f32 v14, v12;
	v38 =	vld [tilespmem:s23+$0xB0]  }
0x1f5: {  	v19 =	vadd.f32 v19, v20;
	v23 =	vadd.f32 v24, v23;
	v24 =	vmul.f32 v28, v36;
	v13 =	vld [tilespmem:s23+$0x1B0]  }
0x1f6: {  	v15 =	vadd.f32 v15, v16;
	v20 =	vadd.f32 v33, v32;
	v14 =	vmul.f32 v37, v11;
	v28 =	vld [tilespmem:s23+$0x90]  }
0x1f7: {  	v19 =	vadd.f32 v46, v19;
	v16 =	vadd.f32 v18, v23;
	v18 =	vmul.f32 v21, v12;
	v32 =	vld [tilespmem:s23+$0xA0]  }
0x1f8: {  	v20 =	vadd.f32 v34, v20;
	v21 =	vadd.f32 v44, v15;
	v33 =	vld [tilespmem:s23+$0x60];
	v15 =	vmul.f32 v30, v6  }
.Ltmp10:
0x1f9: {  	v19 =	vadd.f32 v25, v19;
	v27 =	vadd.f32 v27, v16;
	v16 =	vmul.f32 v38, v11;
	v25 =	vld [tilespmem:s23+$0xF0];
	(pc) =	sbr.rel @!p0 .LBB2_10-.Ltmp10, $4  }
0x1fa: {  	v23 =	vmul.f32 v10, v36;
	v30 =	vadd.f32 v31, v20;
	v31 =	vadd.f32 v22, v21;
	v21 =	vld [tilespmem:s23+$0x100]  }
0x1fb: {  	v10 =	vbroadcast v4, $0xC;
	v34 =	vadd.f32 v26, v19;
	v19 =	vmul.f32 v28, v11;
	v20 =	vld [tilespmem:s23+$0x140]  }
0x1fc: {  	v26 =	vadd.f32 v29, v30;
	v29 =	vadd.f32 v48, v27;
	v11 =	vmul.f32 v32, v11;
	v22 =	vld [tilespmem:s23+$0xE0]  }
0x1fd: {  	v28 =	vadd.f32 v35, v31;
	v27 =	vadd.f32 v24, v34;
	v24 =	vmul.f32 v33, v12;
	v12 =	vld [tilespmem:s23+$0x130]  }
0x1fe: {  	v8 =	vadd.f32 v8, v29;
	v37 =	vbroadcast v4, $0xD  }
0x1ff: {  	v25 =	vmul.f32 v25, v6;
	v30 =	vld [tilespmem:s19+$0x160];
	v23 =	vadd.f32 v23, v26;
	v40 =	vbroadcast v4, $0xF  }
0x200: {  	v38 =	vld [tilespmem:s19+$0x110];
	v13 =	vmul.f32 v13, v2;
	v9 =	vmul.f32 v9, v10;
	v17 =	vadd.f32 v17, v28  }
0x201: {  	v39 =	vld [tilespmem:s19+$0x170];
	v21 =	vmul.f32 v21, v10;
	v18 =	vadd.f32 v18, v27;
	v7 =	vadd.f32 v7, v23  }
0x202: {  	v42 =	vld [tilespmem:s19+$0x150];
	v20 =	vmul.f32 v20, v37;
	v8 =	vadd.f32 v24, v8;
	v14 =	vadd.f32 v14, v17  }
0x203: {  	v43 =	vld [tilespmem:s19+$0x180];
	v41 =	vmul.f32 v22, v6;
	v47 =	vadd.f32 v16, v18;
	v7 =	vadd.f32 v19, v7  }
0x204: {  	v46 =	vld [tilespmem:s19+$0x190];
	v12 =	vmul.f32 v12, v10;
	v8 =	vadd.f32 v11, v8;
	v45 =	vadd.f32 v15, v14  }
0x205: {  	v49 =	vld [tilespmem:s19+$0x1C0];
	v44 =	vmul.f32 v30, v37;
	v48 =	vmul.f32 v38, v10;
	v15 =	vadd.f32 v25, v47  }
0x206: {  	v55 =	vld [tilespmem:s19+$0x1F0];
	v50 =	vmul.f32 v39, v37;
	v5 =	vadd.f32 v5, v7;
	v51 =	vadd.f32 v21, v45  }
0x207: {  	v52 =	vld [tilespmem:s19+$0x1D0];
	v53 =	vmul.f32 v42, v37;
	v6 =	vadd.f32 v41, v8;
	v57 =	vadd.f32 v12, v15  }
0x208: {  	v54 =	vld [tilespmem:s19+$0x1E0];
	v56 =	vmul.f32 v43, v2;
	v5 =	vadd.f32 v48, v5;
	v8 =	vadd.f32 v20, v51  }
0x209: {  	v2 =	vmul.f32 v46, v2;
	v6 =	vadd.f32 v9, v6;
	v9 =	vadd.f32 v50, v57  }
0x20a: {  	v59 =	vmul.f32 v49, v40;
	v5 =	vadd.f32 v53, v5;
	v58 =	vadd.f32 v56, v8  }
0x20b: {  	v4 =	vmul.f32 v55, v40;
	v6 =	vadd.f32 v44, v6;
	v63 =	vadd.f32 v13, v9  }
0x20c: {  	v60 =	vmul.f32 v52, v40;
	v2 =	vadd.f32 v2, v5;
	v61 =	vadd.f32 v59, v58  }
.Ltmp11:
0x20d: {  	v62 =	vmul.f32 v54, v40;
	v3 =	vadd.f32 v3, v6;
	v4 =	vadd.f32 v4, v63;
	(pc) =	sbr.rel .LBB2_15-.Ltmp11, $4  }
0x20e: {  	v2 =	vadd.f32 v60, v2;
	[tilespmem:s20+$0x0] =	vst v61  }
0x20f: {  	v3 =	vadd.f32 v62, v3;
	[tilespmem:s20+$0x30] =	vst v4  }
0x210: {  	[tilespmem:s20+$0x10] =	vst v2  }
0x211: {  	[tilespmem:s20+$0x20] =	vst v3  }
.LBB2_12:
0x212: {  	_ =	swait.ge [sflag:s10], $0x3800  }
0x213: {  	[sflag:s10] =	ssyncset.done $0x0  }
0x214: {  	s19 =	simm.s32 $0xBC00;
	[sflag:s10] =	ssyncadd.s32 $0xFFFFC800  }
0x215: {  	v5 =	vld [tilespmem:s19+$0xD0]  }
0x216: {  	v9 =	vld [tilespmem:s19+$0xFFFFFE60]  }
0x217: {  	v10 =	vld [tilespmem:s19+$0xFFFFFF50]  }
0x218: {  	v11 =	vld [tilespmem:s19+$0xFFFFFFB0]  }
0x219: {  	v3 =	vld [tilespmem:s19+$0x1A0]  }
0x21a: {  	v12 =	vld [tilespmem:s19+$0xFFFFFF40]  }
0x21b: {  	v13 =	vld [tilespmem:s19+$0xFFFFFF00]  }
0x21c: {  	v14 =	vld [tilespmem:s19+$0xFFFFFFE0]  }
0x21d: {  	v15 =	vld [tilespmem:s19+$0xFFFFFF60]  }
0x21e: {  	s20 =	sadd.s32 $0xFFFFFFE4, s17;
	v16 =	vld [tilespmem:s19+$0xFFFFFF30]  }
0x21f: {  	v2 =	vld.msk [tilespmem:s20+$0x0 ss:$0x0], $0xffff  }
0x220: {  	v4 =	vld [tilespmem:s16+$0x0]  }
0x221: {  	v17 =	vld [tilespmem:s19+$0xFFFFFE90]  }
0x222: {  	v7 =	vld [tilespmem:s19+$0x50]  }
0x223: {  	v19 =	vld [tilespmem:s19+$0x10]  }
0x224: {  	v18 =	vld [tilespmem:s19+$0x0]  }
0x225: {  	v8 =	vld [tilespmem:s19+$0x20];
	v4 =	vmul.f32 v2, v4  }
0x226: {  	v6 =	vld [tilespmem:s19+$0xFFFFFE00]  }
0x227: {  	v20 =	vld [tilespmem:s19+$0xFFFFFE20];
	v22 =	vbroadcast v4, $0x0;
	v24 =	vbroadcast v4, $0xA  }
0x228: {  	v21 =	vld [tilespmem:s19+$0xFFFFFE30];
	v26 =	vbroadcast v4, $0x2;
	v2 =	vbroadcast v4, $0xE  }
0x229: {  	v23 =	vld [tilespmem:s19+$0xFFFFFE10];
	v30 =	vbroadcast v4, $0x9;
	v33 =	vbroadcast v4, $0x7  }
0x22a: {  	v25 =	vld [tilespmem:s19+$0xFFFFFE80];
	v34 =	vbroadcast v4, $0x3;
	v36 =	vbroadcast v4, $0x8  }
0x22b: {  	v28 =	vld [tilespmem:s19+$0xFFFFFEB0];
	v38 =	vbroadcast v4, $0x4;
	v41 =	vbroadcast v4, $0x6  }
0x22c: {  	v29 =	vld [tilespmem:s19+$0xFFFFFEA0];
	v43 =	vbroadcast v4, $0x5;
	v44 =	vbroadcast v4, $0x1  }
0x22d: {  	v35 =	vld [tilespmem:s19+$0xFFFFFEF0];
	v27 =	vmul.f32 v22, v6;
	v6 =	vbroadcast v4, $0xB  }
0x22e: {  	v37 =	vld [tilespmem:s19+$0xFFFFFEC0];
	v20 =	vmul.f32 v20, v22;
	v21 =	vmul.f32 v21, v22  }
0x22f: {  	v31 =	vld [tilespmem:s19+$0xFFFFFE70];
	v3 =	vmul.f32 v3, v2;
	v22 =	vmul.f32 v22, v23  }
0x230: {  	v32 =	vld [tilespmem:s19+$0xFFFFFF20];
	v25 =	vmul.f32 v25, v26;
	v7 =	vmul.f32 v7, v30  }
0x231: {  	v46 =	vld [tilespmem:s19+$0xFFFFFF80];
	v28 =	vmul.f32 v28, v26;
	v8 =	vmul.f32 v8, v36  }
0x232: {  	v47 =	vld [tilespmem:s19+$0xFFFFFF70];
	v17 =	vmul.f32 v17, v26;
	v16 =	vmul.f32 v16, v38  }
0x233: {  	v53 =	vld [tilespmem:s19+$0xFFFFFF90];
	v35 =	vmul.f32 v35, v34;
	v37 =	vmul.f32 v37, v34  }
0x234: {  	v39 =	vld [tilespmem:s19+$0xFFFFFE40];
	v15 =	vmul.f32 v15, v43;
	v9 =	vmul.f32 v9, v44  }
0x235: {  	v40 =	vld [tilespmem:s19+$0xFFFFFED0];
	v48 =	vmul.f32 v14, v33;
	v13 =	vmul.f32 v13, v38  }
0x236: {  	v42 =	vld [tilespmem:s19+$0xFFFFFF10];
	v26 =	vmul.f32 v29, v26;
	v12 =	vmul.f32 v12, v43  }
0x237: {  	v45 =	vld [tilespmem:s19+$0xFFFFFFA0];
	v52 =	vmul.f32 v46, v41;
	v54 =	vmul.f32 v47, v43  }
0x238: {  	v23 =	vld [tilespmem:s19+$0xFFFFFE50];
	v10 =	vmul.f32 v10, v43;
	v56 =	vmul.f32 v53, v41  }
0x239: {  	v29 =	vld [tilespmem:s19+$0xFFFFFEE0];
	v27 =	vadd.f32 $0.0e+00, v27;
	v14 =	vadd.f32 $0.0e+00, v21;
	v21 =	vmul.f32 v39, v44  }
0x23a: {  	v11 =	vmul.f32 v11, v41;
	v58 =	vmul.f32 v18, v36;
	v18 =	vld [tilespmem:s19+$0x70]  }
0x23b: {  	v50 =	vld [tilespmem:s19+$0xFFFFFFC0];
	v59 =	vmul.f32 v42, v38;
	v5 =	vmul.f32 v5, v6;
	v21 =	vadd.f32 v21, v27  }
0x23c: {  	v51 =	vld [tilespmem:s19+$0xFFFFFFF0];
	v20 =	vadd.f32 $0.0e+00, v20;
	v22 =	vadd.f32 $0.0e+00, v22;
	v27 =	vmul.f32 v31, v44  }
0x23d: {  	v55 =	vld [tilespmem:s19+$0x40];
	v31 =	vmul.f32 v45, v41;
	v23 =	vmul.f32 v23, v44;
	v21 =	vadd.f32 v25, v21  }
0x23e: {  	v57 =	vld [tilespmem:s19+$0x80];
	v20 =	vadd.f32 v9, v20;
	v29 =	vmul.f32 v29, v34;
	v14 =	vadd.f32 v27, v14  }
0x23f: {  	v18 =	vmul.f32 v18, v30;
	v27 =	vld [tilespmem:s19+$0xFFFFFFD0];
	v22 =	vadd.f32 v23, v22;
	v21 =	vadd.f32 v37, v21  }
0x240: {  	v25 =	vmul.f32 v40, v34;
	v20 =	vadd.f32 v26, v20;
	v14 =	vadd.f32 v28, v14;
	v28 =	vld [tilespmem:s19+$0x30]  }
0x241: {  	v60 =	vld [tilespmem:s19+$0xB0];
	v26 =	vmul.f32 v51, v33;
	v21 =	vadd.f32 v13, v21;
	v13 =	vadd.f32 v17, v22  }
0x242: {  	v20 =	vadd.f32 v29, v20;
	v29 =	vld [tilespmem:s19+$0xC0];
	v14 =	vadd.f32 v35, v14;
	v22 =	vmul.f32 v32, v38  }
0x243: {  	v62 =	vld [tilespmem:s19+$0xA0];
	v23 =	vmul.f32 v50, v33;
	v17 =	vmul.f32 v55, v30;
	v25 =	vadd.f32 v25, v13  }
0x244: {  	v63 =	vld [tilespmem:s19+$0x60];
	v27 =	vmul.f32 v27, v33;
	v20 =	vadd.f32 v22, v20;
	v16 =	vadd.f32 v16, v14  }
0x245: {  	v12 =	vadd.f32 v12, v21;
	v61 =	vmul.f32 v28, v36;
	v28 =	vld [tilespmem:s19+$0x90];
	v22 =	vadd.f32 v59, v25  }
0x246: {  	v9 =	vld [tilespmem:s19+$0x120];
	v14 =	vmul.f32 v57, v24;
	v20 =	vadd.f32 v15, v20;
	v16 =	vadd.f32 v54, v16  }
0x247: {  	v13 =	vld [tilespmem:s19+$0x1B0];
	v12 =	vadd.f32 v52, v12;
	v15 =	vmul.f32 v29, v6;
	v10 =	vadd.f32 v10, v22  }
0x248: {  	v25 =	vld [tilespmem:s19+$0xF0];
	v22 =	vadd.f32 v31, v20;
	v11 =	vadd.f32 v11, v16;
	v16 =	vmul.f32 v60, v24  }
0x249: {  	v21 =	vld [tilespmem:s19+$0x100];
	v12 =	vadd.f32 v23, v12;
	v23 =	vmul.f32 v19, v36;
	v29 =	vadd.f32 v56, v10  }
0x24a: {  	v20 =	vld [tilespmem:s19+$0x140];
	v31 =	vadd.f32 v26, v11;
	v19 =	vmul.f32 v28, v24;
	v10 =	vbroadcast v4, $0xC  }
0x24b: {  	s21 =	simm.s32 $0xFFFFFF94;
	s22 =	smov.u32 s15;
	v11 =	vmul.f32 v62, v24;
	v26 =	vadd.f32 v27, v29;
	v29 =	vadd.f32 v48, v22;
	v22 =	vld [tilespmem:s19+$0xE0]  }
0x24c: {  	s23 =	simm.s32 $0xBC00;
	s24 =	smov.u32 s16;
	s20 =	smov.u32 s15;
	v28 =	vadd.f32 v58, v12;
	v24 =	vmul.f32 v63, v30;
	v12 =	vld [tilespmem:s19+$0x130];
	v27 =	vadd.f32 v61, v31  }
.LBB2_13:
0x24d: {  	v8 =	vadd.f32 v8, v29;
	v25 =	vmul.f32 v25, v6;
	v29 =	vbroadcast v4, $0xD;
	v30 =	vld [tilespmem:s19+$0x160];
	s22 =	sadd.s32 $0x80, s22;
	s23 =	sadd.s32 $0x400, s23;
	s24 =	sadd.s32 $0x10, s24  }
0x24e: {  	p0 =	sne.s32 s21, $0xFFFFFFC4;
	v23 =	vadd.f32 v23, v26;
	s25 =	smov.u32 s21;
	s21 =	sadd.s32 $0x4, s21;
	v17 =	vadd.f32 v17, v28;
	v21 =	vmul.f32 v21, v10;
	v26 =	vld [tilespmem:s19+$0x170]  }
0x24f: {  	v4 =	vbroadcast v4, $0xF;
	v18 =	vadd.f32 v18, v27;
	v27 =	vld [tilespmem:s19+$0x110];
	v20 =	vmul.f32 v20, v29  }
0x250: {  	v13 =	vmul.f32 v13, v2;
	v7 =	vadd.f32 v7, v23;
	v6 =	vmul.f32 v22, v6;
	v22 =	vld [tilespmem:s19+$0x180]  }
0x251: {  	v8 =	vadd.f32 v24, v8;
	v14 =	vadd.f32 v14, v17;
	v12 =	vmul.f32 v12, v10;
	v17 =	vld [tilespmem:s19+$0x150]  }
0x252: {  	v9 =	vmul.f32 v9, v10;
	v7 =	vadd.f32 v19, v7;
	v19 =	vmul.f32 v30, v29;
	v23 =	vld [tilespmem:s19+$0x1F0]  }
0x253: {  	v8 =	vadd.f32 v11, v8;
	v11 =	vadd.f32 v15, v14;
	v14 =	vmul.f32 v26, v29;
	v15 =	vld [tilespmem:s19+$0x190]  }
0x254: {  	v16 =	vadd.f32 v16, v18;
	v5 =	vadd.f32 v5, v7;
	v7 =	vmul.f32 v27, v10;
	v10 =	vld [tilespmem:s19+$0x1C0]  }
0x255: {  	v6 =	vadd.f32 v6, v8;
	v8 =	vadd.f32 v21, v11;
	v11 =	vmul.f32 v22, v2;
	v18 =	vld [tilespmem:s19+$0x1D0]  }
0x256: {  	v16 =	vadd.f32 v25, v16;
	v5 =	vadd.f32 v7, v5;
	v7 =	vmul.f32 v17, v29;
	v17 =	vld [tilespmem:s19+$0x1E0];
	s19 =	smov.u32 s23  }
0x257: {  	v6 =	vadd.f32 v9, v6;
	v8 =	vadd.f32 v20, v8;
	v9 =	vmul.f32 v23, v4  }
0x258: {  	v12 =	vadd.f32 v12, v16;
	v5 =	vadd.f32 v7, v5;
	v2 =	vmul.f32 v15, v2  }
0x259: {  	v6 =	vadd.f32 v19, v6;
	v7 =	vadd.f32 v11, v8;
	v8 =	vmul.f32 v10, v4  }
0x25a: {  	v10 =	vadd.f32 v14, v12;
	v2 =	vadd.f32 v2, v5;
	v5 =	vmul.f32 v18, v4  }
0x25b: {  	v3 =	vadd.f32 v3, v6;
	v6 =	vadd.f32 v8, v7;
	v4 =	vmul.f32 v17, v4  }
0x25c: {  	v7 =	vadd.f32 v13, v10;
	v2 =	vadd.f32 v5, v2  }
0x25d: {  	v3 =	vadd.f32 v4, v3;
	[tilespmem:s20+$0x0] =	vst v6  }
0x25e: {  	v4 =	vadd.f32 v9, v7;
	[tilespmem:s20+$0x10] =	vst v2  }
0x25f: {  	[tilespmem:s20+$0x20] =	vst v3  }
0x260: {  	[tilespmem:s20+$0x30] =	vst v4;
	s20 =	smov.u32 s22  }
0x261: {  	v5 =	vld [tilespmem:s23+$0xD0]  }
0x262: {  	v9 =	vld [tilespmem:s23+$0xFFFFFE60]  }
0x263: {  	v14 =	vld [tilespmem:s23+$0xFFFFFF50]  }
0x264: {  	v13 =	vld [tilespmem:s23+$0xFFFFFFB0]  }
0x265: {  	v3 =	vld [tilespmem:s23+$0x1A0]  }
0x266: {  	v15 =	vld [tilespmem:s23+$0xFFFFFF40]  }
0x267: {  	v16 =	vld [tilespmem:s23+$0xFFFFFF00]  }
0x268: {  	v17 =	vld [tilespmem:s23+$0xFFFFFFE0]  }
0x269: {  	v18 =	vld [tilespmem:s23+$0xFFFFFF60]  }
0x26a: {  	v19 =	vld [tilespmem:s23+$0xFFFFFF30]  }
0x26b: {  	s25 =	sshra.s32 s25, $0x2;
	v20 =	vld [tilespmem:s23+$0xFFFFFE90]  }
0x26c: {  	s25 =	sadd.s32 s25, s17;
	v7 =	vld [tilespmem:s23+$0x50]  }
0x26d: {  	v2 =	vld.msk [tilespmem:s25+$0x0 ss:$0x0], $0xffff  }
0x26e: {  	v4 =	vld [tilespmem:s24+$0x0]  }
0x26f: {  	v10 =	vld [tilespmem:s23+$0x10]  }
0x270: {  	v21 =	vld [tilespmem:s23+$0x0]  }
0x271: {  	v8 =	vld [tilespmem:s23+$0x20]  }
0x272: {  	v6 =	vld [tilespmem:s23+$0xFFFFFE00]  }
0x273: {  	v4 =	vmul.f32 v2, v4;
	v12 =	vld [tilespmem:s23+$0xFFFFFE20]  }
0x274: {  	v22 =	vld [tilespmem:s23+$0xFFFFFE30]  }
0x275: {  	v23 =	vbroadcast v4, $0x0;
	v24 =	vld [tilespmem:s23+$0xFFFFFE10];
	v11 =	vbroadcast v4, $0xA  }
0x276: {  	v26 =	vbroadcast v4, $0x2;
	v2 =	vbroadcast v4, $0xE;
	v25 =	vld [tilespmem:s23+$0xFFFFFE80]  }
0x277: {  	v27 =	vmul.f32 v23, v6;
	v28 =	vld [tilespmem:s23+$0xFFFFFEB0];
	v6 =	vbroadcast v4, $0xB  }
0x278: {  	v29 =	vmul.f32 v12, v23;
	v30 =	vld [tilespmem:s23+$0xFFFFFEA0];
	v12 =	vbroadcast v4, $0x9  }
0x279: {  	v3 =	vmul.f32 v3, v2;
	v27 =	vadd.f32 $0.0e+00, v27;
	v22 =	vmul.f32 v22, v23;
	v31 =	vld [tilespmem:s23+$0xFFFFFE70]  }
0x27a: {  	v5 =	vmul.f32 v5, v6;
	v23 =	vmul.f32 v23, v24;
	v24 =	vadd.f32 $0.0e+00, v29;
	v29 =	vld [tilespmem:s23+$0xFFFFFE50]  }
0x27b: {  	v33 =	vbroadcast v4, $0x7;
	v25 =	vmul.f32 v25, v26;
	v32 =	vld [tilespmem:s23+$0xFFFFFF20]  }
0x27c: {  	v34 =	vbroadcast v4, $0x3;
	v36 =	vbroadcast v4, $0x8;
	v22 =	vadd.f32 $0.0e+00, v22;
	v35 =	vld [tilespmem:s23+$0xFFFFFEF0]  }
0x27d: {  	v38 =	vbroadcast v4, $0x4;
	v7 =	vmul.f32 v7, v12;
	v23 =	vadd.f32 $0.0e+00, v23;
	v37 =	vld [tilespmem:s23+$0xFFFFFEC0]  }
0x27e: {  	v8 =	vmul.f32 v8, v36;
	v28 =	vmul.f32 v28, v26;
	v39 =	vld [tilespmem:s23+$0xFFFFFE40]  }
0x27f: {  	v41 =	vbroadcast v4, $0x6;
	v20 =	vmul.f32 v20, v26;
	v40 =	vld [tilespmem:s23+$0xFFFFFED0]  }
0x280: {  	v43 =	vbroadcast v4, $0x5;
	v19 =	vmul.f32 v19, v38;
	v42 =	vld [tilespmem:s23+$0xFFFFFF10]  }
0x281: {  	v44 =	vbroadcast v4, $0x1;
	v35 =	vmul.f32 v35, v34;
	v45 =	vld [tilespmem:s23+$0xFFFFFFA0]  }
0x282: {  	v18 =	vmul.f32 v18, v43;
	v37 =	vmul.f32 v37, v34;
	v46 =	vld [tilespmem:s23+$0xFFFFFF80]  }
0x283: {  	v9 =	vmul.f32 v9, v44;
	v48 =	vmul.f32 v17, v33;
	v47 =	vld [tilespmem:s23+$0xFFFFFF70]  }
0x284: {  	v16 =	vmul.f32 v16, v38;
	v17 =	vmul.f32 v39, v44;
	v39 =	vld [tilespmem:s23+$0xFFFFFFC0]  }
0x285: {  	v15 =	vmul.f32 v15, v43;
	v24 =	vadd.f32 v9, v24;
	v26 =	vmul.f32 v30, v26;
	v30 =	vld [tilespmem:s23+$0xFFFFFEE0]  }
0x286: {  	v9 =	vadd.f32 v17, v27;
	v17 =	vmul.f32 v31, v44;
	v27 =	vmul.f32 v45, v41;
	v31 =	vld [tilespmem:s23+$0xFFFFFFF0]  }
0x287: {  	v29 =	vmul.f32 v29, v44;
	v44 =	vmul.f32 v46, v41;
	v45 =	vld [tilespmem:s23+$0xFFFFFF90]  }
0x288: {  	v40 =	vmul.f32 v40, v34;
	v25 =	vadd.f32 v25, v9;
	v46 =	vmul.f32 v47, v43;
	v9 =	vld [tilespmem:s23+$0x120]  }
0x289: {  	v23 =	vadd.f32 v29, v23;
	v17 =	vadd.f32 v17, v22;
	v22 =	vmul.f32 v39, v33;
	v29 =	vld [tilespmem:s23+$0xFFFFFFD0]  }
0x28a: {  	v25 =	vadd.f32 v37, v25;
	v30 =	vmul.f32 v30, v34;
	v34 =	vmul.f32 v14, v43;
	v14 =	vld [tilespmem:s23+$0x40]  }
0x28b: {  	v24 =	vadd.f32 v26, v24;
	v17 =	vadd.f32 v28, v17;
	v26 =	vmul.f32 v31, v33;
	v28 =	vld [tilespmem:s23+$0x30]  }
0x28c: {  	v16 =	vadd.f32 v16, v25;
	v25 =	vmul.f32 v13, v41;
	v31 =	vmul.f32 v45, v41;
	v37 =	vld [tilespmem:s23+$0x80]  }
0x28d: {  	v13 =	vadd.f32 v20, v23;
	v20 =	vadd.f32 v35, v17;
	v35 =	vmul.f32 v21, v36;
	v21 =	vld [tilespmem:s23+$0x70]  }
0x28e: {  	v23 =	vadd.f32 v30, v24;
	v24 =	vmul.f32 v32, v38;
	v29 =	vmul.f32 v29, v33;
	v30 =	vld [tilespmem:s23+$0xC0]  }
0x28f: {  	v32 =	vadd.f32 v40, v13;
	v33 =	vmul.f32 v42, v38;
	v17 =	vmul.f32 v14, v12;
	v38 =	vld [tilespmem:s23+$0xB0]  }
0x290: {  	v19 =	vadd.f32 v19, v20;
	v23 =	vadd.f32 v24, v23;
	v24 =	vmul.f32 v28, v36;
	v13 =	vld [tilespmem:s23+$0x1B0]  }
0x291: {  	v15 =	vadd.f32 v15, v16;
	v20 =	vadd.f32 v33, v32;
	v14 =	vmul.f32 v37, v11;
	v28 =	vld [tilespmem:s23+$0x90]  }
0x292: {  	v19 =	vadd.f32 v46, v19;
	v16 =	vadd.f32 v18, v23;
	v18 =	vmul.f32 v21, v12;
	v32 =	vld [tilespmem:s23+$0xA0]  }
0x293: {  	v20 =	vadd.f32 v34, v20;
	v21 =	vadd.f32 v44, v15;
	v33 =	vld [tilespmem:s23+$0x60];
	v15 =	vmul.f32 v30, v6  }
.Ltmp12:
0x294: {  	v19 =	vadd.f32 v25, v19;
	v27 =	vadd.f32 v27, v16;
	v16 =	vmul.f32 v38, v11;
	v25 =	vld [tilespmem:s23+$0xF0];
	(pc) =	sbr.rel @p0 .LBB2_13-.Ltmp12, $4  }
0x295: {  	v23 =	vmul.f32 v10, v36;
	v30 =	vadd.f32 v31, v20;
	v31 =	vadd.f32 v22, v21;
	v21 =	vld [tilespmem:s23+$0x100]  }
0x296: {  	v10 =	vbroadcast v4, $0xC;
	v34 =	vadd.f32 v26, v19;
	v19 =	vmul.f32 v28, v11;
	v20 =	vld [tilespmem:s23+$0x140]  }
0x297: {  	v26 =	vadd.f32 v29, v30;
	v29 =	vadd.f32 v48, v27;
	v11 =	vmul.f32 v32, v11;
	v22 =	vld [tilespmem:s23+$0xE0]  }
0x298: {  	v28 =	vadd.f32 v35, v31;
	v27 =	vadd.f32 v24, v34;
	v24 =	vmul.f32 v33, v12;
	v12 =	vld [tilespmem:s23+$0x130]  }
0x299: {  	v8 =	vadd.f32 v8, v29;
	v37 =	vbroadcast v4, $0xD  }
0x29a: {  	v25 =	vmul.f32 v25, v6;
	v30 =	vld [tilespmem:s19+$0x160];
	v23 =	vadd.f32 v23, v26;
	v40 =	vbroadcast v4, $0xF  }
0x29b: {  	v38 =	vld [tilespmem:s19+$0x110];
	v13 =	vmul.f32 v13, v2;
	v9 =	vmul.f32 v9, v10;
	v17 =	vadd.f32 v17, v28  }
0x29c: {  	v39 =	vld [tilespmem:s19+$0x170];
	v21 =	vmul.f32 v21, v10;
	v18 =	vadd.f32 v18, v27;
	v7 =	vadd.f32 v7, v23  }
0x29d: {  	v42 =	vld [tilespmem:s19+$0x150];
	v20 =	vmul.f32 v20, v37;
	v8 =	vadd.f32 v24, v8;
	v14 =	vadd.f32 v14, v17  }
0x29e: {  	v43 =	vld [tilespmem:s19+$0x180];
	v41 =	vmul.f32 v22, v6;
	v47 =	vadd.f32 v16, v18;
	v7 =	vadd.f32 v19, v7  }
0x29f: {  	v46 =	vld [tilespmem:s19+$0x190];
	v12 =	vmul.f32 v12, v10;
	v8 =	vadd.f32 v11, v8;
	v45 =	vadd.f32 v15, v14  }
0x2a0: {  	v49 =	vld [tilespmem:s19+$0x1C0];
	v44 =	vmul.f32 v30, v37;
	v48 =	vmul.f32 v38, v10;
	v15 =	vadd.f32 v25, v47  }
0x2a1: {  	v55 =	vld [tilespmem:s19+$0x1F0];
	v50 =	vmul.f32 v39, v37;
	v5 =	vadd.f32 v5, v7;
	v51 =	vadd.f32 v21, v45  }
0x2a2: {  	v52 =	vld [tilespmem:s19+$0x1D0];
	v53 =	vmul.f32 v42, v37;
	v6 =	vadd.f32 v41, v8;
	v57 =	vadd.f32 v12, v15  }
0x2a3: {  	v54 =	vld [tilespmem:s19+$0x1E0];
	v56 =	vmul.f32 v43, v2;
	v5 =	vadd.f32 v48, v5;
	v8 =	vadd.f32 v20, v51  }
0x2a4: {  	v2 =	vmul.f32 v46, v2;
	v6 =	vadd.f32 v9, v6;
	v9 =	vadd.f32 v50, v57  }
0x2a5: {  	v59 =	vmul.f32 v49, v40;
	v5 =	vadd.f32 v53, v5;
	v58 =	vadd.f32 v56, v8  }
0x2a6: {  	v4 =	vmul.f32 v55, v40;
	v6 =	vadd.f32 v44, v6;
	v63 =	vadd.f32 v13, v9  }
0x2a7: {  	v60 =	vmul.f32 v52, v40;
	v2 =	vadd.f32 v2, v5;
	v61 =	vadd.f32 v59, v58  }
.Ltmp13:
0x2a8: {  	v62 =	vmul.f32 v54, v40;
	v3 =	vadd.f32 v3, v6;
	v4 =	vadd.f32 v4, v63;
	(pc) =	sbr.rel .LBB2_15-.Ltmp13, $4  }
0x2a9: {  	v2 =	vadd.f32 v60, v2;
	[tilespmem:s20+$0x0] =	vst v61  }
0x2aa: {  	v3 =	vadd.f32 v62, v3;
	[tilespmem:s20+$0x30] =	vst v4  }
0x2ab: {  	[tilespmem:s20+$0x10] =	vst v2  }
0x2ac: {  	[tilespmem:s20+$0x20] =	vst v3  }
.LBB2_17:
0x2ad: {  	_ =	sfence.sel $0x180000  }
0x2ae: {  	[bflag:$0x0] =	sbarrier.arrive $0xFFFF  }
0x2af: {  	p0 =	sne.s32 s5, $0x0;
	_ =	strace $0x90000047  }
0x2b0: {  	s0 =	sadd.s32 @!p0 $0x100000, s0;
	[bflag:$0x2] =	sbarrier.arrive $0xFFFF  }
0x2b1: {  	[sflag:s0] =	ssyncadd.tile.s32 @!p0 $0x1;
	_ =	shalt  }
.Lfunc_end2:
_tile_overlayer_lowered:
.L_overlay_start_2:
0x2b2: {  	(tag) =	ssettag $0x2  }
0x2b3: {  	s0 =	rddreg [dreg:$0x0];
	s2 =	stileid.u32  }
0x2b4: {  	s1 =	rddreg [dreg:$0x1];
	p0 =	sne.s32 s2, $0x0  }
0x2b5: {  	s3 =	rddreg [dreg:$0x2];
	[bflag:$0x3] =	sbarrier.arrive $0xFFFF;
	s2 =	simm.s32 @!p0 $0x1C04  }
0x2b6: {  	[timem:s3], [sflag:s2] =	dma.local @!p0 [hbm:s0], s1  }
0x2b7: {  	s0 =	simm.s32 @!p0 $0x4  }
0x2b8: {  	_ =	swait.ge @!p0 [sflag:s0], s1  }
0x2b9: {  	s1 =	ssub.s32 @!p0 $0x0, s1;
	[sflag:s0] =	ssyncset.done @!p0 $0x0  }
0x2ba: {  	[sflag:s0] =	ssyncadd.s32 @!p0 s1  }
0x2bb: {  	[bflag:$0x3] =	sbarrier.arrive $0xFFFF  }
0x2bc: {  	_ =	shalt  }

</sc_bundles>
